<compile_context>
chip_gen: v7x
topology: tpu7x:2x2x1
jax: 0.10.2.dev20260603
libtpu: 0.0.44.dev20260713+nightly
codegen_flags: <defaults>
</compile_context>

<pallas_src>
import dataclasses
import functools

import jax
import jax.numpy as jnp
from jax import lax
from jax.experimental import pallas as pl
from jax.experimental.pallas import tpu as pltpu
from jax.experimental.pallas import tpu_sc as plsc


def _node_dense_body(x_ref, loopw_ref, attn8_ref, loop_ref, att_ref):
    xb = x_ref[...]
    loop_ref[...] = jnp.dot(xb, loopw_ref[...], preferred_element_type=jnp.float32)
    att_ref[...] = jnp.dot(xb, attn8_ref[...], preferred_element_type=jnp.float32)


def _rel_dense_body(r_ref, ts_ref, wrel_ref, attnr8_ref, attnts8_ref,
                    rout_ref, ratt_ref, tsatt_ref):
    rb = r_ref[...]
    rout_ref[...] = jnp.dot(rb, wrel_ref[...], preferred_element_type=jnp.float32)
    ratt_ref[...] = jnp.dot(rb, attnr8_ref[...], preferred_element_type=jnp.float32)
    tsatt_ref[...] = jnp.dot(ts_ref[...], attnts8_ref[...],
                             preferred_element_type=jnp.float32)


def _final_body(loop_ref, s_ref, d_ref, w_ref, out_ref):
    s = s_ref[0] + s_ref[1]
    d = d_ref[0] + d_ref[1] + 1e-16
    agg = jnp.dot((s / d).astype(jnp.bfloat16), w_ref[...].astype(jnp.bfloat16),
                  preferred_element_type=jnp.float32)
    out_ref[...] = loop_ref[...] + agg


def _edge_kernel_body(N, NR, NT, E, NPAD,
                      x_hbm, r_hbm, ts_hbm, idx3_hbm, dst_hbm,
                      h_hbm, t_hbm, ra_hbm, tsa_hbm,
                      ed_hbm, dp_hbm,
                      h_tab, t_tab, r_tab, ts_tab,
                      idx_v0, idx_v1, dst_v0, dst_v1, ex_v0, ex_v1,
                      xrows0, xrows1, rrows, tsrows, out_v0, out_v1, z_v,
                      exrep, r_sp, ts_sp, denom_sp,
                      sem_i0, sem_i1, sem_x0, sem_x1, sem_r, sem_t,
                      sem_d0, sem_d1, sem_o0, sem_o1):
    cid = lax.axis_index("c")
    sid = lax.axis_index("s")
    wid = sid * 2 + cid
    idxv = (idx_v0, idx_v1)
    dstv = (dst_v0, dst_v1)
    exv = (ex_v0, ex_v1)
    xrows = (xrows0, xrows1)
    outv = (out_v0, out_v1)
    sem_i = (sem_i0, sem_i1)
    sem_x = (sem_x0, sem_x1)
    sem_d = (sem_d0, sem_d1)
    sem_o = (sem_o0, sem_o1)

    pltpu.sync_copy(h_hbm, h_tab)
    pltpu.sync_copy(t_hbm, t_tab)
    pltpu.sync_copy(ra_hbm, r_tab)
    pltpu.sync_copy(tsa_hbm, ts_tab)

    @pl.when(sid == 0)
    def _():
        pltpu.sync_copy(r_hbm, r_sp)
        pltpu.sync_copy(ts_hbm, ts_sp)

    zper = NPAD // 16

    @pl.loop(0, zper, step=16)
    def _(i):
        z_v[pl.ds(i, 16)] = jnp.zeros((16,), jnp.float32)

    pltpu.sync_copy(z_v, denom_sp.at[pl.ds(sid * zper, zper)])
    plsc.subcore_barrier()

    nchunks = E // 128
    nslots = (nchunks + 31) // 32
    rem = nchunks % 32

    def idx_issue(c, p):
        base = c * 128
        pltpu.async_copy(idx3_hbm.at[:, pl.ds(base, 128)], idxv[p], sem_i[p])
        pltpu.async_copy(dst_hbm.at[pl.ds(base, 128)], dstv[p], sem_i[p])

    def idx_wait(c, p):
        base = c * 128
        pltpu.make_async_copy(idx3_hbm.at[:, pl.ds(base, 128)], idxv[p],
                              sem_i[p]).wait()
        pltpu.make_async_copy(dst_hbm.at[pl.ds(base, 128)], dstv[p],
                              sem_i[p]).wait()

    def drain_de(p):
        pltpu.make_async_copy(exv[p], denom_sp.at[dstv[p]], sem_d[p]).wait()

    def drain_o(p):
        pltpu.make_async_copy(outv[p], ed_hbm.at[pl.ds(0, 128)], sem_o[p]).wait()

    idx_issue(wid, 0)

    @pl.loop(0, (nslots + 1) // 2)
    def _(k):
        for p in (0, 1):
            slot = 2 * k + p
            c = slot * 32 + wid
            q = 1 - p

            @pl.when(c < nchunks)
            def _():
                base = c * 128
                idx_wait(c, p)
                cpx = pltpu.async_copy(x_hbm.at[idxv[p].at[0]], xrows[p],
                                       sem_x[p])
                cpr = pltpu.async_copy(r_sp.at[idxv[p].at[1]], rrows, sem_r)
                cpt = pltpu.async_copy(ts_sp.at[idxv[p].at[2]], tsrows, sem_t)

                @pl.when(slot >= 1)
                def _():
                    drain_de(q)

                nc = c + 32

                @pl.when(nc < nchunks)
                def _():
                    idx_issue(nc, q)

                for g in range(8):
                    sl = pl.ds(g * 16, 16)
                    h = plsc.load_gather(h_tab, [idxv[p][0, sl]])
                    t = plsc.load_gather(t_tab, [dstv[p][sl]])
                    rr = plsc.load_gather(r_tab, [idxv[p][1, sl]])
                    tt = plsc.load_gather(ts_tab, [idxv[p][2, sl]])
                    pre = h - t + rr + tt
                    a = jnp.maximum(pre, 0.1 * pre)
                    exv[p][sl] = jnp.exp(a)

                pltpu.async_copy(exv[p], denom_sp.at[dstv[p]], sem_d[p],
                                 add=True)

                @pl.when(slot >= 2)
                def _():
                    drain_o(p)

                cpx.wait()
                cpr.wait()
                cpt.wait()

                ibase = lax.iota(jnp.int32, 16) * 16
                for g in range(8):
                    ex16 = exv[p][pl.ds(g * 16, 16)]
                    for ccol in range(16):
                        plsc.store_scatter(exrep, [ibase + (g * 256 + ccol)],
                                           ex16)

                @pl.loop(0, 128)
                def _(e):
                    splat = exrep[pl.ds(e * 16, 16)]
                    for j in range(8):
                        sl = pl.ds(j * 16, 16)
                        tv = tsrows[e, sl]
                        outv[p][e, sl] = (xrows[p][e, sl] + tv) * \
                            (rrows[e, sl] + tv) * splat

                pltpu.async_copy(outv[p], ed_hbm.at[pl.ds(base, 128)],
                                 sem_o[p])

    p_last = (nslots - 1) % 2
    if rem == 0:
        drain_de(p_last)
        drain_o(0)
        drain_o(1)
    else:
        @pl.when(wid < rem)
        def _():
            drain_de(p_last)

        @pl.when(wid >= rem)
        def _():
            drain_de(1 - p_last)

        drain_o(0)
        drain_o(1)

    plsc.subcore_barrier()

    @pl.when(sid == 0)
    def _():
        pltpu.sync_copy(denom_sp, dp_hbm.at[pl.ds(cid * NPAD, NPAD)])


def _aggr_kernel_body(SPAD, E, msg_hbm, dst_hbm, s_hbm,
                      msg_v0, msg_v1, dst_v0, dst_v1, zb, s_sp,
                      sem_l0, sem_l1, sem_a0, sem_a1):
    cid = lax.axis_index("c")
    sid = lax.axis_index("s")
    wid = sid * 2 + cid
    rows_per_tile = SPAD // 16
    msgv = (msg_v0, msg_v1)
    dstv = (dst_v0, dst_v1)
    sem_l = (sem_l0, sem_l1)
    sem_a = (sem_a0, sem_a1)

    @pl.loop(0, 128)
    def _(i):
        for j in range(8):
            zb[i, pl.ds(j * 16, 16)] = jnp.zeros((16,), jnp.float32)

    off = 0
    while off < rows_per_tile:
        w = min(128, rows_per_tile - off)
        pltpu.sync_copy(zb.at[pl.ds(0, w)],
                        s_sp.at[pl.ds(sid * rows_per_tile + off, w)])
        off += w
    plsc.subcore_barrier()

    nchunks = E // 128
    nslots = (nchunks + 31) // 32
    rem = nchunks % 32

    def load_issue(c, p):
        base = c * 128
        pltpu.async_copy(msg_hbm.at[pl.ds(base, 128)], msgv[p], sem_l[p])
        pltpu.async_copy(dst_hbm.at[pl.ds(base, 128)], dstv[p], sem_l[p])

    def load_wait(c, p):
        base = c * 128
        pltpu.make_async_copy(msg_hbm.at[pl.ds(base, 128)], msgv[p],
                              sem_l[p]).wait()
        pltpu.make_async_copy(dst_hbm.at[pl.ds(base, 128)], dstv[p],
                              sem_l[p]).wait()

    def drain_a(p):
        pltpu.make_async_copy(msgv[p], s_sp.at[dstv[p]], sem_a[p]).wait()

    load_issue(wid, 0)

    @pl.loop(0, (nslots + 1) // 2)
    def _(k):
        for p in (0, 1):
            slot = 2 * k + p
            c = slot * 32 + wid
            q = 1 - p

            @pl.when(c < nchunks)
            def _():
                load_wait(c, p)

                @pl.when(slot >= 1)
                def _():
                    drain_a(q)

                nc = c + 32

                @pl.when(nc < nchunks)
                def _():
                    load_issue(nc, q)

                pltpu.async_copy(msgv[p], s_sp.at[dstv[p]], sem_a[p],
                                 add=True)

    p_last = (nslots - 1) % 2
    if rem == 0:
        drain_a(p_last)
    else:
        @pl.when(wid < rem)
        def _():
            drain_a(p_last)

        @pl.when(wid >= rem)
        def _():
            drain_a(1 - p_last)

    plsc.subcore_barrier()
    pltpu.sync_copy(s_sp.at[pl.ds(sid * rows_per_tile, rows_per_tile)],
                    s_hbm.at[cid, pl.ds(sid * rows_per_tile, rows_per_tile)])


def kernel(x, r, ts, edge_index, edge_type, edge_ts,
           attn_h, attn_t, attn_r, attn_ts, trans_w, loop_w, w_rel):
    N, D = x.shape
    NR = r.shape[0]
    NT = ts.shape[0]
    E = edge_index.shape[1]
    NPAD = ((N + 255) // 256) * 256

    src = edge_index[0]
    dst = edge_index[1]
    et = edge_type
    ets = edge_ts

    f32 = jnp.float32

    attn8 = jnp.pad(jnp.concatenate([attn_h, attn_t], axis=1), ((0, 0), (0, 6)))
    BN = 400
    loop_out, att_out = pl.pallas_call(
        _node_dense_body,
        grid=(N // BN,),
        in_specs=[
            pl.BlockSpec((BN, D), lambda i: (i, 0)),
            pl.BlockSpec((D, D), lambda i: (0, 0)),
            pl.BlockSpec((D, 8), lambda i: (0, 0)),
        ],
        out_specs=[
            pl.BlockSpec((BN, D), lambda i: (i, 0)),
            pl.BlockSpec((BN, 8), lambda i: (i, 0)),
        ],
        out_shape=[
            jax.ShapeDtypeStruct((N, D), f32),
            jax.ShapeDtypeStruct((N, 8), f32),
        ],
    )(x, loop_w, attn8)
    h_att = att_out[:, 0]
    t_att = att_out[:, 1]

    NTP = ((NT + 7) // 8) * 8
    ts_pad = jnp.pad(ts, ((0, NTP - NT), (0, 0)))
    attnr8 = jnp.pad(attn_r, ((0, 0), (0, 7)))
    attnts8 = jnp.pad(attn_ts, ((0, 0), (0, 7)))
    r_out, ratt, tsatt = pl.pallas_call(
        _rel_dense_body,
        out_shape=[
            jax.ShapeDtypeStruct((NR, D), f32),
            jax.ShapeDtypeStruct((NR, 8), f32),
            jax.ShapeDtypeStruct((NTP, 8), f32),
        ],
    )(r, ts_pad, w_rel, attnr8, attnts8)
    r_att = ratt[:, 0]
    ts_att = tsatt[:NT, 0]

    mesh = plsc.VectorSubcoreMesh(core_axis_name="c", subcore_axis_name="s")
    sc_params = pltpu.CompilerParams()
    if "needs_layout_passes" in pltpu.CompilerParams.__dataclass_fields__:
        sc_params = dataclasses.replace(sc_params, needs_layout_passes=False)
    edge_k = pl.kernel(
        functools.partial(_edge_kernel_body, N, NR, NT, E, NPAD),
        mesh=mesh,
        out_type=[
            jax.ShapeDtypeStruct((E, D), f32),
            jax.ShapeDtypeStruct((2 * NPAD,), f32),
        ],
        scratch_types=[
            pltpu.VMEM((N,), f32),
            pltpu.VMEM((N,), f32),
            pltpu.VMEM((NR,), f32),
            pltpu.VMEM((NT,), f32),
            pltpu.VMEM((3, 128), jnp.int32),
            pltpu.VMEM((3, 128), jnp.int32),
            pltpu.VMEM((128,), jnp.int32),
            pltpu.VMEM((128,), jnp.int32),
            pltpu.VMEM((128,), f32),
            pltpu.VMEM((128,), f32),
            pltpu.VMEM((128, D), f32),
            pltpu.VMEM((128, D), f32),
            pltpu.VMEM((128, D), f32),
            pltpu.VMEM((128, D), f32),
            pltpu.VMEM((128, D), f32),
            pltpu.VMEM((128, D), f32),
            pltpu.VMEM((NPAD // 16,), f32),
            pltpu.VMEM((2048,), f32),
            pltpu.VMEM_SHARED((NR, D), f32),
            pltpu.VMEM_SHARED((NT, D), f32),
            pltpu.VMEM_SHARED((NPAD,), f32),
        ] + [pltpu.SemaphoreType.DMA] * 10,
        compiler_params=sc_params,
    )
    idx3 = jnp.stack([src, et, ets])
    scaled_ed, dparts = edge_k(x, r, ts, idx3, dst,
                               h_att, t_att, r_att, ts_att)

    SPAD = 10112 if N == 10000 else ((N + 127) // 128) * 128
    aggr_k = pl.kernel(
        functools.partial(_aggr_kernel_body, SPAD, E),
        mesh=mesh,
        out_type=jax.ShapeDtypeStruct((2, SPAD, D), f32),
        scratch_types=[
            pltpu.VMEM((128, D), f32),
            pltpu.VMEM((128, D), f32),
            pltpu.VMEM((128,), jnp.int32),
            pltpu.VMEM((128,), jnp.int32),
            pltpu.VMEM((128, D), f32),
            pltpu.VMEM_SHARED((SPAD, D), f32),
        ] + [pltpu.SemaphoreType.DMA] * 4,
        compiler_params=sc_params,
    )
    s_parts = aggr_k(scaled_ed, dst)[:, :N]

    dp = dparts.reshape(2, NPAD)[:, :N].reshape(2, N, 1)
    x_out = pl.pallas_call(
        _final_body,
        grid=(N // BN,),
        in_specs=[
            pl.BlockSpec((BN, D), lambda i: (i, 0)),
            pl.BlockSpec((2, BN, D), lambda i: (0, i, 0)),
            pl.BlockSpec((2, BN, 1), lambda i: (0, i, 0)),
            pl.BlockSpec((D, D), lambda i: (0, 0)),
        ],
        out_specs=pl.BlockSpec((BN, D), lambda i: (i, 0)),
        out_shape=jax.ShapeDtypeStruct((N, D), f32),
    )(loop_out, s_parts, dp, trans_w)

    return (x_out, r_out)

# --- scband reference (transcript-rebuilt; emitter-appended) ---
"""Pipeline reference for scband-comp-gcnconv-28458453303299 (READ-ONLY COPY).

The authoritative reference and input builder live on the scoring server;
editing this copy changes nothing except your own understanding.
"""

import jax, jax.numpy as jnp
import numpy as np


def setup_inputs(seed: int = 0) -> dict:
    key = jax.random.key(seed)
    ks = jax.random.split(key, 13)
    N, E, D, Dout = 10000, 320000, 128, 128
    NR, NT = 200, 365
    gain = float(np.sqrt(2.0))  # calculate_gain('relu')
    std_attn = gain * float(np.sqrt(2.0 / (D + 1)))
    std_w = gain * float(np.sqrt(2.0 / (D + Dout)))
    inp = {}
    inp['x'] = jax.random.normal(ks[0], (N, D), dtype=jnp.float32)
    inp['r'] = jax.random.normal(ks[1], (NR, D), dtype=jnp.float32)
    inp['ts'] = jax.random.normal(ks[2], (NT, D), dtype=jnp.float32)
    inp['edge_index'] = jax.random.randint(ks[3], (2, E), 0, N, dtype=jnp.int32)
    inp['edge_type'] = jax.random.randint(ks[4], (E,), 0, NR, dtype=jnp.int32)
    inp['edge_ts'] = jax.random.randint(ks[5], (E,), 0, NT, dtype=jnp.int32)
    inp['attn_h'] = jax.random.normal(ks[6], (D, 1), dtype=jnp.float32) * std_attn
    inp['attn_t'] = jax.random.normal(ks[7], (D, 1), dtype=jnp.float32) * std_attn
    inp['attn_r'] = jax.random.normal(ks[8], (D, 1), dtype=jnp.float32) * std_attn
    inp['attn_ts'] = jax.random.normal(ks[9], (D, 1), dtype=jnp.float32) * std_attn
    inp['trans_w'] = jax.random.normal(ks[10], (D, Dout), dtype=jnp.float32) * std_w
    inp['loop_w'] = jax.random.normal(ks[11], (D, Dout), dtype=jnp.float32) * std_w
    inp['w_rel'] = jax.random.normal(ks[12], (D, Dout), dtype=jnp.float32) * std_w
    return inp


def reference(x, r, ts, edge_index, edge_type, edge_ts, attn_h, attn_t, attn_r, attn_ts, trans_w, loop_w, w_rel):
    N = x.shape[0]
    src = edge_index[0]
    dst = edge_index[1]
    # per-entity / per-relation / per-timestamp attention scalars
    h_att = x @ attn_h          # [N, 1]
    t_att = x @ attn_t          # [N, 1]
    r_att = r @ attn_r          # [NR, 1]
    ts_att = ts @ attn_ts       # [NT, 1]
    type_e_att = r_att[edge_type]   # gather [E, 1]
    ts_e_att = ts_att[edge_ts]      # gather [E, 1]
    tmp_h = h_att[src]              # gather [E, 1]
    tmp_t = t_att[dst]              # gather [E, 1]
    alpha = jax.nn.leaky_relu(tmp_h - tmp_t + type_e_att + ts_e_att, negative_slope=0.1)
    a = jnp.squeeze(alpha, -1)      # [E]
    # segment softmax over incoming edges of each dst node
    amax = jax.ops.segment_max(a, dst, num_segments=N)
    amax = jnp.where(jnp.isfinite(amax), amax, 0.0)
    ex = jnp.exp(a - amax[dst])
    denom = jax.ops.segment_sum(ex, dst, num_segments=N)
    alpha = (ex / (denom[dst] + 1e-16))[:, None]    # [E, 1]
    # message construction
    ent_emb = x[src]                # gather [E, D]
    rel_emb = r[edge_type]          # gather [E, D]
    ts_emb = ts[edge_ts]            # gather [E, D]
    edge_data = (ent_emb + ts_emb) * (rel_emb + ts_emb)
    msg = edge_data @ trans_w       # [E, Dout]
    msg = msg * alpha
    aggr = jax.ops.segment_sum(msg, dst, num_segments=N)  # scatter-add
    x_out = x @ loop_w + aggr
    r_out = r @ w_rel
    return (x_out, r_out)

if __name__ == "__main__":
    import jax
    _d = setup_inputs()
    print(jax.jit(kernel)(*tuple(_d.values())))

</pallas_src>

<mosaic_0001>
#map = affine_map<(d0, d1) -> (0, 0)>
#map1 = affine_map<(d0, d1) -> (0)>
module attributes {stable_mosaic.version = 14 : i64} {
  func.func @_edge_kernel_body(%arg0: i32, %arg1: i32, %arg2: memref<10000x128xf32, #tpu.memory_space<hbm>>, %arg3: memref<200x128xf32, #tpu.memory_space<hbm>>, %arg4: memref<365x128xf32, #tpu.memory_space<hbm>>, %arg5: memref<3x320000xi32, #tpu.memory_space<hbm>>, %arg6: memref<320000xi32, #tpu.memory_space<hbm>>, %arg7: memref<10000xf32, #tpu.memory_space<hbm>>, %arg8: memref<10000xf32, #tpu.memory_space<hbm>>, %arg9: memref<200xf32, #tpu.memory_space<hbm>>, %arg10: memref<365xf32, #tpu.memory_space<hbm>>, %arg11: memref<320000x128xf32, #tpu.memory_space<hbm>>, %arg12: memref<20480xf32, #tpu.memory_space<hbm>>, %arg13: memref<10000xf32, #tpu.memory_space<vmem>>, %arg14: memref<10000xf32, #tpu.memory_space<vmem>>, %arg15: memref<200xf32, #tpu.memory_space<vmem>>, %arg16: memref<365xf32, #tpu.memory_space<vmem>>, %arg17: memref<3x128xi32, #tpu.memory_space<vmem>>, %arg18: memref<3x128xi32, #tpu.memory_space<vmem>>, %arg19: memref<128xi32, #tpu.memory_space<vmem>>, %arg20: memref<128xi32, #tpu.memory_space<vmem>>, %arg21: memref<128xf32, #tpu.memory_space<vmem>>, %arg22: memref<128xf32, #tpu.memory_space<vmem>>, %arg23: memref<128x128xf32, #tpu.memory_space<vmem>>, %arg24: memref<128x128xf32, #tpu.memory_space<vmem>>, %arg25: memref<128x128xf32, #tpu.memory_space<vmem>>, %arg26: memref<128x128xf32, #tpu.memory_space<vmem>>, %arg27: memref<128x128xf32, #tpu.memory_space<vmem>>, %arg28: memref<128x128xf32, #tpu.memory_space<vmem>>, %arg29: memref<640xf32, #tpu.memory_space<vmem>>, %arg30: memref<2048xf32, #tpu.memory_space<vmem>>, %arg31: memref<200x128xf32, #tpu.memory_space<vmem_shared>>, %arg32: memref<365x128xf32, #tpu.memory_space<vmem_shared>>, %arg33: memref<10240xf32, #tpu.memory_space<vmem_shared>>, %arg34: memref<!tpu.dma_semaphore, #tpu.memory_space<semaphore_mem>>, %arg35: memref<!tpu.dma_semaphore, #tpu.memory_space<semaphore_mem>>, %arg36: memref<!tpu.dma_semaphore, #tpu.memory_space<semaphore_mem>>, %arg37: memref<!tpu.dma_semaphore, #tpu.memory_space<semaphore_mem>>, %arg38: memref<!tpu.dma_semaphore, #tpu.memory_space<semaphore_mem>>, %arg39: memref<!tpu.dma_semaphore, #tpu.memory_space<semaphore_mem>>, %arg40: memref<!tpu.dma_semaphore, #tpu.memory_space<semaphore_mem>>, %arg41: memref<!tpu.dma_semaphore, #tpu.memory_space<semaphore_mem>>, %arg42: memref<!tpu.dma_semaphore, #tpu.memory_space<semaphore_mem>>, %arg43: memref<!tpu.dma_semaphore, #tpu.memory_space<semaphore_mem>>) attributes {dimension_semantics = [#tpu.dimension_semantics<core_parallel>, #tpu.dimension_semantics<subcore_parallel>], iteration_bounds = array<i64: 2, 16>, scalar_prefetch = 0 : i64, scratch_operands = 31 : i64, tpu.core_type = #tpu.core_type<sc_vector_subcore>, window_params = [{transform_indices = #map}, {transform_indices = #map}, {transform_indices = #map}, {transform_indices = #map}, {transform_indices = #map1}, {transform_indices = #map1}, {transform_indices = #map1}, {transform_indices = #map1}, {transform_indices = #map1}, {transform_indices = #map}, {transform_indices = #map1}]} {
    %mul3A = arith.constant 2 : i32
    %mul3A_0 = arith.muli %arg1, %mul3A : i32
    %add3A = arith.addi %mul3A_0, %arg0 : i32
    "tpu.region"() ({
      %run_scoped3A = tpu.sem_alloc : memref<!tpu.dma_semaphore, #tpu.memory_space<semaphore_mem>>
      tpu.enqueue_dma source(%arg7 : memref<10000xf32, #tpu.memory_space<hbm>>) target(%arg13 : memref<10000xf32, #tpu.memory_space<vmem>>) target_semaphore(%run_scoped3A : memref<!tpu.dma_semaphore, #tpu.memory_space<semaphore_mem>>)
      tpu.wait_dma2 semaphore(%run_scoped3A : memref<!tpu.dma_semaphore, #tpu.memory_space<semaphore_mem>>) src(%arg7 : memref<10000xf32, #tpu.memory_space<hbm>>) dst(%arg13 : memref<10000xf32, #tpu.memory_space<vmem>>)
      tpu.yield
    }) : () -> ()
    "tpu.region"() ({
      %run_scoped3A = tpu.sem_alloc : memref<!tpu.dma_semaphore, #tpu.memory_space<semaphore_mem>>
      tpu.enqueue_dma source(%arg8 : memref<10000xf32, #tpu.memory_space<hbm>>) target(%arg14 : memref<10000xf32, #tpu.memory_space<vmem>>) target_semaphore(%run_scoped3A : memref<!tpu.dma_semaphore, #tpu.memory_space<semaphore_mem>>)
      tpu.wait_dma2 semaphore(%run_scoped3A : memref<!tpu.dma_semaphore, #tpu.memory_space<semaphore_mem>>) src(%arg8 : memref<10000xf32, #tpu.memory_space<hbm>>) dst(%arg14 : memref<10000xf32, #tpu.memory_space<vmem>>)
      tpu.yield
    }) : () -> ()
    "tpu.region"() ({
      %run_scoped3A = tpu.sem_alloc : memref<!tpu.dma_semaphore, #tpu.memory_space<semaphore_mem>>
      tpu.enqueue_dma source(%arg9 : memref<200xf32, #tpu.memory_space<hbm>>) target(%arg15 : memref<200xf32, #tpu.memory_space<vmem>>) target_semaphore(%run_scoped3A : memref<!tpu.dma_semaphore, #tpu.memory_space<semaphore_mem>>)
      tpu.wait_dma2 semaphore(%run_scoped3A : memref<!tpu.dma_semaphore, #tpu.memory_space<semaphore_mem>>) src(%arg9 : memref<200xf32, #tpu.memory_space<hbm>>) dst(%arg15 : memref<200xf32, #tpu.memory_space<vmem>>)
      tpu.yield
    }) : () -> ()
    "tpu.region"() ({
      %run_scoped3A = tpu.sem_alloc : memref<!tpu.dma_semaphore, #tpu.memory_space<semaphore_mem>>
      tpu.enqueue_dma source(%arg10 : memref<365xf32, #tpu.memory_space<hbm>>) target(%arg16 : memref<365xf32, #tpu.memory_space<vmem>>) target_semaphore(%run_scoped3A : memref<!tpu.dma_semaphore, #tpu.memory_space<semaphore_mem>>)
      tpu.wait_dma2 semaphore(%run_scoped3A : memref<!tpu.dma_semaphore, #tpu.memory_space<semaphore_mem>>) src(%arg10 : memref<365xf32, #tpu.memory_space<hbm>>) dst(%arg16 : memref<365xf32, #tpu.memory_space<vmem>>)
      tpu.yield
    }) : () -> ()
    %eq3A = arith.constant 0 : i32
    %eq3A_1 = arith.cmpi eq, %arg1, %eq3A : i32
    %convert_element_type3A = arith.extui %eq3A_1 : i1 to i32
    %cond3A = arith.constant 0 : i32
    %cond3A_2 = arith.cmpi ne, %convert_element_type3A, %cond3A : i32
    scf.if %cond3A_2 {
      "tpu.region"() ({
        %run_scoped3A = tpu.sem_alloc : memref<!tpu.dma_semaphore, #tpu.memory_space<semaphore_mem>>
        tpu.enqueue_dma source(%arg3 : memref<200x128xf32, #tpu.memory_space<hbm>>) target(%arg31 : memref<200x128xf32, #tpu.memory_space<vmem_shared>>) target_semaphore(%run_scoped3A : memref<!tpu.dma_semaphore, #tpu.memory_space<semaphore_mem>>)
        tpu.wait_dma2 semaphore(%run_scoped3A : memref<!tpu.dma_semaphore, #tpu.memory_space<semaphore_mem>>) src(%arg3 : memref<200x128xf32, #tpu.memory_space<hbm>>) dst(%arg31 : memref<200x128xf32, #tpu.memory_space<vmem_shared>>)
        tpu.yield
      }) : () -> ()
      "tpu.region"() ({
        %run_scoped3A = tpu.sem_alloc : memref<!tpu.dma_semaphore, #tpu.memory_space<semaphore_mem>>
        tpu.enqueue_dma source(%arg4 : memref<365x128xf32, #tpu.memory_space<hbm>>) target(%arg32 : memref<365x128xf32, #tpu.memory_space<vmem_shared>>) target_semaphore(%run_scoped3A : memref<!tpu.dma_semaphore, #tpu.memory_space<semaphore_mem>>)
        tpu.wait_dma2 semaphore(%run_scoped3A : memref<!tpu.dma_semaphore, #tpu.memory_space<semaphore_mem>>) src(%arg4 : memref<365x128xf32, #tpu.memory_space<hbm>>) dst(%arg32 : memref<365x128xf32, #tpu.memory_space<vmem_shared>>)
        tpu.yield
      }) : () -> ()
    } else {
    }
    %scan3A = arith.constant 0 : i32
    %scan3A_3 = arith.constant 40 : i32
    %scan3A_4 = arith.addi %scan3A, %scan3A_3 : i32
    %scan3A_5 = arith.constant 1 : i32
    scf.for %scan3A_46 = %scan3A to %scan3A_4 step %scan3A_5  : i32 {
      %mul3A_47 = arith.constant 16 : i32
      %mul3A_48 = arith.muli %scan3A_46, %mul3A_47 : i32
      %add3A_49 = arith.constant 0 : i32
      %add3A_50 = arith.addi %add3A_49, %mul3A_48 : i32
      %broadcast_in_dim3A = arith.constant 0.000000e+00 : f32
      %broadcast_in_dim3A_51 = vector.broadcast %broadcast_in_dim3A : f32 to vector<16xf32>
      %swap3A = arith.index_cast %add3A_50 : i32 to index
      %swap3A_52 = tpu.vector_load %arg29[%swap3A] {strides = array<i32>} : memref<640xf32, #tpu.memory_space<vmem>>, vector<16xf32>,
      tpu.vector_store %arg29[%swap3A], %broadcast_in_dim3A_51 {strides = array<i32>} : memref<640xf32, #tpu.memory_space<vmem>>, vector<16xf32>,
    }
    %scan3A_6 = arith.constant 40 : i32
    %mul3A_7 = arith.constant 640 : i32
    %mul3A_8 = arith.muli %arg1, %mul3A_7 : i32
    "tpu.region"() ({
      %run_scoped3A = tpu.sem_alloc : memref<!tpu.dma_semaphore, #tpu.memory_space<semaphore_mem>>
      %dma_start3A_46 = tpu.memref_slice %arg33[%mul3A_8] : memref<10240xf32, #tpu.memory_space<vmem_shared>> -> memref<640xf32, #tpu.memory_space<vmem_shared>>
      %dma_start3A_47 = tpu.memref_slice %arg33[%mul3A_8] : memref<10240xf32, #tpu.memory_space<vmem_shared>> -> memref<640xf32, #tpu.memory_space<vmem_shared>>
      tpu.enqueue_dma source(%arg29 : memref<640xf32, #tpu.memory_space<vmem>>) target(%dma_start3A_47 : memref<640xf32, #tpu.memory_space<vmem_shared>>) target_semaphore(%run_scoped3A : memref<!tpu.dma_semaphore, #tpu.memory_space<semaphore_mem>>)
      %dma_wait3A_48 = tpu.memref_slice %arg33[%mul3A_8] : memref<10240xf32, #tpu.memory_space<vmem_shared>> -> memref<640xf32, #tpu.memory_space<vmem_shared>>
      %dma_wait3A_49 = tpu.memref_slice %arg33[%mul3A_8] : memref<10240xf32, #tpu.memory_space<vmem_shared>> -> memref<640xf32, #tpu.memory_space<vmem_shared>>
      tpu.wait_dma2 semaphore(%run_scoped3A : memref<!tpu.dma_semaphore, #tpu.memory_space<semaphore_mem>>) src(%arg29 : memref<640xf32, #tpu.memory_space<vmem>>) dst(%dma_wait3A_49 : memref<640xf32, #tpu.memory_space<vmem_shared>>)
      tpu.yield
    }) : () -> ()
    %barrier3A = arith.constant 0 : index
    tpu.barrier barrier_id(%barrier3A)
    %mul3A_9 = arith.constant 128 : i32
    %mul3A_10 = arith.muli %add3A, %mul3A_9 : i32
    %dma_start3A = arith.constant 0 : i32
    %dma_start3A_11 = tpu.memref_slice %arg5[%dma_start3A, %mul3A_10] : memref<3x320000xi32, #tpu.memory_space<hbm>> -> memref<3x128xi32, #tpu.memory_space<hbm>>
    %dma_start3A_12 = arith.constant 0 : i32
    %dma_start3A_13 = tpu.memref_slice %arg5[%dma_start3A_12, %mul3A_10] : memref<3x320000xi32, #tpu.memory_space<hbm>> -> memref<3x128xi32, #tpu.memory_space<hbm>>
    tpu.enqueue_dma source(%dma_start3A_13 : memref<3x128xi32, #tpu.memory_space<hbm>>) target(%arg17 : memref<3x128xi32, #tpu.memory_space<vmem>>) target_semaphore(%arg34 : memref<!tpu.dma_semaphore, #tpu.memory_space<semaphore_mem>>)
    %dma_start3A_14 = tpu.memref_slice %arg6[%mul3A_10] : memref<320000xi32, #tpu.memory_space<hbm>> -> memref<128xi32, #tpu.memory_space<hbm>>
    %dma_start3A_15 = tpu.memref_slice %arg6[%mul3A_10] : memref<320000xi32, #tpu.memory_space<hbm>> -> memref<128xi32, #tpu.memory_space<hbm>>
    tpu.enqueue_dma source(%dma_start3A_15 : memref<128xi32, #tpu.memory_space<hbm>>) target(%arg19 : memref<128xi32, #tpu.memory_space<vmem>>) target_semaphore(%arg34 : memref<!tpu.dma_semaphore, #tpu.memory_space<semaphore_mem>>)
    %scan3A_16 = arith.constant 0 : i32
    %scan3A_17 = arith.constant 40 : i32
    %scan3A_18 = arith.addi %scan3A_16, %scan3A_17 : i32
    %scan3A_19 = arith.constant 1 : i32
    scf.for %scan3A_46 = %scan3A_16 to %scan3A_18 step %scan3A_19  : i32 {
      %mul3A_47 = arith.constant 1 : i32
      %mul3A_48 = arith.muli %scan3A_46, %mul3A_47 : i32
      %add3A_49 = arith.constant 0 : i32
      %add3A_50 = arith.addi %add3A_49, %mul3A_48 : i32
      %mul3A_51 = arith.constant 2 : i32
      %mul3A_52 = arith.muli %mul3A_51, %add3A_50 : i32
      %add3A_53 = arith.constant 0 : i32
      %add3A_54 = arith.addi %mul3A_52, %add3A_53 : i32
      %mul3A_55 = arith.constant 32 : i32
      %mul3A_56 = arith.muli %add3A_54, %mul3A_55 : i32
      %add3A_57 = arith.addi %mul3A_56, %add3A : i32
      %lt3A_58 = arith.constant 2500 : i32
      %lt3A_59 = arith.cmpi slt, %add3A_57, %lt3A_58 : i32
      %convert_element_type3A_60 = arith.extui %lt3A_59 : i1 to i32
      %cond3A_61 = arith.constant 0 : i32
      %cond3A_62 = arith.cmpi ne, %convert_element_type3A_60, %cond3A_61 : i32
      scf.if %cond3A_62 {
        %mul3A_75 = arith.constant 128 : i32
        %mul3A_76 = arith.muli %add3A_57, %mul3A_75 : i32
        %mul3A_77 = arith.constant 128 : i32
        %mul3A_78 = arith.muli %add3A_57, %mul3A_77 : i32
        %dma_wait3A_79 = arith.constant 0 : i32
        %dma_wait3A_80 = tpu.memref_slice %arg5[%dma_wait3A_79, %mul3A_78] : memref<3x320000xi32, #tpu.memory_space<hbm>> -> memref<3x128xi32, #tpu.memory_space<hbm>>
        %dma_wait3A_81 = arith.constant 0 : i32
        %dma_wait3A_82 = tpu.memref_slice %arg5[%dma_wait3A_81, %mul3A_78] : memref<3x320000xi32, #tpu.memory_space<hbm>> -> memref<3x128xi32, #tpu.memory_space<hbm>>
        tpu.wait_dma2 semaphore(%arg34 : memref<!tpu.dma_semaphore, #tpu.memory_space<semaphore_mem>>) src(%dma_wait3A_82 : memref<3x128xi32, #tpu.memory_space<hbm>>) dst(%arg17 : memref<3x128xi32, #tpu.memory_space<vmem>>)
        %dma_wait3A_83 = tpu.memref_slice %arg6[%mul3A_78] : memref<320000xi32, #tpu.memory_space<hbm>> -> memref<128xi32, #tpu.memory_space<hbm>>
        %dma_wait3A_84 = tpu.memref_slice %arg6[%mul3A_78] : memref<320000xi32, #tpu.memory_space<hbm>> -> memref<128xi32, #tpu.memory_space<hbm>>
        tpu.wait_dma2 semaphore(%arg34 : memref<!tpu.dma_semaphore, #tpu.memory_space<semaphore_mem>>) src(%dma_wait3A_84 : memref<128xi32, #tpu.memory_space<hbm>>) dst(%arg19 : memref<128xi32, #tpu.memory_space<vmem>>)
        %dma_start3A_85 = arith.constant 0 : i32
        %dma_start3A_86 = arith.constant 0 : i32
        %dma_start3A_87 = tpu.memref_slice %arg17[%dma_start3A_85, %dma_start3A_86] : memref<3x128xi32, #tpu.memory_space<vmem>> -> memref<1x128xi32, #tpu.memory_space<vmem>>
        %dma_start3A_88 = tpu.memref_squeeze %dma_start3A_87 : memref<1x128xi32, #tpu.memory_space<vmem>> -> memref<128xi32, #tpu.memory_space<vmem>>
        %dma_start3A_89 = arith.constant 0 : i32
        %dma_start3A_90 = arith.constant 0 : i32
        %dma_start3A_91 = tpu.memref_slice %arg2[%dma_start3A_89, %dma_start3A_90] : memref<10000x128xf32, #tpu.memory_space<hbm>> -> memref<10000x128xf32, #tpu.memory_space<hbm>>
        tpu.enqueue_indirect_dma source(%dma_start3A_91 : memref<10000x128xf32, #tpu.memory_space<hbm>>) target(%arg23 : memref<128x128xf32, #tpu.memory_space<vmem>>) offsets(%dma_start3A_88 : memref<128xi32, #tpu.memory_space<vmem>>) semaphore(%arg36 : memref<!tpu.dma_semaphore, #tpu.memory_space<semaphore_mem>>)
        %dma_start3A_92 = arith.constant 1 : i32
        %dma_start3A_93 = arith.constant 0 : i32
        %dma_start3A_94 = tpu.memref_slice %arg17[%dma_start3A_92, %dma_start3A_93] : memref<3x128xi32, #tpu.memory_space<vmem>> -> memref<1x128xi32, #tpu.memory_space<vmem>>
        %dma_start3A_95 = tpu.memref_squeeze %dma_start3A_94 : memref<1x128xi32, #tpu.memory_space<vmem>> -> memref<128xi32, #tpu.memory_space<vmem>>
        %dma_start3A_96 = arith.constant 0 : i32
        %dma_start3A_97 = arith.constant 0 : i32
        %dma_start3A_98 = tpu.memref_slice %arg31[%dma_start3A_96, %dma_start3A_97] : memref<200x128xf32, #tpu.memory_space<vmem_shared>> -> memref<200x128xf32, #tpu.memory_space<vmem_shared>>
        tpu.enqueue_indirect_dma source(%dma_start3A_98 : memref<200x128xf32, #tpu.memory_space<vmem_shared>>) target(%arg25 : memref<128x128xf32, #tpu.memory_space<vmem>>) offsets(%dma_start3A_95 : memref<128xi32, #tpu.memory_space<vmem>>) semaphore(%arg38 : memref<!tpu.dma_semaphore, #tpu.memory_space<semaphore_mem>>)
        %dma_start3A_99 = arith.constant 2 : i32
        %dma_start3A_100 = arith.constant 0 : i32
        %dma_start3A_101 = tpu.memref_slice %arg17[%dma_start3A_99, %dma_start3A_100] : memref<3x128xi32, #tpu.memory_space<vmem>> -> memref<1x128xi32, #tpu.memory_space<vmem>>
        %dma_start3A_102 = tpu.memref_squeeze %dma_start3A_101 : memref<1x128xi32, #tpu.memory_space<vmem>> -> memref<128xi32, #tpu.memory_space<vmem>>
        %dma_start3A_103 = arith.constant 0 : i32
        %dma_start3A_104 = arith.constant 0 : i32
        %dma_start3A_105 = tpu.memref_slice %arg32[%dma_start3A_103, %dma_start3A_104] : memref<365x128xf32, #tpu.memory_space<vmem_shared>> -> memref<365x128xf32, #tpu.memory_space<vmem_shared>>
        tpu.enqueue_indirect_dma source(%dma_start3A_105 : memref<365x128xf32, #tpu.memory_space<vmem_shared>>) target(%arg26 : memref<128x128xf32, #tpu.memory_space<vmem>>) offsets(%dma_start3A_102 : memref<128xi32, #tpu.memory_space<vmem>>) semaphore(%arg39 : memref<!tpu.dma_semaphore, #tpu.memory_space<semaphore_mem>>)
        %ge3A_106 = arith.constant 1 : i32
        %ge3A_107 = arith.cmpi sge, %add3A_54, %ge3A_106 : i32
        %convert_element_type3A_108 = arith.extui %ge3A_107 : i1 to i32
        %cond3A_109 = arith.constant 0 : i32
        %cond3A_110 = arith.cmpi ne, %convert_element_type3A_108, %cond3A_109 : i32
        scf.if %cond3A_110 {
          %dma_wait3A_776 = arith.constant 0 : i32
          %dma_wait3A_777 = tpu.memref_slice %arg33[%dma_wait3A_776] : memref<10240xf32, #tpu.memory_space<vmem_shared>> -> memref<10240xf32, #tpu.memory_space<vmem_shared>>
          tpu.wait_indirect_dma semaphore(%arg41 : memref<!tpu.dma_semaphore, #tpu.memory_space<semaphore_mem>>) src(%arg22 : memref<128xf32, #tpu.memory_space<vmem>>) dst(%dma_wait3A_777 : memref<10240xf32, #tpu.memory_space<vmem_shared>>)
        } else {
        }
        %add3A_111 = arith.constant 32 : i32
        %add3A_112 = arith.addi %add3A_57, %add3A_111 : i32
        %lt3A_113 = arith.constant 2500 : i32
        %lt3A_114 = arith.cmpi slt, %add3A_112, %lt3A_113 : i32
        %convert_element_type3A_115 = arith.extui %lt3A_114 : i1 to i32
        %cond3A_116 = arith.constant 0 : i32
        %cond3A_117 = arith.cmpi ne, %convert_element_type3A_115, %cond3A_116 : i32
        scf.if %cond3A_117 {
          %mul3A_776 = arith.constant 128 : i32
          %mul3A_777 = arith.muli %add3A_112, %mul3A_776 : i32
          %dma_start3A_778 = arith.constant 0 : i32
          %dma_start3A_779 = tpu.memref_slice %arg5[%dma_start3A_778, %mul3A_777] : memref<3x320000xi32, #tpu.memory_space<hbm>> -> memref<3x128xi32, #tpu.memory_space<hbm>>
          %dma_start3A_780 = arith.constant 0 : i32
          %dma_start3A_781 = tpu.memref_slice %arg5[%dma_start3A_780, %mul3A_777] : memref<3x320000xi32, #tpu.memory_space<hbm>> -> memref<3x128xi32, #tpu.memory_space<hbm>>
          tpu.enqueue_dma source(%dma_start3A_781 : memref<3x128xi32, #tpu.memory_space<hbm>>) target(%arg18 : memref<3x128xi32, #tpu.memory_space<vmem>>) target_semaphore(%arg35 : memref<!tpu.dma_semaphore, #tpu.memory_space<semaphore_mem>>)
          %dma_start3A_782 = tpu.memref_slice %arg6[%mul3A_777] : memref<320000xi32, #tpu.memory_space<hbm>> -> memref<128xi32, #tpu.memory_space<hbm>>
          %dma_start3A_783 = tpu.memref_slice %arg6[%mul3A_777] : memref<320000xi32, #tpu.memory_space<hbm>> -> memref<128xi32, #tpu.memory_space<hbm>>
          tpu.enqueue_dma source(%dma_start3A_783 : memref<128xi32, #tpu.memory_space<hbm>>) target(%arg20 : memref<128xi32, #tpu.memory_space<vmem>>) target_semaphore(%arg35 : memref<!tpu.dma_semaphore, #tpu.memory_space<semaphore_mem>>)
        } else {
        }
        %get3A = arith.constant 0 : i32
        %get3A_118 = arith.index_cast %get3A : i32 to index
        %get3A_119 = arith.constant 0 : index
        %get3A_120 = tpu.vector_load %arg17[%get3A_118, %get3A_119] {strides = array<i32>} : memref<3x128xi32, #tpu.memory_space<vmem>>, vector<16xi32>,
        %gather3A = tpu.vector_load_idx %arg13[%get3A_120] : memref<10000xf32, #tpu.memory_space<vmem>>[vector<16xi32>], vector<16xf32>,
        %get3A_121 = arith.constant 0 : index
        %get3A_122 = tpu.vector_load %arg19[%get3A_121] {strides = array<i32>} : memref<128xi32, #tpu.memory_space<vmem>>, vector<16xi32>,
        %gather3A_123 = tpu.vector_load_idx %arg14[%get3A_122] : memref<10000xf32, #tpu.memory_space<vmem>>[vector<16xi32>], vector<16xf32>,
        %get3A_124 = arith.constant 1 : i32
        %get3A_125 = arith.index_cast %get3A_124 : i32 to index
        %get3A_126 = arith.constant 0 : index
        %get3A_127 = tpu.vector_load %arg17[%get3A_125, %get3A_126] {strides = array<i32>} : memref<3x128xi32, #tpu.memory_space<vmem>>, vector<16xi32>,
        %gather3A_128 = tpu.vector_load_idx %arg15[%get3A_127] : memref<200xf32, #tpu.memory_space<vmem>>[vector<16xi32>], vector<16xf32>,
        %get3A_129 = arith.constant 2 : i32
        %get3A_130 = arith.index_cast %get3A_129 : i32 to index
        %get3A_131 = arith.constant 0 : index
        %get3A_132 = tpu.vector_load %arg17[%get3A_130, %get3A_131] {strides = array<i32>} : memref<3x128xi32, #tpu.memory_space<vmem>>, vector<16xi32>,
        %gather3A_133 = tpu.vector_load_idx %arg16[%get3A_132] : memref<365xf32, #tpu.memory_space<vmem>>[vector<16xi32>], vector<16xf32>,
        %sub3A = arith.subf %gather3A, %gather3A_123 : vector<16xf32>
        %add3A_134 = arith.addf %sub3A, %gather3A_128 : vector<16xf32>
        %add3A_135 = arith.addf %add3A_134, %gather3A_133 : vector<16xf32>
        %mul3A_136 = arith.constant 1.000000e-01 : f32
        %mul3A_137 = vector.broadcast %mul3A_136 : f32 to vector<16xf32>
        %mul3A_138 = arith.mulf %mul3A_137, %add3A_135 : vector<16xf32>
        %max3A = arith.maximumf %add3A_135, %mul3A_138 : vector<16xf32>
        %exp3A = math.exp %max3A : vector<16xf32>
        %swap3A = arith.constant 0 : index
        %swap3A_139 = tpu.vector_load %arg21[%swap3A] {strides = array<i32>} : memref<128xf32, #tpu.memory_space<vmem>>, vector<16xf32>,
        tpu.vector_store %arg21[%swap3A], %exp3A {strides = array<i32>} : memref<128xf32, #tpu.memory_space<vmem>>, vector<16xf32>,
        %get3A_140 = arith.constant 0 : i32
        %get3A_141 = arith.index_cast %get3A_140 : i32 to index
        %get3A_142 = arith.constant 16 : index
        %get3A_143 = tpu.vector_load %arg17[%get3A_141, %get3A_142] {strides = array<i32>} : memref<3x128xi32, #tpu.memory_space<vmem>>, vector<16xi32>,
        %gather3A_144 = tpu.vector_load_idx %arg13[%get3A_143] : memref<10000xf32, #tpu.memory_space<vmem>>[vector<16xi32>], vector<16xf32>,
        %get3A_145 = arith.constant 16 : index
        %get3A_146 = tpu.vector_load %arg19[%get3A_145] {strides = array<i32>} : memref<128xi32, #tpu.memory_space<vmem>>, vector<16xi32>,
        %gather3A_147 = tpu.vector_load_idx %arg14[%get3A_146] : memref<10000xf32, #tpu.memory_space<vmem>>[vector<16xi32>], vector<16xf32>,
        %get3A_148 = arith.constant 1 : i32
        %get3A_149 = arith.index_cast %get3A_148 : i32 to index
        %get3A_150 = arith.constant 16 : index
        %get3A_151 = tpu.vector_load %arg17[%get3A_149, %get3A_150] {strides = array<i32>} : memref<3x128xi32, #tpu.memory_space<vmem>>, vector<16xi32>,
        %gather3A_152 = tpu.vector_load_idx %arg15[%get3A_151] : memref<200xf32, #tpu.memory_space<vmem>>[vector<16xi32>], vector<16xf32>,
        %get3A_153 = arith.constant 2 : i32
        %get3A_154 = arith.index_cast %get3A_153 : i32 to index
        %get3A_155 = arith.constant 16 : index
        %get3A_156 = tpu.vector_load %arg17[%get3A_154, %get3A_155] {strides = array<i32>} : memref<3x128xi32, #tpu.memory_space<vmem>>, vector<16xi32>,
        %gather3A_157 = tpu.vector_load_idx %arg16[%get3A_156] : memref<365xf32, #tpu.memory_space<vmem>>[vector<16xi32>], vector<16xf32>,
        %sub3A_158 = arith.subf %gather3A_144, %gather3A_147 : vector<16xf32>
        %add3A_159 = arith.addf %sub3A_158, %gather3A_152 : vector<16xf32>
        %add3A_160 = arith.addf %add3A_159, %gather3A_157 : vector<16xf32>
        %mul3A_161 = arith.constant 1.000000e-01 : f32
        %mul3A_162 = vector.broadcast %mul3A_161 : f32 to vector<16xf32>
        %mul3A_163 = arith.mulf %mul3A_162, %add3A_160 : vector<16xf32>
        %max3A_164 = arith.maximumf %add3A_160, %mul3A_163 : vector<16xf32>
        %exp3A_165 = math.exp %max3A_164 : vector<16xf32>
        %swap3A_166 = arith.constant 16 : index
        %swap3A_167 = tpu.vector_load %arg21[%swap3A_166] {strides = array<i32>} : memref<128xf32, #tpu.memory_space<vmem>>, vector<16xf32>,
        tpu.vector_store %arg21[%swap3A_166], %exp3A_165 {strides = array<i32>} : memref<128xf32, #tpu.memory_space<vmem>>, vector<16xf32>,
        %get3A_168 = arith.constant 0 : i32
        %get3A_169 = arith.index_cast %get3A_168 : i32 to index
        %get3A_170 = arith.constant 32 : index
        %get3A_171 = tpu.vector_load %arg17[%get3A_169, %get3A_170] {strides = array<i32>} : memref<3x128xi32, #tpu.memory_space<vmem>>, vector<16xi32>,
        %gather3A_172 = tpu.vector_load_idx %arg13[%get3A_171] : memref<10000xf32, #tpu.memory_space<vmem>>[vector<16xi32>], vector<16xf32>,
        %get3A_173 = arith.constant 32 : index
        %get3A_174 = tpu.vector_load %arg19[%get3A_173] {strides = array<i32>} : memref<128xi32, #tpu.memory_space<vmem>>, vector<16xi32>,
        %gather3A_175 = tpu.vector_load_idx %arg14[%get3A_174] : memref<10000xf32, #tpu.memory_space<vmem>>[vector<16xi32>], vector<16xf32>,
        %get3A_176 = arith.constant 1 : i32
        %get3A_177 = arith.index_cast %get3A_176 : i32 to index
        %get3A_178 = arith.constant 32 : index
        %get3A_179 = tpu.vector_load %arg17[%get3A_177, %get3A_178] {strides = array<i32>} : memref<3x128xi32, #tpu.memory_space<vmem>>, vector<16xi32>,
        %gather3A_180 = tpu.vector_load_idx %arg15[%get3A_179] : memref<200xf32, #tpu.memory_space<vmem>>[vector<16xi32>], vector<16xf32>,
        %get3A_181 = arith.constant 2 : i32
        %get3A_182 = arith.index_cast %get3A_181 : i32 to index
        %get3A_183 = arith.constant 32 : index
        %get3A_184 = tpu.vector_load %arg17[%get3A_182, %get3A_183] {strides = array<i32>} : memref<3x128xi32, #tpu.memory_space<vmem>>, vector<16xi32>,
        %gather3A_185 = tpu.vector_load_idx %arg16[%get3A_184] : memref<365xf32, #tpu.memory_space<vmem>>[vector<16xi32>], vector<16xf32>,
        %sub3A_186 = arith.subf %gather3A_172, %gather3A_175 : vector<16xf32>
        %add3A_187 = arith.addf %sub3A_186, %gather3A_180 : vector<16xf32>
        %add3A_188 = arith.addf %add3A_187, %gather3A_185 : vector<16xf32>
        %mul3A_189 = arith.constant 1.000000e-01 : f32
        %mul3A_190 = vector.broadcast %mul3A_189 : f32 to vector<16xf32>
        %mul3A_191 = arith.mulf %mul3A_190, %add3A_188 : vector<16xf32>
        %max3A_192 = arith.maximumf %add3A_188, %mul3A_191 : vector<16xf32>
        %exp3A_193 = math.exp %max3A_192 : vector<16xf32>
        %swap3A_194 = arith.constant 32 : index
        %swap3A_195 = tpu.vector_load %arg21[%swap3A_194] {strides = array<i32>} : memref<128xf32, #tpu.memory_space<vmem>>, vector<16xf32>,
        tpu.vector_store %arg21[%swap3A_194], %exp3A_193 {strides = array<i32>} : memref<128xf32, #tpu.memory_space<vmem>>, vector<16xf32>,
        %get3A_196 = arith.constant 0 : i32
        %get3A_197 = arith.index_cast %get3A_196 : i32 to index
        %get3A_198 = arith.constant 48 : index
        %get3A_199 = tpu.vector_load %arg17[%get3A_197, %get3A_198] {strides = array<i32>} : memref<3x128xi32, #tpu.memory_space<vmem>>, vector<16xi32>,
        %gather3A_200 = tpu.vector_load_idx %arg13[%get3A_199] : memref<10000xf32, #tpu.memory_space<vmem>>[vector<16xi32>], vector<16xf32>,
        %get3A_201 = arith.constant 48 : index
        %get3A_202 = tpu.vector_load %arg19[%get3A_201] {strides = array<i32>} : memref<128xi32, #tpu.memory_space<vmem>>, vector<16xi32>,
        %gather3A_203 = tpu.vector_load_idx %arg14[%get3A_202] : memref<10000xf32, #tpu.memory_space<vmem>>[vector<16xi32>], vector<16xf32>,
        %get3A_204 = arith.constant 1 : i32
        %get3A_205 = arith.index_cast %get3A_204 : i32 to index
        %get3A_206 = arith.constant 48 : index
        %get3A_207 = tpu.vector_load %arg17[%get3A_205, %get3A_206] {strides = array<i32>} : memref<3x128xi32, #tpu.memory_space<vmem>>, vector<16xi32>,
        %gather3A_208 = tpu.vector_load_idx %arg15[%get3A_207] : memref<200xf32, #tpu.memory_space<vmem>>[vector<16xi32>], vector<16xf32>,
        %get3A_209 = arith.constant 2 : i32
        %get3A_210 = arith.index_cast %get3A_209 : i32 to index
        %get3A_211 = arith.constant 48 : index
        %get3A_212 = tpu.vector_load %arg17[%get3A_210, %get3A_211] {strides = array<i32>} : memref<3x128xi32, #tpu.memory_space<vmem>>, vector<16xi32>,
        %gather3A_213 = tpu.vector_load_idx %arg16[%get3A_212] : memref<365xf32, #tpu.memory_space<vmem>>[vector<16xi32>], vector<16xf32>,
        %sub3A_214 = arith.subf %gather3A_200, %gather3A_203 : vector<16xf32>
        %add3A_215 = arith.addf %sub3A_214, %gather3A_208 : vector<16xf32>
        %add3A_216 = arith.addf %add3A_215, %gather3A_213 : vector<16xf32>
        %mul3A_217 = arith.constant 1.000000e-01 : f32
        %mul3A_218 = vector.broadcast %mul3A_217 : f32 to vector<16xf32>
        %mul3A_219 = arith.mulf %mul3A_218, %add3A_216 : vector<16xf32>
        %max3A_220 = arith.maximumf %add3A_216, %mul3A_219 : vector<16xf32>
        %exp3A_221 = math.exp %max3A_220 : vector<16xf32>
        %swap3A_222 = arith.constant 48 : index
        %swap3A_223 = tpu.vector_load %arg21[%swap3A_222] {strides = array<i32>} : memref<128xf32, #tpu.memory_space<vmem>>, vector<16xf32>,
        tpu.vector_store %arg21[%swap3A_222], %exp3A_221 {strides = array<i32>} : memref<128xf32, #tpu.memory_space<vmem>>, vector<16xf32>,
        %get3A_224 = arith.constant 0 : i32
        %get3A_225 = arith.index_cast %get3A_224 : i32 to index
        %get3A_226 = arith.constant 64 : index
        %get3A_227 = tpu.vector_load %arg17[%get3A_225, %get3A_226] {strides = array<i32>} : memref<3x128xi32, #tpu.memory_space<vmem>>, vector<16xi32>,
        %gather3A_228 = tpu.vector_load_idx %arg13[%get3A_227] : memref<10000xf32, #tpu.memory_space<vmem>>[vector<16xi32>], vector<16xf32>,
        %get3A_229 = arith.constant 64 : index
        %get3A_230 = tpu.vector_load %arg19[%get3A_229] {strides = array<i32>} : memref<128xi32, #tpu.memory_space<vmem>>, vector<16xi32>,
        %gather3A_231 = tpu.vector_load_idx %arg14[%get3A_230] : memref<10000xf32, #tpu.memory_space<vmem>>[vector<16xi32>], vector<16xf32>,
        %get3A_232 = arith.constant 1 : i32
        %get3A_233 = arith.index_cast %get3A_232 : i32 to index
        %get3A_234 = arith.constant 64 : index
        %get3A_235 = tpu.vector_load %arg17[%get3A_233, %get3A_234] {strides = array<i32>} : memref<3x128xi32, #tpu.memory_space<vmem>>, vector<16xi32>,
        %gather3A_236 = tpu.vector_load_idx %arg15[%get3A_235] : memref<200xf32, #tpu.memory_space<vmem>>[vector<16xi32>], vector<16xf32>,
        %get3A_237 = arith.constant 2 : i32
        %get3A_238 = arith.index_cast %get3A_237 : i32 to index
        %get3A_239 = arith.constant 64 : index
        %get3A_240 = tpu.vector_load %arg17[%get3A_238, %get3A_239] {strides = array<i32>} : memref<3x128xi32, #tpu.memory_space<vmem>>, vector<16xi32>,
        %gather3A_241 = tpu.vector_load_idx %arg16[%get3A_240] : memref<365xf32, #tpu.memory_space<vmem>>[vector<16xi32>], vector<16xf32>,
        %sub3A_242 = arith.subf %gather3A_228, %gather3A_231 : vector<16xf32>
        %add3A_243 = arith.addf %sub3A_242, %gather3A_236 : vector<16xf32>
        %add3A_244 = arith.addf %add3A_243, %gather3A_241 : vector<16xf32>
        %mul3A_245 = arith.constant 1.000000e-01 : f32
        %mul3A_246 = vector.broadcast %mul3A_245 : f32 to vector<16xf32>
        %mul3A_247 = arith.mulf %mul3A_246, %add3A_244 : vector<16xf32>
        %max3A_248 = arith.maximumf %add3A_244, %mul3A_247 : vector<16xf32>
        %exp3A_249 = math.exp %max3A_248 : vector<16xf32>
        %swap3A_250 = arith.constant 64 : index
        %swap3A_251 = tpu.vector_load %arg21[%swap3A_250] {strides = array<i32>} : memref<128xf32, #tpu.memory_space<vmem>>, vector<16xf32>,
        tpu.vector_store %arg21[%swap3A_250], %exp3A_249 {strides = array<i32>} : memref<128xf32, #tpu.memory_space<vmem>>, vector<16xf32>,
        %get3A_252 = arith.constant 0 : i32
        %get3A_253 = arith.index_cast %get3A_252 : i32 to index
        %get3A_254 = arith.constant 80 : index
        %get3A_255 = tpu.vector_load %arg17[%get3A_253, %get3A_254] {strides = array<i32>} : memref<3x128xi32, #tpu.memory_space<vmem>>, vector<16xi32>,
        %gather3A_256 = tpu.vector_load_idx %arg13[%get3A_255] : memref<10000xf32, #tpu.memory_space<vmem>>[vector<16xi32>], vector<16xf32>,
        %get3A_257 = arith.constant 80 : index
        %get3A_258 = tpu.vector_load %arg19[%get3A_257] {strides = array<i32>} : memref<128xi32, #tpu.memory_space<vmem>>, vector<16xi32>,
        %gather3A_259 = tpu.vector_load_idx %arg14[%get3A_258] : memref<10000xf32, #tpu.memory_space<vmem>>[vector<16xi32>], vector<16xf32>,
        %get3A_260 = arith.constant 1 : i32
        %get3A_261 = arith.index_cast %get3A_260 : i32 to index
        %get3A_262 = arith.constant 80 : index
        %get3A_263 = tpu.vector_load %arg17[%get3A_261, %get3A_262] {strides = array<i32>} : memref<3x128xi32, #tpu.memory_space<vmem>>, vector<16xi32>,
        %gather3A_264 = tpu.vector_load_idx %arg15[%get3A_263] : memref<200xf32, #tpu.memory_space<vmem>>[vector<16xi32>], vector<16xf32>,
        %get3A_265 = arith.constant 2 : i32
        %get3A_266 = arith.index_cast %get3A_265 : i32 to index
        %get3A_267 = arith.constant 80 : index
        %get3A_268 = tpu.vector_load %arg17[%get3A_266, %get3A_267] {strides = array<i32>} : memref<3x128xi32, #tpu.memory_space<vmem>>, vector<16xi32>,
        %gather3A_269 = tpu.vector_load_idx %arg16[%get3A_268] : memref<365xf32, #tpu.memory_space<vmem>>[vector<16xi32>], vector<16xf32>,
        %sub3A_270 = arith.subf %gather3A_256, %gather3A_259 : vector<16xf32>
        %add3A_271 = arith.addf %sub3A_270, %gather3A_264 : vector<16xf32>
        %add3A_272 = arith.addf %add3A_271, %gather3A_269 : vector<16xf32>
        %mul3A_273 = arith.constant 1.000000e-01 : f32
        %mul3A_274 = vector.broadcast %mul3A_273 : f32 to vector<16xf32>
        %mul3A_275 = arith.mulf %mul3A_274, %add3A_272 : vector<16xf32>
        %max3A_276 = arith.maximumf %add3A_272, %mul3A_275 : vector<16xf32>
        %exp3A_277 = math.exp %max3A_276 : vector<16xf32>
        %swap3A_278 = arith.constant 80 : index
        %swap3A_279 = tpu.vector_load %arg21[%swap3A_278] {strides = array<i32>} : memref<128xf32, #tpu.memory_space<vmem>>, vector<16xf32>,
        tpu.vector_store %arg21[%swap3A_278], %exp3A_277 {strides = array<i32>} : memref<128xf32, #tpu.memory_space<vmem>>, vector<16xf32>,
        %get3A_280 = arith.constant 0 : i32
        %get3A_281 = arith.index_cast %get3A_280 : i32 to index
        %get3A_282 = arith.constant 96 : index
        %get3A_283 = tpu.vector_load %arg17[%get3A_281, %get3A_282] {strides = array<i32>} : memref<3x128xi32, #tpu.memory_space<vmem>>, vector<16xi32>,
        %gather3A_284 = tpu.vector_load_idx %arg13[%get3A_283] : memref<10000xf32, #tpu.memory_space<vmem>>[vector<16xi32>], vector<16xf32>,
        %get3A_285 = arith.constant 96 : index
        %get3A_286 = tpu.vector_load %arg19[%get3A_285] {strides = array<i32>} : memref<128xi32, #tpu.memory_space<vmem>>, vector<16xi32>,
        %gather3A_287 = tpu.vector_load_idx %arg14[%get3A_286] : memref<10000xf32, #tpu.memory_space<vmem>>[vector<16xi32>], vector<16xf32>,
        %get3A_288 = arith.constant 1 : i32
        %get3A_289 = arith.index_cast %get3A_288 : i32 to index
        %get3A_290 = arith.constant 96 : index
        %get3A_291 = tpu.vector_load %arg17[%get3A_289, %get3A_290] {strides = array<i32>} : memref<3x128xi32, #tpu.memory_space<vmem>>, vector<16xi32>,
        %gather3A_292 = tpu.vector_load_idx %arg15[%get3A_291] : memref<200xf32, #tpu.memory_space<vmem>>[vector<16xi32>], vector<16xf32>,
        %get3A_293 = arith.constant 2 : i32
        %get3A_294 = arith.index_cast %get3A_293 : i32 to index
        %get3A_295 = arith.constant 96 : index
        %get3A_296 = tpu.vector_load %arg17[%get3A_294, %get3A_295] {strides = array<i32>} : memref<3x128xi32, #tpu.memory_space<vmem>>, vector<16xi32>,
        %gather3A_297 = tpu.vector_load_idx %arg16[%get3A_296] : memref<365xf32, #tpu.memory_space<vmem>>[vector<16xi32>], vector<16xf32>,
        %sub3A_298 = arith.subf %gather3A_284, %gather3A_287 : vector<16xf32>
        %add3A_299 = arith.addf %sub3A_298, %gather3A_292 : vector<16xf32>
        %add3A_300 = arith.addf %add3A_299, %gather3A_297 : vector<16xf32>
        %mul3A_301 = arith.constant 1.000000e-01 : f32
        %mul3A_302 = vector.broadcast %mul3A_301 : f32 to vector<16xf32>
        %mul3A_303 = arith.mulf %mul3A_302, %add3A_300 : vector<16xf32>
        %max3A_304 = arith.maximumf %add3A_300, %mul3A_303 : vector<16xf32>
        %exp3A_305 = math.exp %max3A_304 : vector<16xf32>
        %swap3A_306 = arith.constant 96 : index
        %swap3A_307 = tpu.vector_load %arg21[%swap3A_306] {strides = array<i32>} : memref<128xf32, #tpu.memory_space<vmem>>, vector<16xf32>,
        tpu.vector_store %arg21[%swap3A_306], %exp3A_305 {strides = array<i32>} : memref<128xf32, #tpu.memory_space<vmem>>, vector<16xf32>,
        %get3A_308 = arith.constant 0 : i32
        %get3A_309 = arith.index_cast %get3A_308 : i32 to index
        %get3A_310 = arith.constant 112 : index
        %get3A_311 = tpu.vector_load %arg17[%get3A_309, %get3A_310] {strides = array<i32>} : memref<3x128xi32, #tpu.memory_space<vmem>>, vector<16xi32>,
        %gather3A_312 = tpu.vector_load_idx %arg13[%get3A_311] : memref<10000xf32, #tpu.memory_space<vmem>>[vector<16xi32>], vector<16xf32>,
        %get3A_313 = arith.constant 112 : index
        %get3A_314 = tpu.vector_load %arg19[%get3A_313] {strides = array<i32>} : memref<128xi32, #tpu.memory_space<vmem>>, vector<16xi32>,
        %gather3A_315 = tpu.vector_load_idx %arg14[%get3A_314] : memref<10000xf32, #tpu.memory_space<vmem>>[vector<16xi32>], vector<16xf32>,
        %get3A_316 = arith.constant 1 : i32
        %get3A_317 = arith.index_cast %get3A_316 : i32 to index
        %get3A_318 = arith.constant 112 : index
        %get3A_319 = tpu.vector_load %arg17[%get3A_317, %get3A_318] {strides = array<i32>} : memref<3x128xi32, #tpu.memory_space<vmem>>, vector<16xi32>,
        %gather3A_320 = tpu.vector_load_idx %arg15[%get3A_319] : memref<200xf32, #tpu.memory_space<vmem>>[vector<16xi32>], vector<16xf32>,
        %get3A_321 = arith.constant 2 : i32
        %get3A_322 = arith.index_cast %get3A_321 : i32 to index
        %get3A_323 = arith.constant 112 : index
        %get3A_324 = tpu.vector_load %arg17[%get3A_322, %get3A_323] {strides = array<i32>} : memref<3x128xi32, #tpu.memory_space<vmem>>, vector<16xi32>,
        %gather3A_325 = tpu.vector_load_idx %arg16[%get3A_324] : memref<365xf32, #tpu.memory_space<vmem>>[vector<16xi32>], vector<16xf32>,
        %sub3A_326 = arith.subf %gather3A_312, %gather3A_315 : vector<16xf32>
        %add3A_327 = arith.addf %sub3A_326, %gather3A_320 : vector<16xf32>
        %add3A_328 = arith.addf %add3A_327, %gather3A_325 : vector<16xf32>
        %mul3A_329 = arith.constant 1.000000e-01 : f32
        %mul3A_330 = vector.broadcast %mul3A_329 : f32 to vector<16xf32>
        %mul3A_331 = arith.mulf %mul3A_330, %add3A_328 : vector<16xf32>
        %max3A_332 = arith.maximumf %add3A_328, %mul3A_331 : vector<16xf32>
        %exp3A_333 = math.exp %max3A_332 : vector<16xf32>
        %swap3A_334 = arith.constant 112 : index
        %swap3A_335 = tpu.vector_load %arg21[%swap3A_334] {strides = array<i32>} : memref<128xf32, #tpu.memory_space<vmem>>, vector<16xf32>,
        tpu.vector_store %arg21[%swap3A_334], %exp3A_333 {strides = array<i32>} : memref<128xf32, #tpu.memory_space<vmem>>, vector<16xf32>,
        %dma_start3A_336 = arith.constant 0 : i32
        %dma_start3A_337 = tpu.memref_slice %arg33[%dma_start3A_336] : memref<10240xf32, #tpu.memory_space<vmem_shared>> -> memref<10240xf32, #tpu.memory_space<vmem_shared>>
        tpu.enqueue_indirect_dma source(%arg21 : memref<128xf32, #tpu.memory_space<vmem>>) target(%dma_start3A_337 : memref<10240xf32, #tpu.memory_space<vmem_shared>>) offsets(%arg19 : memref<128xi32, #tpu.memory_space<vmem>>) semaphore(%arg40 : memref<!tpu.dma_semaphore, #tpu.memory_space<semaphore_mem>>) {add = true}
        %ge3A_338 = arith.constant 2 : i32
        %ge3A_339 = arith.cmpi sge, %add3A_54, %ge3A_338 : i32
        %convert_element_type3A_340 = arith.extui %ge3A_339 : i1 to i32
        %cond3A_341 = arith.constant 0 : i32
        %cond3A_342 = arith.cmpi ne, %convert_element_type3A_340, %cond3A_341 : i32
        scf.if %cond3A_342 {
          %dma_wait3A_776 = arith.constant 0 : i32
          %dma_wait3A_777 = arith.constant 0 : i32
          %dma_wait3A_778 = tpu.memref_slice %arg11[%dma_wait3A_776, %dma_wait3A_777] : memref<320000x128xf32, #tpu.memory_space<hbm>> -> memref<128x128xf32, #tpu.memory_space<hbm>>
          %dma_wait3A_779 = arith.constant 0 : i32
          %dma_wait3A_780 = arith.constant 0 : i32
          %dma_wait3A_781 = tpu.memref_slice %arg11[%dma_wait3A_779, %dma_wait3A_780] : memref<320000x128xf32, #tpu.memory_space<hbm>> -> memref<128x128xf32, #tpu.memory_space<hbm>>
          tpu.wait_dma2 semaphore(%arg42 : memref<!tpu.dma_semaphore, #tpu.memory_space<semaphore_mem>>) src(%arg27 : memref<128x128xf32, #tpu.memory_space<vmem>>) dst(%dma_wait3A_781 : memref<128x128xf32, #tpu.memory_space<hbm>>)
        } else {
        }
        %dma_wait3A_343 = arith.constant 0 : i32
        %dma_wait3A_344 = arith.constant 0 : i32
        %dma_wait3A_345 = tpu.memref_slice %arg17[%dma_wait3A_343, %dma_wait3A_344] : memref<3x128xi32, #tpu.memory_space<vmem>> -> memref<1x128xi32, #tpu.memory_space<vmem>>
        %dma_wait3A_346 = tpu.memref_squeeze %dma_wait3A_345 : memref<1x128xi32, #tpu.memory_space<vmem>> -> memref<128xi32, #tpu.memory_space<vmem>>
        %dma_wait3A_347 = arith.constant 0 : i32
        %dma_wait3A_348 = arith.constant 0 : i32
        %dma_wait3A_349 = tpu.memref_slice %arg2[%dma_wait3A_347, %dma_wait3A_348] : memref<10000x128xf32, #tpu.memory_space<hbm>> -> memref<10000x128xf32, #tpu.memory_space<hbm>>
        tpu.wait_indirect_dma semaphore(%arg36 : memref<!tpu.dma_semaphore, #tpu.memory_space<semaphore_mem>>) src(%dma_wait3A_349 : memref<10000x128xf32, #tpu.memory_space<hbm>>) dst(%arg23 : memref<128x128xf32, #tpu.memory_space<vmem>>)
        %dma_wait3A_350 = arith.constant 1 : i32
        %dma_wait3A_351 = arith.constant 0 : i32
        %dma_wait3A_352 = tpu.memref_slice %arg17[%dma_wait3A_350, %dma_wait3A_351] : memref<3x128xi32, #tpu.memory_space<vmem>> -> memref<1x128xi32, #tpu.memory_space<vmem>>
        %dma_wait3A_353 = tpu.memref_squeeze %dma_wait3A_352 : memref<1x128xi32, #tpu.memory_space<vmem>> -> memref<128xi32, #tpu.memory_space<vmem>>
        %dma_wait3A_354 = arith.constant 0 : i32
        %dma_wait3A_355 = arith.constant 0 : i32
        %dma_wait3A_356 = tpu.memref_slice %arg31[%dma_wait3A_354, %dma_wait3A_355] : memref<200x128xf32, #tpu.memory_space<vmem_shared>> -> memref<200x128xf32, #tpu.memory_space<vmem_shared>>
        tpu.wait_indirect_dma semaphore(%arg38 : memref<!tpu.dma_semaphore, #tpu.memory_space<semaphore_mem>>) src(%dma_wait3A_356 : memref<200x128xf32, #tpu.memory_space<vmem_shared>>) dst(%arg25 : memref<128x128xf32, #tpu.memory_space<vmem>>)
        %dma_wait3A_357 = arith.constant 2 : i32
        %dma_wait3A_358 = arith.constant 0 : i32
        %dma_wait3A_359 = tpu.memref_slice %arg17[%dma_wait3A_357, %dma_wait3A_358] : memref<3x128xi32, #tpu.memory_space<vmem>> -> memref<1x128xi32, #tpu.memory_space<vmem>>
        %dma_wait3A_360 = tpu.memref_squeeze %dma_wait3A_359 : memref<1x128xi32, #tpu.memory_space<vmem>> -> memref<128xi32, #tpu.memory_space<vmem>>
        %dma_wait3A_361 = arith.constant 0 : i32
        %dma_wait3A_362 = arith.constant 0 : i32
        %dma_wait3A_363 = tpu.memref_slice %arg32[%dma_wait3A_361, %dma_wait3A_362] : memref<365x128xf32, #tpu.memory_space<vmem_shared>> -> memref<365x128xf32, #tpu.memory_space<vmem_shared>>
        tpu.wait_indirect_dma semaphore(%arg39 : memref<!tpu.dma_semaphore, #tpu.memory_space<semaphore_mem>>) src(%dma_wait3A_363 : memref<365x128xf32, #tpu.memory_space<vmem_shared>>) dst(%arg26 : memref<128x128xf32, #tpu.memory_space<vmem>>)
        %iota3A = tpu.iota {dimensions = array<i32: 0>} : vector<16xi32>
        %mul3A_364 = arith.constant 16 : i32
        %mul3A_365 = vector.broadcast %mul3A_364 : i32 to vector<16xi32>
        %mul3A_366 = arith.muli %iota3A, %mul3A_365 : vector<16xi32>
        %get3A_367 = arith.constant 0 : index
        %get3A_368 = tpu.vector_load %arg21[%get3A_367] {strides = array<i32>} : memref<128xf32, #tpu.memory_space<vmem>>, vector<16xf32>,
        %add3A_369 = arith.constant 0 : i32
        %add3A_370 = vector.broadcast %add3A_369 : i32 to vector<16xi32>
        %add3A_371 = arith.addi %mul3A_366, %add3A_370 : vector<16xi32>
        tpu.vector_store_idx %arg30[%add3A_371], %get3A_368 : memref<2048xf32, #tpu.memory_space<vmem>>[vector<16xi32>], vector<16xf32>,
        %add3A_372 = arith.constant 1 : i32
        %add3A_373 = vector.broadcast %add3A_372 : i32 to vector<16xi32>
        %add3A_374 = arith.addi %mul3A_366, %add3A_373 : vector<16xi32>
        tpu.vector_store_idx %arg30[%add3A_374], %get3A_368 : memref<2048xf32, #tpu.memory_space<vmem>>[vector<16xi32>], vector<16xf32>,
        %add3A_375 = arith.constant 2 : i32
        %add3A_376 = vector.broadcast %add3A_375 : i32 to vector<16xi32>
        %add3A_377 = arith.addi %mul3A_366, %add3A_376 : vector<16xi32>
        tpu.vector_store_idx %arg30[%add3A_377], %get3A_368 : memref<2048xf32, #tpu.memory_space<vmem>>[vector<16xi32>], vector<16xf32>,
        %add3A_378 = arith.constant 3 : i32
        %add3A_379 = vector.broadcast %add3A_378 : i32 to vector<16xi32>
        %add3A_380 = arith.addi %mul3A_366, %add3A_379 : vector<16xi32>
        tpu.vector_store_idx %arg30[%add3A_380], %get3A_368 : memref<2048xf32, #tpu.memory_space<vmem>>[vector<16xi32>], vector<16xf32>,
        %add3A_381 = arith.constant 4 : i32
        %add3A_382 = vector.broadcast %add3A_381 : i32 to vector<16xi32>
        %add3A_383 = arith.addi %mul3A_366, %add3A_382 : vector<16xi32>
        tpu.vector_store_idx %arg30[%add3A_383], %get3A_368 : memref<2048xf32, #tpu.memory_space<vmem>>[vector<16xi32>], vector<16xf32>,
        %add3A_384 = arith.constant 5 : i32
        %add3A_385 = vector.broadcast %add3A_384 : i32 to vector<16xi32>
        %add3A_386 = arith.addi %mul3A_366, %add3A_385 : vector<16xi32>
        tpu.vector_store_idx %arg30[%add3A_386], %get3A_368 : memref<2048xf32, #tpu.memory_space<vmem>>[vector<16xi32>], vector<16xf32>,
        %add3A_387 = arith.constant 6 : i32
        %add3A_388 = vector.broadcast %add3A_387 : i32 to vector<16xi32>
        %add3A_389 = arith.addi %mul3A_366, %add3A_388 : vector<16xi32>
        tpu.vector_store_idx %arg30[%add3A_389], %get3A_368 : memref<2048xf32, #tpu.memory_space<vmem>>[vector<16xi32>], vector<16xf32>,
        %add3A_390 = arith.constant 7 : i32
        %add3A_391 = vector.broadcast %add3A_390 : i32 to vector<16xi32>
        %add3A_392 = arith.addi %mul3A_366, %add3A_391 : vector<16xi32>
        tpu.vector_store_idx %arg30[%add3A_392], %get3A_368 : memref<2048xf32, #tpu.memory_space<vmem>>[vector<16xi32>], vector<16xf32>,
        %add3A_393 = arith.constant 8 : i32
        %add3A_394 = vector.broadcast %add3A_393 : i32 to vector<16xi32>
        %add3A_395 = arith.addi %mul3A_366, %add3A_394 : vector<16xi32>
        tpu.vector_store_idx %arg30[%add3A_395], %get3A_368 : memref<2048xf32, #tpu.memory_space<vmem>>[vector<16xi32>], vector<16xf32>,
        %add3A_396 = arith.constant 9 : i32
        %add3A_397 = vector.broadcast %add3A_396 : i32 to vector<16xi32>
        %add3A_398 = arith.addi %mul3A_366, %add3A_397 : vector<16xi32>
        tpu.vector_store_idx %arg30[%add3A_398], %get3A_368 : memref<2048xf32, #tpu.memory_space<vmem>>[vector<16xi32>], vector<16xf32>,
        %add3A_399 = arith.constant 10 : i32
        %add3A_400 = vector.broadcast %add3A_399 : i32 to vector<16xi32>
        %add3A_401 = arith.addi %mul3A_366, %add3A_400 : vector<16xi32>
        tpu.vector_store_idx %arg30[%add3A_401], %get3A_368 : memref<2048xf32, #tpu.memory_space<vmem>>[vector<16xi32>], vector<16xf32>,
        %add3A_402 = arith.constant 11 : i32
        %add3A_403 = vector.broadcast %add3A_402 : i32 to vector<16xi32>
        %add3A_404 = arith.addi %mul3A_366, %add3A_403 : vector<16xi32>
        tpu.vector_store_idx %arg30[%add3A_404], %get3A_368 : memref<2048xf32, #tpu.memory_space<vmem>>[vector<16xi32>], vector<16xf32>,
        %add3A_405 = arith.constant 12 : i32
        %add3A_406 = vector.broadcast %add3A_405 : i32 to vector<16xi32>
        %add3A_407 = arith.addi %mul3A_366, %add3A_406 : vector<16xi32>
        tpu.vector_store_idx %arg30[%add3A_407], %get3A_368 : memref<2048xf32, #tpu.memory_space<vmem>>[vector<16xi32>], vector<16xf32>,
        %add3A_408 = arith.constant 13 : i32
        %add3A_409 = vector.broadcast %add3A_408 : i32 to vector<16xi32>
        %add3A_410 = arith.addi %mul3A_366, %add3A_409 : vector<16xi32>
        tpu.vector_store_idx %arg30[%add3A_410], %get3A_368 : memref<2048xf32, #tpu.memory_space<vmem>>[vector<16xi32>], vector<16xf32>,
        %add3A_411 = arith.constant 14 : i32
        %add3A_412 = vector.broadcast %add3A_411 : i32 to vector<16xi32>
        %add3A_413 = arith.addi %mul3A_366, %add3A_412 : vector<16xi32>
        tpu.vector_store_idx %arg30[%add3A_413], %get3A_368 : memref<2048xf32, #tpu.memory_space<vmem>>[vector<16xi32>], vector<16xf32>,
        %add3A_414 = arith.constant 15 : i32
        %add3A_415 = vector.broadcast %add3A_414 : i32 to vector<16xi32>
        %add3A_416 = arith.addi %mul3A_366, %add3A_415 : vector<16xi32>
        tpu.vector_store_idx %arg30[%add3A_416], %get3A_368 : memref<2048xf32, #tpu.memory_space<vmem>>[vector<16xi32>], vector<16xf32>,
        %get3A_417 = arith.constant 16 : index
        %get3A_418 = tpu.vector_load %arg21[%get3A_417] {strides = array<i32>} : memref<128xf32, #tpu.memory_space<vmem>>, vector<16xf32>,
        %add3A_419 = arith.constant 256 : i32
        %add3A_420 = vector.broadcast %add3A_419 : i32 to vector<16xi32>
        %add3A_421 = arith.addi %mul3A_366, %add3A_420 : vector<16xi32>
        tpu.vector_store_idx %arg30[%add3A_421], %get3A_418 : memref<2048xf32, #tpu.memory_space<vmem>>[vector<16xi32>], vector<16xf32>,
        %add3A_422 = arith.constant 257 : i32
        %add3A_423 = vector.broadcast %add3A_422 : i32 to vector<16xi32>
        %add3A_424 = arith.addi %mul3A_366, %add3A_423 : vector<16xi32>
        tpu.vector_store_idx %arg30[%add3A_424], %get3A_418 : memref<2048xf32, #tpu.memory_space<vmem>>[vector<16xi32>], vector<16xf32>,
        %add3A_425 = arith.constant 258 : i32
        %add3A_426 = vector.broadcast %add3A_425 : i32 to vector<16xi32>
        %add3A_427 = arith.addi %mul3A_366, %add3A_426 : vector<16xi32>
        tpu.vector_store_idx %arg30[%add3A_427], %get3A_418 : memref<2048xf32, #tpu.memory_space<vmem>>[vector<16xi32>], vector<16xf32>,
        %add3A_428 = arith.constant 259 : i32
        %add3A_429 = vector.broadcast %add3A_428 : i32 to vector<16xi32>
        %add3A_430 = arith.addi %mul3A_366, %add3A_429 : vector<16xi32>
        tpu.vector_store_idx %arg30[%add3A_430], %get3A_418 : memref<2048xf32, #tpu.memory_space<vmem>>[vector<16xi32>], vector<16xf32>,
        %add3A_431 = arith.constant 260 : i32
        %add3A_432 = vector.broadcast %add3A_431 : i32 to vector<16xi32>
        %add3A_433 = arith.addi %mul3A_366, %add3A_432 : vector<16xi32>
        tpu.vector_store_idx %arg30[%add3A_433], %get3A_418 : memref<2048xf32, #tpu.memory_space<vmem>>[vector<16xi32>], vector<16xf32>,
        %add3A_434 = arith.constant 261 : i32
        %add3A_435 = vector.broadcast %add3A_434 : i32 to vector<16xi32>
        %add3A_436 = arith.addi %mul3A_366, %add3A_435 : vector<16xi32>
        tpu.vector_store_idx %arg30[%add3A_436], %get3A_418 : memref<2048xf32, #tpu.memory_space<vmem>>[vector<16xi32>], vector<16xf32>,
        %add3A_437 = arith.constant 262 : i32
        %add3A_438 = vector.broadcast %add3A_437 : i32 to vector<16xi32>
        %add3A_439 = arith.addi %mul3A_366, %add3A_438 : vector<16xi32>
        tpu.vector_store_idx %arg30[%add3A_439], %get3A_418 : memref<2048xf32, #tpu.memory_space<vmem>>[vector<16xi32>], vector<16xf32>,
        %add3A_440 = arith.constant 263 : i32
        %add3A_441 = vector.broadcast %add3A_440 : i32 to vector<16xi32>
        %add3A_442 = arith.addi %mul3A_366, %add3A_441 : vector<16xi32>
        tpu.vector_store_idx %arg30[%add3A_442], %get3A_418 : memref<2048xf32, #tpu.memory_space<vmem>>[vector<16xi32>], vector<16xf32>,
        %add3A_443 = arith.constant 264 : i32
        %add3A_444 = vector.broadcast %add3A_443 : i32 to vector<16xi32>
        %add3A_445 = arith.addi %mul3A_366, %add3A_444 : vector<16xi32>
        tpu.vector_store_idx %arg30[%add3A_445], %get3A_418 : memref<2048xf32, #tpu.memory_space<vmem>>[vector<16xi32>], vector<16xf32>,
        %add3A_446 = arith.constant 265 : i32
        %add3A_447 = vector.broadcast %add3A_446 : i32 to vector<16xi32>
        %add3A_448 = arith.addi %mul3A_366, %add3A_447 : vector<16xi32>
        tpu.vector_store_idx %arg30[%add3A_448], %get3A_418 : memref<2048xf32, #tpu.memory_space<vmem>>[vector<16xi32>], vector<16xf32>,
        %add3A_449 = arith.constant 266 : i32
        %add3A_450 = vector.broadcast %add3A_449 : i32 to vector<16xi32>
        %add3A_451 = arith.addi %mul3A_366, %add3A_450 : vector<16xi32>
        tpu.vector_store_idx %arg30[%add3A_451], %get3A_418 : memref<2048xf32, #tpu.memory_space<vmem>>[vector<16xi32>], vector<16xf32>,
        %add3A_452 = arith.constant 267 : i32
        %add3A_453 = vector.broadcast %add3A_452 : i32 to vector<16xi32>
        %add3A_454 = arith.addi %mul3A_366, %add3A_453 : vector<16xi32>
        tpu.vector_store_idx %arg30[%add3A_454], %get3A_418 : memref<2048xf32, #tpu.memory_space<vmem>>[vector<16xi32>], vector<16xf32>,
        %add3A_455 = arith.constant 268 : i32
        %add3A_456 = vector.broadcast %add3A_455 : i32 to vector<16xi32>
        %add3A_457 = arith.addi %mul3A_366, %add3A_456 : vector<16xi32>
        tpu.vector_store_idx %arg30[%add3A_457], %get3A_418 : memref<2048xf32, #tpu.memory_space<vmem>>[vector<16xi32>], vector<16xf32>,
        %add3A_458 = arith.constant 269 : i32
        %add3A_459 = vector.broadcast %add3A_458 : i32 to vector<16xi32>
        %add3A_460 = arith.addi %mul3A_366, %add3A_459 : vector<16xi32>
        tpu.vector_store_idx %arg30[%add3A_460], %get3A_418 : memref<2048xf32, #tpu.memory_space<vmem>>[vector<16xi32>], vector<16xf32>,
        %add3A_461 = arith.constant 270 : i32
        %add3A_462 = vector.broadcast %add3A_461 : i32 to vector<16xi32>
        %add3A_463 = arith.addi %mul3A_366, %add3A_462 : vector<16xi32>
        tpu.vector_store_idx %arg30[%add3A_463], %get3A_418 : memref<2048xf32, #tpu.memory_space<vmem>>[vector<16xi32>], vector<16xf32>,
        %add3A_464 = arith.constant 271 : i32
        %add3A_465 = vector.broadcast %add3A_464 : i32 to vector<16xi32>
        %add3A_466 = arith.addi %mul3A_366, %add3A_465 : vector<16xi32>
        tpu.vector_store_idx %arg30[%add3A_466], %get3A_418 : memref<2048xf32, #tpu.memory_space<vmem>>[vector<16xi32>], vector<16xf32>,
        %get3A_467 = arith.constant 32 : index
        %get3A_468 = tpu.vector_load %arg21[%get3A_467] {strides = array<i32>} : memref<128xf32, #tpu.memory_space<vmem>>, vector<16xf32>,
        %add3A_469 = arith.constant 512 : i32
        %add3A_470 = vector.broadcast %add3A_469 : i32 to vector<16xi32>
        %add3A_471 = arith.addi %mul3A_366, %add3A_470 : vector<16xi32>
        tpu.vector_store_idx %arg30[%add3A_471], %get3A_468 : memref<2048xf32, #tpu.memory_space<vmem>>[vector<16xi32>], vector<16xf32>,
        %add3A_472 = arith.constant 513 : i32
        %add3A_473 = vector.broadcast %add3A_472 : i32 to vector<16xi32>
        %add3A_474 = arith.addi %mul3A_366, %add3A_473 : vector<16xi32>
        tpu.vector_store_idx %arg30[%add3A_474], %get3A_468 : memref<2048xf32, #tpu.memory_space<vmem>>[vector<16xi32>], vector<16xf32>,
        %add3A_475 = arith.constant 514 : i32
        %add3A_476 = vector.broadcast %add3A_475 : i32 to vector<16xi32>
        %add3A_477 = arith.addi %mul3A_366, %add3A_476 : vector<16xi32>
        tpu.vector_store_idx %arg30[%add3A_477], %get3A_468 : memref<2048xf32, #tpu.memory_space<vmem>>[vector<16xi32>], vector<16xf32>,
        %add3A_478 = arith.constant 515 : i32
        %add3A_479 = vector.broadcast %add3A_478 : i32 to vector<16xi32>
        %add3A_480 = arith.addi %mul3A_366, %add3A_479 : vector<16xi32>
        tpu.vector_store_idx %arg30[%add3A_480], %get3A_468 : memref<2048xf32, #tpu.memory_space<vmem>>[vector<16xi32>], vector<16xf32>,
        %add3A_481 = arith.constant 516 : i32
        %add3A_482 = vector.broadcast %add3A_481 : i32 to vector<16xi32>
        %add3A_483 = arith.addi %mul3A_366, %add3A_482 : vector<16xi32>
        tpu.vector_store_idx %arg30[%add3A_483], %get3A_468 : memref<2048xf32, #tpu.memory_space<vmem>>[vector<16xi32>], vector<16xf32>,
        %add3A_484 = arith.constant 517 : i32
        %add3A_485 = vector.broadcast %add3A_484 : i32 to vector<16xi32>
        %add3A_486 = arith.addi %mul3A_366, %add3A_485 : vector<16xi32>
        tpu.vector_store_idx %arg30[%add3A_486], %get3A_468 : memref<2048xf32, #tpu.memory_space<vmem>>[vector<16xi32>], vector<16xf32>,
        %add3A_487 = arith.constant 518 : i32
        %add3A_488 = vector.broadcast %add3A_487 : i32 to vector<16xi32>
        %add3A_489 = arith.addi %mul3A_366, %add3A_488 : vector<16xi32>
        tpu.vector_store_idx %arg30[%add3A_489], %get3A_468 : memref<2048xf32, #tpu.memory_space<vmem>>[vector<16xi32>], vector<16xf32>,
        %add3A_490 = arith.constant 519 : i32
        %add3A_491 = vector.broadcast %add3A_490 : i32 to vector<16xi32>
        %add3A_492 = arith.addi %mul3A_366, %add3A_491 : vector<16xi32>
        tpu.vector_store_idx %arg30[%add3A_492], %get3A_468 : memref<2048xf32, #tpu.memory_space<vmem>>[vector<16xi32>], vector<16xf32>,
        %add3A_493 = arith.constant 520 : i32
        %add3A_494 = vector.broadcast %add3A_493 : i32 to vector<16xi32>
        %add3A_495 = arith.addi %mul3A_366, %add3A_494 : vector<16xi32>
        tpu.vector_store_idx %arg30[%add3A_495], %get3A_468 : memref<2048xf32, #tpu.memory_space<vmem>>[vector<16xi32>], vector<16xf32>,
        %add3A_496 = arith.constant 521 : i32
        %add3A_497 = vector.broadcast %add3A_496 : i32 to vector<16xi32>
        %add3A_498 = arith.addi %mul3A_366, %add3A_497 : vector<16xi32>
        tpu.vector_store_idx %arg30[%add3A_498], %get3A_468 : memref<2048xf32, #tpu.memory_space<vmem>>[vector<16xi32>], vector<16xf32>,
        %add3A_499 = arith.constant 522 : i32
        %add3A_500 = vector.broadcast %add3A_499 : i32 to vector<16xi32>
        %add3A_501 = arith.addi %mul3A_366, %add3A_500 : vector<16xi32>
        tpu.vector_store_idx %arg30[%add3A_501], %get3A_468 : memref<2048xf32, #tpu.memory_space<vmem>>[vector<16xi32>], vector<16xf32>,
        %add3A_502 = arith.constant 523 : i32
        %add3A_503 = vector.broadcast %add3A_502 : i32 to vector<16xi32>
        %add3A_504 = arith.addi %mul3A_366, %add3A_503 : vector<16xi32>
        tpu.vector_store_idx %arg30[%add3A_504], %get3A_468 : memref<2048xf32, #tpu.memory_space<vmem>>[vector<16xi32>], vector<16xf32>,
        %add3A_505 = arith.constant 524 : i32
        %add3A_506 = vector.broadcast %add3A_505 : i32 to vector<16xi32>
        %add3A_507 = arith.addi %mul3A_366, %add3A_506 : vector<16xi32>
        tpu.vector_store_idx %arg30[%add3A_507], %get3A_468 : memref<2048xf32, #tpu.memory_space<vmem>>[vector<16xi32>], vector<16xf32>,
        %add3A_508 = arith.constant 525 : i32
        %add3A_509 = vector.broadcast %add3A_508 : i32 to vector<16xi32>
        %add3A_510 = arith.addi %mul3A_366, %add3A_509 : vector<16xi32>
        tpu.vector_store_idx %arg30[%add3A_510], %get3A_468 : memref<2048xf32, #tpu.memory_space<vmem>>[vector<16xi32>], vector<16xf32>,
        %add3A_511 = arith.constant 526 : i32
        %add3A_512 = vector.broadcast %add3A_511 : i32 to vector<16xi32>
        %add3A_513 = arith.addi %mul3A_366, %add3A_512 : vector<16xi32>
        tpu.vector_store_idx %arg30[%add3A_513], %get3A_468 : memref<2048xf32, #tpu.memory_space<vmem>>[vector<16xi32>], vector<16xf32>,
        %add3A_514 = arith.constant 527 : i32
        %add3A_515 = vector.broadcast %add3A_514 : i32 to vector<16xi32>
        %add3A_516 = arith.addi %mul3A_366, %add3A_515 : vector<16xi32>
        tpu.vector_store_idx %arg30[%add3A_516], %get3A_468 : memref<2048xf32, #tpu.memory_space<vmem>>[vector<16xi32>], vector<16xf32>,
        %get3A_517 = arith.constant 48 : index
        %get3A_518 = tpu.vector_load %arg21[%get3A_517] {strides = array<i32>} : memref<128xf32, #tpu.memory_space<vmem>>, vector<16xf32>,
        %add3A_519 = arith.constant 768 : i32
        %add3A_520 = vector.broadcast %add3A_519 : i32 to vector<16xi32>
        %add3A_521 = arith.addi %mul3A_366, %add3A_520 : vector<16xi32>
        tpu.vector_store_idx %arg30[%add3A_521], %get3A_518 : memref<2048xf32, #tpu.memory_space<vmem>>[vector<16xi32>], vector<16xf32>,
        %add3A_522 = arith.constant 769 : i32
        %add3A_523 = vector.broadcast %add3A_522 : i32 to vector<16xi32>
        %add3A_524 = arith.addi %mul3A_366, %add3A_523 : vector<16xi32>
        tpu.vector_store_idx %arg30[%add3A_524], %get3A_518 : memref<2048xf32, #tpu.memory_space<vmem>>[vector<16xi32>], vector<16xf32>,
        %add3A_525 = arith.constant 770 : i32
        %add3A_526 = vector.broadcast %add3A_525 : i32 to vector<16xi32>
        %add3A_527 = arith.addi %mul3A_366, %add3A_526 : vector<16xi32>
        tpu.vector_store_idx %arg30[%add3A_527], %get3A_518 : memref<2048xf32, #tpu.memory_space<vmem>>[vector<16xi32>], vector<16xf32>,
        %add3A_528 = arith.constant 771 : i32
        %add3A_529 = vector.broadcast %add3A_528 : i32 to vector<16xi32>
        %add3A_530 = arith.addi %mul3A_366, %add3A_529 : vector<16xi32>
        tpu.vector_store_idx %arg30[%add3A_530], %get3A_518 : memref<2048xf32, #tpu.memory_space<vmem>>[vector<16xi32>], vector<16xf32>,
        %add3A_531 = arith.constant 772 : i32
        %add3A_532 = vector.broadcast %add3A_531 : i32 to vector<16xi32>
        %add3A_533 = arith.addi %mul3A_366, %add3A_532 : vector<16xi32>
        tpu.vector_store_idx %arg30[%add3A_533], %get3A_518 : memref<2048xf32, #tpu.memory_space<vmem>>[vector<16xi32>], vector<16xf32>,
        %add3A_534 = arith.constant 773 : i32
        %add3A_535 = vector.broadcast %add3A_534 : i32 to vector<16xi32>
        %add3A_536 = arith.addi %mul3A_366, %add3A_535 : vector<16xi32>
        tpu.vector_store_idx %arg30[%add3A_536], %get3A_518 : memref<2048xf32, #tpu.memory_space<vmem>>[vector<16xi32>], vector<16xf32>,
        %add3A_537 = arith.constant 774 : i32
        %add3A_538 = vector.broadcast %add3A_537 : i32 to vector<16xi32>
        %add3A_539 = arith.addi %mul3A_366, %add3A_538 : vector<16xi32>
        tpu.vector_store_idx %arg30[%add3A_539], %get3A_518 : memref<2048xf32, #tpu.memory_space<vmem>>[vector<16xi32>], vector<16xf32>,
        %add3A_540 = arith.constant 775 : i32
        %add3A_541 = vector.broadcast %add3A_540 : i32 to vector<16xi32>
        %add3A_542 = arith.addi %mul3A_366, %add3A_541 : vector<16xi32>
        tpu.vector_store_idx %arg30[%add3A_542], %get3A_518 : memref<2048xf32, #tpu.memory_space<vmem>>[vector<16xi32>], vector<16xf32>,
        %add3A_543 = arith.constant 776 : i32
        %add3A_544 = vector.broadcast %add3A_543 : i32 to vector<16xi32>
        %add3A_545 = arith.addi %mul3A_366, %add3A_544 : vector<16xi32>
        tpu.vector_store_idx %arg30[%add3A_545], %get3A_518 : memref<2048xf32, #tpu.memory_space<vmem>>[vector<16xi32>], vector<16xf32>,
        %add3A_546 = arith.constant 777 : i32
        %add3A_547 = vector.broadcast %add3A_546 : i32 to vector<16xi32>
        %add3A_548 = arith.addi %mul3A_366, %add3A_547 : vector<16xi32>
        tpu.vector_store_idx %arg30[%add3A_548], %get3A_518 : memref<2048xf32, #tpu.memory_space<vmem>>[vector<16xi32>], vector<16xf32>,
        %add3A_549 = arith.constant 778 : i32
        %add3A_550 = vector.broadcast %add3A_549 : i32 to vector<16xi32>
        %add3A_551 = arith.addi %mul3A_366, %add3A_550 : vector<16xi32>
        tpu.vector_store_idx %arg30[%add3A_551], %get3A_518 : memref<2048xf32, #tpu.memory_space<vmem>>[vector<16xi32>], vector<16xf32>,
        %add3A_552 = arith.constant 779 : i32
        %add3A_553 = vector.broadcast %add3A_552 : i32 to vector<16xi32>
        %add3A_554 = arith.addi %mul3A_366, %add3A_553 : vector<16xi32>
        tpu.vector_store_idx %arg30[%add3A_554], %get3A_518 : memref<2048xf32, #tpu.memory_space<vmem>>[vector<16xi32>], vector<16xf32>,
        %add3A_555 = arith.constant 780 : i32
        %add3A_556 = vector.broadcast %add3A_555 : i32 to vector<16xi32>
        %add3A_557 = arith.addi %mul3A_366, %add3A_556 : vector<16xi32>
        tpu.vector_store_idx %arg30[%add3A_557], %get3A_518 : memref<2048xf32, #tpu.memory_space<vmem>>[vector<16xi32>], vector<16xf32>,
        %add3A_558 = arith.constant 781 : i32
        %add3A_559 = vector.broadcast %add3A_558 : i32 to vector<16xi32>
        %add3A_560 = arith.addi %mul3A_366, %add3A_559 : vector<16xi32>
        tpu.vector_store_idx %arg30[%add3A_560], %get3A_518 : memref<2048xf32, #tpu.memory_space<vmem>>[vector<16xi32>], vector<16xf32>,
        %add3A_561 = arith.constant 782 : i32
        %add3A_562 = vector.broadcast %add3A_561 : i32 to vector<16xi32>
        %add3A_563 = arith.addi %mul3A_366, %add3A_562 : vector<16xi32>
        tpu.vector_store_idx %arg30[%add3A_563], %get3A_518 : memref<2048xf32, #tpu.memory_space<vmem>>[vector<16xi32>], vector<16xf32>,
        %add3A_564 = arith.constant 783 : i32
        %add3A_565 = vector.broadcast %add3A_564 : i32 to vector<16xi32>
        %add3A_566 = arith.addi %mul3A_366, %add3A_565 : vector<16xi32>
        tpu.vector_store_idx %arg30[%add3A_566], %get3A_518 : memref<2048xf32, #tpu.memory_space<vmem>>[vector<16xi32>], vector<16xf32>,
        %get3A_567 = arith.constant 64 : index
        %get3A_568 = tpu.vector_load %arg21[%get3A_567] {strides = array<i32>} : memref<128xf32, #tpu.memory_space<vmem>>, vector<16xf32>,
        %add3A_569 = arith.constant 1024 : i32
        %add3A_570 = vector.broadcast %add3A_569 : i32 to vector<16xi32>
        %add3A_571 = arith.addi %mul3A_366, %add3A_570 : vector<16xi32>
        tpu.vector_store_idx %arg30[%add3A_571], %get3A_568 : memref<2048xf32, #tpu.memory_space<vmem>>[vector<16xi32>], vector<16xf32>,
        %add3A_572 = arith.constant 1025 : i32
        %add3A_573 = vector.broadcast %add3A_572 : i32 to vector<16xi32>
        %add3A_574 = arith.addi %mul3A_366, %add3A_573 : vector<16xi32>
        tpu.vector_store_idx %arg30[%add3A_574], %get3A_568 : memref<2048xf32, #tpu.memory_space<vmem>>[vector<16xi32>], vector<16xf32>,
        %add3A_575 = arith.constant 1026 : i32
        %add3A_576 = vector.broadcast %add3A_575 : i32 to vector<16xi32>
        %add3A_577 = arith.addi %mul3A_366, %add3A_576 : vector<16xi32>
        tpu.vector_store_idx %arg30[%add3A_577], %get3A_568 : memref<2048xf32, #tpu.memory_space<vmem>>[vector<16xi32>], vector<16xf32>,
        %add3A_578 = arith.constant 1027 : i32
        %add3A_579 = vector.broadcast %add3A_578 : i32 to vector<16xi32>
        %add3A_580 = arith.addi %mul3A_366, %add3A_579 : vector<16xi32>
        tpu.vector_store_idx %arg30[%add3A_580], %get3A_568 : memref<2048xf32, #tpu.memory_space<vmem>>[vector<16xi32>], vector<16xf32>,
        %add3A_581 = arith.constant 1028 : i32
        %add3A_582 = vector.broadcast %add3A_581 : i32 to vector<16xi32>
        %add3A_583 = arith.addi %mul3A_366, %add3A_582 : vector<16xi32>
        tpu.vector_store_idx %arg30[%add3A_583], %get3A_568 : memref<2048xf32, #tpu.memory_space<vmem>>[vector<16xi32>], vector<16xf32>,
        %add3A_584 = arith.constant 1029 : i32
        %add3A_585 = vector.broadcast %add3A_584 : i32 to vector<16xi32>
        %add3A_586 = arith.addi %mul3A_366, %add3A_585 : vector<16xi32>
        tpu.vector_store_idx %arg30[%add3A_586], %get3A_568 : memref<2048xf32, #tpu.memory_space<vmem>>[vector<16xi32>], vector<16xf32>,
        %add3A_587 = arith.constant 1030 : i32
        %add3A_588 = vector.broadcast %add3A_587 : i32 to vector<16xi32>
        %add3A_589 = arith.addi %mul3A_366, %add3A_588 : vector<16xi32>
        tpu.vector_store_idx %arg30[%add3A_589], %get3A_568 : memref<2048xf32, #tpu.memory_space<vmem>>[vector<16xi32>], vector<16xf32>,
        %add3A_590 = arith.constant 1031 : i32
        %add3A_591 = vector.broadcast %add3A_590 : i32 to vector<16xi32>
        %add3A_592 = arith.addi %mul3A_366, %add3A_591 : vector<16xi32>
        tpu.vector_store_idx %arg30[%add3A_592], %get3A_568 : memref<2048xf32, #tpu.memory_space<vmem>>[vector<16xi32>], vector<16xf32>,
        %add3A_593 = arith.constant 1032 : i32
        %add3A_594 = vector.broadcast %add3A_593 : i32 to vector<16xi32>
        %add3A_595 = arith.addi %mul3A_366, %add3A_594 : vector<16xi32>
        tpu.vector_store_idx %arg30[%add3A_595], %get3A_568 : memref<2048xf32, #tpu.memory_space<vmem>>[vector<16xi32>], vector<16xf32>,
        %add3A_596 = arith.constant 1033 : i32
        %add3A_597 = vector.broadcast %add3A_596 : i32 to vector<16xi32>
        %add3A_598 = arith.addi %mul3A_366, %add3A_597 : vector<16xi32>
        tpu.vector_store_idx %arg30[%add3A_598], %get3A_568 : memref<2048xf32, #tpu.memory_space<vmem>>[vector<16xi32>], vector<16xf32>,
        %add3A_599 = arith.constant 1034 : i32
        %add3A_600 = vector.broadcast %add3A_599 : i32 to vector<16xi32>
        %add3A_601 = arith.addi %mul3A_366, %add3A_600 : vector<16xi32>
        tpu.vector_store_idx %arg30[%add3A_601], %get3A_568 : memref<2048xf32, #tpu.memory_space<vmem>>[vector<16xi32>], vector<16xf32>,
        %add3A_602 = arith.constant 1035 : i32
        %add3A_603 = vector.broadcast %add3A_602 : i32 to vector<16xi32>
        %add3A_604 = arith.addi %mul3A_366, %add3A_603 : vector<16xi32>
        tpu.vector_store_idx %arg30[%add3A_604], %get3A_568 : memref<2048xf32, #tpu.memory_space<vmem>>[vector<16xi32>], vector<16xf32>,
        %add3A_605 = arith.constant 1036 : i32
        %add3A_606 = vector.broadcast %add3A_605 : i32 to vector<16xi32>
        %add3A_607 = arith.addi %mul3A_366, %add3A_606 : vector<16xi32>
        tpu.vector_store_idx %arg30[%add3A_607], %get3A_568 : memref<2048xf32, #tpu.memory_space<vmem>>[vector<16xi32>], vector<16xf32>,
        %add3A_608 = arith.constant 1037 : i32
        %add3A_609 = vector.broadcast %add3A_608 : i32 to vector<16xi32>
        %add3A_610 = arith.addi %mul3A_366, %add3A_609 : vector<16xi32>
        tpu.vector_store_idx %arg30[%add3A_610], %get3A_568 : memref<2048xf32, #tpu.memory_space<vmem>>[vector<16xi32>], vector<16xf32>,
        %add3A_611 = arith.constant 1038 : i32
        %add3A_612 = vector.broadcast %add3A_611 : i32 to vector<16xi32>
        %add3A_613 = arith.addi %mul3A_366, %add3A_612 : vector<16xi32>
        tpu.vector_store_idx %arg30[%add3A_613], %get3A_568 : memref<2048xf32, #tpu.memory_space<vmem>>[vector<16xi32>], vector<16xf32>,
        %add3A_614 = arith.constant 1039 : i32
        %add3A_615 = vector.broadcast %add3A_614 : i32 to vector<16xi32>
        %add3A_616 = arith.addi %mul3A_366, %add3A_615 : vector<16xi32>
        tpu.vector_store_idx %arg30[%add3A_616], %get3A_568 : memref<2048xf32, #tpu.memory_space<vmem>>[vector<16xi32>], vector<16xf32>,
        %get3A_617 = arith.constant 80 : index
        %get3A_618 = tpu.vector_load %arg21[%get3A_617] {strides = array<i32>} : memref<128xf32, #tpu.memory_space<vmem>>, vector<16xf32>,
        %add3A_619 = arith.constant 1280 : i32
        %add3A_620 = vector.broadcast %add3A_619 : i32 to vector<16xi32>
        %add3A_621 = arith.addi %mul3A_366, %add3A_620 : vector<16xi32>
        tpu.vector_store_idx %arg30[%add3A_621], %get3A_618 : memref<2048xf32, #tpu.memory_space<vmem>>[vector<16xi32>], vector<16xf32>,
        %add3A_622 = arith.constant 1281 : i32
        %add3A_623 = vector.broadcast %add3A_622 : i32 to vector<16xi32>
        %add3A_624 = arith.addi %mul3A_366, %add3A_623 : vector<16xi32>
        tpu.vector_store_idx %arg30[%add3A_624], %get3A_618 : memref<2048xf32, #tpu.memory_space<vmem>>[vector<16xi32>], vector<16xf32>,
        %add3A_625 = arith.constant 1282 : i32
        %add3A_626 = vector.broadcast %add3A_625 : i32 to vector<16xi32>
        %add3A_627 = arith.addi %mul3A_366, %add3A_626 : vector<16xi32>
        tpu.vector_store_idx %arg30[%add3A_627], %get3A_618 : memref<2048xf32, #tpu.memory_space<vmem>>[vector<16xi32>], vector<16xf32>,
        %add3A_628 = arith.constant 1283 : i32
        %add3A_629 = vector.broadcast %add3A_628 : i32 to vector<16xi32>
        %add3A_630 = arith.addi %mul3A_366, %add3A_629 : vector<16xi32>
        tpu.vector_store_idx %arg30[%add3A_630], %get3A_618 : memref<2048xf32, #tpu.memory_space<vmem>>[vector<16xi32>], vector<16xf32>,
        %add3A_631 = arith.constant 1284 : i32
        %add3A_632 = vector.broadcast %add3A_631 : i32 to vector<16xi32>
        %add3A_633 = arith.addi %mul3A_366, %add3A_632 : vector<16xi32>
        tpu.vector_store_idx %arg30[%add3A_633], %get3A_618 : memref<2048xf32, #tpu.memory_space<vmem>>[vector<16xi32>], vector<16xf32>,
        %add3A_634 = arith.constant 1285 : i32
        %add3A_635 = vector.broadcast %add3A_634 : i32 to vector<16xi32>
        %add3A_636 = arith.addi %mul3A_366, %add3A_635 : vector<16xi32>
        tpu.vector_store_idx %arg30[%add3A_636], %get3A_618 : memref<2048xf32, #tpu.memory_space<vmem>>[vector<16xi32>], vector<16xf32>,
        %add3A_637 = arith.constant 1286 : i32
        %add3A_638 = vector.broadcast %add3A_637 : i32 to vector<16xi32>
        %add3A_639 = arith.addi %mul3A_366, %add3A_638 : vector<16xi32>
        tpu.vector_store_idx %arg30[%add3A_639], %get3A_618 : memref<2048xf32, #tpu.memory_space<vmem>>[vector<16xi32>], vector<16xf32>,
        %add3A_640 = arith.constant 1287 : i32
        %add3A_641 = vector.broadcast %add3A_640 : i32 to vector<16xi32>
        %add3A_642 = arith.addi %mul3A_366, %add3A_641 : vector<16xi32>
        tpu.vector_store_idx %arg30[%add3A_642], %get3A_618 : memref<2048xf32, #tpu.memory_space<vmem>>[vector<16xi32>], vector<16xf32>,
        %add3A_643 = arith.constant 1288 : i32
        %add3A_644 = vector.broadcast %add3A_643 : i32 to vector<16xi32>
        %add3A_645 = arith.addi %mul3A_366, %add3A_644 : vector<16xi32>
        tpu.vector_store_idx %arg30[%add3A_645], %get3A_618 : memref<2048xf32, #tpu.memory_space<vmem>>[vector<16xi32>], vector<16xf32>,
        %add3A_646 = arith.constant 1289 : i32
        %add3A_647 = vector.broadcast %add3A_646 : i32 to vector<16xi32>
        %add3A_648 = arith.addi %mul3A_366, %add3A_647 : vector<16xi32>
        tpu.vector_store_idx %arg30[%add3A_648], %get3A_618 : memref<2048xf32, #tpu.memory_space<vmem>>[vector<16xi32>], vector<16xf32>,
        %add3A_649 = arith.constant 1290 : i32
        %add3A_650 = vector.broadcast %add3A_649 : i32 to vector<16xi32>
        %add3A_651 = arith.addi %mul3A_366, %add3A_650 : vector<16xi32>
        tpu.vector_store_idx %arg30[%add3A_651], %get3A_618 : memref<2048xf32, #tpu.memory_space<vmem>>[vector<16xi32>], vector<16xf32>,
        %add3A_652 = arith.constant 1291 : i32
        %add3A_653 = vector.broadcast %add3A_652 : i32 to vector<16xi32>
        %add3A_654 = arith.addi %mul3A_366, %add3A_653 : vector<16xi32>
        tpu.vector_store_idx %arg30[%add3A_654], %get3A_618 : memref<2048xf32, #tpu.memory_space<vmem>>[vector<16xi32>], vector<16xf32>,
        %add3A_655 = arith.constant 1292 : i32
        %add3A_656 = vector.broadcast %add3A_655 : i32 to vector<16xi32>
        %add3A_657 = arith.addi %mul3A_366, %add3A_656 : vector<16xi32>
        tpu.vector_store_idx %arg30[%add3A_657], %get3A_618 : memref<2048xf32, #tpu.memory_space<vmem>>[vector<16xi32>], vector<16xf32>,
        %add3A_658 = arith.constant 1293 : i32
        %add3A_659 = vector.broadcast %add3A_658 : i32 to vector<16xi32>
        %add3A_660 = arith.addi %mul3A_366, %add3A_659 : vector<16xi32>
        tpu.vector_store_idx %arg30[%add3A_660], %get3A_618 : memref<2048xf32, #tpu.memory_space<vmem>>[vector<16xi32>], vector<16xf32>,
        %add3A_661 = arith.constant 1294 : i32
        %add3A_662 = vector.broadcast %add3A_661 : i32 to vector<16xi32>
        %add3A_663 = arith.addi %mul3A_366, %add3A_662 : vector<16xi32>
        tpu.vector_store_idx %arg30[%add3A_663], %get3A_618 : memref<2048xf32, #tpu.memory_space<vmem>>[vector<16xi32>], vector<16xf32>,
        %add3A_664 = arith.constant 1295 : i32
        %add3A_665 = vector.broadcast %add3A_664 : i32 to vector<16xi32>
        %add3A_666 = arith.addi %mul3A_366, %add3A_665 : vector<16xi32>
        tpu.vector_store_idx %arg30[%add3A_666], %get3A_618 : memref<2048xf32, #tpu.memory_space<vmem>>[vector<16xi32>], vector<16xf32>,
        %get3A_667 = arith.constant 96 : index
        %get3A_668 = tpu.vector_load %arg21[%get3A_667] {strides = array<i32>} : memref<128xf32, #tpu.memory_space<vmem>>, vector<16xf32>,
        %add3A_669 = arith.constant 1536 : i32
        %add3A_670 = vector.broadcast %add3A_669 : i32 to vector<16xi32>
        %add3A_671 = arith.addi %mul3A_366, %add3A_670 : vector<16xi32>
        tpu.vector_store_idx %arg30[%add3A_671], %get3A_668 : memref<2048xf32, #tpu.memory_space<vmem>>[vector<16xi32>], vector<16xf32>,
        %add3A_672 = arith.constant 1537 : i32
        %add3A_673 = vector.broadcast %add3A_672 : i32 to vector<16xi32>
        %add3A_674 = arith.addi %mul3A_366, %add3A_673 : vector<16xi32>
        tpu.vector_store_idx %arg30[%add3A_674], %get3A_668 : memref<2048xf32, #tpu.memory_space<vmem>>[vector<16xi32>], vector<16xf32>,
        %add3A_675 = arith.constant 1538 : i32
        %add3A_676 = vector.broadcast %add3A_675 : i32 to vector<16xi32>
        %add3A_677 = arith.addi %mul3A_366, %add3A_676 : vector<16xi32>
        tpu.vector_store_idx %arg30[%add3A_677], %get3A_668 : memref<2048xf32, #tpu.memory_space<vmem>>[vector<16xi32>], vector<16xf32>,
        %add3A_678 = arith.constant 1539 : i32
        %add3A_679 = vector.broadcast %add3A_678 : i32 to vector<16xi32>
        %add3A_680 = arith.addi %mul3A_366, %add3A_679 : vector<16xi32>
        tpu.vector_store_idx %arg30[%add3A_680], %get3A_668 : memref<2048xf32, #tpu.memory_space<vmem>>[vector<16xi32>], vector<16xf32>,
        %add3A_681 = arith.constant 1540 : i32
        %add3A_682 = vector.broadcast %add3A_681 : i32 to vector<16xi32>
        %add3A_683 = arith.addi %mul3A_366, %add3A_682 : vector<16xi32>
        tpu.vector_store_idx %arg30[%add3A_683], %get3A_668 : memref<2048xf32, #tpu.memory_space<vmem>>[vector<16xi32>], vector<16xf32>,
        %add3A_684 = arith.constant 1541 : i32
        %add3A_685 = vector.broadcast %add3A_684 : i32 to vector<16xi32>
        %add3A_686 = arith.addi %mul3A_366, %add3A_685 : vector<16xi32>
        tpu.vector_store_idx %arg30[%add3A_686], %get3A_668 : memref<2048xf32, #tpu.memory_space<vmem>>[vector<16xi32>], vector<16xf32>,
        %add3A_687 = arith.constant 1542 : i32
        %add3A_688 = vector.broadcast %add3A_687 : i32 to vector<16xi32>
        %add3A_689 = arith.addi %mul3A_366, %add3A_688 : vector<16xi32>
        tpu.vector_store_idx %arg30[%add3A_689], %get3A_668 : memref<2048xf32, #tpu.memory_space<vmem>>[vector<16xi32>], vector<16xf32>,
        %add3A_690 = arith.constant 1543 : i32
        %add3A_691 = vector.broadcast %add3A_690 : i32 to vector<16xi32>
        %add3A_692 = arith.addi %mul3A_366, %add3A_691 : vector<16xi32>
        tpu.vector_store_idx %arg30[%add3A_692], %get3A_668 : memref<2048xf32, #tpu.memory_space<vmem>>[vector<16xi32>], vector<16xf32>,
        %add3A_693 = arith.constant 1544 : i32
        %add3A_694 = vector.broadcast %add3A_693 : i32 to vector<16xi32>
        %add3A_695 = arith.addi %mul3A_366, %add3A_694 : vector<16xi32>
        tpu.vector_store_idx %arg30[%add3A_695], %get3A_668 : memref<2048xf32, #tpu.memory_space<vmem>>[vector<16xi32>], vector<16xf32>,
        %add3A_696 = arith.constant 1545 : i32
        %add3A_697 = vector.broadcast %add3A_696 : i32 to vector<16xi32>
        %add3A_698 = arith.addi %mul3A_366, %add3A_697 : vector<16xi32>
        tpu.vector_store_idx %arg30[%add3A_698], %get3A_668 : memref<2048xf32, #tpu.memory_space<vmem>>[vector<16xi32>], vector<16xf32>,
        %add3A_699 = arith.constant 1546 : i32
        %add3A_700 = vector.broadcast %add3A_699 : i32 to vector<16xi32>
        %add3A_701 = arith.addi %mul3A_366, %add3A_700 : vector<16xi32>
        tpu.vector_store_idx %arg30[%add3A_701], %get3A_668 : memref<2048xf32, #tpu.memory_space<vmem>>[vector<16xi32>], vector<16xf32>,
        %add3A_702 = arith.constant 1547 : i32
        %add3A_703 = vector.broadcast %add3A_702 : i32 to vector<16xi32>
        %add3A_704 = arith.addi %mul3A_366, %add3A_703 : vector<16xi32>
        tpu.vector_store_idx %arg30[%add3A_704], %get3A_668 : memref<2048xf32, #tpu.memory_space<vmem>>[vector<16xi32>], vector<16xf32>,
        %add3A_705 = arith.constant 1548 : i32
        %add3A_706 = vector.broadcast %add3A_705 : i32 to vector<16xi32>
        %add3A_707 = arith.addi %mul3A_366, %add3A_706 : vector<16xi32>
        tpu.vector_store_idx %arg30[%add3A_707], %get3A_668 : memref<2048xf32, #tpu.memory_space<vmem>>[vector<16xi32>], vector<16xf32>,
        %add3A_708 = arith.constant 1549 : i32
        %add3A_709 = vector.broadcast %add3A_708 : i32 to vector<16xi32>
        %add3A_710 = arith.addi %mul3A_366, %add3A_709 : vector<16xi32>
        tpu.vector_store_idx %arg30[%add3A_710], %get3A_668 : memref<2048xf32, #tpu.memory_space<vmem>>[vector<16xi32>], vector<16xf32>,
        %add3A_711 = arith.constant 1550 : i32
        %add3A_712 = vector.broadcast %add3A_711 : i32 to vector<16xi32>
        %add3A_713 = arith.addi %mul3A_366, %add3A_712 : vector<16xi32>
        tpu.vector_store_idx %arg30[%add3A_713], %get3A_668 : memref<2048xf32, #tpu.memory_space<vmem>>[vector<16xi32>], vector<16xf32>,
        %add3A_714 = arith.constant 1551 : i32
        %add3A_715 = vector.broadcast %add3A_714 : i32 to vector<16xi32>
        %add3A_716 = arith.addi %mul3A_366, %add3A_715 : vector<16xi32>
        tpu.vector_store_idx %arg30[%add3A_716], %get3A_668 : memref<2048xf32, #tpu.memory_space<vmem>>[vector<16xi32>], vector<16xf32>,
        %get3A_717 = arith.constant 112 : index
        %get3A_718 = tpu.vector_load %arg21[%get3A_717] {strides = array<i32>} : memref<128xf32, #tpu.memory_space<vmem>>, vector<16xf32>,
        %add3A_719 = arith.constant 1792 : i32
        %add3A_720 = vector.broadcast %add3A_719 : i32 to vector<16xi32>
        %add3A_721 = arith.addi %mul3A_366, %add3A_720 : vector<16xi32>
        tpu.vector_store_idx %arg30[%add3A_721], %get3A_718 : memref<2048xf32, #tpu.memory_space<vmem>>[vector<16xi32>], vector<16xf32>,
        %add3A_722 = arith.constant 1793 : i32
        %add3A_723 = vector.broadcast %add3A_722 : i32 to vector<16xi32>
        %add3A_724 = arith.addi %mul3A_366, %add3A_723 : vector<16xi32>
        tpu.vector_store_idx %arg30[%add3A_724], %get3A_718 : memref<2048xf32, #tpu.memory_space<vmem>>[vector<16xi32>], vector<16xf32>,
        %add3A_725 = arith.constant 1794 : i32
        %add3A_726 = vector.broadcast %add3A_725 : i32 to vector<16xi32>
        %add3A_727 = arith.addi %mul3A_366, %add3A_726 : vector<16xi32>
        tpu.vector_store_idx %arg30[%add3A_727], %get3A_718 : memref<2048xf32, #tpu.memory_space<vmem>>[vector<16xi32>], vector<16xf32>,
        %add3A_728 = arith.constant 1795 : i32
        %add3A_729 = vector.broadcast %add3A_728 : i32 to vector<16xi32>
        %add3A_730 = arith.addi %mul3A_366, %add3A_729 : vector<16xi32>
        tpu.vector_store_idx %arg30[%add3A_730], %get3A_718 : memref<2048xf32, #tpu.memory_space<vmem>>[vector<16xi32>], vector<16xf32>,
        %add3A_731 = arith.constant 1796 : i32
        %add3A_732 = vector.broadcast %add3A_731 : i32 to vector<16xi32>
        %add3A_733 = arith.addi %mul3A_366, %add3A_732 : vector<16xi32>
        tpu.vector_store_idx %arg30[%add3A_733], %get3A_718 : memref<2048xf32, #tpu.memory_space<vmem>>[vector<16xi32>], vector<16xf32>,
        %add3A_734 = arith.constant 1797 : i32
        %add3A_735 = vector.broadcast %add3A_734 : i32 to vector<16xi32>
        %add3A_736 = arith.addi %mul3A_366, %add3A_735 : vector<16xi32>
        tpu.vector_store_idx %arg30[%add3A_736], %get3A_718 : memref<2048xf32, #tpu.memory_space<vmem>>[vector<16xi32>], vector<16xf32>,
        %add3A_737 = arith.constant 1798 : i32
        %add3A_738 = vector.broadcast %add3A_737 : i32 to vector<16xi32>
        %add3A_739 = arith.addi %mul3A_366, %add3A_738 : vector<16xi32>
        tpu.vector_store_idx %arg30[%add3A_739], %get3A_718 : memref<2048xf32, #tpu.memory_space<vmem>>[vector<16xi32>], vector<16xf32>,
        %add3A_740 = arith.constant 1799 : i32
        %add3A_741 = vector.broadcast %add3A_740 : i32 to vector<16xi32>
        %add3A_742 = arith.addi %mul3A_366, %add3A_741 : vector<16xi32>
        tpu.vector_store_idx %arg30[%add3A_742], %get3A_718 : memref<2048xf32, #tpu.memory_space<vmem>>[vector<16xi32>], vector<16xf32>,
        %add3A_743 = arith.constant 1800 : i32
        %add3A_744 = vector.broadcast %add3A_743 : i32 to vector<16xi32>
        %add3A_745 = arith.addi %mul3A_366, %add3A_744 : vector<16xi32>
        tpu.vector_store_idx %arg30[%add3A_745], %get3A_718 : memref<2048xf32, #tpu.memory_space<vmem>>[vector<16xi32>], vector<16xf32>,
        %add3A_746 = arith.constant 1801 : i32
        %add3A_747 = vector.broadcast %add3A_746 : i32 to vector<16xi32>
        %add3A_748 = arith.addi %mul3A_366, %add3A_747 : vector<16xi32>
        tpu.vector_store_idx %arg30[%add3A_748], %get3A_718 : memref<2048xf32, #tpu.memory_space<vmem>>[vector<16xi32>], vector<16xf32>,
        %add3A_749 = arith.constant 1802 : i32
        %add3A_750 = vector.broadcast %add3A_749 : i32 to vector<16xi32>
        %add3A_751 = arith.addi %mul3A_366, %add3A_750 : vector<16xi32>
        tpu.vector_store_idx %arg30[%add3A_751], %get3A_718 : memref<2048xf32, #tpu.memory_space<vmem>>[vector<16xi32>], vector<16xf32>,
        %add3A_752 = arith.constant 1803 : i32
        %add3A_753 = vector.broadcast %add3A_752 : i32 to vector<16xi32>
        %add3A_754 = arith.addi %mul3A_366, %add3A_753 : vector<16xi32>
        tpu.vector_store_idx %arg30[%add3A_754], %get3A_718 : memref<2048xf32, #tpu.memory_space<vmem>>[vector<16xi32>], vector<16xf32>,
        %add3A_755 = arith.constant 1804 : i32
        %add3A_756 = vector.broadcast %add3A_755 : i32 to vector<16xi32>
        %add3A_757 = arith.addi %mul3A_366, %add3A_756 : vector<16xi32>
        tpu.vector_store_idx %arg30[%add3A_757], %get3A_718 : memref<2048xf32, #tpu.memory_space<vmem>>[vector<16xi32>], vector<16xf32>,
        %add3A_758 = arith.constant 1805 : i32
        %add3A_759 = vector.broadcast %add3A_758 : i32 to vector<16xi32>
        %add3A_760 = arith.addi %mul3A_366, %add3A_759 : vector<16xi32>
        tpu.vector_store_idx %arg30[%add3A_760], %get3A_718 : memref<2048xf32, #tpu.memory_space<vmem>>[vector<16xi32>], vector<16xf32>,
        %add3A_761 = arith.constant 1806 : i32
        %add3A_762 = vector.broadcast %add3A_761 : i32 to vector<16xi32>
        %add3A_763 = arith.addi %mul3A_366, %add3A_762 : vector<16xi32>
        tpu.vector_store_idx %arg30[%add3A_763], %get3A_718 : memref<2048xf32, #tpu.memory_space<vmem>>[vector<16xi32>], vector<16xf32>,
        %add3A_764 = arith.constant 1807 : i32
        %add3A_765 = vector.broadcast %add3A_764 : i32 to vector<16xi32>
        %add3A_766 = arith.addi %mul3A_366, %add3A_765 : vector<16xi32>
        tpu.vector_store_idx %arg30[%add3A_766], %get3A_718 : memref<2048xf32, #tpu.memory_space<vmem>>[vector<16xi32>], vector<16xf32>,
        %scan3A_767 = arith.constant 0 : i32
        %scan3A_768 = arith.constant 128 : i32
        %scan3A_769 = arith.addi %scan3A_767, %scan3A_768 : i32
        %scan3A_770 = arith.constant 1 : i32
        scf.for %scan3A_776 = %scan3A_767 to %scan3A_769 step %scan3A_770  : i32 {
          %mul3A_777 = arith.constant 1 : i32
          %mul3A_778 = arith.muli %scan3A_776, %mul3A_777 : i32
          %add3A_779 = arith.constant 0 : i32
          %add3A_780 = arith.addi %add3A_779, %mul3A_778 : i32
          %mul3A_781 = arith.constant 16 : i32
          %mul3A_782 = arith.muli %add3A_780, %mul3A_781 : i32
          %get3A_783 = arith.index_cast %mul3A_782 : i32 to index
          %get3A_784 = tpu.vector_load %arg30[%get3A_783] {strides = array<i32>} : memref<2048xf32, #tpu.memory_space<vmem>>, vector<16xf32>,
          %get3A_785 = arith.index_cast %add3A_780 : i32 to index
          %get3A_786 = arith.constant 0 : index
          %get3A_787 = tpu.vector_load %arg26[%get3A_785, %get3A_786] {strides = array<i32>} : memref<128x128xf32, #tpu.memory_space<vmem>>, vector<16xf32>,
          %get3A_788 = arith.index_cast %add3A_780 : i32 to index
          %get3A_789 = arith.constant 0 : index
          %get3A_790 = tpu.vector_load %arg23[%get3A_788, %get3A_789] {strides = array<i32>} : memref<128x128xf32, #tpu.memory_space<vmem>>, vector<16xf32>,
          %add3A_791 = arith.addf %get3A_790, %get3A_787 : vector<16xf32>
          %get3A_792 = arith.index_cast %add3A_780 : i32 to index
          %get3A_793 = arith.constant 0 : index
          %get3A_794 = tpu.vector_load %arg25[%get3A_792, %get3A_793] {strides = array<i32>} : memref<128x128xf32, #tpu.memory_space<vmem>>, vector<16xf32>,
          %add3A_795 = arith.addf %get3A_794, %get3A_787 : vector<16xf32>
          %mul3A_796 = arith.mulf %add3A_791, %add3A_795 : vector<16xf32>
          %mul3A_797 = arith.mulf %mul3A_796, %get3A_784 : vector<16xf32>
          %swap3A_798 = arith.index_cast %add3A_780 : i32 to index
          %swap3A_799 = arith.constant 0 : index
          %swap3A_800 = tpu.vector_load %arg27[%swap3A_798, %swap3A_799] {strides = array<i32>} : memref<128x128xf32, #tpu.memory_space<vmem>>, vector<16xf32>,
          tpu.vector_store %arg27[%swap3A_798, %swap3A_799], %mul3A_797 {strides = array<i32>} : memref<128x128xf32, #tpu.memory_space<vmem>>, vector<16xf32>,
          %get3A_801 = arith.index_cast %add3A_780 : i32 to index
          %get3A_802 = arith.constant 16 : index
          %get3A_803 = tpu.vector_load %arg26[%get3A_801, %get3A_802] {strides = array<i32>} : memref<128x128xf32, #tpu.memory_space<vmem>>, vector<16xf32>,
          %get3A_804 = arith.index_cast %add3A_780 : i32 to index
          %get3A_805 = arith.constant 16 : index
          %get3A_806 = tpu.vector_load %arg23[%get3A_804, %get3A_805] {strides = array<i32>} : memref<128x128xf32, #tpu.memory_space<vmem>>, vector<16xf32>,
          %add3A_807 = arith.addf %get3A_806, %get3A_803 : vector<16xf32>
          %get3A_808 = arith.index_cast %add3A_780 : i32 to index
          %get3A_809 = arith.constant 16 : index
          %get3A_810 = tpu.vector_load %arg25[%get3A_808, %get3A_809] {strides = array<i32>} : memref<128x128xf32, #tpu.memory_space<vmem>>, vector<16xf32>,
          %add3A_811 = arith.addf %get3A_810, %get3A_803 : vector<16xf32>
          %mul3A_812 = arith.mulf %add3A_807, %add3A_811 : vector<16xf32>
          %mul3A_813 = arith.mulf %mul3A_812, %get3A_784 : vector<16xf32>
          %swap3A_814 = arith.index_cast %add3A_780 : i32 to index
          %swap3A_815 = arith.constant 16 : index
          %swap3A_816 = tpu.vector_load %arg27[%swap3A_814, %swap3A_815] {strides = array<i32>} : memref<128x128xf32, #tpu.memory_space<vmem>>, vector<16xf32>,
          tpu.vector_store %arg27[%swap3A_814, %swap3A_815], %mul3A_813 {strides = array<i32>} : memref<128x128xf32, #tpu.memory_space<vmem>>, vector<16xf32>,
          %get3A_817 = arith.index_cast %add3A_780 : i32 to index
          %get3A_818 = arith.constant 32 : index
          %get3A_819 = tpu.vector_load %arg26[%get3A_817, %get3A_818] {strides = array<i32>} : memref<128x128xf32, #tpu.memory_space<vmem>>, vector<16xf32>,
          %get3A_820 = arith.index_cast %add3A_780 : i32 to index
          %get3A_821 = arith.constant 32 : index
          %get3A_822 = tpu.vector_load %arg23[%get3A_820, %get3A_821] {strides = array<i32>} : memref<128x128xf32, #tpu.memory_space<vmem>>, vector<16xf32>,
          %add3A_823 = arith.addf %get3A_822, %get3A_819 : vector<16xf32>
          %get3A_824 = arith.index_cast %add3A_780 : i32 to index
          %get3A_825 = arith.constant 32 : index
          %get3A_826 = tpu.vector_load %arg25[%get3A_824, %get3A_825] {strides = array<i32>} : memref<128x128xf32, #tpu.memory_space<vmem>>, vector<16xf32>,
          %add3A_827 = arith.addf %get3A_826, %get3A_819 : vector<16xf32>
          %mul3A_828 = arith.mulf %add3A_823, %add3A_827 : vector<16xf32>
          %mul3A_829 = arith.mulf %mul3A_828, %get3A_784 : vector<16xf32>
          %swap3A_830 = arith.index_cast %add3A_780 : i32 to index
          %swap3A_831 = arith.constant 32 : index
          %swap3A_832 = tpu.vector_load %arg27[%swap3A_830, %swap3A_831] {strides = array<i32>} : memref<128x128xf32, #tpu.memory_space<vmem>>, vector<16xf32>,
          tpu.vector_store %arg27[%swap3A_830, %swap3A_831], %mul3A_829 {strides = array<i32>} : memref<128x128xf32, #tpu.memory_space<vmem>>, vector<16xf32>,
          %get3A_833 = arith.index_cast %add3A_780 : i32 to index
          %get3A_834 = arith.constant 48 : index
          %get3A_835 = tpu.vector_load %arg26[%get3A_833, %get3A_834] {strides = array<i32>} : memref<128x128xf32, #tpu.memory_space<vmem>>, vector<16xf32>,
          %get3A_836 = arith.index_cast %add3A_780 : i32 to index
          %get3A_837 = arith.constant 48 : index
          %get3A_838 = tpu.vector_load %arg23[%get3A_836, %get3A_837] {strides = array<i32>} : memref<128x128xf32, #tpu.memory_space<vmem>>, vector<16xf32>,
          %add3A_839 = arith.addf %get3A_838, %get3A_835 : vector<16xf32>
          %get3A_840 = arith.index_cast %add3A_780 : i32 to index
          %get3A_841 = arith.constant 48 : index
          %get3A_842 = tpu.vector_load %arg25[%get3A_840, %get3A_841] {strides = array<i32>} : memref<128x128xf32, #tpu.memory_space<vmem>>, vector<16xf32>,
          %add3A_843 = arith.addf %get3A_842, %get3A_835 : vector<16xf32>
          %mul3A_844 = arith.mulf %add3A_839, %add3A_843 : vector<16xf32>
          %mul3A_845 = arith.mulf %mul3A_844, %get3A_784 : vector<16xf32>
          %swap3A_846 = arith.index_cast %add3A_780 : i32 to index
          %swap3A_847 = arith.constant 48 : index
          %swap3A_848 = tpu.vector_load %arg27[%swap3A_846, %swap3A_847] {strides = array<i32>} : memref<128x128xf32, #tpu.memory_space<vmem>>, vector<16xf32>,
          tpu.vector_store %arg27[%swap3A_846, %swap3A_847], %mul3A_845 {strides = array<i32>} : memref<128x128xf32, #tpu.memory_space<vmem>>, vector<16xf32>,
          %get3A_849 = arith.index_cast %add3A_780 : i32 to index
          %get3A_850 = arith.constant 64 : index
          %get3A_851 = tpu.vector_load %arg26[%get3A_849, %get3A_850] {strides = array<i32>} : memref<128x128xf32, #tpu.memory_space<vmem>>, vector<16xf32>,
          %get3A_852 = arith.index_cast %add3A_780 : i32 to index
          %get3A_853 = arith.constant 64 : index
          %get3A_854 = tpu.vector_load %arg23[%get3A_852, %get3A_853] {strides = array<i32>} : memref<128x128xf32, #tpu.memory_space<vmem>>, vector<16xf32>,
          %add3A_855 = arith.addf %get3A_854, %get3A_851 : vector<16xf32>
          %get3A_856 = arith.index_cast %add3A_780 : i32 to index
          %get3A_857 = arith.constant 64 : index
          %get3A_858 = tpu.vector_load %arg25[%get3A_856, %get3A_857] {strides = array<i32>} : memref<128x128xf32, #tpu.memory_space<vmem>>, vector<16xf32>,
          %add3A_859 = arith.addf %get3A_858, %get3A_851 : vector<16xf32>
          %mul3A_860 = arith.mulf %add3A_855, %add3A_859 : vector<16xf32>
          %mul3A_861 = arith.mulf %mul3A_860, %get3A_784 : vector<16xf32>
          %swap3A_862 = arith.index_cast %add3A_780 : i32 to index
          %swap3A_863 = arith.constant 64 : index
          %swap3A_864 = tpu.vector_load %arg27[%swap3A_862, %swap3A_863] {strides = array<i32>} : memref<128x128xf32, #tpu.memory_space<vmem>>, vector<16xf32>,
          tpu.vector_store %arg27[%swap3A_862, %swap3A_863], %mul3A_861 {strides = array<i32>} : memref<128x128xf32, #tpu.memory_space<vmem>>, vector<16xf32>,
          %get3A_865 = arith.index_cast %add3A_780 : i32 to index
          %get3A_866 = arith.constant 80 : index
          %get3A_867 = tpu.vector_load %arg26[%get3A_865, %get3A_866] {strides = array<i32>} : memref<128x128xf32, #tpu.memory_space<vmem>>, vector<16xf32>,
          %get3A_868 = arith.index_cast %add3A_780 : i32 to index
          %get3A_869 = arith.constant 80 : index
          %get3A_870 = tpu.vector_load %arg23[%get3A_868, %get3A_869] {strides = array<i32>} : memref<128x128xf32, #tpu.memory_space<vmem>>, vector<16xf32>,
          %add3A_871 = arith.addf %get3A_870, %get3A_867 : vector<16xf32>
          %get3A_872 = arith.index_cast %add3A_780 : i32 to index
          %get3A_873 = arith.constant 80 : index
          %get3A_874 = tpu.vector_load %arg25[%get3A_872, %get3A_873] {strides = array<i32>} : memref<128x128xf32, #tpu.memory_space<vmem>>, vector<16xf32>,
          %add3A_875 = arith.addf %get3A_874, %get3A_867 : vector<16xf32>
          %mul3A_876 = arith.mulf %add3A_871, %add3A_875 : vector<16xf32>
          %mul3A_877 = arith.mulf %mul3A_876, %get3A_784 : vector<16xf32>
          %swap3A_878 = arith.index_cast %add3A_780 : i32 to index
          %swap3A_879 = arith.constant 80 : index
          %swap3A_880 = tpu.vector_load %arg27[%swap3A_878, %swap3A_879] {strides = array<i32>} : memref<128x128xf32, #tpu.memory_space<vmem>>, vector<16xf32>,
          tpu.vector_store %arg27[%swap3A_878, %swap3A_879], %mul3A_877 {strides = array<i32>} : memref<128x128xf32, #tpu.memory_space<vmem>>, vector<16xf32>,
          %get3A_881 = arith.index_cast %add3A_780 : i32 to index
          %get3A_882 = arith.constant 96 : index
          %get3A_883 = tpu.vector_load %arg26[%get3A_881, %get3A_882] {strides = array<i32>} : memref<128x128xf32, #tpu.memory_space<vmem>>, vector<16xf32>,
          %get3A_884 = arith.index_cast %add3A_780 : i32 to index
          %get3A_885 = arith.constant 96 : index
          %get3A_886 = tpu.vector_load %arg23[%get3A_884, %get3A_885] {strides = array<i32>} : memref<128x128xf32, #tpu.memory_space<vmem>>, vector<16xf32>,
          %add3A_887 = arith.addf %get3A_886, %get3A_883 : vector<16xf32>
          %get3A_888 = arith.index_cast %add3A_780 : i32 to index
          %get3A_889 = arith.constant 96 : index
          %get3A_890 = tpu.vector_load %arg25[%get3A_888, %get3A_889] {strides = array<i32>} : memref<128x128xf32, #tpu.memory_space<vmem>>, vector<16xf32>,
          %add3A_891 = arith.addf %get3A_890, %get3A_883 : vector<16xf32>
          %mul3A_892 = arith.mulf %add3A_887, %add3A_891 : vector<16xf32>
          %mul3A_893 = arith.mulf %mul3A_892, %get3A_784 : vector<16xf32>
          %swap3A_894 = arith.index_cast %add3A_780 : i32 to index
          %swap3A_895 = arith.constant 96 : index
          %swap3A_896 = tpu.vector_load %arg27[%swap3A_894, %swap3A_895] {strides = array<i32>} : memref<128x128xf32, #tpu.memory_space<vmem>>, vector<16xf32>,
          tpu.vector_store %arg27[%swap3A_894, %swap3A_895], %mul3A_893 {strides = array<i32>} : memref<128x128xf32, #tpu.memory_space<vmem>>, vector<16xf32>,
          %get3A_897 = arith.index_cast %add3A_780 : i32 to index
          %get3A_898 = arith.constant 112 : index
          %get3A_899 = tpu.vector_load %arg26[%get3A_897, %get3A_898] {strides = array<i32>} : memref<128x128xf32, #tpu.memory_space<vmem>>, vector<16xf32>,
          %get3A_900 = arith.index_cast %add3A_780 : i32 to index
          %get3A_901 = arith.constant 112 : index
          %get3A_902 = tpu.vector_load %arg23[%get3A_900, %get3A_901] {strides = array<i32>} : memref<128x128xf32, #tpu.memory_space<vmem>>, vector<16xf32>,
          %add3A_903 = arith.addf %get3A_902, %get3A_899 : vector<16xf32>
          %get3A_904 = arith.index_cast %add3A_780 : i32 to index
          %get3A_905 = arith.constant 112 : index
          %get3A_906 = tpu.vector_load %arg25[%get3A_904, %get3A_905] {strides = array<i32>} : memref<128x128xf32, #tpu.memory_space<vmem>>, vector<16xf32>,
          %add3A_907 = arith.addf %get3A_906, %get3A_899 : vector<16xf32>
          %mul3A_908 = arith.mulf %add3A_903, %add3A_907 : vector<16xf32>
          %mul3A_909 = arith.mulf %mul3A_908, %get3A_784 : vector<16xf32>
          %swap3A_910 = arith.index_cast %add3A_780 : i32 to index
          %swap3A_911 = arith.constant 112 : index
          %swap3A_912 = tpu.vector_load %arg27[%swap3A_910, %swap3A_911] {strides = array<i32>} : memref<128x128xf32, #tpu.memory_space<vmem>>, vector<16xf32>,
          tpu.vector_store %arg27[%swap3A_910, %swap3A_911], %mul3A_909 {strides = array<i32>} : memref<128x128xf32, #tpu.memory_space<vmem>>, vector<16xf32>,
        }
        %scan3A_771 = arith.constant 128 : i32
        %dma_start3A_772 = arith.constant 0 : i32
        %dma_start3A_773 = tpu.memref_slice %arg11[%mul3A_76, %dma_start3A_772] : memref<320000x128xf32, #tpu.memory_space<hbm>> -> memref<128x128xf32, #tpu.memory_space<hbm>>
        %dma_start3A_774 = arith.constant 0 : i32
        %dma_start3A_775 = tpu.memref_slice %arg11[%mul3A_76, %dma_start3A_774] : memref<320000x128xf32, #tpu.memory_space<hbm>> -> memref<128x128xf32, #tpu.memory_space<hbm>>
        tpu.enqueue_dma source(%arg27 : memref<128x128xf32, #tpu.memory_space<vmem>>) target(%dma_start3A_775 : memref<128x128xf32, #tpu.memory_space<hbm>>) target_semaphore(%arg42 : memref<!tpu.dma_semaphore, #tpu.memory_space<semaphore_mem>>)
      } else {
      }
      %mul3A_63 = arith.constant 2 : i32
      %mul3A_64 = arith.muli %mul3A_63, %add3A_50 : i32
      %add3A_65 = arith.constant 1 : i32
      %add3A_66 = arith.addi %mul3A_64, %add3A_65 : i32
      %mul3A_67 = arith.constant 32 : i32
      %mul3A_68 = arith.muli %add3A_66, %mul3A_67 : i32
      %add3A_69 = arith.addi %mul3A_68, %add3A : i32
      %lt3A_70 = arith.constant 2500 : i32
      %lt3A_71 = arith.cmpi slt, %add3A_69, %lt3A_70 : i32
      %convert_element_type3A_72 = arith.extui %lt3A_71 : i1 to i32
      %cond3A_73 = arith.constant 0 : i32
      %cond3A_74 = arith.cmpi ne, %convert_element_type3A_72, %cond3A_73 : i32
      scf.if %cond3A_74 {
        %mul3A_75 = arith.constant 128 : i32
        %mul3A_76 = arith.muli %add3A_69, %mul3A_75 : i32
        %mul3A_77 = arith.constant 128 : i32
        %mul3A_78 = arith.muli %add3A_69, %mul3A_77 : i32
        %dma_wait3A_79 = arith.constant 0 : i32
        %dma_wait3A_80 = tpu.memref_slice %arg5[%dma_wait3A_79, %mul3A_78] : memref<3x320000xi32, #tpu.memory_space<hbm>> -> memref<3x128xi32, #tpu.memory_space<hbm>>
        %dma_wait3A_81 = arith.constant 0 : i32
        %dma_wait3A_82 = tpu.memref_slice %arg5[%dma_wait3A_81, %mul3A_78] : memref<3x320000xi32, #tpu.memory_space<hbm>> -> memref<3x128xi32, #tpu.memory_space<hbm>>
        tpu.wait_dma2 semaphore(%arg35 : memref<!tpu.dma_semaphore, #tpu.memory_space<semaphore_mem>>) src(%dma_wait3A_82 : memref<3x128xi32, #tpu.memory_space<hbm>>) dst(%arg18 : memref<3x128xi32, #tpu.memory_space<vmem>>)
        %dma_wait3A_83 = tpu.memref_slice %arg6[%mul3A_78] : memref<320000xi32, #tpu.memory_space<hbm>> -> memref<128xi32, #tpu.memory_space<hbm>>
        %dma_wait3A_84 = tpu.memref_slice %arg6[%mul3A_78] : memref<320000xi32, #tpu.memory_space<hbm>> -> memref<128xi32, #tpu.memory_space<hbm>>
        tpu.wait_dma2 semaphore(%arg35 : memref<!tpu.dma_semaphore, #tpu.memory_space<semaphore_mem>>) src(%dma_wait3A_84 : memref<128xi32, #tpu.memory_space<hbm>>) dst(%arg20 : memref<128xi32, #tpu.memory_space<vmem>>)
        %dma_start3A_85 = arith.constant 0 : i32
        %dma_start3A_86 = arith.constant 0 : i32
        %dma_start3A_87 = tpu.memref_slice %arg18[%dma_start3A_85, %dma_start3A_86] : memref<3x128xi32, #tpu.memory_space<vmem>> -> memref<1x128xi32, #tpu.memory_space<vmem>>
        %dma_start3A_88 = tpu.memref_squeeze %dma_start3A_87 : memref<1x128xi32, #tpu.memory_space<vmem>> -> memref<128xi32, #tpu.memory_space<vmem>>
        %dma_start3A_89 = arith.constant 0 : i32
        %dma_start3A_90 = arith.constant 0 : i32
        %dma_start3A_91 = tpu.memref_slice %arg2[%dma_start3A_89, %dma_start3A_90] : memref<10000x128xf32, #tpu.memory_space<hbm>> -> memref<10000x128xf32, #tpu.memory_space<hbm>>
        tpu.enqueue_indirect_dma source(%dma_start3A_91 : memref<10000x128xf32, #tpu.memory_space<hbm>>) target(%arg24 : memref<128x128xf32, #tpu.memory_space<vmem>>) offsets(%dma_start3A_88 : memref<128xi32, #tpu.memory_space<vmem>>) semaphore(%arg37 : memref<!tpu.dma_semaphore, #tpu.memory_space<semaphore_mem>>)
        %dma_start3A_92 = arith.constant 1 : i32
        %dma_start3A_93 = arith.constant 0 : i32
        %dma_start3A_94 = tpu.memref_slice %arg18[%dma_start3A_92, %dma_start3A_93] : memref<3x128xi32, #tpu.memory_space<vmem>> -> memref<1x128xi32, #tpu.memory_space<vmem>>
        %dma_start3A_95 = tpu.memref_squeeze %dma_start3A_94 : memref<1x128xi32, #tpu.memory_space<vmem>> -> memref<128xi32, #tpu.memory_space<vmem>>
        %dma_start3A_96 = arith.constant 0 : i32
        %dma_start3A_97 = arith.constant 0 : i32
        %dma_start3A_98 = tpu.memref_slice %arg31[%dma_start3A_96, %dma_start3A_97] : memref<200x128xf32, #tpu.memory_space<vmem_shared>> -> memref<200x128xf32, #tpu.memory_space<vmem_shared>>
        tpu.enqueue_indirect_dma source(%dma_start3A_98 : memref<200x128xf32, #tpu.memory_space<vmem_shared>>) target(%arg25 : memref<128x128xf32, #tpu.memory_space<vmem>>) offsets(%dma_start3A_95 : memref<128xi32, #tpu.memory_space<vmem>>) semaphore(%arg38 : memref<!tpu.dma_semaphore, #tpu.memory_space<semaphore_mem>>)
        %dma_start3A_99 = arith.constant 2 : i32
        %dma_start3A_100 = arith.constant 0 : i32
        %dma_start3A_101 = tpu.memref_slice %arg18[%dma_start3A_99, %dma_start3A_100] : memref<3x128xi32, #tpu.memory_space<vmem>> -> memref<1x128xi32, #tpu.memory_space<vmem>>
        %dma_start3A_102 = tpu.memref_squeeze %dma_start3A_101 : memref<1x128xi32, #tpu.memory_space<vmem>> -> memref<128xi32, #tpu.memory_space<vmem>>
        %dma_start3A_103 = arith.constant 0 : i32
        %dma_start3A_104 = arith.constant 0 : i32
        %dma_start3A_105 = tpu.memref_slice %arg32[%dma_start3A_103, %dma_start3A_104] : memref<365x128xf32, #tpu.memory_space<vmem_shared>> -> memref<365x128xf32, #tpu.memory_space<vmem_shared>>
        tpu.enqueue_indirect_dma source(%dma_start3A_105 : memref<365x128xf32, #tpu.memory_space<vmem_shared>>) target(%arg26 : memref<128x128xf32, #tpu.memory_space<vmem>>) offsets(%dma_start3A_102 : memref<128xi32, #tpu.memory_space<vmem>>) semaphore(%arg39 : memref<!tpu.dma_semaphore, #tpu.memory_space<semaphore_mem>>)
        %ge3A_106 = arith.constant 1 : i32
        %ge3A_107 = arith.cmpi sge, %add3A_66, %ge3A_106 : i32
        %convert_element_type3A_108 = arith.extui %ge3A_107 : i1 to i32
        %cond3A_109 = arith.constant 0 : i32
        %cond3A_110 = arith.cmpi ne, %convert_element_type3A_108, %cond3A_109 : i32
        scf.if %cond3A_110 {
          %dma_wait3A_776 = arith.constant 0 : i32
          %dma_wait3A_777 = tpu.memref_slice %arg33[%dma_wait3A_776] : memref<10240xf32, #tpu.memory_space<vmem_shared>> -> memref<10240xf32, #tpu.memory_space<vmem_shared>>
          tpu.wait_indirect_dma semaphore(%arg40 : memref<!tpu.dma_semaphore, #tpu.memory_space<semaphore_mem>>) src(%arg21 : memref<128xf32, #tpu.memory_space<vmem>>) dst(%dma_wait3A_777 : memref<10240xf32, #tpu.memory_space<vmem_shared>>)
        } else {
        }
        %add3A_111 = arith.constant 32 : i32
        %add3A_112 = arith.addi %add3A_69, %add3A_111 : i32
        %lt3A_113 = arith.constant 2500 : i32
        %lt3A_114 = arith.cmpi slt, %add3A_112, %lt3A_113 : i32
        %convert_element_type3A_115 = arith.extui %lt3A_114 : i1 to i32
        %cond3A_116 = arith.constant 0 : i32
        %cond3A_117 = arith.cmpi ne, %convert_element_type3A_115, %cond3A_116 : i32
        scf.if %cond3A_117 {
          %mul3A_776 = arith.constant 128 : i32
          %mul3A_777 = arith.muli %add3A_112, %mul3A_776 : i32
          %dma_start3A_778 = arith.constant 0 : i32
          %dma_start3A_779 = tpu.memref_slice %arg5[%dma_start3A_778, %mul3A_777] : memref<3x320000xi32, #tpu.memory_space<hbm>> -> memref<3x128xi32, #tpu.memory_space<hbm>>
          %dma_start3A_780 = arith.constant 0 : i32
          %dma_start3A_781 = tpu.memref_slice %arg5[%dma_start3A_780, %mul3A_777] : memref<3x320000xi32, #tpu.memory_space<hbm>> -> memref<3x128xi32, #tpu.memory_space<hbm>>
          tpu.enqueue_dma source(%dma_start3A_781 : memref<3x128xi32, #tpu.memory_space<hbm>>) target(%arg17 : memref<3x128xi32, #tpu.memory_space<vmem>>) target_semaphore(%arg34 : memref<!tpu.dma_semaphore, #tpu.memory_space<semaphore_mem>>)
          %dma_start3A_782 = tpu.memref_slice %arg6[%mul3A_777] : memref<320000xi32, #tpu.memory_space<hbm>> -> memref<128xi32, #tpu.memory_space<hbm>>
          %dma_start3A_783 = tpu.memref_slice %arg6[%mul3A_777] : memref<320000xi32, #tpu.memory_space<hbm>> -> memref<128xi32, #tpu.memory_space<hbm>>
          tpu.enqueue_dma source(%dma_start3A_783 : memref<128xi32, #tpu.memory_space<hbm>>) target(%arg19 : memref<128xi32, #tpu.memory_space<vmem>>) target_semaphore(%arg34 : memref<!tpu.dma_semaphore, #tpu.memory_space<semaphore_mem>>)
        } else {
        }
        %get3A = arith.constant 0 : i32
        %get3A_118 = arith.index_cast %get3A : i32 to index
        %get3A_119 = arith.constant 0 : index
        %get3A_120 = tpu.vector_load %arg18[%get3A_118, %get3A_119] {strides = array<i32>} : memref<3x128xi32, #tpu.memory_space<vmem>>, vector<16xi32>,
        %gather3A = tpu.vector_load_idx %arg13[%get3A_120] : memref<10000xf32, #tpu.memory_space<vmem>>[vector<16xi32>], vector<16xf32>,
        %get3A_121 = arith.constant 0 : index
        %get3A_122 = tpu.vector_load %arg20[%get3A_121] {strides = array<i32>} : memref<128xi32, #tpu.memory_space<vmem>>, vector<16xi32>,
        %gather3A_123 = tpu.vector_load_idx %arg14[%get3A_122] : memref<10000xf32, #tpu.memory_space<vmem>>[vector<16xi32>], vector<16xf32>,
        %get3A_124 = arith.constant 1 : i32
        %get3A_125 = arith.index_cast %get3A_124 : i32 to index
        %get3A_126 = arith.constant 0 : index
        %get3A_127 = tpu.vector_load %arg18[%get3A_125, %get3A_126] {strides = array<i32>} : memref<3x128xi32, #tpu.memory_space<vmem>>, vector<16xi32>,
        %gather3A_128 = tpu.vector_load_idx %arg15[%get3A_127] : memref<200xf32, #tpu.memory_space<vmem>>[vector<16xi32>], vector<16xf32>,
        %get3A_129 = arith.constant 2 : i32
        %get3A_130 = arith.index_cast %get3A_129 : i32 to index
        %get3A_131 = arith.constant 0 : index
        %get3A_132 = tpu.vector_load %arg18[%get3A_130, %get3A_131] {strides = array<i32>} : memref<3x128xi32, #tpu.memory_space<vmem>>, vector<16xi32>,
        %gather3A_133 = tpu.vector_load_idx %arg16[%get3A_132] : memref<365xf32, #tpu.memory_space<vmem>>[vector<16xi32>], vector<16xf32>,
        %sub3A = arith.subf %gather3A, %gather3A_123 : vector<16xf32>
        %add3A_134 = arith.addf %sub3A, %gather3A_128 : vector<16xf32>
        %add3A_135 = arith.addf %add3A_134, %gather3A_133 : vector<16xf32>
        %mul3A_136 = arith.constant 1.000000e-01 : f32
        %mul3A_137 = vector.broadcast %mul3A_136 : f32 to vector<16xf32>
        %mul3A_138 = arith.mulf %mul3A_137, %add3A_135 : vector<16xf32>
        %max3A = arith.maximumf %add3A_135, %mul3A_138 : vector<16xf32>
        %exp3A = math.exp %max3A : vector<16xf32>
        %swap3A = arith.constant 0 : index
        %swap3A_139 = tpu.vector_load %arg22[%swap3A] {strides = array<i32>} : memref<128xf32, #tpu.memory_space<vmem>>, vector<16xf32>,
        tpu.vector_store %arg22[%swap3A], %exp3A {strides = array<i32>} : memref<128xf32, #tpu.memory_space<vmem>>, vector<16xf32>,
        %get3A_140 = arith.constant 0 : i32
        %get3A_141 = arith.index_cast %get3A_140 : i32 to index
        %get3A_142 = arith.constant 16 : index
        %get3A_143 = tpu.vector_load %arg18[%get3A_141, %get3A_142] {strides = array<i32>} : memref<3x128xi32, #tpu.memory_space<vmem>>, vector<16xi32>,
        %gather3A_144 = tpu.vector_load_idx %arg13[%get3A_143] : memref<10000xf32, #tpu.memory_space<vmem>>[vector<16xi32>], vector<16xf32>,
        %get3A_145 = arith.constant 16 : index
        %get3A_146 = tpu.vector_load %arg20[%get3A_145] {strides = array<i32>} : memref<128xi32, #tpu.memory_space<vmem>>, vector<16xi32>,
        %gather3A_147 = tpu.vector_load_idx %arg14[%get3A_146] : memref<10000xf32, #tpu.memory_space<vmem>>[vector<16xi32>], vector<16xf32>,
        %get3A_148 = arith.constant 1 : i32
        %get3A_149 = arith.index_cast %get3A_148 : i32 to index
        %get3A_150 = arith.constant 16 : index
        %get3A_151 = tpu.vector_load %arg18[%get3A_149, %get3A_150] {strides = array<i32>} : memref<3x128xi32, #tpu.memory_space<vmem>>, vector<16xi32>,
        %gather3A_152 = tpu.vector_load_idx %arg15[%get3A_151] : memref<200xf32, #tpu.memory_space<vmem>>[vector<16xi32>], vector<16xf32>,
        %get3A_153 = arith.constant 2 : i32
        %get3A_154 = arith.index_cast %get3A_153 : i32 to index
        %get3A_155 = arith.constant 16 : index
        %get3A_156 = tpu.vector_load %arg18[%get3A_154, %get3A_155] {strides = array<i32>} : memref<3x128xi32, #tpu.memory_space<vmem>>, vector<16xi32>,
        %gather3A_157 = tpu.vector_load_idx %arg16[%get3A_156] : memref<365xf32, #tpu.memory_space<vmem>>[vector<16xi32>], vector<16xf32>,
        %sub3A_158 = arith.subf %gather3A_144, %gather3A_147 : vector<16xf32>
        %add3A_159 = arith.addf %sub3A_158, %gather3A_152 : vector<16xf32>
        %add3A_160 = arith.addf %add3A_159, %gather3A_157 : vector<16xf32>
        %mul3A_161 = arith.constant 1.000000e-01 : f32
        %mul3A_162 = vector.broadcast %mul3A_161 : f32 to vector<16xf32>
        %mul3A_163 = arith.mulf %mul3A_162, %add3A_160 : vector<16xf32>
        %max3A_164 = arith.maximumf %add3A_160, %mul3A_163 : vector<16xf32>
        %exp3A_165 = math.exp %max3A_164 : vector<16xf32>
        %swap3A_166 = arith.constant 16 : index
        %swap3A_167 = tpu.vector_load %arg22[%swap3A_166] {strides = array<i32>} : memref<128xf32, #tpu.memory_space<vmem>>, vector<16xf32>,
        tpu.vector_store %arg22[%swap3A_166], %exp3A_165 {strides = array<i32>} : memref<128xf32, #tpu.memory_space<vmem>>, vector<16xf32>,
        %get3A_168 = arith.constant 0 : i32
        %get3A_169 = arith.index_cast %get3A_168 : i32 to index
        %get3A_170 = arith.constant 32 : index
        %get3A_171 = tpu.vector_load %arg18[%get3A_169, %get3A_170] {strides = array<i32>} : memref<3x128xi32, #tpu.memory_space<vmem>>, vector<16xi32>,
        %gather3A_172 = tpu.vector_load_idx %arg13[%get3A_171] : memref<10000xf32, #tpu.memory_space<vmem>>[vector<16xi32>], vector<16xf32>,
        %get3A_173 = arith.constant 32 : index
        %get3A_174 = tpu.vector_load %arg20[%get3A_173] {strides = array<i32>} : memref<128xi32, #tpu.memory_space<vmem>>, vector<16xi32>,
        %gather3A_175 = tpu.vector_load_idx %arg14[%get3A_174] : memref<10000xf32, #tpu.memory_space<vmem>>[vector<16xi32>], vector<16xf32>,
        %get3A_176 = arith.constant 1 : i32
        %get3A_177 = arith.index_cast %get3A_176 : i32 to index
        %get3A_178 = arith.constant 32 : index
        %get3A_179 = tpu.vector_load %arg18[%get3A_177, %get3A_178] {strides = array<i32>} : memref<3x128xi32, #tpu.memory_space<vmem>>, vector<16xi32>,
        %gather3A_180 = tpu.vector_load_idx %arg15[%get3A_179] : memref<200xf32, #tpu.memory_space<vmem>>[vector<16xi32>], vector<16xf32>,
        %get3A_181 = arith.constant 2 : i32
        %get3A_182 = arith.index_cast %get3A_181 : i32 to index
        %get3A_183 = arith.constant 32 : index
        %get3A_184 = tpu.vector_load %arg18[%get3A_182, %get3A_183] {strides = array<i32>} : memref<3x128xi32, #tpu.memory_space<vmem>>, vector<16xi32>,
        %gather3A_185 = tpu.vector_load_idx %arg16[%get3A_184] : memref<365xf32, #tpu.memory_space<vmem>>[vector<16xi32>], vector<16xf32>,
        %sub3A_186 = arith.subf %gather3A_172, %gather3A_175 : vector<16xf32>
        %add3A_187 = arith.addf %sub3A_186, %gather3A_180 : vector<16xf32>
        %add3A_188 = arith.addf %add3A_187, %gather3A_185 : vector<16xf32>
        %mul3A_189 = arith.constant 1.000000e-01 : f32
        %mul3A_190 = vector.broadcast %mul3A_189 : f32 to vector<16xf32>
        %mul3A_191 = arith.mulf %mul3A_190, %add3A_188 : vector<16xf32>
        %max3A_192 = arith.maximumf %add3A_188, %mul3A_191 : vector<16xf32>
        %exp3A_193 = math.exp %max3A_192 : vector<16xf32>
        %swap3A_194 = arith.constant 32 : index
        %swap3A_195 = tpu.vector_load %arg22[%swap3A_194] {strides = array<i32>} : memref<128xf32, #tpu.memory_space<vmem>>, vector<16xf32>,
        tpu.vector_store %arg22[%swap3A_194], %exp3A_193 {strides = array<i32>} : memref<128xf32, #tpu.memory_space<vmem>>, vector<16xf32>,
        %get3A_196 = arith.constant 0 : i32
        %get3A_197 = arith.index_cast %get3A_196 : i32 to index
        %get3A_198 = arith.constant 48 : index
        %get3A_199 = tpu.vector_load %arg18[%get3A_197, %get3A_198] {strides = array<i32>} : memref<3x128xi32, #tpu.memory_space<vmem>>, vector<16xi32>,
        %gather3A_200 = tpu.vector_load_idx %arg13[%get3A_199] : memref<10000xf32, #tpu.memory_space<vmem>>[vector<16xi32>], vector<16xf32>,
        %get3A_201 = arith.constant 48 : index
        %get3A_202 = tpu.vector_load %arg20[%get3A_201] {strides = array<i32>} : memref<128xi32, #tpu.memory_space<vmem>>, vector<16xi32>,
        %gather3A_203 = tpu.vector_load_idx %arg14[%get3A_202] : memref<10000xf32, #tpu.memory_space<vmem>>[vector<16xi32>], vector<16xf32>,
        %get3A_204 = arith.constant 1 : i32
        %get3A_205 = arith.index_cast %get3A_204 : i32 to index
        %get3A_206 = arith.constant 48 : index
        %get3A_207 = tpu.vector_load %arg18[%get3A_205, %get3A_206] {strides = array<i32>} : memref<3x128xi32, #tpu.memory_space<vmem>>, vector<16xi32>,
        %gather3A_208 = tpu.vector_load_idx %arg15[%get3A_207] : memref<200xf32, #tpu.memory_space<vmem>>[vector<16xi32>], vector<16xf32>,
        %get3A_209 = arith.constant 2 : i32
        %get3A_210 = arith.index_cast %get3A_209 : i32 to index
        %get3A_211 = arith.constant 48 : index
        %get3A_212 = tpu.vector_load %arg18[%get3A_210, %get3A_211] {strides = array<i32>} : memref<3x128xi32, #tpu.memory_space<vmem>>, vector<16xi32>,
        %gather3A_213 = tpu.vector_load_idx %arg16[%get3A_212] : memref<365xf32, #tpu.memory_space<vmem>>[vector<16xi32>], vector<16xf32>,
        %sub3A_214 = arith.subf %gather3A_200, %gather3A_203 : vector<16xf32>
        %add3A_215 = arith.addf %sub3A_214, %gather3A_208 : vector<16xf32>
        %add3A_216 = arith.addf %add3A_215, %gather3A_213 : vector<16xf32>
        %mul3A_217 = arith.constant 1.000000e-01 : f32
        %mul3A_218 = vector.broadcast %mul3A_217 : f32 to vector<16xf32>
        %mul3A_219 = arith.mulf %mul3A_218, %add3A_216 : vector<16xf32>
        %max3A_220 = arith.maximumf %add3A_216, %mul3A_219 : vector<16xf32>
        %exp3A_221 = math.exp %max3A_220 : vector<16xf32>
        %swap3A_222 = arith.constant 48 : index
        %swap3A_223 = tpu.vector_load %arg22[%swap3A_222] {strides = array<i32>} : memref<128xf32, #tpu.memory_space<vmem>>, vector<16xf32>,
        tpu.vector_store %arg22[%swap3A_222], %exp3A_221 {strides = array<i32>} : memref<128xf32, #tpu.memory_space<vmem>>, vector<16xf32>,
        %get3A_224 = arith.constant 0 : i32
        %get3A_225 = arith.index_cast %get3A_224 : i32 to index
        %get3A_226 = arith.constant 64 : index
        %get3A_227 = tpu.vector_load %arg18[%get3A_225, %get3A_226] {strides = array<i32>} : memref<3x128xi32, #tpu.memory_space<vmem>>, vector<16xi32>,
        %gather3A_228 = tpu.vector_load_idx %arg13[%get3A_227] : memref<10000xf32, #tpu.memory_space<vmem>>[vector<16xi32>], vector<16xf32>,
        %get3A_229 = arith.constant 64 : index
        %get3A_230 = tpu.vector_load %arg20[%get3A_229] {strides = array<i32>} : memref<128xi32, #tpu.memory_space<vmem>>, vector<16xi32>,
        %gather3A_231 = tpu.vector_load_idx %arg14[%get3A_230] : memref<10000xf32, #tpu.memory_space<vmem>>[vector<16xi32>], vector<16xf32>,
        %get3A_232 = arith.constant 1 : i32
        %get3A_233 = arith.index_cast %get3A_232 : i32 to index
        %get3A_234 = arith.constant 64 : index
        %get3A_235 = tpu.vector_load %arg18[%get3A_233, %get3A_234] {strides = array<i32>} : memref<3x128xi32, #tpu.memory_space<vmem>>, vector<16xi32>,
        %gather3A_236 = tpu.vector_load_idx %arg15[%get3A_235] : memref<200xf32, #tpu.memory_space<vmem>>[vector<16xi32>], vector<16xf32>,
        %get3A_237 = arith.constant 2 : i32
        %get3A_238 = arith.index_cast %get3A_237 : i32 to index
        %get3A_239 = arith.constant 64 : index
        %get3A_240 = tpu.vector_load %arg18[%get3A_238, %get3A_239] {strides = array<i32>} : memref<3x128xi32, #tpu.memory_space<vmem>>, vector<16xi32>,
        %gather3A_241 = tpu.vector_load_idx %arg16[%get3A_240] : memref<365xf32, #tpu.memory_space<vmem>>[vector<16xi32>], vector<16xf32>,
        %sub3A_242 = arith.subf %gather3A_228, %gather3A_231 : vector<16xf32>
        %add3A_243 = arith.addf %sub3A_242, %gather3A_236 : vector<16xf32>
        %add3A_244 = arith.addf %add3A_243, %gather3A_241 : vector<16xf32>
        %mul3A_245 = arith.constant 1.000000e-01 : f32
        %mul3A_246 = vector.broadcast %mul3A_245 : f32 to vector<16xf32>
        %mul3A_247 = arith.mulf %mul3A_246, %add3A_244 : vector<16xf32>
        %max3A_248 = arith.maximumf %add3A_244, %mul3A_247 : vector<16xf32>
        %exp3A_249 = math.exp %max3A_248 : vector<16xf32>
        %swap3A_250 = arith.constant 64 : index
        %swap3A_251 = tpu.vector_load %arg22[%swap3A_250] {strides = array<i32>} : memref<128xf32, #tpu.memory_space<vmem>>, vector<16xf32>,
        tpu.vector_store %arg22[%swap3A_250], %exp3A_249 {strides = array<i32>} : memref<128xf32, #tpu.memory_space<vmem>>, vector<16xf32>,
        %get3A_252 = arith.constant 0 : i32
        %get3A_253 = arith.index_cast %get3A_252 : i32 to index
        %get3A_254 = arith.constant 80 : index
        %get3A_255 = tpu.vector_load %arg18[%get3A_253, %get3A_254] {strides = array<i32>} : memref<3x128xi32, #tpu.memory_space<vmem>>, vector<16xi32>,
        %gather3A_256 = tpu.vector_load_idx %arg13[%get3A_255] : memref<10000xf32, #tpu.memory_space<vmem>>[vector<16xi32>], vector<16xf32>,
        %get3A_257 = arith.constant 80 : index
        %get3A_258 = tpu.vector_load %arg20[%get3A_257] {strides = array<i32>} : memref<128xi32, #tpu.memory_space<vmem>>, vector<16xi32>,
        %gather3A_259 = tpu.vector_load_idx %arg14[%get3A_258] : memref<10000xf32, #tpu.memory_space<vmem>>[vector<16xi32>], vector<16xf32>,
        %get3A_260 = arith.constant 1 : i32
        %get3A_261 = arith.index_cast %get3A_260 : i32 to index
        %get3A_262 = arith.constant 80 : index
        %get3A_263 = tpu.vector_load %arg18[%get3A_261, %get3A_262] {strides = array<i32>} : memref<3x128xi32, #tpu.memory_space<vmem>>, vector<16xi32>,
        %gather3A_264 = tpu.vector_load_idx %arg15[%get3A_263] : memref<200xf32, #tpu.memory_space<vmem>>[vector<16xi32>], vector<16xf32>,
        %get3A_265 = arith.constant 2 : i32
        %get3A_266 = arith.index_cast %get3A_265 : i32 to index
        %get3A_267 = arith.constant 80 : index
        %get3A_268 = tpu.vector_load %arg18[%get3A_266, %get3A_267] {strides = array<i32>} : memref<3x128xi32, #tpu.memory_space<vmem>>, vector<16xi32>,
        %gather3A_269 = tpu.vector_load_idx %arg16[%get3A_268] : memref<365xf32, #tpu.memory_space<vmem>>[vector<16xi32>], vector<16xf32>,
        %sub3A_270 = arith.subf %gather3A_256, %gather3A_259 : vector<16xf32>
        %add3A_271 = arith.addf %sub3A_270, %gather3A_264 : vector<16xf32>
        %add3A_272 = arith.addf %add3A_271, %gather3A_269 : vector<16xf32>
        %mul3A_273 = arith.constant 1.000000e-01 : f32
        %mul3A_274 = vector.broadcast %mul3A_273 : f32 to vector<16xf32>
        %mul3A_275 = arith.mulf %mul3A_274, %add3A_272 : vector<16xf32>
        %max3A_276 = arith.maximumf %add3A_272, %mul3A_275 : vector<16xf32>
        %exp3A_277 = math.exp %max3A_276 : vector<16xf32>
        %swap3A_278 = arith.constant 80 : index
        %swap3A_279 = tpu.vector_load %arg22[%swap3A_278] {strides = array<i32>} : memref<128xf32, #tpu.memory_space<vmem>>, vector<16xf32>,
        tpu.vector_store %arg22[%swap3A_278], %exp3A_277 {strides = array<i32>} : memref<128xf32, #tpu.memory_space<vmem>>, vector<16xf32>,
        %get3A_280 = arith.constant 0 : i32
        %get3A_281 = arith.index_cast %get3A_280 : i32 to index
        %get3A_282 = arith.constant 96 : index
        %get3A_283 = tpu.vector_load %arg18[%get3A_281, %get3A_282] {strides = array<i32>} : memref<3x128xi32, #tpu.memory_space<vmem>>, vector<16xi32>,
        %gather3A_284 = tpu.vector_load_idx %arg13[%get3A_283] : memref<10000xf32, #tpu.memory_space<vmem>>[vector<16xi32>], vector<16xf32>,
        %get3A_285 = arith.constant 96 : index
        %get3A_286 = tpu.vector_load %arg20[%get3A_285] {strides = array<i32>} : memref<128xi32, #tpu.memory_space<vmem>>, vector<16xi32>,
        %gather3A_287 = tpu.vector_load_idx %arg14[%get3A_286] : memref<10000xf32, #tpu.memory_space<vmem>>[vector<16xi32>], vector<16xf32>,
        %get3A_288 = arith.constant 1 : i32
        %get3A_289 = arith.index_cast %get3A_288 : i32 to index
        %get3A_290 = arith.constant 96 : index
        %get3A_291 = tpu.vector_load %arg18[%get3A_289, %get3A_290] {strides = array<i32>} : memref<3x128xi32, #tpu.memory_space<vmem>>, vector<16xi32>,
        %gather3A_292 = tpu.vector_load_idx %arg15[%get3A_291] : memref<200xf32, #tpu.memory_space<vmem>>[vector<16xi32>], vector<16xf32>,
        %get3A_293 = arith.constant 2 : i32
        %get3A_294 = arith.index_cast %get3A_293 : i32 to index
        %get3A_295 = arith.constant 96 : index
        %get3A_296 = tpu.vector_load %arg18[%get3A_294, %get3A_295] {strides = array<i32>} : memref<3x128xi32, #tpu.memory_space<vmem>>, vector<16xi32>,
        %gather3A_297 = tpu.vector_load_idx %arg16[%get3A_296] : memref<365xf32, #tpu.memory_space<vmem>>[vector<16xi32>], vector<16xf32>,
        %sub3A_298 = arith.subf %gather3A_284, %gather3A_287 : vector<16xf32>
        %add3A_299 = arith.addf %sub3A_298, %gather3A_292 : vector<16xf32>
        %add3A_300 = arith.addf %add3A_299, %gather3A_297 : vector<16xf32>
        %mul3A_301 = arith.constant 1.000000e-01 : f32
        %mul3A_302 = vector.broadcast %mul3A_301 : f32 to vector<16xf32>
        %mul3A_303 = arith.mulf %mul3A_302, %add3A_300 : vector<16xf32>
        %max3A_304 = arith.maximumf %add3A_300, %mul3A_303 : vector<16xf32>
        %exp3A_305 = math.exp %max3A_304 : vector<16xf32>
        %swap3A_306 = arith.constant 96 : index
        %swap3A_307 = tpu.vector_load %arg22[%swap3A_306] {strides = array<i32>} : memref<128xf32, #tpu.memory_space<vmem>>, vector<16xf32>,
        tpu.vector_store %arg22[%swap3A_306], %exp3A_305 {strides = array<i32>} : memref<128xf32, #tpu.memory_space<vmem>>, vector<16xf32>,
        %get3A_308 = arith.constant 0 : i32
        %get3A_309 = arith.index_cast %get3A_308 : i32 to index
        %get3A_310 = arith.constant 112 : index
        %get3A_311 = tpu.vector_load %arg18[%get3A_309, %get3A_310] {strides = array<i32>} : memref<3x128xi32, #tpu.memory_space<vmem>>, vector<16xi32>,
        %gather3A_312 = tpu.vector_load_idx %arg13[%get3A_311] : memref<10000xf32, #tpu.memory_space<vmem>>[vector<16xi32>], vector<16xf32>,
        %get3A_313 = arith.constant 112 : index
        %get3A_314 = tpu.vector_load %arg20[%get3A_313] {strides = array<i32>} : memref<128xi32, #tpu.memory_space<vmem>>, vector<16xi32>,
        %gather3A_315 = tpu.vector_load_idx %arg14[%get3A_314] : memref<10000xf32, #tpu.memory_space<vmem>>[vector<16xi32>], vector<16xf32>,
        %get3A_316 = arith.constant 1 : i32
        %get3A_317 = arith.index_cast %get3A_316 : i32 to index
        %get3A_318 = arith.constant 112 : index
        %get3A_319 = tpu.vector_load %arg18[%get3A_317, %get3A_318] {strides = array<i32>} : memref<3x128xi32, #tpu.memory_space<vmem>>, vector<16xi32>,
        %gather3A_320 = tpu.vector_load_idx %arg15[%get3A_319] : memref<200xf32, #tpu.memory_space<vmem>>[vector<16xi32>], vector<16xf32>,
        %get3A_321 = arith.constant 2 : i32
        %get3A_322 = arith.index_cast %get3A_321 : i32 to index
        %get3A_323 = arith.constant 112 : index
        %get3A_324 = tpu.vector_load %arg18[%get3A_322, %get3A_323] {strides = array<i32>} : memref<3x128xi32, #tpu.memory_space<vmem>>, vector<16xi32>,
        %gather3A_325 = tpu.vector_load_idx %arg16[%get3A_324] : memref<365xf32, #tpu.memory_space<vmem>>[vector<16xi32>], vector<16xf32>,
        %sub3A_326 = arith.subf %gather3A_312, %gather3A_315 : vector<16xf32>
        %add3A_327 = arith.addf %sub3A_326, %gather3A_320 : vector<16xf32>
        %add3A_328 = arith.addf %add3A_327, %gather3A_325 : vector<16xf32>
        %mul3A_329 = arith.constant 1.000000e-01 : f32
        %mul3A_330 = vector.broadcast %mul3A_329 : f32 to vector<16xf32>
        %mul3A_331 = arith.mulf %mul3A_330, %add3A_328 : vector<16xf32>
        %max3A_332 = arith.maximumf %add3A_328, %mul3A_331 : vector<16xf32>
        %exp3A_333 = math.exp %max3A_332 : vector<16xf32>
        %swap3A_334 = arith.constant 112 : index
        %swap3A_335 = tpu.vector_load %arg22[%swap3A_334] {strides = array<i32>} : memref<128xf32, #tpu.memory_space<vmem>>, vector<16xf32>,
        tpu.vector_store %arg22[%swap3A_334], %exp3A_333 {strides = array<i32>} : memref<128xf32, #tpu.memory_space<vmem>>, vector<16xf32>,
        %dma_start3A_336 = arith.constant 0 : i32
        %dma_start3A_337 = tpu.memref_slice %arg33[%dma_start3A_336] : memref<10240xf32, #tpu.memory_space<vmem_shared>> -> memref<10240xf32, #tpu.memory_space<vmem_shared>>
        tpu.enqueue_indirect_dma source(%arg22 : memref<128xf32, #tpu.memory_space<vmem>>) target(%dma_start3A_337 : memref<10240xf32, #tpu.memory_space<vmem_shared>>) offsets(%arg20 : memref<128xi32, #tpu.memory_space<vmem>>) semaphore(%arg41 : memref<!tpu.dma_semaphore, #tpu.memory_space<semaphore_mem>>) {add = true}
        %ge3A_338 = arith.constant 2 : i32
        %ge3A_339 = arith.cmpi sge, %add3A_66, %ge3A_338 : i32
        %convert_element_type3A_340 = arith.extui %ge3A_339 : i1 to i32
        %cond3A_341 = arith.constant 0 : i32
        %cond3A_342 = arith.cmpi ne, %convert_element_type3A_340, %cond3A_341 : i32
        scf.if %cond3A_342 {
          %dma_wait3A_776 = arith.constant 0 : i32
          %dma_wait3A_777 = arith.constant 0 : i32
          %dma_wait3A_778 = tpu.memref_slice %arg11[%dma_wait3A_776, %dma_wait3A_777] : memref<320000x128xf32, #tpu.memory_space<hbm>> -> memref<128x128xf32, #tpu.memory_space<hbm>>
          %dma_wait3A_779 = arith.constant 0 : i32
          %dma_wait3A_780 = arith.constant 0 : i32
          %dma_wait3A_781 = tpu.memref_slice %arg11[%dma_wait3A_779, %dma_wait3A_780] : memref<320000x128xf32, #tpu.memory_space<hbm>> -> memref<128x128xf32, #tpu.memory_space<hbm>>
          tpu.wait_dma2 semaphore(%arg43 : memref<!tpu.dma_semaphore, #tpu.memory_space<semaphore_mem>>) src(%arg28 : memref<128x128xf32, #tpu.memory_space<vmem>>) dst(%dma_wait3A_781 : memref<128x128xf32, #tpu.memory_space<hbm>>)
        } else {
        }
        %dma_wait3A_343 = arith.constant 0 : i32
        %dma_wait3A_344 = arith.constant 0 : i32
        %dma_wait3A_345 = tpu.memref_slice %arg18[%dma_wait3A_343, %dma_wait3A_344] : memref<3x128xi32, #tpu.memory_space<vmem>> -> memref<1x128xi32, #tpu.memory_space<vmem>>
        %dma_wait3A_346 = tpu.memref_squeeze %dma_wait3A_345 : memref<1x128xi32, #tpu.memory_space<vmem>> -> memref<128xi32, #tpu.memory_space<vmem>>
        %dma_wait3A_347 = arith.constant 0 : i32
        %dma_wait3A_348 = arith.constant 0 : i32
        %dma_wait3A_349 = tpu.memref_slice %arg2[%dma_wait3A_347, %dma_wait3A_348] : memref<10000x128xf32, #tpu.memory_space<hbm>> -> memref<10000x128xf32, #tpu.memory_space<hbm>>
        tpu.wait_indirect_dma semaphore(%arg37 : memref<!tpu.dma_semaphore, #tpu.memory_space<semaphore_mem>>) src(%dma_wait3A_349 : memref<10000x128xf32, #tpu.memory_space<hbm>>) dst(%arg24 : memref<128x128xf32, #tpu.memory_space<vmem>>)
        %dma_wait3A_350 = arith.constant 1 : i32
        %dma_wait3A_351 = arith.constant 0 : i32
        %dma_wait3A_352 = tpu.memref_slice %arg18[%dma_wait3A_350, %dma_wait3A_351] : memref<3x128xi32, #tpu.memory_space<vmem>> -> memref<1x128xi32, #tpu.memory_space<vmem>>
        %dma_wait3A_353 = tpu.memref_squeeze %dma_wait3A_352 : memref<1x128xi32, #tpu.memory_space<vmem>> -> memref<128xi32, #tpu.memory_space<vmem>>
        %dma_wait3A_354 = arith.constant 0 : i32
        %dma_wait3A_355 = arith.constant 0 : i32
        %dma_wait3A_356 = tpu.memref_slice %arg31[%dma_wait3A_354, %dma_wait3A_355] : memref<200x128xf32, #tpu.memory_space<vmem_shared>> -> memref<200x128xf32, #tpu.memory_space<vmem_shared>>
        tpu.wait_indirect_dma semaphore(%arg38 : memref<!tpu.dma_semaphore, #tpu.memory_space<semaphore_mem>>) src(%dma_wait3A_356 : memref<200x128xf32, #tpu.memory_space<vmem_shared>>) dst(%arg25 : memref<128x128xf32, #tpu.memory_space<vmem>>)
        %dma_wait3A_357 = arith.constant 2 : i32
        %dma_wait3A_358 = arith.constant 0 : i32
        %dma_wait3A_359 = tpu.memref_slice %arg18[%dma_wait3A_357, %dma_wait3A_358] : memref<3x128xi32, #tpu.memory_space<vmem>> -> memref<1x128xi32, #tpu.memory_space<vmem>>
        %dma_wait3A_360 = tpu.memref_squeeze %dma_wait3A_359 : memref<1x128xi32, #tpu.memory_space<vmem>> -> memref<128xi32, #tpu.memory_space<vmem>>
        %dma_wait3A_361 = arith.constant 0 : i32
        %dma_wait3A_362 = arith.constant 0 : i32
        %dma_wait3A_363 = tpu.memref_slice %arg32[%dma_wait3A_361, %dma_wait3A_362] : memref<365x128xf32, #tpu.memory_space<vmem_shared>> -> memref<365x128xf32, #tpu.memory_space<vmem_shared>>
        tpu.wait_indirect_dma semaphore(%arg39 : memref<!tpu.dma_semaphore, #tpu.memory_space<semaphore_mem>>) src(%dma_wait3A_363 : memref<365x128xf32, #tpu.memory_space<vmem_shared>>) dst(%arg26 : memref<128x128xf32, #tpu.memory_space<vmem>>)
        %iota3A = tpu.iota {dimensions = array<i32: 0>} : vector<16xi32>
        %mul3A_364 = arith.constant 16 : i32
        %mul3A_365 = vector.broadcast %mul3A_364 : i32 to vector<16xi32>
        %mul3A_366 = arith.muli %iota3A, %mul3A_365 : vector<16xi32>
        %get3A_367 = arith.constant 0 : index
        %get3A_368 = tpu.vector_load %arg22[%get3A_367] {strides = array<i32>} : memref<128xf32, #tpu.memory_space<vmem>>, vector<16xf32>,
        %add3A_369 = arith.constant 0 : i32
        %add3A_370 = vector.broadcast %add3A_369 : i32 to vector<16xi32>
        %add3A_371 = arith.addi %mul3A_366, %add3A_370 : vector<16xi32>
        tpu.vector_store_idx %arg30[%add3A_371], %get3A_368 : memref<2048xf32, #tpu.memory_space<vmem>>[vector<16xi32>], vector<16xf32>,
        %add3A_372 = arith.constant 1 : i32
        %add3A_373 = vector.broadcast %add3A_372 : i32 to vector<16xi32>
        %add3A_374 = arith.addi %mul3A_366, %add3A_373 : vector<16xi32>
        tpu.vector_store_idx %arg30[%add3A_374], %get3A_368 : memref<2048xf32, #tpu.memory_space<vmem>>[vector<16xi32>], vector<16xf32>,
        %add3A_375 = arith.constant 2 : i32
        %add3A_376 = vector.broadcast %add3A_375 : i32 to vector<16xi32>
        %add3A_377 = arith.addi %mul3A_366, %add3A_376 : vector<16xi32>
        tpu.vector_store_idx %arg30[%add3A_377], %get3A_368 : memref<2048xf32, #tpu.memory_space<vmem>>[vector<16xi32>], vector<16xf32>,
        %add3A_378 = arith.constant 3 : i32
        %add3A_379 = vector.broadcast %add3A_378 : i32 to vector<16xi32>
        %add3A_380 = arith.addi %mul3A_366, %add3A_379 : vector<16xi32>
        tpu.vector_store_idx %arg30[%add3A_380], %get3A_368 : memref<2048xf32, #tpu.memory_space<vmem>>[vector<16xi32>], vector<16xf32>,
        %add3A_381 = arith.constant 4 : i32
        %add3A_382 = vector.broadcast %add3A_381 : i32 to vector<16xi32>
        %add3A_383 = arith.addi %mul3A_366, %add3A_382 : vector<16xi32>
        tpu.vector_store_idx %arg30[%add3A_383], %get3A_368 : memref<2048xf32, #tpu.memory_space<vmem>>[vector<16xi32>], vector<16xf32>,
        %add3A_384 = arith.constant 5 : i32
        %add3A_385 = vector.broadcast %add3A_384 : i32 to vector<16xi32>
        %add3A_386 = arith.addi %mul3A_366, %add3A_385 : vector<16xi32>
        tpu.vector_store_idx %arg30[%add3A_386], %get3A_368 : memref<2048xf32, #tpu.memory_space<vmem>>[vector<16xi32>], vector<16xf32>,
        %add3A_387 = arith.constant 6 : i32
        %add3A_388 = vector.broadcast %add3A_387 : i32 to vector<16xi32>
        %add3A_389 = arith.addi %mul3A_366, %add3A_388 : vector<16xi32>
        tpu.vector_store_idx %arg30[%add3A_389], %get3A_368 : memref<2048xf32, #tpu.memory_space<vmem>>[vector<16xi32>], vector<16xf32>,
        %add3A_390 = arith.constant 7 : i32
        %add3A_391 = vector.broadcast %add3A_390 : i32 to vector<16xi32>
        %add3A_392 = arith.addi %mul3A_366, %add3A_391 : vector<16xi32>
        tpu.vector_store_idx %arg30[%add3A_392], %get3A_368 : memref<2048xf32, #tpu.memory_space<vmem>>[vector<16xi32>], vector<16xf32>,
        %add3A_393 = arith.constant 8 : i32
        %add3A_394 = vector.broadcast %add3A_393 : i32 to vector<16xi32>
        %add3A_395 = arith.addi %mul3A_366, %add3A_394 : vector<16xi32>
        tpu.vector_store_idx %arg30[%add3A_395], %get3A_368 : memref<2048xf32, #tpu.memory_space<vmem>>[vector<16xi32>], vector<16xf32>,
        %add3A_396 = arith.constant 9 : i32
        %add3A_397 = vector.broadcast %add3A_396 : i32 to vector<16xi32>
        %add3A_398 = arith.addi %mul3A_366, %add3A_397 : vector<16xi32>
        tpu.vector_store_idx %arg30[%add3A_398], %get3A_368 : memref<2048xf32, #tpu.memory_space<vmem>>[vector<16xi32>], vector<16xf32>,
        %add3A_399 = arith.constant 10 : i32
        %add3A_400 = vector.broadcast %add3A_399 : i32 to vector<16xi32>
        %add3A_401 = arith.addi %mul3A_366, %add3A_400 : vector<16xi32>
        tpu.vector_store_idx %arg30[%add3A_401], %get3A_368 : memref<2048xf32, #tpu.memory_space<vmem>>[vector<16xi32>], vector<16xf32>,
        %add3A_402 = arith.constant 11 : i32
        %add3A_403 = vector.broadcast %add3A_402 : i32 to vector<16xi32>
        %add3A_404 = arith.addi %mul3A_366, %add3A_403 : vector<16xi32>
        tpu.vector_store_idx %arg30[%add3A_404], %get3A_368 : memref<2048xf32, #tpu.memory_space<vmem>>[vector<16xi32>], vector<16xf32>,
        %add3A_405 = arith.constant 12 : i32
        %add3A_406 = vector.broadcast %add3A_405 : i32 to vector<16xi32>
        %add3A_407 = arith.addi %mul3A_366, %add3A_406 : vector<16xi32>
        tpu.vector_store_idx %arg30[%add3A_407], %get3A_368 : memref<2048xf32, #tpu.memory_space<vmem>>[vector<16xi32>], vector<16xf32>,
        %add3A_408 = arith.constant 13 : i32
        %add3A_409 = vector.broadcast %add3A_408 : i32 to vector<16xi32>
        %add3A_410 = arith.addi %mul3A_366, %add3A_409 : vector<16xi32>
        tpu.vector_store_idx %arg30[%add3A_410], %get3A_368 : memref<2048xf32, #tpu.memory_space<vmem>>[vector<16xi32>], vector<16xf32>,
        %add3A_411 = arith.constant 14 : i32
        %add3A_412 = vector.broadcast %add3A_411 : i32 to vector<16xi32>
        %add3A_413 = arith.addi %mul3A_366, %add3A_412 : vector<16xi32>
        tpu.vector_store_idx %arg30[%add3A_413], %get3A_368 : memref<2048xf32, #tpu.memory_space<vmem>>[vector<16xi32>], vector<16xf32>,
        %add3A_414 = arith.constant 15 : i32
        %add3A_415 = vector.broadcast %add3A_414 : i32 to vector<16xi32>
        %add3A_416 = arith.addi %mul3A_366, %add3A_415 : vector<16xi32>
        tpu.vector_store_idx %arg30[%add3A_416], %get3A_368 : memref<2048xf32, #tpu.memory_space<vmem>>[vector<16xi32>], vector<16xf32>,
        %get3A_417 = arith.constant 16 : index
        %get3A_418 = tpu.vector_load %arg22[%get3A_417] {strides = array<i32>} : memref<128xf32, #tpu.memory_space<vmem>>, vector<16xf32>,
        %add3A_419 = arith.constant 256 : i32
        %add3A_420 = vector.broadcast %add3A_419 : i32 to vector<16xi32>
        %add3A_421 = arith.addi %mul3A_366, %add3A_420 : vector<16xi32>
        tpu.vector_store_idx %arg30[%add3A_421], %get3A_418 : memref<2048xf32, #tpu.memory_space<vmem>>[vector<16xi32>], vector<16xf32>,
        %add3A_422 = arith.constant 257 : i32
        %add3A_423 = vector.broadcast %add3A_422 : i32 to vector<16xi32>
        %add3A_424 = arith.addi %mul3A_366, %add3A_423 : vector<16xi32>
        tpu.vector_store_idx %arg30[%add3A_424], %get3A_418 : memref<2048xf32, #tpu.memory_space<vmem>>[vector<16xi32>], vector<16xf32>,
        %add3A_425 = arith.constant 258 : i32
        %add3A_426 = vector.broadcast %add3A_425 : i32 to vector<16xi32>
        %add3A_427 = arith.addi %mul3A_366, %add3A_426 : vector<16xi32>
        tpu.vector_store_idx %arg30[%add3A_427], %get3A_418 : memref<2048xf32, #tpu.memory_space<vmem>>[vector<16xi32>], vector<16xf32>,
        %add3A_428 = arith.constant 259 : i32
        %add3A_429 = vector.broadcast %add3A_428 : i32 to vector<16xi32>
        %add3A_430 = arith.addi %mul3A_366, %add3A_429 : vector<16xi32>
        tpu.vector_store_idx %arg30[%add3A_430], %get3A_418 : memref<2048xf32, #tpu.memory_space<vmem>>[vector<16xi32>], vector<16xf32>,
        %add3A_431 = arith.constant 260 : i32
        %add3A_432 = vector.broadcast %add3A_431 : i32 to vector<16xi32>
        %add3A_433 = arith.addi %mul3A_366, %add3A_432 : vector<16xi32>
        tpu.vector_store_idx %arg30[%add3A_433], %get3A_418 : memref<2048xf32, #tpu.memory_space<vmem>>[vector<16xi32>], vector<16xf32>,
        %add3A_434 = arith.constant 261 : i32
        %add3A_435 = vector.broadcast %add3A_434 : i32 to vector<16xi32>
        %add3A_436 = arith.addi %mul3A_366, %add3A_435 : vector<16xi32>
        tpu.vector_store_idx %arg30[%add3A_436], %get3A_418 : memref<2048xf32, #tpu.memory_space<vmem>>[vector<16xi32>], vector<16xf32>,
        %add3A_437 = arith.constant 262 : i32
        %add3A_438 = vector.broadcast %add3A_437 : i32 to vector<16xi32>
        %add3A_439 = arith.addi %mul3A_366, %add3A_438 : vector<16xi32>
        tpu.vector_store_idx %arg30[%add3A_439], %get3A_418 : memref<2048xf32, #tpu.memory_space<vmem>>[vector<16xi32>], vector<16xf32>,
        %add3A_440 = arith.constant 263 : i32
        %add3A_441 = vector.broadcast %add3A_440 : i32 to vector<16xi32>
        %add3A_442 = arith.addi %mul3A_366, %add3A_441 : vector<16xi32>
        tpu.vector_store_idx %arg30[%add3A_442], %get3A_418 : memref<2048xf32, #tpu.memory_space<vmem>>[vector<16xi32>], vector<16xf32>,
        %add3A_443 = arith.constant 264 : i32
        %add3A_444 = vector.broadcast %add3A_443 : i32 to vector<16xi32>
        %add3A_445 = arith.addi %mul3A_366, %add3A_444 : vector<16xi32>
        tpu.vector_store_idx %arg30[%add3A_445], %get3A_418 : memref<2048xf32, #tpu.memory_space<vmem>>[vector<16xi32>], vector<16xf32>,
        %add3A_446 = arith.constant 265 : i32
        %add3A_447 = vector.broadcast %add3A_446 : i32 to vector<16xi32>
        %add3A_448 = arith.addi %mul3A_366, %add3A_447 : vector<16xi32>
        tpu.vector_store_idx %arg30[%add3A_448], %get3A_418 : memref<2048xf32, #tpu.memory_space<vmem>>[vector<16xi32>], vector<16xf32>,
        %add3A_449 = arith.constant 266 : i32
        %add3A_450 = vector.broadcast %add3A_449 : i32 to vector<16xi32>
        %add3A_451 = arith.addi %mul3A_366, %add3A_450 : vector<16xi32>
        tpu.vector_store_idx %arg30[%add3A_451], %get3A_418 : memref<2048xf32, #tpu.memory_space<vmem>>[vector<16xi32>], vector<16xf32>,
        %add3A_452 = arith.constant 267 : i32
        %add3A_453 = vector.broadcast %add3A_452 : i32 to vector<16xi32>
        %add3A_454 = arith.addi %mul3A_366, %add3A_453 : vector<16xi32>
        tpu.vector_store_idx %arg30[%add3A_454], %get3A_418 : memref<2048xf32, #tpu.memory_space<vmem>>[vector<16xi32>], vector<16xf32>,
        %add3A_455 = arith.constant 268 : i32
        %add3A_456 = vector.broadcast %add3A_455 : i32 to vector<16xi32>
        %add3A_457 = arith.addi %mul3A_366, %add3A_456 : vector<16xi32>
        tpu.vector_store_idx %arg30[%add3A_457], %get3A_418 : memref<2048xf32, #tpu.memory_space<vmem>>[vector<16xi32>], vector<16xf32>,
        %add3A_458 = arith.constant 269 : i32
        %add3A_459 = vector.broadcast %add3A_458 : i32 to vector<16xi32>
        %add3A_460 = arith.addi %mul3A_366, %add3A_459 : vector<16xi32>
        tpu.vector_store_idx %arg30[%add3A_460], %get3A_418 : memref<2048xf32, #tpu.memory_space<vmem>>[vector<16xi32>], vector<16xf32>,
        %add3A_461 = arith.constant 270 : i32
        %add3A_462 = vector.broadcast %add3A_461 : i32 to vector<16xi32>
        %add3A_463 = arith.addi %mul3A_366, %add3A_462 : vector<16xi32>
        tpu.vector_store_idx %arg30[%add3A_463], %get3A_418 : memref<2048xf32, #tpu.memory_space<vmem>>[vector<16xi32>], vector<16xf32>,
        %add3A_464 = arith.constant 271 : i32
        %add3A_465 = vector.broadcast %add3A_464 : i32 to vector<16xi32>
        %add3A_466 = arith.addi %mul3A_366, %add3A_465 : vector<16xi32>
        tpu.vector_store_idx %arg30[%add3A_466], %get3A_418 : memref<2048xf32, #tpu.memory_space<vmem>>[vector<16xi32>], vector<16xf32>,
        %get3A_467 = arith.constant 32 : index
        %get3A_468 = tpu.vector_load %arg22[%get3A_467] {strides = array<i32>} : memref<128xf32, #tpu.memory_space<vmem>>, vector<16xf32>,
        %add3A_469 = arith.constant 512 : i32
        %add3A_470 = vector.broadcast %add3A_469 : i32 to vector<16xi32>
        %add3A_471 = arith.addi %mul3A_366, %add3A_470 : vector<16xi32>
        tpu.vector_store_idx %arg30[%add3A_471], %get3A_468 : memref<2048xf32, #tpu.memory_space<vmem>>[vector<16xi32>], vector<16xf32>,
        %add3A_472 = arith.constant 513 : i32
        %add3A_473 = vector.broadcast %add3A_472 : i32 to vector<16xi32>
        %add3A_474 = arith.addi %mul3A_366, %add3A_473 : vector<16xi32>
        tpu.vector_store_idx %arg30[%add3A_474], %get3A_468 : memref<2048xf32, #tpu.memory_space<vmem>>[vector<16xi32>], vector<16xf32>,
        %add3A_475 = arith.constant 514 : i32
        %add3A_476 = vector.broadcast %add3A_475 : i32 to vector<16xi32>
        %add3A_477 = arith.addi %mul3A_366, %add3A_476 : vector<16xi32>
        tpu.vector_store_idx %arg30[%add3A_477], %get3A_468 : memref<2048xf32, #tpu.memory_space<vmem>>[vector<16xi32>], vector<16xf32>,
        %add3A_478 = arith.constant 515 : i32
        %add3A_479 = vector.broadcast %add3A_478 : i32 to vector<16xi32>
        %add3A_480 = arith.addi %mul3A_366, %add3A_479 : vector<16xi32>
        tpu.vector_store_idx %arg30[%add3A_480], %get3A_468 : memref<2048xf32, #tpu.memory_space<vmem>>[vector<16xi32>], vector<16xf32>,
        %add3A_481 = arith.constant 516 : i32
        %add3A_482 = vector.broadcast %add3A_481 : i32 to vector<16xi32>
        %add3A_483 = arith.addi %mul3A_366, %add3A_482 : vector<16xi32>
        tpu.vector_store_idx %arg30[%add3A_483], %get3A_468 : memref<2048xf32, #tpu.memory_space<vmem>>[vector<16xi32>], vector<16xf32>,
        %add3A_484 = arith.constant 517 : i32
        %add3A_485 = vector.broadcast %add3A_484 : i32 to vector<16xi32>
        %add3A_486 = arith.addi %mul3A_366, %add3A_485 : vector<16xi32>
        tpu.vector_store_idx %arg30[%add3A_486], %get3A_468 : memref<2048xf32, #tpu.memory_space<vmem>>[vector<16xi32>], vector<16xf32>,
        %add3A_487 = arith.constant 518 : i32
        %add3A_488 = vector.broadcast %add3A_487 : i32 to vector<16xi32>
        %add3A_489 = arith.addi %mul3A_366, %add3A_488 : vector<16xi32>
        tpu.vector_store_idx %arg30[%add3A_489], %get3A_468 : memref<2048xf32, #tpu.memory_space<vmem>>[vector<16xi32>], vector<16xf32>,
        %add3A_490 = arith.constant 519 : i32
        %add3A_491 = vector.broadcast %add3A_490 : i32 to vector<16xi32>
        %add3A_492 = arith.addi %mul3A_366, %add3A_491 : vector<16xi32>
        tpu.vector_store_idx %arg30[%add3A_492], %get3A_468 : memref<2048xf32, #tpu.memory_space<vmem>>[vector<16xi32>], vector<16xf32>,
        %add3A_493 = arith.constant 520 : i32
        %add3A_494 = vector.broadcast %add3A_493 : i32 to vector<16xi32>
        %add3A_495 = arith.addi %mul3A_366, %add3A_494 : vector<16xi32>
        tpu.vector_store_idx %arg30[%add3A_495], %get3A_468 : memref<2048xf32, #tpu.memory_space<vmem>>[vector<16xi32>], vector<16xf32>,
        %add3A_496 = arith.constant 521 : i32
        %add3A_497 = vector.broadcast %add3A_496 : i32 to vector<16xi32>
        %add3A_498 = arith.addi %mul3A_366, %add3A_497 : vector<16xi32>
        tpu.vector_store_idx %arg30[%add3A_498], %get3A_468 : memref<2048xf32, #tpu.memory_space<vmem>>[vector<16xi32>], vector<16xf32>,
        %add3A_499 = arith.constant 522 : i32
        %add3A_500 = vector.broadcast %add3A_499 : i32 to vector<16xi32>
        %add3A_501 = arith.addi %mul3A_366, %add3A_500 : vector<16xi32>
        tpu.vector_store_idx %arg30[%add3A_501], %get3A_468 : memref<2048xf32, #tpu.memory_space<vmem>>[vector<16xi32>], vector<16xf32>,
        %add3A_502 = arith.constant 523 : i32
        %add3A_503 = vector.broadcast %add3A_502 : i32 to vector<16xi32>
        %add3A_504 = arith.addi %mul3A_366, %add3A_503 : vector<16xi32>
        tpu.vector_store_idx %arg30[%add3A_504], %get3A_468 : memref<2048xf32, #tpu.memory_space<vmem>>[vector<16xi32>], vector<16xf32>,
        %add3A_505 = arith.constant 524 : i32
        %add3A_506 = vector.broadcast %add3A_505 : i32 to vector<16xi32>
        %add3A_507 = arith.addi %mul3A_366, %add3A_506 : vector<16xi32>
        tpu.vector_store_idx %arg30[%add3A_507], %get3A_468 : memref<2048xf32, #tpu.memory_space<vmem>>[vector<16xi32>], vector<16xf32>,
        %add3A_508 = arith.constant 525 : i32
        %add3A_509 = vector.broadcast %add3A_508 : i32 to vector<16xi32>
        %add3A_510 = arith.addi %mul3A_366, %add3A_509 : vector<16xi32>
        tpu.vector_store_idx %arg30[%add3A_510], %get3A_468 : memref<2048xf32, #tpu.memory_space<vmem>>[vector<16xi32>], vector<16xf32>,
        %add3A_511 = arith.constant 526 : i32
        %add3A_512 = vector.broadcast %add3A_511 : i32 to vector<16xi32>
        %add3A_513 = arith.addi %mul3A_366, %add3A_512 : vector<16xi32>
        tpu.vector_store_idx %arg30[%add3A_513], %get3A_468 : memref<2048xf32, #tpu.memory_space<vmem>>[vector<16xi32>], vector<16xf32>,
        %add3A_514 = arith.constant 527 : i32
        %add3A_515 = vector.broadcast %add3A_514 : i32 to vector<16xi32>
        %add3A_516 = arith.addi %mul3A_366, %add3A_515 : vector<16xi32>
        tpu.vector_store_idx %arg30[%add3A_516], %get3A_468 : memref<2048xf32, #tpu.memory_space<vmem>>[vector<16xi32>], vector<16xf32>,
        %get3A_517 = arith.constant 48 : index
        %get3A_518 = tpu.vector_load %arg22[%get3A_517] {strides = array<i32>} : memref<128xf32, #tpu.memory_space<vmem>>, vector<16xf32>,
        %add3A_519 = arith.constant 768 : i32
        %add3A_520 = vector.broadcast %add3A_519 : i32 to vector<16xi32>
        %add3A_521 = arith.addi %mul3A_366, %add3A_520 : vector<16xi32>
        tpu.vector_store_idx %arg30[%add3A_521], %get3A_518 : memref<2048xf32, #tpu.memory_space<vmem>>[vector<16xi32>], vector<16xf32>,
        %add3A_522 = arith.constant 769 : i32
        %add3A_523 = vector.broadcast %add3A_522 : i32 to vector<16xi32>
        %add3A_524 = arith.addi %mul3A_366, %add3A_523 : vector<16xi32>
        tpu.vector_store_idx %arg30[%add3A_524], %get3A_518 : memref<2048xf32, #tpu.memory_space<vmem>>[vector<16xi32>], vector<16xf32>,
        %add3A_525 = arith.constant 770 : i32
        %add3A_526 = vector.broadcast %add3A_525 : i32 to vector<16xi32>
        %add3A_527 = arith.addi %mul3A_366, %add3A_526 : vector<16xi32>
        tpu.vector_store_idx %arg30[%add3A_527], %get3A_518 : memref<2048xf32, #tpu.memory_space<vmem>>[vector<16xi32>], vector<16xf32>,
        %add3A_528 = arith.constant 771 : i32
        %add3A_529 = vector.broadcast %add3A_528 : i32 to vector<16xi32>
        %add3A_530 = arith.addi %mul3A_366, %add3A_529 : vector<16xi32>
        tpu.vector_store_idx %arg30[%add3A_530], %get3A_518 : memref<2048xf32, #tpu.memory_space<vmem>>[vector<16xi32>], vector<16xf32>,
        %add3A_531 = arith.constant 772 : i32
        %add3A_532 = vector.broadcast %add3A_531 : i32 to vector<16xi32>
        %add3A_533 = arith.addi %mul3A_366, %add3A_532 : vector<16xi32>
        tpu.vector_store_idx %arg30[%add3A_533], %get3A_518 : memref<2048xf32, #tpu.memory_space<vmem>>[vector<16xi32>], vector<16xf32>,
        %add3A_534 = arith.constant 773 : i32
        %add3A_535 = vector.broadcast %add3A_534 : i32 to vector<16xi32>
        %add3A_536 = arith.addi %mul3A_366, %add3A_535 : vector<16xi32>
        tpu.vector_store_idx %arg30[%add3A_536], %get3A_518 : memref<2048xf32, #tpu.memory_space<vmem>>[vector<16xi32>], vector<16xf32>,
        %add3A_537 = arith.constant 774 : i32
        %add3A_538 = vector.broadcast %add3A_537 : i32 to vector<16xi32>
        %add3A_539 = arith.addi %mul3A_366, %add3A_538 : vector<16xi32>
        tpu.vector_store_idx %arg30[%add3A_539], %get3A_518 : memref<2048xf32, #tpu.memory_space<vmem>>[vector<16xi32>], vector<16xf32>,
        %add3A_540 = arith.constant 775 : i32
        %add3A_541 = vector.broadcast %add3A_540 : i32 to vector<16xi32>
        %add3A_542 = arith.addi %mul3A_366, %add3A_541 : vector<16xi32>
        tpu.vector_store_idx %arg30[%add3A_542], %get3A_518 : memref<2048xf32, #tpu.memory_space<vmem>>[vector<16xi32>], vector<16xf32>,
        %add3A_543 = arith.constant 776 : i32
        %add3A_544 = vector.broadcast %add3A_543 : i32 to vector<16xi32>
        %add3A_545 = arith.addi %mul3A_366, %add3A_544 : vector<16xi32>
        tpu.vector_store_idx %arg30[%add3A_545], %get3A_518 : memref<2048xf32, #tpu.memory_space<vmem>>[vector<16xi32>], vector<16xf32>,
        %add3A_546 = arith.constant 777 : i32
        %add3A_547 = vector.broadcast %add3A_546 : i32 to vector<16xi32>
        %add3A_548 = arith.addi %mul3A_366, %add3A_547 : vector<16xi32>
        tpu.vector_store_idx %arg30[%add3A_548], %get3A_518 : memref<2048xf32, #tpu.memory_space<vmem>>[vector<16xi32>], vector<16xf32>,
        %add3A_549 = arith.constant 778 : i32
        %add3A_550 = vector.broadcast %add3A_549 : i32 to vector<16xi32>
        %add3A_551 = arith.addi %mul3A_366, %add3A_550 : vector<16xi32>
        tpu.vector_store_idx %arg30[%add3A_551], %get3A_518 : memref<2048xf32, #tpu.memory_space<vmem>>[vector<16xi32>], vector<16xf32>,
        %add3A_552 = arith.constant 779 : i32
        %add3A_553 = vector.broadcast %add3A_552 : i32 to vector<16xi32>
        %add3A_554 = arith.addi %mul3A_366, %add3A_553 : vector<16xi32>
        tpu.vector_store_idx %arg30[%add3A_554], %get3A_518 : memref<2048xf32, #tpu.memory_space<vmem>>[vector<16xi32>], vector<16xf32>,
        %add3A_555 = arith.constant 780 : i32
        %add3A_556 = vector.broadcast %add3A_555 : i32 to vector<16xi32>
        %add3A_557 = arith.addi %mul3A_366, %add3A_556 : vector<16xi32>
        tpu.vector_store_idx %arg30[%add3A_557], %get3A_518 : memref<2048xf32, #tpu.memory_space<vmem>>[vector<16xi32>], vector<16xf32>,
        %add3A_558 = arith.constant 781 : i32
        %add3A_559 = vector.broadcast %add3A_558 : i32 to vector<16xi32>
        %add3A_560 = arith.addi %mul3A_366, %add3A_559 : vector<16xi32>
        tpu.vector_store_idx %arg30[%add3A_560], %get3A_518 : memref<2048xf32, #tpu.memory_space<vmem>>[vector<16xi32>], vector<16xf32>,
        %add3A_561 = arith.constant 782 : i32
        %add3A_562 = vector.broadcast %add3A_561 : i32 to vector<16xi32>
        %add3A_563 = arith.addi %mul3A_366, %add3A_562 : vector<16xi32>
        tpu.vector_store_idx %arg30[%add3A_563], %get3A_518 : memref<2048xf32, #tpu.memory_space<vmem>>[vector<16xi32>], vector<16xf32>,
        %add3A_564 = arith.constant 783 : i32
        %add3A_565 = vector.broadcast %add3A_564 : i32 to vector<16xi32>
        %add3A_566 = arith.addi %mul3A_366, %add3A_565 : vector<16xi32>
        tpu.vector_store_idx %arg30[%add3A_566], %get3A_518 : memref<2048xf32, #tpu.memory_space<vmem>>[vector<16xi32>], vector<16xf32>,
        %get3A_567 = arith.constant 64 : index
        %get3A_568 = tpu.vector_load %arg22[%get3A_567] {strides = array<i32>} : memref<128xf32, #tpu.memory_space<vmem>>, vector<16xf32>,
        %add3A_569 = arith.constant 1024 : i32
        %add3A_570 = vector.broadcast %add3A_569 : i32 to vector<16xi32>
        %add3A_571 = arith.addi %mul3A_366, %add3A_570 : vector<16xi32>
        tpu.vector_store_idx %arg30[%add3A_571], %get3A_568 : memref<2048xf32, #tpu.memory_space<vmem>>[vector<16xi32>], vector<16xf32>,
        %add3A_572 = arith.constant 1025 : i32
        %add3A_573 = vector.broadcast %add3A_572 : i32 to vector<16xi32>
        %add3A_574 = arith.addi %mul3A_366, %add3A_573 : vector<16xi32>
        tpu.vector_store_idx %arg30[%add3A_574], %get3A_568 : memref<2048xf32, #tpu.memory_space<vmem>>[vector<16xi32>], vector<16xf32>,
        %add3A_575 = arith.constant 1026 : i32
        %add3A_576 = vector.broadcast %add3A_575 : i32 to vector<16xi32>
        %add3A_577 = arith.addi %mul3A_366, %add3A_576 : vector<16xi32>
        tpu.vector_store_idx %arg30[%add3A_577], %get3A_568 : memref<2048xf32, #tpu.memory_space<vmem>>[vector<16xi32>], vector<16xf32>,
        %add3A_578 = arith.constant 1027 : i32
        %add3A_579 = vector.broadcast %add3A_578 : i32 to vector<16xi32>
        %add3A_580 = arith.addi %mul3A_366, %add3A_579 : vector<16xi32>
        tpu.vector_store_idx %arg30[%add3A_580], %get3A_568 : memref<2048xf32, #tpu.memory_space<vmem>>[vector<16xi32>], vector<16xf32>,
        %add3A_581 = arith.constant 1028 : i32
        %add3A_582 = vector.broadcast %add3A_581 : i32 to vector<16xi32>
        %add3A_583 = arith.addi %mul3A_366, %add3A_582 : vector<16xi32>
        tpu.vector_store_idx %arg30[%add3A_583], %get3A_568 : memref<2048xf32, #tpu.memory_space<vmem>>[vector<16xi32>], vector<16xf32>,
        %add3A_584 = arith.constant 1029 : i32
        %add3A_585 = vector.broadcast %add3A_584 : i32 to vector<16xi32>
        %add3A_586 = arith.addi %mul3A_366, %add3A_585 : vector<16xi32>
        tpu.vector_store_idx %arg30[%add3A_586], %get3A_568 : memref<2048xf32, #tpu.memory_space<vmem>>[vector<16xi32>], vector<16xf32>,
        %add3A_587 = arith.constant 1030 : i32
        %add3A_588 = vector.broadcast %add3A_587 : i32 to vector<16xi32>
        %add3A_589 = arith.addi %mul3A_366, %add3A_588 : vector<16xi32>
        tpu.vector_store_idx %arg30[%add3A_589], %get3A_568 : memref<2048xf32, #tpu.memory_space<vmem>>[vector<16xi32>], vector<16xf32>,
        %add3A_590 = arith.constant 1031 : i32
        %add3A_591 = vector.broadcast %add3A_590 : i32 to vector<16xi32>
        %add3A_592 = arith.addi %mul3A_366, %add3A_591 : vector<16xi32>
        tpu.vector_store_idx %arg30[%add3A_592], %get3A_568 : memref<2048xf32, #tpu.memory_space<vmem>>[vector<16xi32>], vector<16xf32>,
        %add3A_593 = arith.constant 1032 : i32
        %add3A_594 = vector.broadcast %add3A_593 : i32 to vector<16xi32>
        %add3A_595 = arith.addi %mul3A_366, %add3A_594 : vector<16xi32>
        tpu.vector_store_idx %arg30[%add3A_595], %get3A_568 : memref<2048xf32, #tpu.memory_space<vmem>>[vector<16xi32>], vector<16xf32>,
        %add3A_596 = arith.constant 1033 : i32
        %add3A_597 = vector.broadcast %add3A_596 : i32 to vector<16xi32>
        %add3A_598 = arith.addi %mul3A_366, %add3A_597 : vector<16xi32>
        tpu.vector_store_idx %arg30[%add3A_598], %get3A_568 : memref<2048xf32, #tpu.memory_space<vmem>>[vector<16xi32>], vector<16xf32>,
        %add3A_599 = arith.constant 1034 : i32
        %add3A_600 = vector.broadcast %add3A_599 : i32 to vector<16xi32>
        %add3A_601 = arith.addi %mul3A_366, %add3A_600 : vector<16xi32>
        tpu.vector_store_idx %arg30[%add3A_601], %get3A_568 : memref<2048xf32, #tpu.memory_space<vmem>>[vector<16xi32>], vector<16xf32>,
        %add3A_602 = arith.constant 1035 : i32
        %add3A_603 = vector.broadcast %add3A_602 : i32 to vector<16xi32>
        %add3A_604 = arith.addi %mul3A_366, %add3A_603 : vector<16xi32>
        tpu.vector_store_idx %arg30[%add3A_604], %get3A_568 : memref<2048xf32, #tpu.memory_space<vmem>>[vector<16xi32>], vector<16xf32>,
        %add3A_605 = arith.constant 1036 : i32
        %add3A_606 = vector.broadcast %add3A_605 : i32 to vector<16xi32>
        %add3A_607 = arith.addi %mul3A_366, %add3A_606 : vector<16xi32>
        tpu.vector_store_idx %arg30[%add3A_607], %get3A_568 : memref<2048xf32, #tpu.memory_space<vmem>>[vector<16xi32>], vector<16xf32>,
        %add3A_608 = arith.constant 1037 : i32
        %add3A_609 = vector.broadcast %add3A_608 : i32 to vector<16xi32>
        %add3A_610 = arith.addi %mul3A_366, %add3A_609 : vector<16xi32>
        tpu.vector_store_idx %arg30[%add3A_610], %get3A_568 : memref<2048xf32, #tpu.memory_space<vmem>>[vector<16xi32>], vector<16xf32>,
        %add3A_611 = arith.constant 1038 : i32
        %add3A_612 = vector.broadcast %add3A_611 : i32 to vector<16xi32>
        %add3A_613 = arith.addi %mul3A_366, %add3A_612 : vector<16xi32>
        tpu.vector_store_idx %arg30[%add3A_613], %get3A_568 : memref<2048xf32, #tpu.memory_space<vmem>>[vector<16xi32>], vector<16xf32>,
        %add3A_614 = arith.constant 1039 : i32
        %add3A_615 = vector.broadcast %add3A_614 : i32 to vector<16xi32>
        %add3A_616 = arith.addi %mul3A_366, %add3A_615 : vector<16xi32>
        tpu.vector_store_idx %arg30[%add3A_616], %get3A_568 : memref<2048xf32, #tpu.memory_space<vmem>>[vector<16xi32>], vector<16xf32>,
        %get3A_617 = arith.constant 80 : index
        %get3A_618 = tpu.vector_load %arg22[%get3A_617] {strides = array<i32>} : memref<128xf32, #tpu.memory_space<vmem>>, vector<16xf32>,
        %add3A_619 = arith.constant 1280 : i32
        %add3A_620 = vector.broadcast %add3A_619 : i32 to vector<16xi32>
        %add3A_621 = arith.addi %mul3A_366, %add3A_620 : vector<16xi32>
        tpu.vector_store_idx %arg30[%add3A_621], %get3A_618 : memref<2048xf32, #tpu.memory_space<vmem>>[vector<16xi32>], vector<16xf32>,
        %add3A_622 = arith.constant 1281 : i32
        %add3A_623 = vector.broadcast %add3A_622 : i32 to vector<16xi32>
        %add3A_624 = arith.addi %mul3A_366, %add3A_623 : vector<16xi32>
        tpu.vector_store_idx %arg30[%add3A_624], %get3A_618 : memref<2048xf32, #tpu.memory_space<vmem>>[vector<16xi32>], vector<16xf32>,
        %add3A_625 = arith.constant 1282 : i32
        %add3A_626 = vector.broadcast %add3A_625 : i32 to vector<16xi32>
        %add3A_627 = arith.addi %mul3A_366, %add3A_626 : vector<16xi32>
        tpu.vector_store_idx %arg30[%add3A_627], %get3A_618 : memref<2048xf32, #tpu.memory_space<vmem>>[vector<16xi32>], vector<16xf32>,
        %add3A_628 = arith.constant 1283 : i32
        %add3A_629 = vector.broadcast %add3A_628 : i32 to vector<16xi32>
        %add3A_630 = arith.addi %mul3A_366, %add3A_629 : vector<16xi32>
        tpu.vector_store_idx %arg30[%add3A_630], %get3A_618 : memref<2048xf32, #tpu.memory_space<vmem>>[vector<16xi32>], vector<16xf32>,
        %add3A_631 = arith.constant 1284 : i32
        %add3A_632 = vector.broadcast %add3A_631 : i32 to vector<16xi32>
        %add3A_633 = arith.addi %mul3A_366, %add3A_632 : vector<16xi32>
        tpu.vector_store_idx %arg30[%add3A_633], %get3A_618 : memref<2048xf32, #tpu.memory_space<vmem>>[vector<16xi32>], vector<16xf32>,
        %add3A_634 = arith.constant 1285 : i32
        %add3A_635 = vector.broadcast %add3A_634 : i32 to vector<16xi32>
        %add3A_636 = arith.addi %mul3A_366, %add3A_635 : vector<16xi32>
        tpu.vector_store_idx %arg30[%add3A_636], %get3A_618 : memref<2048xf32, #tpu.memory_space<vmem>>[vector<16xi32>], vector<16xf32>,
        %add3A_637 = arith.constant 1286 : i32
        %add3A_638 = vector.broadcast %add3A_637 : i32 to vector<16xi32>
        %add3A_639 = arith.addi %mul3A_366, %add3A_638 : vector<16xi32>
        tpu.vector_store_idx %arg30[%add3A_639], %get3A_618 : memref<2048xf32, #tpu.memory_space<vmem>>[vector<16xi32>], vector<16xf32>,
        %add3A_640 = arith.constant 1287 : i32
        %add3A_641 = vector.broadcast %add3A_640 : i32 to vector<16xi32>
        %add3A_642 = arith.addi %mul3A_366, %add3A_641 : vector<16xi32>
        tpu.vector_store_idx %arg30[%add3A_642], %get3A_618 : memref<2048xf32, #tpu.memory_space<vmem>>[vector<16xi32>], vector<16xf32>,
        %add3A_643 = arith.constant 1288 : i32
        %add3A_644 = vector.broadcast %add3A_643 : i32 to vector<16xi32>
        %add3A_645 = arith.addi %mul3A_366, %add3A_644 : vector<16xi32>
        tpu.vector_store_idx %arg30[%add3A_645], %get3A_618 : memref<2048xf32, #tpu.memory_space<vmem>>[vector<16xi32>], vector<16xf32>,
        %add3A_646 = arith.constant 1289 : i32
        %add3A_647 = vector.broadcast %add3A_646 : i32 to vector<16xi32>
        %add3A_648 = arith.addi %mul3A_366, %add3A_647 : vector<16xi32>
        tpu.vector_store_idx %arg30[%add3A_648], %get3A_618 : memref<2048xf32, #tpu.memory_space<vmem>>[vector<16xi32>], vector<16xf32>,
        %add3A_649 = arith.constant 1290 : i32
        %add3A_650 = vector.broadcast %add3A_649 : i32 to vector<16xi32>
        %add3A_651 = arith.addi %mul3A_366, %add3A_650 : vector<16xi32>
        tpu.vector_store_idx %arg30[%add3A_651], %get3A_618 : memref<2048xf32, #tpu.memory_space<vmem>>[vector<16xi32>], vector<16xf32>,
        %add3A_652 = arith.constant 1291 : i32
        %add3A_653 = vector.broadcast %add3A_652 : i32 to vector<16xi32>
        %add3A_654 = arith.addi %mul3A_366, %add3A_653 : vector<16xi32>
        tpu.vector_store_idx %arg30[%add3A_654], %get3A_618 : memref<2048xf32, #tpu.memory_space<vmem>>[vector<16xi32>], vector<16xf32>,
        %add3A_655 = arith.constant 1292 : i32
        %add3A_656 = vector.broadcast %add3A_655 : i32 to vector<16xi32>
        %add3A_657 = arith.addi %mul3A_366, %add3A_656 : vector<16xi32>
        tpu.vector_store_idx %arg30[%add3A_657], %get3A_618 : memref<2048xf32, #tpu.memory_space<vmem>>[vector<16xi32>], vector<16xf32>,
        %add3A_658 = arith.constant 1293 : i32
        %add3A_659 = vector.broadcast %add3A_658 : i32 to vector<16xi32>
        %add3A_660 = arith.addi %mul3A_366, %add3A_659 : vector<16xi32>
        tpu.vector_store_idx %arg30[%add3A_660], %get3A_618 : memref<2048xf32, #tpu.memory_space<vmem>>[vector<16xi32>], vector<16xf32>,
        %add3A_661 = arith.constant 1294 : i32
        %add3A_662 = vector.broadcast %add3A_661 : i32 to vector<16xi32>
        %add3A_663 = arith.addi %mul3A_366, %add3A_662 : vector<16xi32>
        tpu.vector_store_idx %arg30[%add3A_663], %get3A_618 : memref<2048xf32, #tpu.memory_space<vmem>>[vector<16xi32>], vector<16xf32>,
        %add3A_664 = arith.constant 1295 : i32
        %add3A_665 = vector.broadcast %add3A_664 : i32 to vector<16xi32>
        %add3A_666 = arith.addi %mul3A_366, %add3A_665 : vector<16xi32>
        tpu.vector_store_idx %arg30[%add3A_666], %get3A_618 : memref<2048xf32, #tpu.memory_space<vmem>>[vector<16xi32>], vector<16xf32>,
        %get3A_667 = arith.constant 96 : index
        %get3A_668 = tpu.vector_load %arg22[%get3A_667] {strides = array<i32>} : memref<128xf32, #tpu.memory_space<vmem>>, vector<16xf32>,
        %add3A_669 = arith.constant 1536 : i32
        %add3A_670 = vector.broadcast %add3A_669 : i32 to vector<16xi32>
        %add3A_671 = arith.addi %mul3A_366, %add3A_670 : vector<16xi32>
        tpu.vector_store_idx %arg30[%add3A_671], %get3A_668 : memref<2048xf32, #tpu.memory_space<vmem>>[vector<16xi32>], vector<16xf32>,
        %add3A_672 = arith.constant 1537 : i32
        %add3A_673 = vector.broadcast %add3A_672 : i32 to vector<16xi32>
        %add3A_674 = arith.addi %mul3A_366, %add3A_673 : vector<16xi32>
        tpu.vector_store_idx %arg30[%add3A_674], %get3A_668 : memref<2048xf32, #tpu.memory_space<vmem>>[vector<16xi32>], vector<16xf32>,
        %add3A_675 = arith.constant 1538 : i32
        %add3A_676 = vector.broadcast %add3A_675 : i32 to vector<16xi32>
        %add3A_677 = arith.addi %mul3A_366, %add3A_676 : vector<16xi32>
        tpu.vector_store_idx %arg30[%add3A_677], %get3A_668 : memref<2048xf32, #tpu.memory_space<vmem>>[vector<16xi32>], vector<16xf32>,
        %add3A_678 = arith.constant 1539 : i32
        %add3A_679 = vector.broadcast %add3A_678 : i32 to vector<16xi32>
        %add3A_680 = arith.addi %mul3A_366, %add3A_679 : vector<16xi32>
        tpu.vector_store_idx %arg30[%add3A_680], %get3A_668 : memref<2048xf32, #tpu.memory_space<vmem>>[vector<16xi32>], vector<16xf32>,
        %add3A_681 = arith.constant 1540 : i32
        %add3A_682 = vector.broadcast %add3A_681 : i32 to vector<16xi32>
        %add3A_683 = arith.addi %mul3A_366, %add3A_682 : vector<16xi32>
        tpu.vector_store_idx %arg30[%add3A_683], %get3A_668 : memref<2048xf32, #tpu.memory_space<vmem>>[vector<16xi32>], vector<16xf32>,
        %add3A_684 = arith.constant 1541 : i32
        %add3A_685 = vector.broadcast %add3A_684 : i32 to vector<16xi32>
        %add3A_686 = arith.addi %mul3A_366, %add3A_685 : vector<16xi32>
        tpu.vector_store_idx %arg30[%add3A_686], %get3A_668 : memref<2048xf32, #tpu.memory_space<vmem>>[vector<16xi32>], vector<16xf32>,
        %add3A_687 = arith.constant 1542 : i32
        %add3A_688 = vector.broadcast %add3A_687 : i32 to vector<16xi32>
        %add3A_689 = arith.addi %mul3A_366, %add3A_688 : vector<16xi32>
        tpu.vector_store_idx %arg30[%add3A_689], %get3A_668 : memref<2048xf32, #tpu.memory_space<vmem>>[vector<16xi32>], vector<16xf32>,
        %add3A_690 = arith.constant 1543 : i32
        %add3A_691 = vector.broadcast %add3A_690 : i32 to vector<16xi32>
        %add3A_692 = arith.addi %mul3A_366, %add3A_691 : vector<16xi32>
        tpu.vector_store_idx %arg30[%add3A_692], %get3A_668 : memref<2048xf32, #tpu.memory_space<vmem>>[vector<16xi32>], vector<16xf32>,
        %add3A_693 = arith.constant 1544 : i32
        %add3A_694 = vector.broadcast %add3A_693 : i32 to vector<16xi32>
        %add3A_695 = arith.addi %mul3A_366, %add3A_694 : vector<16xi32>
        tpu.vector_store_idx %arg30[%add3A_695], %get3A_668 : memref<2048xf32, #tpu.memory_space<vmem>>[vector<16xi32>], vector<16xf32>,
        %add3A_696 = arith.constant 1545 : i32
        %add3A_697 = vector.broadcast %add3A_696 : i32 to vector<16xi32>
        %add3A_698 = arith.addi %mul3A_366, %add3A_697 : vector<16xi32>
        tpu.vector_store_idx %arg30[%add3A_698], %get3A_668 : memref<2048xf32, #tpu.memory_space<vmem>>[vector<16xi32>], vector<16xf32>,
        %add3A_699 = arith.constant 1546 : i32
        %add3A_700 = vector.broadcast %add3A_699 : i32 to vector<16xi32>
        %add3A_701 = arith.addi %mul3A_366, %add3A_700 : vector<16xi32>
        tpu.vector_store_idx %arg30[%add3A_701], %get3A_668 : memref<2048xf32, #tpu.memory_space<vmem>>[vector<16xi32>], vector<16xf32>,
        %add3A_702 = arith.constant 1547 : i32
        %add3A_703 = vector.broadcast %add3A_702 : i32 to vector<16xi32>
        %add3A_704 = arith.addi %mul3A_366, %add3A_703 : vector<16xi32>
        tpu.vector_store_idx %arg30[%add3A_704], %get3A_668 : memref<2048xf32, #tpu.memory_space<vmem>>[vector<16xi32>], vector<16xf32>,
        %add3A_705 = arith.constant 1548 : i32
        %add3A_706 = vector.broadcast %add3A_705 : i32 to vector<16xi32>
        %add3A_707 = arith.addi %mul3A_366, %add3A_706 : vector<16xi32>
        tpu.vector_store_idx %arg30[%add3A_707], %get3A_668 : memref<2048xf32, #tpu.memory_space<vmem>>[vector<16xi32>], vector<16xf32>,
        %add3A_708 = arith.constant 1549 : i32
        %add3A_709 = vector.broadcast %add3A_708 : i32 to vector<16xi32>
        %add3A_710 = arith.addi %mul3A_366, %add3A_709 : vector<16xi32>
        tpu.vector_store_idx %arg30[%add3A_710], %get3A_668 : memref<2048xf32, #tpu.memory_space<vmem>>[vector<16xi32>], vector<16xf32>,
        %add3A_711 = arith.constant 1550 : i32
        %add3A_712 = vector.broadcast %add3A_711 : i32 to vector<16xi32>
        %add3A_713 = arith.addi %mul3A_366, %add3A_712 : vector<16xi32>
        tpu.vector_store_idx %arg30[%add3A_713], %get3A_668 : memref<2048xf32, #tpu.memory_space<vmem>>[vector<16xi32>], vector<16xf32>,
        %add3A_714 = arith.constant 1551 : i32
        %add3A_715 = vector.broadcast %add3A_714 : i32 to vector<16xi32>
        %add3A_716 = arith.addi %mul3A_366, %add3A_715 : vector<16xi32>
        tpu.vector_store_idx %arg30[%add3A_716], %get3A_668 : memref<2048xf32, #tpu.memory_space<vmem>>[vector<16xi32>], vector<16xf32>,
        %get3A_717 = arith.constant 112 : index
        %get3A_718 = tpu.vector_load %arg22[%get3A_717] {strides = array<i32>} : memref<128xf32, #tpu.memory_space<vmem>>, vector<16xf32>,
        %add3A_719 = arith.constant 1792 : i32
        %add3A_720 = vector.broadcast %add3A_719 : i32 to vector<16xi32>
        %add3A_721 = arith.addi %mul3A_366, %add3A_720 : vector<16xi32>
        tpu.vector_store_idx %arg30[%add3A_721], %get3A_718 : memref<2048xf32, #tpu.memory_space<vmem>>[vector<16xi32>], vector<16xf32>,
        %add3A_722 = arith.constant 1793 : i32
        %add3A_723 = vector.broadcast %add3A_722 : i32 to vector<16xi32>
        %add3A_724 = arith.addi %mul3A_366, %add3A_723 : vector<16xi32>
        tpu.vector_store_idx %arg30[%add3A_724], %get3A_718 : memref<2048xf32, #tpu.memory_space<vmem>>[vector<16xi32>], vector<16xf32>,
        %add3A_725 = arith.constant 1794 : i32
        %add3A_726 = vector.broadcast %add3A_725 : i32 to vector<16xi32>
        %add3A_727 = arith.addi %mul3A_366, %add3A_726 : vector<16xi32>
        tpu.vector_store_idx %arg30[%add3A_727], %get3A_718 : memref<2048xf32, #tpu.memory_space<vmem>>[vector<16xi32>], vector<16xf32>,
        %add3A_728 = arith.constant 1795 : i32
        %add3A_729 = vector.broadcast %add3A_728 : i32 to vector<16xi32>
        %add3A_730 = arith.addi %mul3A_366, %add3A_729 : vector<16xi32>
        tpu.vector_store_idx %arg30[%add3A_730], %get3A_718 : memref<2048xf32, #tpu.memory_space<vmem>>[vector<16xi32>], vector<16xf32>,
        %add3A_731 = arith.constant 1796 : i32
        %add3A_732 = vector.broadcast %add3A_731 : i32 to vector<16xi32>
        %add3A_733 = arith.addi %mul3A_366, %add3A_732 : vector<16xi32>
        tpu.vector_store_idx %arg30[%add3A_733], %get3A_718 : memref<2048xf32, #tpu.memory_space<vmem>>[vector<16xi32>], vector<16xf32>,
        %add3A_734 = arith.constant 1797 : i32
        %add3A_735 = vector.broadcast %add3A_734 : i32 to vector<16xi32>
        %add3A_736 = arith.addi %mul3A_366, %add3A_735 : vector<16xi32>
        tpu.vector_store_idx %arg30[%add3A_736], %get3A_718 : memref<2048xf32, #tpu.memory_space<vmem>>[vector<16xi32>], vector<16xf32>,
        %add3A_737 = arith.constant 1798 : i32
        %add3A_738 = vector.broadcast %add3A_737 : i32 to vector<16xi32>
        %add3A_739 = arith.addi %mul3A_366, %add3A_738 : vector<16xi32>
        tpu.vector_store_idx %arg30[%add3A_739], %get3A_718 : memref<2048xf32, #tpu.memory_space<vmem>>[vector<16xi32>], vector<16xf32>,
        %add3A_740 = arith.constant 1799 : i32
        %add3A_741 = vector.broadcast %add3A_740 : i32 to vector<16xi32>
        %add3A_742 = arith.addi %mul3A_366, %add3A_741 : vector<16xi32>
        tpu.vector_store_idx %arg30[%add3A_742], %get3A_718 : memref<2048xf32, #tpu.memory_space<vmem>>[vector<16xi32>], vector<16xf32>,
        %add3A_743 = arith.constant 1800 : i32
        %add3A_744 = vector.broadcast %add3A_743 : i32 to vector<16xi32>
        %add3A_745 = arith.addi %mul3A_366, %add3A_744 : vector<16xi32>
        tpu.vector_store_idx %arg30[%add3A_745], %get3A_718 : memref<2048xf32, #tpu.memory_space<vmem>>[vector<16xi32>], vector<16xf32>,
        %add3A_746 = arith.constant 1801 : i32
        %add3A_747 = vector.broadcast %add3A_746 : i32 to vector<16xi32>
        %add3A_748 = arith.addi %mul3A_366, %add3A_747 : vector<16xi32>
        tpu.vector_store_idx %arg30[%add3A_748], %get3A_718 : memref<2048xf32, #tpu.memory_space<vmem>>[vector<16xi32>], vector<16xf32>,
        %add3A_749 = arith.constant 1802 : i32
        %add3A_750 = vector.broadcast %add3A_749 : i32 to vector<16xi32>
        %add3A_751 = arith.addi %mul3A_366, %add3A_750 : vector<16xi32>
        tpu.vector_store_idx %arg30[%add3A_751], %get3A_718 : memref<2048xf32, #tpu.memory_space<vmem>>[vector<16xi32>], vector<16xf32>,
        %add3A_752 = arith.constant 1803 : i32
        %add3A_753 = vector.broadcast %add3A_752 : i32 to vector<16xi32>
        %add3A_754 = arith.addi %mul3A_366, %add3A_753 : vector<16xi32>
        tpu.vector_store_idx %arg30[%add3A_754], %get3A_718 : memref<2048xf32, #tpu.memory_space<vmem>>[vector<16xi32>], vector<16xf32>,
        %add3A_755 = arith.constant 1804 : i32
        %add3A_756 = vector.broadcast %add3A_755 : i32 to vector<16xi32>
        %add3A_757 = arith.addi %mul3A_366, %add3A_756 : vector<16xi32>
        tpu.vector_store_idx %arg30[%add3A_757], %get3A_718 : memref<2048xf32, #tpu.memory_space<vmem>>[vector<16xi32>], vector<16xf32>,
        %add3A_758 = arith.constant 1805 : i32
        %add3A_759 = vector.broadcast %add3A_758 : i32 to vector<16xi32>
        %add3A_760 = arith.addi %mul3A_366, %add3A_759 : vector<16xi32>
        tpu.vector_store_idx %arg30[%add3A_760], %get3A_718 : memref<2048xf32, #tpu.memory_space<vmem>>[vector<16xi32>], vector<16xf32>,
        %add3A_761 = arith.constant 1806 : i32
        %add3A_762 = vector.broadcast %add3A_761 : i32 to vector<16xi32>
        %add3A_763 = arith.addi %mul3A_366, %add3A_762 : vector<16xi32>
        tpu.vector_store_idx %arg30[%add3A_763], %get3A_718 : memref<2048xf32, #tpu.memory_space<vmem>>[vector<16xi32>], vector<16xf32>,
        %add3A_764 = arith.constant 1807 : i32
        %add3A_765 = vector.broadcast %add3A_764 : i32 to vector<16xi32>
        %add3A_766 = arith.addi %mul3A_366, %add3A_765 : vector<16xi32>
        tpu.vector_store_idx %arg30[%add3A_766], %get3A_718 : memref<2048xf32, #tpu.memory_space<vmem>>[vector<16xi32>], vector<16xf32>,
        %scan3A_767 = arith.constant 0 : i32
        %scan3A_768 = arith.constant 128 : i32
        %scan3A_769 = arith.addi %scan3A_767, %scan3A_768 : i32
        %scan3A_770 = arith.constant 1 : i32
        scf.for %scan3A_776 = %scan3A_767 to %scan3A_769 step %scan3A_770  : i32 {
          %mul3A_777 = arith.constant 1 : i32
          %mul3A_778 = arith.muli %scan3A_776, %mul3A_777 : i32
          %add3A_779 = arith.constant 0 : i32
          %add3A_780 = arith.addi %add3A_779, %mul3A_778 : i32
          %mul3A_781 = arith.constant 16 : i32
          %mul3A_782 = arith.muli %add3A_780, %mul3A_781 : i32
          %get3A_783 = arith.index_cast %mul3A_782 : i32 to index
          %get3A_784 = tpu.vector_load %arg30[%get3A_783] {strides = array<i32>} : memref<2048xf32, #tpu.memory_space<vmem>>, vector<16xf32>,
          %get3A_785 = arith.index_cast %add3A_780 : i32 to index
          %get3A_786 = arith.constant 0 : index
          %get3A_787 = tpu.vector_load %arg26[%get3A_785, %get3A_786] {strides = array<i32>} : memref<128x128xf32, #tpu.memory_space<vmem>>, vector<16xf32>,
          %get3A_788 = arith.index_cast %add3A_780 : i32 to index
          %get3A_789 = arith.constant 0 : index
          %get3A_790 = tpu.vector_load %arg24[%get3A_788, %get3A_789] {strides = array<i32>} : memref<128x128xf32, #tpu.memory_space<vmem>>, vector<16xf32>,
          %add3A_791 = arith.addf %get3A_790, %get3A_787 : vector<16xf32>
          %get3A_792 = arith.index_cast %add3A_780 : i32 to index
          %get3A_793 = arith.constant 0 : index
          %get3A_794 = tpu.vector_load %arg25[%get3A_792, %get3A_793] {strides = array<i32>} : memref<128x128xf32, #tpu.memory_space<vmem>>, vector<16xf32>,
          %add3A_795 = arith.addf %get3A_794, %get3A_787 : vector<16xf32>
          %mul3A_796 = arith.mulf %add3A_791, %add3A_795 : vector<16xf32>
          %mul3A_797 = arith.mulf %mul3A_796, %get3A_784 : vector<16xf32>
          %swap3A_798 = arith.index_cast %add3A_780 : i32 to index
          %swap3A_799 = arith.constant 0 : index
          %swap3A_800 = tpu.vector_load %arg28[%swap3A_798, %swap3A_799] {strides = array<i32>} : memref<128x128xf32, #tpu.memory_space<vmem>>, vector<16xf32>,
          tpu.vector_store %arg28[%swap3A_798, %swap3A_799], %mul3A_797 {strides = array<i32>} : memref<128x128xf32, #tpu.memory_space<vmem>>, vector<16xf32>,
          %get3A_801 = arith.index_cast %add3A_780 : i32 to index
          %get3A_802 = arith.constant 16 : index
          %get3A_803 = tpu.vector_load %arg26[%get3A_801, %get3A_802] {strides = array<i32>} : memref<128x128xf32, #tpu.memory_space<vmem>>, vector<16xf32>,
          %get3A_804 = arith.index_cast %add3A_780 : i32 to index
          %get3A_805 = arith.constant 16 : index
          %get3A_806 = tpu.vector_load %arg24[%get3A_804, %get3A_805] {strides = array<i32>} : memref<128x128xf32, #tpu.memory_space<vmem>>, vector<16xf32>,
          %add3A_807 = arith.addf %get3A_806, %get3A_803 : vector<16xf32>
          %get3A_808 = arith.index_cast %add3A_780 : i32 to index
          %get3A_809 = arith.constant 16 : index
          %get3A_810 = tpu.vector_load %arg25[%get3A_808, %get3A_809] {strides = array<i32>} : memref<128x128xf32, #tpu.memory_space<vmem>>, vector<16xf32>,
          %add3A_811 = arith.addf %get3A_810, %get3A_803 : vector<16xf32>
          %mul3A_812 = arith.mulf %add3A_807, %add3A_811 : vector<16xf32>
          %mul3A_813 = arith.mulf %mul3A_812, %get3A_784 : vector<16xf32>
          %swap3A_814 = arith.index_cast %add3A_780 : i32 to index
          %swap3A_815 = arith.constant 16 : index
          %swap3A_816 = tpu.vector_load %arg28[%swap3A_814, %swap3A_815] {strides = array<i32>} : memref<128x128xf32, #tpu.memory_space<vmem>>, vector<16xf32>,
          tpu.vector_store %arg28[%swap3A_814, %swap3A_815], %mul3A_813 {strides = array<i32>} : memref<128x128xf32, #tpu.memory_space<vmem>>, vector<16xf32>,
          %get3A_817 = arith.index_cast %add3A_780 : i32 to index
          %get3A_818 = arith.constant 32 : index
          %get3A_819 = tpu.vector_load %arg26[%get3A_817, %get3A_818] {strides = array<i32>} : memref<128x128xf32, #tpu.memory_space<vmem>>, vector<16xf32>,
          %get3A_820 = arith.index_cast %add3A_780 : i32 to index
          %get3A_821 = arith.constant 32 : index
          %get3A_822 = tpu.vector_load %arg24[%get3A_820, %get3A_821] {strides = array<i32>} : memref<128x128xf32, #tpu.memory_space<vmem>>, vector<16xf32>,
          %add3A_823 = arith.addf %get3A_822, %get3A_819 : vector<16xf32>
          %get3A_824 = arith.index_cast %add3A_780 : i32 to index
          %get3A_825 = arith.constant 32 : index
          %get3A_826 = tpu.vector_load %arg25[%get3A_824, %get3A_825] {strides = array<i32>} : memref<128x128xf32, #tpu.memory_space<vmem>>, vector<16xf32>,
          %add3A_827 = arith.addf %get3A_826, %get3A_819 : vector<16xf32>
          %mul3A_828 = arith.mulf %add3A_823, %add3A_827 : vector<16xf32>
          %mul3A_829 = arith.mulf %mul3A_828, %get3A_784 : vector<16xf32>
          %swap3A_830 = arith.index_cast %add3A_780 : i32 to index
          %swap3A_831 = arith.constant 32 : index
          %swap3A_832 = tpu.vector_load %arg28[%swap3A_830, %swap3A_831] {strides = array<i32>} : memref<128x128xf32, #tpu.memory_space<vmem>>, vector<16xf32>,
          tpu.vector_store %arg28[%swap3A_830, %swap3A_831], %mul3A_829 {strides = array<i32>} : memref<128x128xf32, #tpu.memory_space<vmem>>, vector<16xf32>,
          %get3A_833 = arith.index_cast %add3A_780 : i32 to index
          %get3A_834 = arith.constant 48 : index
          %get3A_835 = tpu.vector_load %arg26[%get3A_833, %get3A_834] {strides = array<i32>} : memref<128x128xf32, #tpu.memory_space<vmem>>, vector<16xf32>,
          %get3A_836 = arith.index_cast %add3A_780 : i32 to index
          %get3A_837 = arith.constant 48 : index
          %get3A_838 = tpu.vector_load %arg24[%get3A_836, %get3A_837] {strides = array<i32>} : memref<128x128xf32, #tpu.memory_space<vmem>>, vector<16xf32>,
          %add3A_839 = arith.addf %get3A_838, %get3A_835 : vector<16xf32>
          %get3A_840 = arith.index_cast %add3A_780 : i32 to index
          %get3A_841 = arith.constant 48 : index
          %get3A_842 = tpu.vector_load %arg25[%get3A_840, %get3A_841] {strides = array<i32>} : memref<128x128xf32, #tpu.memory_space<vmem>>, vector<16xf32>,
          %add3A_843 = arith.addf %get3A_842, %get3A_835 : vector<16xf32>
          %mul3A_844 = arith.mulf %add3A_839, %add3A_843 : vector<16xf32>
          %mul3A_845 = arith.mulf %mul3A_844, %get3A_784 : vector<16xf32>
          %swap3A_846 = arith.index_cast %add3A_780 : i32 to index
          %swap3A_847 = arith.constant 48 : index
          %swap3A_848 = tpu.vector_load %arg28[%swap3A_846, %swap3A_847] {strides = array<i32>} : memref<128x128xf32, #tpu.memory_space<vmem>>, vector<16xf32>,
          tpu.vector_store %arg28[%swap3A_846, %swap3A_847], %mul3A_845 {strides = array<i32>} : memref<128x128xf32, #tpu.memory_space<vmem>>, vector<16xf32>,
          %get3A_849 = arith.index_cast %add3A_780 : i32 to index
          %get3A_850 = arith.constant 64 : index
          %get3A_851 = tpu.vector_load %arg26[%get3A_849, %get3A_850] {strides = array<i32>} : memref<128x128xf32, #tpu.memory_space<vmem>>, vector<16xf32>,
          %get3A_852 = arith.index_cast %add3A_780 : i32 to index
          %get3A_853 = arith.constant 64 : index
          %get3A_854 = tpu.vector_load %arg24[%get3A_852, %get3A_853] {strides = array<i32>} : memref<128x128xf32, #tpu.memory_space<vmem>>, vector<16xf32>,
          %add3A_855 = arith.addf %get3A_854, %get3A_851 : vector<16xf32>
          %get3A_856 = arith.index_cast %add3A_780 : i32 to index
          %get3A_857 = arith.constant 64 : index
          %get3A_858 = tpu.vector_load %arg25[%get3A_856, %get3A_857] {strides = array<i32>} : memref<128x128xf32, #tpu.memory_space<vmem>>, vector<16xf32>,
          %add3A_859 = arith.addf %get3A_858, %get3A_851 : vector<16xf32>
          %mul3A_860 = arith.mulf %add3A_855, %add3A_859 : vector<16xf32>
          %mul3A_861 = arith.mulf %mul3A_860, %get3A_784 : vector<16xf32>
          %swap3A_862 = arith.index_cast %add3A_780 : i32 to index
          %swap3A_863 = arith.constant 64 : index
          %swap3A_864 = tpu.vector_load %arg28[%swap3A_862, %swap3A_863] {strides = array<i32>} : memref<128x128xf32, #tpu.memory_space<vmem>>, vector<16xf32>,
          tpu.vector_store %arg28[%swap3A_862, %swap3A_863], %mul3A_861 {strides = array<i32>} : memref<128x128xf32, #tpu.memory_space<vmem>>, vector<16xf32>,
          %get3A_865 = arith.index_cast %add3A_780 : i32 to index
          %get3A_866 = arith.constant 80 : index
          %get3A_867 = tpu.vector_load %arg26[%get3A_865, %get3A_866] {strides = array<i32>} : memref<128x128xf32, #tpu.memory_space<vmem>>, vector<16xf32>,
          %get3A_868 = arith.index_cast %add3A_780 : i32 to index
          %get3A_869 = arith.constant 80 : index
          %get3A_870 = tpu.vector_load %arg24[%get3A_868, %get3A_869] {strides = array<i32>} : memref<128x128xf32, #tpu.memory_space<vmem>>, vector<16xf32>,
          %add3A_871 = arith.addf %get3A_870, %get3A_867 : vector<16xf32>
          %get3A_872 = arith.index_cast %add3A_780 : i32 to index
          %get3A_873 = arith.constant 80 : index
          %get3A_874 = tpu.vector_load %arg25[%get3A_872, %get3A_873] {strides = array<i32>} : memref<128x128xf32, #tpu.memory_space<vmem>>, vector<16xf32>,
          %add3A_875 = arith.addf %get3A_874, %get3A_867 : vector<16xf32>
          %mul3A_876 = arith.mulf %add3A_871, %add3A_875 : vector<16xf32>
          %mul3A_877 = arith.mulf %mul3A_876, %get3A_784 : vector<16xf32>
          %swap3A_878 = arith.index_cast %add3A_780 : i32 to index
          %swap3A_879 = arith.constant 80 : index
          %swap3A_880 = tpu.vector_load %arg28[%swap3A_878, %swap3A_879] {strides = array<i32>} : memref<128x128xf32, #tpu.memory_space<vmem>>, vector<16xf32>,
          tpu.vector_store %arg28[%swap3A_878, %swap3A_879], %mul3A_877 {strides = array<i32>} : memref<128x128xf32, #tpu.memory_space<vmem>>, vector<16xf32>,
          %get3A_881 = arith.index_cast %add3A_780 : i32 to index
          %get3A_882 = arith.constant 96 : index
          %get3A_883 = tpu.vector_load %arg26[%get3A_881, %get3A_882] {strides = array<i32>} : memref<128x128xf32, #tpu.memory_space<vmem>>, vector<16xf32>,
          %get3A_884 = arith.index_cast %add3A_780 : i32 to index
          %get3A_885 = arith.constant 96 : index
          %get3A_886 = tpu.vector_load %arg24[%get3A_884, %get3A_885] {strides = array<i32>} : memref<128x128xf32, #tpu.memory_space<vmem>>, vector<16xf32>,
          %add3A_887 = arith.addf %get3A_886, %get3A_883 : vector<16xf32>
          %get3A_888 = arith.index_cast %add3A_780 : i32 to index
          %get3A_889 = arith.constant 96 : index
          %get3A_890 = tpu.vector_load %arg25[%get3A_888, %get3A_889] {strides = array<i32>} : memref<128x128xf32, #tpu.memory_space<vmem>>, vector<16xf32>,
          %add3A_891 = arith.addf %get3A_890, %get3A_883 : vector<16xf32>
          %mul3A_892 = arith.mulf %add3A_887, %add3A_891 : vector<16xf32>
          %mul3A_893 = arith.mulf %mul3A_892, %get3A_784 : vector<16xf32>
          %swap3A_894 = arith.index_cast %add3A_780 : i32 to index
          %swap3A_895 = arith.constant 96 : index
          %swap3A_896 = tpu.vector_load %arg28[%swap3A_894, %swap3A_895] {strides = array<i32>} : memref<128x128xf32, #tpu.memory_space<vmem>>, vector<16xf32>,
          tpu.vector_store %arg28[%swap3A_894, %swap3A_895], %mul3A_893 {strides = array<i32>} : memref<128x128xf32, #tpu.memory_space<vmem>>, vector<16xf32>,
          %get3A_897 = arith.index_cast %add3A_780 : i32 to index
          %get3A_898 = arith.constant 112 : index
          %get3A_899 = tpu.vector_load %arg26[%get3A_897, %get3A_898] {strides = array<i32>} : memref<128x128xf32, #tpu.memory_space<vmem>>, vector<16xf32>,
          %get3A_900 = arith.index_cast %add3A_780 : i32 to index
          %get3A_901 = arith.constant 112 : index
          %get3A_902 = tpu.vector_load %arg24[%get3A_900, %get3A_901] {strides = array<i32>} : memref<128x128xf32, #tpu.memory_space<vmem>>, vector<16xf32>,
          %add3A_903 = arith.addf %get3A_902, %get3A_899 : vector<16xf32>
          %get3A_904 = arith.index_cast %add3A_780 : i32 to index
          %get3A_905 = arith.constant 112 : index
          %get3A_906 = tpu.vector_load %arg25[%get3A_904, %get3A_905] {strides = array<i32>} : memref<128x128xf32, #tpu.memory_space<vmem>>, vector<16xf32>,
          %add3A_907 = arith.addf %get3A_906, %get3A_899 : vector<16xf32>
          %mul3A_908 = arith.mulf %add3A_903, %add3A_907 : vector<16xf32>
          %mul3A_909 = arith.mulf %mul3A_908, %get3A_784 : vector<16xf32>
          %swap3A_910 = arith.index_cast %add3A_780 : i32 to index
          %swap3A_911 = arith.constant 112 : index
          %swap3A_912 = tpu.vector_load %arg28[%swap3A_910, %swap3A_911] {strides = array<i32>} : memref<128x128xf32, #tpu.memory_space<vmem>>, vector<16xf32>,
          tpu.vector_store %arg28[%swap3A_910, %swap3A_911], %mul3A_909 {strides = array<i32>} : memref<128x128xf32, #tpu.memory_space<vmem>>, vector<16xf32>,
        }
        %scan3A_771 = arith.constant 128 : i32
        %dma_start3A_772 = arith.constant 0 : i32
        %dma_start3A_773 = tpu.memref_slice %arg11[%mul3A_76, %dma_start3A_772] : memref<320000x128xf32, #tpu.memory_space<hbm>> -> memref<128x128xf32, #tpu.memory_space<hbm>>
        %dma_start3A_774 = arith.constant 0 : i32
        %dma_start3A_775 = tpu.memref_slice %arg11[%mul3A_76, %dma_start3A_774] : memref<320000x128xf32, #tpu.memory_space<hbm>> -> memref<128x128xf32, #tpu.memory_space<hbm>>
        tpu.enqueue_dma source(%arg28 : memref<128x128xf32, #tpu.memory_space<vmem>>) target(%dma_start3A_775 : memref<128x128xf32, #tpu.memory_space<hbm>>) target_semaphore(%arg43 : memref<!tpu.dma_semaphore, #tpu.memory_space<semaphore_mem>>)
      } else {
      }
    }
    %scan3A_20 = arith.constant 40 : i32
    %lt3A = arith.constant 4 : i32
    %lt3A_21 = arith.cmpi slt, %add3A, %lt3A : i32
    %convert_element_type3A_22 = arith.extui %lt3A_21 : i1 to i32
    %cond3A_23 = arith.constant 0 : i32
    %cond3A_24 = arith.cmpi ne, %convert_element_type3A_22, %cond3A_23 : i32
    scf.if %cond3A_24 {
      %dma_wait3A_46 = arith.constant 0 : i32
      %dma_wait3A_47 = tpu.memref_slice %arg33[%dma_wait3A_46] : memref<10240xf32, #tpu.memory_space<vmem_shared>> -> memref<10240xf32, #tpu.memory_space<vmem_shared>>
      tpu.wait_indirect_dma semaphore(%arg40 : memref<!tpu.dma_semaphore, #tpu.memory_space<semaphore_mem>>) src(%arg21 : memref<128xf32, #tpu.memory_space<vmem>>) dst(%dma_wait3A_47 : memref<10240xf32, #tpu.memory_space<vmem_shared>>)
    } else {
    }
    %ge3A = arith.constant 4 : i32
    %ge3A_25 = arith.cmpi sge, %add3A, %ge3A : i32
    %convert_element_type3A_26 = arith.extui %ge3A_25 : i1 to i32
    %cond3A_27 = arith.constant 0 : i32
    %cond3A_28 = arith.cmpi ne, %convert_element_type3A_26, %cond3A_27 : i32
    scf.if %cond3A_28 {
      %dma_wait3A_46 = arith.constant 0 : i32
      %dma_wait3A_47 = tpu.memref_slice %arg33[%dma_wait3A_46] : memref<10240xf32, #tpu.memory_space<vmem_shared>> -> memref<10240xf32, #tpu.memory_space<vmem_shared>>
      tpu.wait_indirect_dma semaphore(%arg41 : memref<!tpu.dma_semaphore, #tpu.memory_space<semaphore_mem>>) src(%arg22 : memref<128xf32, #tpu.memory_space<vmem>>) dst(%dma_wait3A_47 : memref<10240xf32, #tpu.memory_space<vmem_shared>>)
    } else {
    }
    %dma_wait3A = arith.constant 0 : i32
    %dma_wait3A_29 = arith.constant 0 : i32
    %dma_wait3A_30 = tpu.memref_slice %arg11[%dma_wait3A, %dma_wait3A_29] : memref<320000x128xf32, #tpu.memory_space<hbm>> -> memref<128x128xf32, #tpu.memory_space<hbm>>
    %dma_wait3A_31 = arith.constant 0 : i32
    %dma_wait3A_32 = arith.constant 0 : i32
    %dma_wait3A_33 = tpu.memref_slice %arg11[%dma_wait3A_31, %dma_wait3A_32] : memref<320000x128xf32, #tpu.memory_space<hbm>> -> memref<128x128xf32, #tpu.memory_space<hbm>>
    tpu.wait_dma2 semaphore(%arg42 : memref<!tpu.dma_semaphore, #tpu.memory_space<semaphore_mem>>) src(%arg27 : memref<128x128xf32, #tpu.memory_space<vmem>>) dst(%dma_wait3A_33 : memref<128x128xf32, #tpu.memory_space<hbm>>)
    %dma_wait3A_34 = arith.constant 0 : i32
    %dma_wait3A_35 = arith.constant 0 : i32
    %dma_wait3A_36 = tpu.memref_slice %arg11[%dma_wait3A_34, %dma_wait3A_35] : memref<320000x128xf32, #tpu.memory_space<hbm>> -> memref<128x128xf32, #tpu.memory_space<hbm>>
    %dma_wait3A_37 = arith.constant 0 : i32
    %dma_wait3A_38 = arith.constant 0 : i32
    %dma_wait3A_39 = tpu.memref_slice %arg11[%dma_wait3A_37, %dma_wait3A_38] : memref<320000x128xf32, #tpu.memory_space<hbm>> -> memref<128x128xf32, #tpu.memory_space<hbm>>
    tpu.wait_dma2 semaphore(%arg43 : memref<!tpu.dma_semaphore, #tpu.memory_space<semaphore_mem>>) src(%arg28 : memref<128x128xf32, #tpu.memory_space<vmem>>) dst(%dma_wait3A_39 : memref<128x128xf32, #tpu.memory_space<hbm>>)
    %barrier3A_40 = arith.constant 0 : index
    tpu.barrier barrier_id(%barrier3A_40)
    %eq3A_41 = arith.constant 0 : i32
    %eq3A_42 = arith.cmpi eq, %arg1, %eq3A_41 : i32
    %convert_element_type3A_43 = arith.extui %eq3A_42 : i1 to i32
    %cond3A_44 = arith.constant 0 : i32
    %cond3A_45 = arith.cmpi ne, %convert_element_type3A_43, %cond3A_44 : i32
    scf.if %cond3A_45 {
      %mul3A_46 = arith.constant 10240 : i32
      %mul3A_47 = arith.muli %arg0, %mul3A_46 : i32
      "tpu.region"() ({
        %run_scoped3A = tpu.sem_alloc : memref<!tpu.dma_semaphore, #tpu.memory_space<semaphore_mem>>
        %dma_start3A_48 = tpu.memref_slice %arg12[%mul3A_47] : memref<20480xf32, #tpu.memory_space<hbm>> -> memref<10240xf32, #tpu.memory_space<hbm>>
        tpu.enqueue_dma source(%arg33 : memref<10240xf32, #tpu.memory_space<vmem_shared>>) target(%dma_start3A_48 : memref<10240xf32, #tpu.memory_space<hbm>>) target_semaphore(%run_scoped3A : memref<!tpu.dma_semaphore, #tpu.memory_space<semaphore_mem>>)
        %dma_wait3A_49 = tpu.memref_slice %arg12[%mul3A_47] : memref<20480xf32, #tpu.memory_space<hbm>> -> memref<10240xf32, #tpu.memory_space<hbm>>
        tpu.wait_dma2 semaphore(%run_scoped3A : memref<!tpu.dma_semaphore, #tpu.memory_space<semaphore_mem>>) src(%arg33 : memref<10240xf32, #tpu.memory_space<vmem_shared>>) dst(%dma_wait3A_49 : memref<10240xf32, #tpu.memory_space<hbm>>)
        tpu.yield
      }) : () -> ()
    } else {
    }
    return
  }
}

#map = affine_map<(d0, d1) -> (0, 0)>
#map1 = affine_map<(d0, d1) -> (0)>
#map2 = affine_map<(d0, d1) -> (0, 0, 0)>
module attributes {stable_mosaic.version = 14 : i64} {
  func.func @_aggr_kernel_body(%arg0: i32, %arg1: i32, %arg2: memref<320000x128xf32, #tpu.memory_space<hbm>>, %arg3: memref<320000xi32, #tpu.memory_space<hbm>>, %arg4: memref<2x10112x128xf32, #tpu.memory_space<hbm>>, %arg5: memref<128x128xf32, #tpu.memory_space<vmem>>, %arg6: memref<128x128xf32, #tpu.memory_space<vmem>>, %arg7: memref<128xi32, #tpu.memory_space<vmem>>, %arg8: memref<128xi32, #tpu.memory_space<vmem>>, %arg9: memref<128x128xf32, #tpu.memory_space<vmem>>, %arg10: memref<10112x128xf32, #tpu.memory_space<vmem_shared>>, %arg11: memref<!tpu.dma_semaphore, #tpu.memory_space<semaphore_mem>>, %arg12: memref<!tpu.dma_semaphore, #tpu.memory_space<semaphore_mem>>, %arg13: memref<!tpu.dma_semaphore, #tpu.memory_space<semaphore_mem>>, %arg14: memref<!tpu.dma_semaphore, #tpu.memory_space<semaphore_mem>>) attributes {dimension_semantics = [#tpu.dimension_semantics<core_parallel>, #tpu.dimension_semantics<subcore_parallel>], iteration_bounds = array<i64: 2, 16>, scalar_prefetch = 0 : i64, scratch_operands = 10 : i64, tpu.core_type = #tpu.core_type<sc_vector_subcore>, window_params = [{transform_indices = #map}, {transform_indices = #map1}, {transform_indices = #map2}]} {
    %mul3A = arith.constant 2 : i32
    %mul3A_0 = arith.muli %arg1, %mul3A : i32
    %add3A = arith.addi %mul3A_0, %arg0 : i32
    %scan3A = arith.constant 0 : i32
    %scan3A_1 = arith.constant 128 : i32
    %scan3A_2 = arith.addi %scan3A, %scan3A_1 : i32
    %scan3A_3 = arith.constant 1 : i32
    scf.for %scan3A_48 = %scan3A to %scan3A_2 step %scan3A_3  : i32 {
      %mul3A_49 = arith.constant 1 : i32
      %mul3A_50 = arith.muli %scan3A_48, %mul3A_49 : i32
      %add3A_51 = arith.constant 0 : i32
      %add3A_52 = arith.addi %add3A_51, %mul3A_50 : i32
      %broadcast_in_dim3A = arith.constant 0.000000e+00 : f32
      %broadcast_in_dim3A_53 = vector.broadcast %broadcast_in_dim3A : f32 to vector<16xf32>
      %swap3A = arith.index_cast %add3A_52 : i32 to index
      %swap3A_54 = arith.constant 0 : index
      %swap3A_55 = tpu.vector_load %arg9[%swap3A, %swap3A_54] {strides = array<i32>} : memref<128x128xf32, #tpu.memory_space<vmem>>, vector<16xf32>,
      tpu.vector_store %arg9[%swap3A, %swap3A_54], %broadcast_in_dim3A_53 {strides = array<i32>} : memref<128x128xf32, #tpu.memory_space<vmem>>, vector<16xf32>,
      %broadcast_in_dim3A_56 = arith.constant 0.000000e+00 : f32
      %broadcast_in_dim3A_57 = vector.broadcast %broadcast_in_dim3A_56 : f32 to vector<16xf32>
      %swap3A_58 = arith.index_cast %add3A_52 : i32 to index
      %swap3A_59 = arith.constant 16 : index
      %swap3A_60 = tpu.vector_load %arg9[%swap3A_58, %swap3A_59] {strides = array<i32>} : memref<128x128xf32, #tpu.memory_space<vmem>>, vector<16xf32>,
      tpu.vector_store %arg9[%swap3A_58, %swap3A_59], %broadcast_in_dim3A_57 {strides = array<i32>} : memref<128x128xf32, #tpu.memory_space<vmem>>, vector<16xf32>,
      %broadcast_in_dim3A_61 = arith.constant 0.000000e+00 : f32
      %broadcast_in_dim3A_62 = vector.broadcast %broadcast_in_dim3A_61 : f32 to vector<16xf32>
      %swap3A_63 = arith.index_cast %add3A_52 : i32 to index
      %swap3A_64 = arith.constant 32 : index
      %swap3A_65 = tpu.vector_load %arg9[%swap3A_63, %swap3A_64] {strides = array<i32>} : memref<128x128xf32, #tpu.memory_space<vmem>>, vector<16xf32>,
      tpu.vector_store %arg9[%swap3A_63, %swap3A_64], %broadcast_in_dim3A_62 {strides = array<i32>} : memref<128x128xf32, #tpu.memory_space<vmem>>, vector<16xf32>,
      %broadcast_in_dim3A_66 = arith.constant 0.000000e+00 : f32
      %broadcast_in_dim3A_67 = vector.broadcast %broadcast_in_dim3A_66 : f32 to vector<16xf32>
      %swap3A_68 = arith.index_cast %add3A_52 : i32 to index
      %swap3A_69 = arith.constant 48 : index
      %swap3A_70 = tpu.vector_load %arg9[%swap3A_68, %swap3A_69] {strides = array<i32>} : memref<128x128xf32, #tpu.memory_space<vmem>>, vector<16xf32>,
      tpu.vector_store %arg9[%swap3A_68, %swap3A_69], %broadcast_in_dim3A_67 {strides = array<i32>} : memref<128x128xf32, #tpu.memory_space<vmem>>, vector<16xf32>,
      %broadcast_in_dim3A_71 = arith.constant 0.000000e+00 : f32
      %broadcast_in_dim3A_72 = vector.broadcast %broadcast_in_dim3A_71 : f32 to vector<16xf32>
      %swap3A_73 = arith.index_cast %add3A_52 : i32 to index
      %swap3A_74 = arith.constant 64 : index
      %swap3A_75 = tpu.vector_load %arg9[%swap3A_73, %swap3A_74] {strides = array<i32>} : memref<128x128xf32, #tpu.memory_space<vmem>>, vector<16xf32>,
      tpu.vector_store %arg9[%swap3A_73, %swap3A_74], %broadcast_in_dim3A_72 {strides = array<i32>} : memref<128x128xf32, #tpu.memory_space<vmem>>, vector<16xf32>,
      %broadcast_in_dim3A_76 = arith.constant 0.000000e+00 : f32
      %broadcast_in_dim3A_77 = vector.broadcast %broadcast_in_dim3A_76 : f32 to vector<16xf32>
      %swap3A_78 = arith.index_cast %add3A_52 : i32 to index
      %swap3A_79 = arith.constant 80 : index
      %swap3A_80 = tpu.vector_load %arg9[%swap3A_78, %swap3A_79] {strides = array<i32>} : memref<128x128xf32, #tpu.memory_space<vmem>>, vector<16xf32>,
      tpu.vector_store %arg9[%swap3A_78, %swap3A_79], %broadcast_in_dim3A_77 {strides = array<i32>} : memref<128x128xf32, #tpu.memory_space<vmem>>, vector<16xf32>,
      %broadcast_in_dim3A_81 = arith.constant 0.000000e+00 : f32
      %broadcast_in_dim3A_82 = vector.broadcast %broadcast_in_dim3A_81 : f32 to vector<16xf32>
      %swap3A_83 = arith.index_cast %add3A_52 : i32 to index
      %swap3A_84 = arith.constant 96 : index
      %swap3A_85 = tpu.vector_load %arg9[%swap3A_83, %swap3A_84] {strides = array<i32>} : memref<128x128xf32, #tpu.memory_space<vmem>>, vector<16xf32>,
      tpu.vector_store %arg9[%swap3A_83, %swap3A_84], %broadcast_in_dim3A_82 {strides = array<i32>} : memref<128x128xf32, #tpu.memory_space<vmem>>, vector<16xf32>,
      %broadcast_in_dim3A_86 = arith.constant 0.000000e+00 : f32
      %broadcast_in_dim3A_87 = vector.broadcast %broadcast_in_dim3A_86 : f32 to vector<16xf32>
      %swap3A_88 = arith.index_cast %add3A_52 : i32 to index
      %swap3A_89 = arith.constant 112 : index
      %swap3A_90 = tpu.vector_load %arg9[%swap3A_88, %swap3A_89] {strides = array<i32>} : memref<128x128xf32, #tpu.memory_space<vmem>>, vector<16xf32>,
      tpu.vector_store %arg9[%swap3A_88, %swap3A_89], %broadcast_in_dim3A_87 {strides = array<i32>} : memref<128x128xf32, #tpu.memory_space<vmem>>, vector<16xf32>,
    }
    %scan3A_4 = arith.constant 128 : i32
    %mul3A_5 = arith.constant 632 : i32
    %mul3A_6 = arith.muli %arg1, %mul3A_5 : i32
    %add3A_7 = arith.constant 0 : i32
    %add3A_8 = arith.addi %mul3A_6, %add3A_7 : i32
    "tpu.region"() ({
      %run_scoped3A = tpu.sem_alloc : memref<!tpu.dma_semaphore, #tpu.memory_space<semaphore_mem>>
      %dma_start3A_48 = arith.constant 0 : i32
      %dma_start3A_49 = arith.constant 0 : i32
      %dma_start3A_50 = tpu.memref_slice %arg9[%dma_start3A_48, %dma_start3A_49] : memref<128x128xf32, #tpu.memory_space<vmem>> -> memref<128x128xf32, #tpu.memory_space<vmem>>
      %dma_start3A_51 = arith.constant 0 : i32
      %dma_start3A_52 = tpu.memref_slice %arg10[%add3A_8, %dma_start3A_51] : memref<10112x128xf32, #tpu.memory_space<vmem_shared>> -> memref<128x128xf32, #tpu.memory_space<vmem_shared>>
      %dma_start3A_53 = arith.constant 0 : i32
      %dma_start3A_54 = tpu.memref_slice %arg10[%add3A_8, %dma_start3A_53] : memref<10112x128xf32, #tpu.memory_space<vmem_shared>> -> memref<128x128xf32, #tpu.memory_space<vmem_shared>>
      %dma_start3A_55 = arith.constant 0 : i32
      %dma_start3A_56 = arith.constant 0 : i32
      %dma_start3A_57 = tpu.memref_slice %arg9[%dma_start3A_55, %dma_start3A_56] : memref<128x128xf32, #tpu.memory_space<vmem>> -> memref<128x128xf32, #tpu.memory_space<vmem>>
      tpu.enqueue_dma source(%dma_start3A_57 : memref<128x128xf32, #tpu.memory_space<vmem>>) target(%dma_start3A_54 : memref<128x128xf32, #tpu.memory_space<vmem_shared>>) target_semaphore(%run_scoped3A : memref<!tpu.dma_semaphore, #tpu.memory_space<semaphore_mem>>)
      %dma_wait3A = arith.constant 0 : i32
      %dma_wait3A_58 = arith.constant 0 : i32
      %dma_wait3A_59 = tpu.memref_slice %arg9[%dma_wait3A, %dma_wait3A_58] : memref<128x128xf32, #tpu.memory_space<vmem>> -> memref<128x128xf32, #tpu.memory_space<vmem>>
      %dma_wait3A_60 = arith.constant 0 : i32
      %dma_wait3A_61 = tpu.memref_slice %arg10[%add3A_8, %dma_wait3A_60] : memref<10112x128xf32, #tpu.memory_space<vmem_shared>> -> memref<128x128xf32, #tpu.memory_space<vmem_shared>>
      %dma_wait3A_62 = arith.constant 0 : i32
      %dma_wait3A_63 = tpu.memref_slice %arg10[%add3A_8, %dma_wait3A_62] : memref<10112x128xf32, #tpu.memory_space<vmem_shared>> -> memref<128x128xf32, #tpu.memory_space<vmem_shared>>
      %dma_wait3A_64 = arith.constant 0 : i32
      %dma_wait3A_65 = arith.constant 0 : i32
      %dma_wait3A_66 = tpu.memref_slice %arg9[%dma_wait3A_64, %dma_wait3A_65] : memref<128x128xf32, #tpu.memory_space<vmem>> -> memref<128x128xf32, #tpu.memory_space<vmem>>
      tpu.wait_dma2 semaphore(%run_scoped3A : memref<!tpu.dma_semaphore, #tpu.memory_space<semaphore_mem>>) src(%dma_wait3A_66 : memref<128x128xf32, #tpu.memory_space<vmem>>) dst(%dma_wait3A_63 : memref<128x128xf32, #tpu.memory_space<vmem_shared>>)
      tpu.yield
    }) : () -> ()
    %mul3A_9 = arith.constant 632 : i32
    %mul3A_10 = arith.muli %arg1, %mul3A_9 : i32
    %add3A_11 = arith.constant 128 : i32
    %add3A_12 = arith.addi %mul3A_10, %add3A_11 : i32
    "tpu.region"() ({
      %run_scoped3A = tpu.sem_alloc : memref<!tpu.dma_semaphore, #tpu.memory_space<semaphore_mem>>
      %dma_start3A_48 = arith.constant 0 : i32
      %dma_start3A_49 = arith.constant 0 : i32
      %dma_start3A_50 = tpu.memref_slice %arg9[%dma_start3A_48, %dma_start3A_49] : memref<128x128xf32, #tpu.memory_space<vmem>> -> memref<128x128xf32, #tpu.memory_space<vmem>>
      %dma_start3A_51 = arith.constant 0 : i32
      %dma_start3A_52 = tpu.memref_slice %arg10[%add3A_12, %dma_start3A_51] : memref<10112x128xf32, #tpu.memory_space<vmem_shared>> -> memref<128x128xf32, #tpu.memory_space<vmem_shared>>
      %dma_start3A_53 = arith.constant 0 : i32
      %dma_start3A_54 = tpu.memref_slice %arg10[%add3A_12, %dma_start3A_53] : memref<10112x128xf32, #tpu.memory_space<vmem_shared>> -> memref<128x128xf32, #tpu.memory_space<vmem_shared>>
      %dma_start3A_55 = arith.constant 0 : i32
      %dma_start3A_56 = arith.constant 0 : i32
      %dma_start3A_57 = tpu.memref_slice %arg9[%dma_start3A_55, %dma_start3A_56] : memref<128x128xf32, #tpu.memory_space<vmem>> -> memref<128x128xf32, #tpu.memory_space<vmem>>
      tpu.enqueue_dma source(%dma_start3A_57 : memref<128x128xf32, #tpu.memory_space<vmem>>) target(%dma_start3A_54 : memref<128x128xf32, #tpu.memory_space<vmem_shared>>) target_semaphore(%run_scoped3A : memref<!tpu.dma_semaphore, #tpu.memory_space<semaphore_mem>>)
      %dma_wait3A = arith.constant 0 : i32
      %dma_wait3A_58 = arith.constant 0 : i32
      %dma_wait3A_59 = tpu.memref_slice %arg9[%dma_wait3A, %dma_wait3A_58] : memref<128x128xf32, #tpu.memory_space<vmem>> -> memref<128x128xf32, #tpu.memory_space<vmem>>
      %dma_wait3A_60 = arith.constant 0 : i32
      %dma_wait3A_61 = tpu.memref_slice %arg10[%add3A_12, %dma_wait3A_60] : memref<10112x128xf32, #tpu.memory_space<vmem_shared>> -> memref<128x128xf32, #tpu.memory_space<vmem_shared>>
      %dma_wait3A_62 = arith.constant 0 : i32
      %dma_wait3A_63 = tpu.memref_slice %arg10[%add3A_12, %dma_wait3A_62] : memref<10112x128xf32, #tpu.memory_space<vmem_shared>> -> memref<128x128xf32, #tpu.memory_space<vmem_shared>>
      %dma_wait3A_64 = arith.constant 0 : i32
      %dma_wait3A_65 = arith.constant 0 : i32
      %dma_wait3A_66 = tpu.memref_slice %arg9[%dma_wait3A_64, %dma_wait3A_65] : memref<128x128xf32, #tpu.memory_space<vmem>> -> memref<128x128xf32, #tpu.memory_space<vmem>>
      tpu.wait_dma2 semaphore(%run_scoped3A : memref<!tpu.dma_semaphore, #tpu.memory_space<semaphore_mem>>) src(%dma_wait3A_66 : memref<128x128xf32, #tpu.memory_space<vmem>>) dst(%dma_wait3A_63 : memref<128x128xf32, #tpu.memory_space<vmem_shared>>)
      tpu.yield
    }) : () -> ()
    %mul3A_13 = arith.constant 632 : i32
    %mul3A_14 = arith.muli %arg1, %mul3A_13 : i32
    %add3A_15 = arith.constant 256 : i32
    %add3A_16 = arith.addi %mul3A_14, %add3A_15 : i32
    "tpu.region"() ({
      %run_scoped3A = tpu.sem_alloc : memref<!tpu.dma_semaphore, #tpu.memory_space<semaphore_mem>>
      %dma_start3A_48 = arith.constant 0 : i32
      %dma_start3A_49 = arith.constant 0 : i32
      %dma_start3A_50 = tpu.memref_slice %arg9[%dma_start3A_48, %dma_start3A_49] : memref<128x128xf32, #tpu.memory_space<vmem>> -> memref<128x128xf32, #tpu.memory_space<vmem>>
      %dma_start3A_51 = arith.constant 0 : i32
      %dma_start3A_52 = tpu.memref_slice %arg10[%add3A_16, %dma_start3A_51] : memref<10112x128xf32, #tpu.memory_space<vmem_shared>> -> memref<128x128xf32, #tpu.memory_space<vmem_shared>>
      %dma_start3A_53 = arith.constant 0 : i32
      %dma_start3A_54 = tpu.memref_slice %arg10[%add3A_16, %dma_start3A_53] : memref<10112x128xf32, #tpu.memory_space<vmem_shared>> -> memref<128x128xf32, #tpu.memory_space<vmem_shared>>
      %dma_start3A_55 = arith.constant 0 : i32
      %dma_start3A_56 = arith.constant 0 : i32
      %dma_start3A_57 = tpu.memref_slice %arg9[%dma_start3A_55, %dma_start3A_56] : memref<128x128xf32, #tpu.memory_space<vmem>> -> memref<128x128xf32, #tpu.memory_space<vmem>>
      tpu.enqueue_dma source(%dma_start3A_57 : memref<128x128xf32, #tpu.memory_space<vmem>>) target(%dma_start3A_54 : memref<128x128xf32, #tpu.memory_space<vmem_shared>>) target_semaphore(%run_scoped3A : memref<!tpu.dma_semaphore, #tpu.memory_space<semaphore_mem>>)
      %dma_wait3A = arith.constant 0 : i32
      %dma_wait3A_58 = arith.constant 0 : i32
      %dma_wait3A_59 = tpu.memref_slice %arg9[%dma_wait3A, %dma_wait3A_58] : memref<128x128xf32, #tpu.memory_space<vmem>> -> memref<128x128xf32, #tpu.memory_space<vmem>>
      %dma_wait3A_60 = arith.constant 0 : i32
      %dma_wait3A_61 = tpu.memref_slice %arg10[%add3A_16, %dma_wait3A_60] : memref<10112x128xf32, #tpu.memory_space<vmem_shared>> -> memref<128x128xf32, #tpu.memory_space<vmem_shared>>
      %dma_wait3A_62 = arith.constant 0 : i32
      %dma_wait3A_63 = tpu.memref_slice %arg10[%add3A_16, %dma_wait3A_62] : memref<10112x128xf32, #tpu.memory_space<vmem_shared>> -> memref<128x128xf32, #tpu.memory_space<vmem_shared>>
      %dma_wait3A_64 = arith.constant 0 : i32
      %dma_wait3A_65 = arith.constant 0 : i32
      %dma_wait3A_66 = tpu.memref_slice %arg9[%dma_wait3A_64, %dma_wait3A_65] : memref<128x128xf32, #tpu.memory_space<vmem>> -> memref<128x128xf32, #tpu.memory_space<vmem>>
      tpu.wait_dma2 semaphore(%run_scoped3A : memref<!tpu.dma_semaphore, #tpu.memory_space<semaphore_mem>>) src(%dma_wait3A_66 : memref<128x128xf32, #tpu.memory_space<vmem>>) dst(%dma_wait3A_63 : memref<128x128xf32, #tpu.memory_space<vmem_shared>>)
      tpu.yield
    }) : () -> ()
    %mul3A_17 = arith.constant 632 : i32
    %mul3A_18 = arith.muli %arg1, %mul3A_17 : i32
    %add3A_19 = arith.constant 384 : i32
    %add3A_20 = arith.addi %mul3A_18, %add3A_19 : i32
    "tpu.region"() ({
      %run_scoped3A = tpu.sem_alloc : memref<!tpu.dma_semaphore, #tpu.memory_space<semaphore_mem>>
      %dma_start3A_48 = arith.constant 0 : i32
      %dma_start3A_49 = arith.constant 0 : i32
      %dma_start3A_50 = tpu.memref_slice %arg9[%dma_start3A_48, %dma_start3A_49] : memref<128x128xf32, #tpu.memory_space<vmem>> -> memref<128x128xf32, #tpu.memory_space<vmem>>
      %dma_start3A_51 = arith.constant 0 : i32
      %dma_start3A_52 = tpu.memref_slice %arg10[%add3A_20, %dma_start3A_51] : memref<10112x128xf32, #tpu.memory_space<vmem_shared>> -> memref<128x128xf32, #tpu.memory_space<vmem_shared>>
      %dma_start3A_53 = arith.constant 0 : i32
      %dma_start3A_54 = tpu.memref_slice %arg10[%add3A_20, %dma_start3A_53] : memref<10112x128xf32, #tpu.memory_space<vmem_shared>> -> memref<128x128xf32, #tpu.memory_space<vmem_shared>>
      %dma_start3A_55 = arith.constant 0 : i32
      %dma_start3A_56 = arith.constant 0 : i32
      %dma_start3A_57 = tpu.memref_slice %arg9[%dma_start3A_55, %dma_start3A_56] : memref<128x128xf32, #tpu.memory_space<vmem>> -> memref<128x128xf32, #tpu.memory_space<vmem>>
      tpu.enqueue_dma source(%dma_start3A_57 : memref<128x128xf32, #tpu.memory_space<vmem>>) target(%dma_start3A_54 : memref<128x128xf32, #tpu.memory_space<vmem_shared>>) target_semaphore(%run_scoped3A : memref<!tpu.dma_semaphore, #tpu.memory_space<semaphore_mem>>)
      %dma_wait3A = arith.constant 0 : i32
      %dma_wait3A_58 = arith.constant 0 : i32
      %dma_wait3A_59 = tpu.memref_slice %arg9[%dma_wait3A, %dma_wait3A_58] : memref<128x128xf32, #tpu.memory_space<vmem>> -> memref<128x128xf32, #tpu.memory_space<vmem>>
      %dma_wait3A_60 = arith.constant 0 : i32
      %dma_wait3A_61 = tpu.memref_slice %arg10[%add3A_20, %dma_wait3A_60] : memref<10112x128xf32, #tpu.memory_space<vmem_shared>> -> memref<128x128xf32, #tpu.memory_space<vmem_shared>>
      %dma_wait3A_62 = arith.constant 0 : i32
      %dma_wait3A_63 = tpu.memref_slice %arg10[%add3A_20, %dma_wait3A_62] : memref<10112x128xf32, #tpu.memory_space<vmem_shared>> -> memref<128x128xf32, #tpu.memory_space<vmem_shared>>
      %dma_wait3A_64 = arith.constant 0 : i32
      %dma_wait3A_65 = arith.constant 0 : i32
      %dma_wait3A_66 = tpu.memref_slice %arg9[%dma_wait3A_64, %dma_wait3A_65] : memref<128x128xf32, #tpu.memory_space<vmem>> -> memref<128x128xf32, #tpu.memory_space<vmem>>
      tpu.wait_dma2 semaphore(%run_scoped3A : memref<!tpu.dma_semaphore, #tpu.memory_space<semaphore_mem>>) src(%dma_wait3A_66 : memref<128x128xf32, #tpu.memory_space<vmem>>) dst(%dma_wait3A_63 : memref<128x128xf32, #tpu.memory_space<vmem_shared>>)
      tpu.yield
    }) : () -> ()
    %mul3A_21 = arith.constant 632 : i32
    %mul3A_22 = arith.muli %arg1, %mul3A_21 : i32
    %add3A_23 = arith.constant 512 : i32
    %add3A_24 = arith.addi %mul3A_22, %add3A_23 : i32
    "tpu.region"() ({
      %run_scoped3A = tpu.sem_alloc : memref<!tpu.dma_semaphore, #tpu.memory_space<semaphore_mem>>
      %dma_start3A_48 = arith.constant 0 : i32
      %dma_start3A_49 = arith.constant 0 : i32
      %dma_start3A_50 = tpu.memref_slice %arg9[%dma_start3A_48, %dma_start3A_49] : memref<128x128xf32, #tpu.memory_space<vmem>> -> memref<120x128xf32, #tpu.memory_space<vmem>>
      %dma_start3A_51 = arith.constant 0 : i32
      %dma_start3A_52 = tpu.memref_slice %arg10[%add3A_24, %dma_start3A_51] : memref<10112x128xf32, #tpu.memory_space<vmem_shared>> -> memref<120x128xf32, #tpu.memory_space<vmem_shared>>
      %dma_start3A_53 = arith.constant 0 : i32
      %dma_start3A_54 = tpu.memref_slice %arg10[%add3A_24, %dma_start3A_53] : memref<10112x128xf32, #tpu.memory_space<vmem_shared>> -> memref<120x128xf32, #tpu.memory_space<vmem_shared>>
      %dma_start3A_55 = arith.constant 0 : i32
      %dma_start3A_56 = arith.constant 0 : i32
      %dma_start3A_57 = tpu.memref_slice %arg9[%dma_start3A_55, %dma_start3A_56] : memref<128x128xf32, #tpu.memory_space<vmem>> -> memref<120x128xf32, #tpu.memory_space<vmem>>
      tpu.enqueue_dma source(%dma_start3A_57 : memref<120x128xf32, #tpu.memory_space<vmem>>) target(%dma_start3A_54 : memref<120x128xf32, #tpu.memory_space<vmem_shared>>) target_semaphore(%run_scoped3A : memref<!tpu.dma_semaphore, #tpu.memory_space<semaphore_mem>>)
      %dma_wait3A = arith.constant 0 : i32
      %dma_wait3A_58 = arith.constant 0 : i32
      %dma_wait3A_59 = tpu.memref_slice %arg9[%dma_wait3A, %dma_wait3A_58] : memref<128x128xf32, #tpu.memory_space<vmem>> -> memref<120x128xf32, #tpu.memory_space<vmem>>
      %dma_wait3A_60 = arith.constant 0 : i32
      %dma_wait3A_61 = tpu.memref_slice %arg10[%add3A_24, %dma_wait3A_60] : memref<10112x128xf32, #tpu.memory_space<vmem_shared>> -> memref<120x128xf32, #tpu.memory_space<vmem_shared>>
      %dma_wait3A_62 = arith.constant 0 : i32
      %dma_wait3A_63 = tpu.memref_slice %arg10[%add3A_24, %dma_wait3A_62] : memref<10112x128xf32, #tpu.memory_space<vmem_shared>> -> memref<120x128xf32, #tpu.memory_space<vmem_shared>>
      %dma_wait3A_64 = arith.constant 0 : i32
      %dma_wait3A_65 = arith.constant 0 : i32
      %dma_wait3A_66 = tpu.memref_slice %arg9[%dma_wait3A_64, %dma_wait3A_65] : memref<128x128xf32, #tpu.memory_space<vmem>> -> memref<120x128xf32, #tpu.memory_space<vmem>>
      tpu.wait_dma2 semaphore(%run_scoped3A : memref<!tpu.dma_semaphore, #tpu.memory_space<semaphore_mem>>) src(%dma_wait3A_66 : memref<120x128xf32, #tpu.memory_space<vmem>>) dst(%dma_wait3A_63 : memref<120x128xf32, #tpu.memory_space<vmem_shared>>)
      tpu.yield
    }) : () -> ()
    %barrier3A = arith.constant 0 : index
    tpu.barrier barrier_id(%barrier3A)
    %mul3A_25 = arith.constant 128 : i32
    %mul3A_26 = arith.muli %add3A, %mul3A_25 : i32
    %dma_start3A = arith.constant 0 : i32
    %dma_start3A_27 = tpu.memref_slice %arg2[%mul3A_26, %dma_start3A] : memref<320000x128xf32, #tpu.memory_space<hbm>> -> memref<128x128xf32, #tpu.memory_space<hbm>>
    %dma_start3A_28 = arith.constant 0 : i32
    %dma_start3A_29 = tpu.memref_slice %arg2[%mul3A_26, %dma_start3A_28] : memref<320000x128xf32, #tpu.memory_space<hbm>> -> memref<128x128xf32, #tpu.memory_space<hbm>>
    tpu.enqueue_dma source(%dma_start3A_29 : memref<128x128xf32, #tpu.memory_space<hbm>>) target(%arg5 : memref<128x128xf32, #tpu.memory_space<vmem>>) target_semaphore(%arg11 : memref<!tpu.dma_semaphore, #tpu.memory_space<semaphore_mem>>)
    %dma_start3A_30 = tpu.memref_slice %arg3[%mul3A_26] : memref<320000xi32, #tpu.memory_space<hbm>> -> memref<128xi32, #tpu.memory_space<hbm>>
    %dma_start3A_31 = tpu.memref_slice %arg3[%mul3A_26] : memref<320000xi32, #tpu.memory_space<hbm>> -> memref<128xi32, #tpu.memory_space<hbm>>
    tpu.enqueue_dma source(%dma_start3A_31 : memref<128xi32, #tpu.memory_space<hbm>>) target(%arg7 : memref<128xi32, #tpu.memory_space<vmem>>) target_semaphore(%arg11 : memref<!tpu.dma_semaphore, #tpu.memory_space<semaphore_mem>>)
    %scan3A_32 = arith.constant 0 : i32
    %scan3A_33 = arith.constant 40 : i32
    %scan3A_34 = arith.addi %scan3A_32, %scan3A_33 : i32
    %scan3A_35 = arith.constant 1 : i32
    scf.for %scan3A_48 = %scan3A_32 to %scan3A_34 step %scan3A_35  : i32 {
      %mul3A_49 = arith.constant 1 : i32
      %mul3A_50 = arith.muli %scan3A_48, %mul3A_49 : i32
      %add3A_51 = arith.constant 0 : i32
      %add3A_52 = arith.addi %add3A_51, %mul3A_50 : i32
      %mul3A_53 = arith.constant 2 : i32
      %mul3A_54 = arith.muli %mul3A_53, %add3A_52 : i32
      %add3A_55 = arith.constant 0 : i32
      %add3A_56 = arith.addi %mul3A_54, %add3A_55 : i32
      %mul3A_57 = arith.constant 32 : i32
      %mul3A_58 = arith.muli %add3A_56, %mul3A_57 : i32
      %add3A_59 = arith.addi %mul3A_58, %add3A : i32
      %lt3A_60 = arith.constant 2500 : i32
      %lt3A_61 = arith.cmpi slt, %add3A_59, %lt3A_60 : i32
      %convert_element_type3A_62 = arith.extui %lt3A_61 : i1 to i32
      %cond3A_63 = arith.constant 0 : i32
      %cond3A_64 = arith.cmpi ne, %convert_element_type3A_62, %cond3A_63 : i32
      scf.if %cond3A_64 {
        %mul3A_77 = arith.constant 128 : i32
        %mul3A_78 = arith.muli %add3A_59, %mul3A_77 : i32
        %dma_wait3A = arith.constant 0 : i32
        %dma_wait3A_79 = tpu.memref_slice %arg2[%mul3A_78, %dma_wait3A] : memref<320000x128xf32, #tpu.memory_space<hbm>> -> memref<128x128xf32, #tpu.memory_space<hbm>>
        %dma_wait3A_80 = arith.constant 0 : i32
        %dma_wait3A_81 = tpu.memref_slice %arg2[%mul3A_78, %dma_wait3A_80] : memref<320000x128xf32, #tpu.memory_space<hbm>> -> memref<128x128xf32, #tpu.memory_space<hbm>>
        tpu.wait_dma2 semaphore(%arg11 : memref<!tpu.dma_semaphore, #tpu.memory_space<semaphore_mem>>) src(%dma_wait3A_81 : memref<128x128xf32, #tpu.memory_space<hbm>>) dst(%arg5 : memref<128x128xf32, #tpu.memory_space<vmem>>)
        %dma_wait3A_82 = tpu.memref_slice %arg3[%mul3A_78] : memref<320000xi32, #tpu.memory_space<hbm>> -> memref<128xi32, #tpu.memory_space<hbm>>
        %dma_wait3A_83 = tpu.memref_slice %arg3[%mul3A_78] : memref<320000xi32, #tpu.memory_space<hbm>> -> memref<128xi32, #tpu.memory_space<hbm>>
        tpu.wait_dma2 semaphore(%arg11 : memref<!tpu.dma_semaphore, #tpu.memory_space<semaphore_mem>>) src(%dma_wait3A_83 : memref<128xi32, #tpu.memory_space<hbm>>) dst(%arg7 : memref<128xi32, #tpu.memory_space<vmem>>)
        %ge3A_84 = arith.constant 1 : i32
        %ge3A_85 = arith.cmpi sge, %add3A_56, %ge3A_84 : i32
        %convert_element_type3A_86 = arith.extui %ge3A_85 : i1 to i32
        %cond3A_87 = arith.constant 0 : i32
        %cond3A_88 = arith.cmpi ne, %convert_element_type3A_86, %cond3A_87 : i32
        scf.if %cond3A_88 {
          %dma_wait3A_99 = arith.constant 0 : i32
          %dma_wait3A_100 = arith.constant 0 : i32
          %dma_wait3A_101 = tpu.memref_slice %arg10[%dma_wait3A_99, %dma_wait3A_100] : memref<10112x128xf32, #tpu.memory_space<vmem_shared>> -> memref<10112x128xf32, #tpu.memory_space<vmem_shared>>
          tpu.wait_indirect_dma semaphore(%arg14 : memref<!tpu.dma_semaphore, #tpu.memory_space<semaphore_mem>>) src(%arg6 : memref<128x128xf32, #tpu.memory_space<vmem>>) dst(%dma_wait3A_101 : memref<10112x128xf32, #tpu.memory_space<vmem_shared>>)
        } else {
        }
        %add3A_89 = arith.constant 32 : i32
        %add3A_90 = arith.addi %add3A_59, %add3A_89 : i32
        %lt3A_91 = arith.constant 2500 : i32
        %lt3A_92 = arith.cmpi slt, %add3A_90, %lt3A_91 : i32
        %convert_element_type3A_93 = arith.extui %lt3A_92 : i1 to i32
        %cond3A_94 = arith.constant 0 : i32
        %cond3A_95 = arith.cmpi ne, %convert_element_type3A_93, %cond3A_94 : i32
        scf.if %cond3A_95 {
          %mul3A_99 = arith.constant 128 : i32
          %mul3A_100 = arith.muli %add3A_90, %mul3A_99 : i32
          %dma_start3A_101 = arith.constant 0 : i32
          %dma_start3A_102 = tpu.memref_slice %arg2[%mul3A_100, %dma_start3A_101] : memref<320000x128xf32, #tpu.memory_space<hbm>> -> memref<128x128xf32, #tpu.memory_space<hbm>>
          %dma_start3A_103 = arith.constant 0 : i32
          %dma_start3A_104 = tpu.memref_slice %arg2[%mul3A_100, %dma_start3A_103] : memref<320000x128xf32, #tpu.memory_space<hbm>> -> memref<128x128xf32, #tpu.memory_space<hbm>>
          tpu.enqueue_dma source(%dma_start3A_104 : memref<128x128xf32, #tpu.memory_space<hbm>>) target(%arg6 : memref<128x128xf32, #tpu.memory_space<vmem>>) target_semaphore(%arg12 : memref<!tpu.dma_semaphore, #tpu.memory_space<semaphore_mem>>)
          %dma_start3A_105 = tpu.memref_slice %arg3[%mul3A_100] : memref<320000xi32, #tpu.memory_space<hbm>> -> memref<128xi32, #tpu.memory_space<hbm>>
          %dma_start3A_106 = tpu.memref_slice %arg3[%mul3A_100] : memref<320000xi32, #tpu.memory_space<hbm>> -> memref<128xi32, #tpu.memory_space<hbm>>
          tpu.enqueue_dma source(%dma_start3A_106 : memref<128xi32, #tpu.memory_space<hbm>>) target(%arg8 : memref<128xi32, #tpu.memory_space<vmem>>) target_semaphore(%arg12 : memref<!tpu.dma_semaphore, #tpu.memory_space<semaphore_mem>>)
        } else {
        }
        %dma_start3A_96 = arith.constant 0 : i32
        %dma_start3A_97 = arith.constant 0 : i32
        %dma_start3A_98 = tpu.memref_slice %arg10[%dma_start3A_96, %dma_start3A_97] : memref<10112x128xf32, #tpu.memory_space<vmem_shared>> -> memref<10112x128xf32, #tpu.memory_space<vmem_shared>>
        tpu.enqueue_indirect_dma source(%arg5 : memref<128x128xf32, #tpu.memory_space<vmem>>) target(%dma_start3A_98 : memref<10112x128xf32, #tpu.memory_space<vmem_shared>>) offsets(%arg7 : memref<128xi32, #tpu.memory_space<vmem>>) semaphore(%arg13 : memref<!tpu.dma_semaphore, #tpu.memory_space<semaphore_mem>>) {add = true}
      } else {
      }
      %mul3A_65 = arith.constant 2 : i32
      %mul3A_66 = arith.muli %mul3A_65, %add3A_52 : i32
      %add3A_67 = arith.constant 1 : i32
      %add3A_68 = arith.addi %mul3A_66, %add3A_67 : i32
      %mul3A_69 = arith.constant 32 : i32
      %mul3A_70 = arith.muli %add3A_68, %mul3A_69 : i32
      %add3A_71 = arith.addi %mul3A_70, %add3A : i32
      %lt3A_72 = arith.constant 2500 : i32
      %lt3A_73 = arith.cmpi slt, %add3A_71, %lt3A_72 : i32
      %convert_element_type3A_74 = arith.extui %lt3A_73 : i1 to i32
      %cond3A_75 = arith.constant 0 : i32
      %cond3A_76 = arith.cmpi ne, %convert_element_type3A_74, %cond3A_75 : i32
      scf.if %cond3A_76 {
        %mul3A_77 = arith.constant 128 : i32
        %mul3A_78 = arith.muli %add3A_71, %mul3A_77 : i32
        %dma_wait3A = arith.constant 0 : i32
        %dma_wait3A_79 = tpu.memref_slice %arg2[%mul3A_78, %dma_wait3A] : memref<320000x128xf32, #tpu.memory_space<hbm>> -> memref<128x128xf32, #tpu.memory_space<hbm>>
        %dma_wait3A_80 = arith.constant 0 : i32
        %dma_wait3A_81 = tpu.memref_slice %arg2[%mul3A_78, %dma_wait3A_80] : memref<320000x128xf32, #tpu.memory_space<hbm>> -> memref<128x128xf32, #tpu.memory_space<hbm>>
        tpu.wait_dma2 semaphore(%arg12 : memref<!tpu.dma_semaphore, #tpu.memory_space<semaphore_mem>>) src(%dma_wait3A_81 : memref<128x128xf32, #tpu.memory_space<hbm>>) dst(%arg6 : memref<128x128xf32, #tpu.memory_space<vmem>>)
        %dma_wait3A_82 = tpu.memref_slice %arg3[%mul3A_78] : memref<320000xi32, #tpu.memory_space<hbm>> -> memref<128xi32, #tpu.memory_space<hbm>>
        %dma_wait3A_83 = tpu.memref_slice %arg3[%mul3A_78] : memref<320000xi32, #tpu.memory_space<hbm>> -> memref<128xi32, #tpu.memory_space<hbm>>
        tpu.wait_dma2 semaphore(%arg12 : memref<!tpu.dma_semaphore, #tpu.memory_space<semaphore_mem>>) src(%dma_wait3A_83 : memref<128xi32, #tpu.memory_space<hbm>>) dst(%arg8 : memref<128xi32, #tpu.memory_space<vmem>>)
        %ge3A_84 = arith.constant 1 : i32
        %ge3A_85 = arith.cmpi sge, %add3A_68, %ge3A_84 : i32
        %convert_element_type3A_86 = arith.extui %ge3A_85 : i1 to i32
        %cond3A_87 = arith.constant 0 : i32
        %cond3A_88 = arith.cmpi ne, %convert_element_type3A_86, %cond3A_87 : i32
        scf.if %cond3A_88 {
          %dma_wait3A_99 = arith.constant 0 : i32
          %dma_wait3A_100 = arith.constant 0 : i32
          %dma_wait3A_101 = tpu.memref_slice %arg10[%dma_wait3A_99, %dma_wait3A_100] : memref<10112x128xf32, #tpu.memory_space<vmem_shared>> -> memref<10112x128xf32, #tpu.memory_space<vmem_shared>>
          tpu.wait_indirect_dma semaphore(%arg13 : memref<!tpu.dma_semaphore, #tpu.memory_space<semaphore_mem>>) src(%arg5 : memref<128x128xf32, #tpu.memory_space<vmem>>) dst(%dma_wait3A_101 : memref<10112x128xf32, #tpu.memory_space<vmem_shared>>)
        } else {
        }
        %add3A_89 = arith.constant 32 : i32
        %add3A_90 = arith.addi %add3A_71, %add3A_89 : i32
        %lt3A_91 = arith.constant 2500 : i32
        %lt3A_92 = arith.cmpi slt, %add3A_90, %lt3A_91 : i32
        %convert_element_type3A_93 = arith.extui %lt3A_92 : i1 to i32
        %cond3A_94 = arith.constant 0 : i32
        %cond3A_95 = arith.cmpi ne, %convert_element_type3A_93, %cond3A_94 : i32
        scf.if %cond3A_95 {
          %mul3A_99 = arith.constant 128 : i32
          %mul3A_100 = arith.muli %add3A_90, %mul3A_99 : i32
          %dma_start3A_101 = arith.constant 0 : i32
          %dma_start3A_102 = tpu.memref_slice %arg2[%mul3A_100, %dma_start3A_101] : memref<320000x128xf32, #tpu.memory_space<hbm>> -> memref<128x128xf32, #tpu.memory_space<hbm>>
          %dma_start3A_103 = arith.constant 0 : i32
          %dma_start3A_104 = tpu.memref_slice %arg2[%mul3A_100, %dma_start3A_103] : memref<320000x128xf32, #tpu.memory_space<hbm>> -> memref<128x128xf32, #tpu.memory_space<hbm>>
          tpu.enqueue_dma source(%dma_start3A_104 : memref<128x128xf32, #tpu.memory_space<hbm>>) target(%arg5 : memref<128x128xf32, #tpu.memory_space<vmem>>) target_semaphore(%arg11 : memref<!tpu.dma_semaphore, #tpu.memory_space<semaphore_mem>>)
          %dma_start3A_105 = tpu.memref_slice %arg3[%mul3A_100] : memref<320000xi32, #tpu.memory_space<hbm>> -> memref<128xi32, #tpu.memory_space<hbm>>
          %dma_start3A_106 = tpu.memref_slice %arg3[%mul3A_100] : memref<320000xi32, #tpu.memory_space<hbm>> -> memref<128xi32, #tpu.memory_space<hbm>>
          tpu.enqueue_dma source(%dma_start3A_106 : memref<128xi32, #tpu.memory_space<hbm>>) target(%arg7 : memref<128xi32, #tpu.memory_space<vmem>>) target_semaphore(%arg11 : memref<!tpu.dma_semaphore, #tpu.memory_space<semaphore_mem>>)
        } else {
        }
        %dma_start3A_96 = arith.constant 0 : i32
        %dma_start3A_97 = arith.constant 0 : i32
        %dma_start3A_98 = tpu.memref_slice %arg10[%dma_start3A_96, %dma_start3A_97] : memref<10112x128xf32, #tpu.memory_space<vmem_shared>> -> memref<10112x128xf32, #tpu.memory_space<vmem_shared>>
        tpu.enqueue_indirect_dma source(%arg6 : memref<128x128xf32, #tpu.memory_space<vmem>>) target(%dma_start3A_98 : memref<10112x128xf32, #tpu.memory_space<vmem_shared>>) offsets(%arg8 : memref<128xi32, #tpu.memory_space<vmem>>) semaphore(%arg14 : memref<!tpu.dma_semaphore, #tpu.memory_space<semaphore_mem>>) {add = true}
      } else {
      }
    }
    %scan3A_36 = arith.constant 40 : i32
    %lt3A = arith.constant 4 : i32
    %lt3A_37 = arith.cmpi slt, %add3A, %lt3A : i32
    %convert_element_type3A = arith.extui %lt3A_37 : i1 to i32
    %cond3A = arith.constant 0 : i32
    %cond3A_38 = arith.cmpi ne, %convert_element_type3A, %cond3A : i32
    scf.if %cond3A_38 {
      %dma_wait3A = arith.constant 0 : i32
      %dma_wait3A_48 = arith.constant 0 : i32
      %dma_wait3A_49 = tpu.memref_slice %arg10[%dma_wait3A, %dma_wait3A_48] : memref<10112x128xf32, #tpu.memory_space<vmem_shared>> -> memref<10112x128xf32, #tpu.memory_space<vmem_shared>>
      tpu.wait_indirect_dma semaphore(%arg13 : memref<!tpu.dma_semaphore, #tpu.memory_space<semaphore_mem>>) src(%arg5 : memref<128x128xf32, #tpu.memory_space<vmem>>) dst(%dma_wait3A_49 : memref<10112x128xf32, #tpu.memory_space<vmem_shared>>)
    } else {
    }
    %ge3A = arith.constant 4 : i32
    %ge3A_39 = arith.cmpi sge, %add3A, %ge3A : i32
    %convert_element_type3A_40 = arith.extui %ge3A_39 : i1 to i32
    %cond3A_41 = arith.constant 0 : i32
    %cond3A_42 = arith.cmpi ne, %convert_element_type3A_40, %cond3A_41 : i32
    scf.if %cond3A_42 {
      %dma_wait3A = arith.constant 0 : i32
      %dma_wait3A_48 = arith.constant 0 : i32
      %dma_wait3A_49 = tpu.memref_slice %arg10[%dma_wait3A, %dma_wait3A_48] : memref<10112x128xf32, #tpu.memory_space<vmem_shared>> -> memref<10112x128xf32, #tpu.memory_space<vmem_shared>>
      tpu.wait_indirect_dma semaphore(%arg14 : memref<!tpu.dma_semaphore, #tpu.memory_space<semaphore_mem>>) src(%arg6 : memref<128x128xf32, #tpu.memory_space<vmem>>) dst(%dma_wait3A_49 : memref<10112x128xf32, #tpu.memory_space<vmem_shared>>)
    } else {
    }
    %barrier3A_43 = arith.constant 0 : index
    tpu.barrier barrier_id(%barrier3A_43)
    %mul3A_44 = arith.constant 632 : i32
    %mul3A_45 = arith.muli %arg1, %mul3A_44 : i32
    %mul3A_46 = arith.constant 632 : i32
    %mul3A_47 = arith.muli %arg1, %mul3A_46 : i32
    "tpu.region"() ({
      %run_scoped3A = tpu.sem_alloc : memref<!tpu.dma_semaphore, #tpu.memory_space<semaphore_mem>>
      %dma_start3A_48 = arith.constant 0 : i32
      %dma_start3A_49 = tpu.memref_slice %arg4[%arg0, %mul3A_47, %dma_start3A_48] : memref<2x10112x128xf32, #tpu.memory_space<hbm>> -> memref<1x632x128xf32, #tpu.memory_space<hbm>>
      %dma_start3A_50 = tpu.memref_squeeze %dma_start3A_49 : memref<1x632x128xf32, #tpu.memory_space<hbm>> -> memref<632x128xf32, #tpu.memory_space<hbm>>
      %dma_start3A_51 = arith.constant 0 : i32
      %dma_start3A_52 = tpu.memref_slice %arg10[%mul3A_45, %dma_start3A_51] : memref<10112x128xf32, #tpu.memory_space<vmem_shared>> -> memref<632x128xf32, #tpu.memory_space<vmem_shared>>
      tpu.enqueue_dma source(%dma_start3A_52 : memref<632x128xf32, #tpu.memory_space<vmem_shared>>) target(%dma_start3A_50 : memref<632x128xf32, #tpu.memory_space<hbm>>) target_semaphore(%run_scoped3A : memref<!tpu.dma_semaphore, #tpu.memory_space<semaphore_mem>>)
      %dma_wait3A = arith.constant 0 : i32
      %dma_wait3A_53 = tpu.memref_slice %arg4[%arg0, %mul3A_47, %dma_wait3A] : memref<2x10112x128xf32, #tpu.memory_space<hbm>> -> memref<1x632x128xf32, #tpu.memory_space<hbm>>
      %dma_wait3A_54 = tpu.memref_squeeze %dma_wait3A_53 : memref<1x632x128xf32, #tpu.memory_space<hbm>> -> memref<632x128xf32, #tpu.memory_space<hbm>>
      %dma_wait3A_55 = arith.constant 0 : i32
      %dma_wait3A_56 = tpu.memref_slice %arg10[%mul3A_45, %dma_wait3A_55] : memref<10112x128xf32, #tpu.memory_space<vmem_shared>> -> memref<632x128xf32, #tpu.memory_space<vmem_shared>>
      tpu.wait_dma2 semaphore(%run_scoped3A : memref<!tpu.dma_semaphore, #tpu.memory_space<semaphore_mem>>) src(%dma_wait3A_56 : memref<632x128xf32, #tpu.memory_space<vmem_shared>>) dst(%dma_wait3A_54 : memref<632x128xf32, #tpu.memory_space<hbm>>)
      tpu.yield
    }) : () -> ()
    return
  }
}

module attributes {stable_mosaic.version = 14 : i64} {
  func.func @_node_dense_body(%arg0: i32, %arg1: memref<400x128xf32, #tpu.memory_space<vmem>>, %arg2: memref<128x128xf32, #tpu.memory_space<vmem>>, %arg3: memref<128x8xf32, #tpu.memory_space<vmem>>, %arg4: memref<400x128xf32, #tpu.memory_space<vmem>>, %arg5: memref<400x8xf32, #tpu.memory_space<vmem>>) attributes {dimension_semantics = [#tpu.dimension_semantics<arbitrary>], iteration_bounds = array<i64: 25>, scalar_prefetch = 0 : i64, scratch_operands = 0 : i64, tpu.core_type = #tpu.core_type<tc>, window_params = [{transform_indices = @transform_0, window_bounds = array<i64: 400, 128>}, {pipeline_mode = #tpu.pipeline_mode<synchronous>, transform_indices = @transform_1, window_bounds = array<i64: 128, 128>}, {pipeline_mode = #tpu.pipeline_mode<synchronous>, transform_indices = @transform_2, window_bounds = array<i64: 128, 8>}, {transform_indices = @transform_3, window_bounds = array<i64: 400, 128>}, {transform_indices = @transform_4, window_bounds = array<i64: 400, 8>}]} {
    %get3A = arith.constant 0 : index
    %get3A_0 = arith.constant 0 : index
    %get3A_1 = vector.load %arg1[%get3A, %get3A_0] : memref<400x128xf32, #tpu.memory_space<vmem>>, vector<400x128xf32>
    %get3A_2 = arith.constant 0 : index
    %get3A_3 = arith.constant 0 : index
    %get3A_4 = vector.load %arg2[%get3A_2, %get3A_3] : memref<128x128xf32, #tpu.memory_space<vmem>>, vector<128x128xf32>
    %dot_general3A = arith.constant dense<0.000000e+00> : vector<400x128xf32>
    %dot_general3A_5 = tpu.matmul %get3A_1, %get3A_4, %dot_general3A {dimension_numbers = #tpu.dot_dimension_numbers<[1], [0], [0], [1], [0, 0, 1, 1], [], []>, transpose_lhs_hint = false} : vector<400x128xf32>, vector<128x128xf32>, vector<400x128xf32> -> vector<400x128xf32>
    %swap3A = arith.constant 0 : index
    %swap3A_6 = arith.constant 0 : index
    %swap3A_7 = vector.load %arg4[%swap3A, %swap3A_6] : memref<400x128xf32, #tpu.memory_space<vmem>>, vector<400x128xf32>
    tpu.vector_store %arg4[%swap3A, %swap3A_6], %dot_general3A_5 {strides = array<i32>} : memref<400x128xf32, #tpu.memory_space<vmem>>, vector<400x128xf32>,
    %get3A_8 = arith.constant 0 : index
    %get3A_9 = arith.constant 0 : index
    %get3A_10 = vector.load %arg3[%get3A_8, %get3A_9] : memref<128x8xf32, #tpu.memory_space<vmem>>, vector<128x8xf32>
    %dot_general3A_11 = arith.constant dense<0.000000e+00> : vector<400x8xf32>
    %dot_general3A_12 = tpu.matmul %get3A_1, %get3A_10, %dot_general3A_11 {dimension_numbers = #tpu.dot_dimension_numbers<[1], [0], [0], [1], [0, 0, 1, 1], [], []>, transpose_lhs_hint = false} : vector<400x128xf32>, vector<128x8xf32>, vector<400x8xf32> -> vector<400x8xf32>
    %swap3A_13 = arith.constant 0 : index
    %swap3A_14 = arith.constant 0 : index
    %swap3A_15 = vector.load %arg5[%swap3A_13, %swap3A_14] : memref<400x8xf32, #tpu.memory_space<vmem>>, vector<400x8xf32>
    tpu.vector_store %arg5[%swap3A_13, %swap3A_14], %dot_general3A_12 {strides = array<i32>} : memref<400x8xf32, #tpu.memory_space<vmem>>, vector<400x8xf32>,
    return
  }
  func.func @transform_0(%arg0: i32) -> (i32, i32) {
    %c0_i32 = arith.constant 0 : i32
    %c0_i32_0 = arith.constant 0 : i32
    return %arg0, %c0_i32 : i32, i32
  }
  func.func @transform_1(%arg0: i32) -> (i32, i32) {
    %c0_i32 = arith.constant 0 : i32
    %c0_i32_0 = arith.constant 0 : i32
    %c0_i32_1 = arith.constant 0 : i32
    return %c0_i32, %c0_i32_0 : i32, i32
  }
  func.func @transform_2(%arg0: i32) -> (i32, i32) {
    %c0_i32 = arith.constant 0 : i32
    %c0_i32_0 = arith.constant 0 : i32
    %c0_i32_1 = arith.constant 0 : i32
    return %c0_i32, %c0_i32_0 : i32, i32
  }
  func.func @transform_3(%arg0: i32) -> (i32, i32) {
    %c0_i32 = arith.constant 0 : i32
    %c0_i32_0 = arith.constant 0 : i32
    return %arg0, %c0_i32 : i32, i32
  }
  func.func @transform_4(%arg0: i32) -> (i32, i32) {
    %c0_i32 = arith.constant 0 : i32
    %c0_i32_0 = arith.constant 0 : i32
    return %arg0, %c0_i32 : i32, i32
  }
}

module attributes {stable_mosaic.version = 14 : i64} {
  func.func @_rel_dense_body(%arg0: memref<200x128xf32, #tpu.memory_space<vmem>>, %arg1: memref<368x128xf32, #tpu.memory_space<vmem>>, %arg2: memref<128x128xf32, #tpu.memory_space<vmem>>, %arg3: memref<128x8xf32, #tpu.memory_space<vmem>>, %arg4: memref<128x8xf32, #tpu.memory_space<vmem>>, %arg5: memref<200x128xf32, #tpu.memory_space<vmem>>, %arg6: memref<200x8xf32, #tpu.memory_space<vmem>>, %arg7: memref<368x8xf32, #tpu.memory_space<vmem>>) attributes {dimension_semantics = [], scalar_prefetch = 0 : i64, scratch_operands = 0 : i64, tpu.core_type = #tpu.core_type<tc>} {
    %get3A = arith.constant 0 : index
    %get3A_0 = arith.constant 0 : index
    %get3A_1 = vector.load %arg0[%get3A, %get3A_0] : memref<200x128xf32, #tpu.memory_space<vmem>>, vector<200x128xf32>
    %get3A_2 = arith.constant 0 : index
    %get3A_3 = arith.constant 0 : index
    %get3A_4 = vector.load %arg2[%get3A_2, %get3A_3] : memref<128x128xf32, #tpu.memory_space<vmem>>, vector<128x128xf32>
    %dot_general3A = arith.constant dense<0.000000e+00> : vector<200x128xf32>
    %dot_general3A_5 = tpu.matmul %get3A_1, %get3A_4, %dot_general3A {dimension_numbers = #tpu.dot_dimension_numbers<[1], [0], [0], [1], [0, 0, 1, 1], [], []>, transpose_lhs_hint = false} : vector<200x128xf32>, vector<128x128xf32>, vector<200x128xf32> -> vector<200x128xf32>
    %swap3A = arith.constant 0 : index
    %swap3A_6 = arith.constant 0 : index
    %swap3A_7 = vector.load %arg5[%swap3A, %swap3A_6] : memref<200x128xf32, #tpu.memory_space<vmem>>, vector<200x128xf32>
    tpu.vector_store %arg5[%swap3A, %swap3A_6], %dot_general3A_5 {strides = array<i32>} : memref<200x128xf32, #tpu.memory_space<vmem>>, vector<200x128xf32>,
    %get3A_8 = arith.constant 0 : index
    %get3A_9 = arith.constant 0 : index
    %get3A_10 = vector.load %arg3[%get3A_8, %get3A_9] : memref<128x8xf32, #tpu.memory_space<vmem>>, vector<128x8xf32>
    %dot_general3A_11 = arith.constant dense<0.000000e+00> : vector<200x8xf32>
    %dot_general3A_12 = tpu.matmul %get3A_1, %get3A_10, %dot_general3A_11 {dimension_numbers = #tpu.dot_dimension_numbers<[1], [0], [0], [1], [0, 0, 1, 1], [], []>, transpose_lhs_hint = false} : vector<200x128xf32>, vector<128x8xf32>, vector<200x8xf32> -> vector<200x8xf32>
    %swap3A_13 = arith.constant 0 : index
    %swap3A_14 = arith.constant 0 : index
    %swap3A_15 = vector.load %arg6[%swap3A_13, %swap3A_14] : memref<200x8xf32, #tpu.memory_space<vmem>>, vector<200x8xf32>
    tpu.vector_store %arg6[%swap3A_13, %swap3A_14], %dot_general3A_12 {strides = array<i32>} : memref<200x8xf32, #tpu.memory_space<vmem>>, vector<200x8xf32>,
    %get3A_16 = arith.constant 0 : index
    %get3A_17 = arith.constant 0 : index
    %get3A_18 = vector.load %arg1[%get3A_16, %get3A_17] : memref<368x128xf32, #tpu.memory_space<vmem>>, vector<368x128xf32>
    %get3A_19 = arith.constant 0 : index
    %get3A_20 = arith.constant 0 : index
    %get3A_21 = vector.load %arg4[%get3A_19, %get3A_20] : memref<128x8xf32, #tpu.memory_space<vmem>>, vector<128x8xf32>
    %dot_general3A_22 = arith.constant dense<0.000000e+00> : vector<368x8xf32>
    %dot_general3A_23 = tpu.matmul %get3A_18, %get3A_21, %dot_general3A_22 {dimension_numbers = #tpu.dot_dimension_numbers<[1], [0], [0], [1], [0, 0, 1, 1], [], []>, transpose_lhs_hint = false} : vector<368x128xf32>, vector<128x8xf32>, vector<368x8xf32> -> vector<368x8xf32>
    %swap3A_24 = arith.constant 0 : index
    %swap3A_25 = arith.constant 0 : index
    %swap3A_26 = vector.load %arg7[%swap3A_24, %swap3A_25] : memref<368x8xf32, #tpu.memory_space<vmem>>, vector<368x8xf32>
    tpu.vector_store %arg7[%swap3A_24, %swap3A_25], %dot_general3A_23 {strides = array<i32>} : memref<368x8xf32, #tpu.memory_space<vmem>>, vector<368x8xf32>,
    return
  }
}

module attributes {stable_mosaic.version = 14 : i64} {
  func.func @_final_body(%arg0: i32, %arg1: memref<400x128xf32, #tpu.memory_space<vmem>>, %arg2: memref<2x400x128xf32, #tpu.memory_space<vmem>>, %arg3: memref<2x400x1xf32, #tpu.memory_space<vmem>>, %arg4: memref<128x128xf32, #tpu.memory_space<vmem>>, %arg5: memref<400x128xf32, #tpu.memory_space<vmem>>) attributes {dimension_semantics = [#tpu.dimension_semantics<arbitrary>], iteration_bounds = array<i64: 25>, scalar_prefetch = 0 : i64, scratch_operands = 0 : i64, tpu.core_type = #tpu.core_type<tc>, window_params = [{transform_indices = @transform_0, window_bounds = array<i64: 400, 128>}, {transform_indices = @transform_1, window_bounds = array<i64: 2, 400, 128>}, {transform_indices = @transform_2, window_bounds = array<i64: 2, 400, 1>}, {pipeline_mode = #tpu.pipeline_mode<synchronous>, transform_indices = @transform_3, window_bounds = array<i64: 128, 128>}, {transform_indices = @transform_4, window_bounds = array<i64: 400, 128>}]} {
    %get3A = arith.constant 0 : index
    %get3A_0 = arith.constant 0 : index
    %get3A_1 = arith.constant 0 : index
    %get3A_2 = vector.load %arg2[%get3A, %get3A_0, %get3A_1] : memref<2x400x128xf32, #tpu.memory_space<vmem>>, vector<1x400x128xf32>
    %get3A_3 = vector.shape_cast %get3A_2 : vector<1x400x128xf32> to vector<400x128xf32>
    %get3A_4 = arith.constant 1 : index
    %get3A_5 = arith.constant 0 : index
    %get3A_6 = arith.constant 0 : index
    %get3A_7 = vector.load %arg2[%get3A_4, %get3A_5, %get3A_6] : memref<2x400x128xf32, #tpu.memory_space<vmem>>, vector<1x400x128xf32>
    %get3A_8 = vector.shape_cast %get3A_7 : vector<1x400x128xf32> to vector<400x128xf32>
    %add3A = arith.addf %get3A_3, %get3A_8 : vector<400x128xf32>
    %get3A_9 = arith.constant 0 : index
    %get3A_10 = arith.constant 0 : index
    %get3A_11 = arith.constant 0 : index
    %get3A_12 = vector.load %arg3[%get3A_9, %get3A_10, %get3A_11] : memref<2x400x1xf32, #tpu.memory_space<vmem>>, vector<1x400x1xf32>
    %get3A_13 = vector.shape_cast %get3A_12 : vector<1x400x1xf32> to vector<400x1xf32>
    %get3A_14 = arith.constant 1 : index
    %get3A_15 = arith.constant 0 : index
    %get3A_16 = arith.constant 0 : index
    %get3A_17 = vector.load %arg3[%get3A_14, %get3A_15, %get3A_16] : memref<2x400x1xf32, #tpu.memory_space<vmem>>, vector<1x400x1xf32>
    %get3A_18 = vector.shape_cast %get3A_17 : vector<1x400x1xf32> to vector<400x1xf32>
    %add3A_19 = arith.addf %get3A_13, %get3A_18 : vector<400x1xf32>
    %add3A_20 = arith.constant 1.000000e-16 : f32
    %add3A_21 = vector.broadcast %add3A_20 : f32 to vector<400x1xf32>
    %add3A_22 = arith.addf %add3A_19, %add3A_21 : vector<400x1xf32>
    %div3A = vector.broadcast %add3A_22 : vector<400x1xf32> to vector<400x128xf32>
    %div3A_23 = arith.divf %add3A, %div3A : vector<400x128xf32>
    %convert_element_type3A = arith.truncf %div3A_23 : vector<400x128xf32> to vector<400x128xbf16>
    %get3A_24 = arith.constant 0 : index
    %get3A_25 = arith.constant 0 : index
    %get3A_26 = vector.load %arg4[%get3A_24, %get3A_25] : memref<128x128xf32, #tpu.memory_space<vmem>>, vector<128x128xf32>
    %convert_element_type3A_27 = arith.truncf %get3A_26 : vector<128x128xf32> to vector<128x128xbf16>
    %dot_general3A = arith.constant dense<0.000000e+00> : vector<400x128xf32>
    %dot_general3A_28 = tpu.matmul %convert_element_type3A, %convert_element_type3A_27, %dot_general3A {dimension_numbers = #tpu.dot_dimension_numbers<[1], [0], [0], [1], [0, 0, 1, 1], [], []>, transpose_lhs_hint = false} : vector<400x128xbf16>, vector<128x128xbf16>, vector<400x128xf32> -> vector<400x128xf32>
    %get3A_29 = arith.constant 0 : index
    %get3A_30 = arith.constant 0 : index
    %get3A_31 = vector.load %arg1[%get3A_29, %get3A_30] : memref<400x128xf32, #tpu.memory_space<vmem>>, vector<400x128xf32>
    %add3A_32 = arith.addf %get3A_31, %dot_general3A_28 : vector<400x128xf32>
    %swap3A = arith.constant 0 : index
    %swap3A_33 = arith.constant 0 : index
    %swap3A_34 = vector.load %arg5[%swap3A, %swap3A_33] : memref<400x128xf32, #tpu.memory_space<vmem>>, vector<400x128xf32>
    tpu.vector_store %arg5[%swap3A, %swap3A_33], %add3A_32 {strides = array<i32>} : memref<400x128xf32, #tpu.memory_space<vmem>>, vector<400x128xf32>,
    return
  }
  func.func @transform_0(%arg0: i32) -> (i32, i32) {
    %c0_i32 = arith.constant 0 : i32
    %c0_i32_0 = arith.constant 0 : i32
    return %arg0, %c0_i32 : i32, i32
  }
  func.func @transform_1(%arg0: i32) -> (i32, i32, i32) {
    %c0_i32 = arith.constant 0 : i32
    %c0_i32_0 = arith.constant 0 : i32
    %c0_i32_1 = arith.constant 0 : i32
    return %c0_i32, %arg0, %c0_i32_0 : i32, i32, i32
  }
  func.func @transform_2(%arg0: i32) -> (i32, i32, i32) {
    %c0_i32 = arith.constant 0 : i32
    %c0_i32_0 = arith.constant 0 : i32
    %c0_i32_1 = arith.constant 0 : i32
    return %c0_i32, %arg0, %c0_i32_0 : i32, i32, i32
  }
  func.func @transform_3(%arg0: i32) -> (i32, i32) {
    %c0_i32 = arith.constant 0 : i32
    %c0_i32_0 = arith.constant 0 : i32
    %c0_i32_1 = arith.constant 0 : i32
    return %c0_i32, %c0_i32_0 : i32, i32
  }
  func.func @transform_4(%arg0: i32) -> (i32, i32) {
    %c0_i32 = arith.constant 0 : i32
    %c0_i32_0 = arith.constant 0 : i32
    return %arg0, %c0_i32 : i32, i32
  }
}

</mosaic_0001>

<sc_bundles>
// kernel: kernel.10.cloned.1.call-start
scs
__scs_entry_jumppad:
0x0: {  	(pc) =	sbr.rel $0x88, $3  }
0x1: {  	(tag) =	ssettag $0x0;
	lr =	simm.s32 $0x1  }
0x2: {  	[smem:$0x3F94] =	sst lr;
	_ =	strace $0xD0000000  }
0x3: {  	_ = 	snop  }
0x4: {  	_ = 	snop  }
0x5: {  	_ = 	snop  }
0x6: {  	_ = 	snop  }
0x7: {  	_ = 	snop  }
__scs_overlays_trampoline_lowered:
0x8: {  	[smem:$0x3FA3] =	sst s0  }
0x9: {  	[smem:$0x3FA4] =	sst s1  }
0xa: {  	[smem:$0x3FA5] =	sst s2  }
0xb: {  	[smem:$0x3FA6] =	sst s3  }
0xc: {  	[smem:$0x3FA7] =	sst s4  }
0xd: {  	[smem:$0x3FA8] =	sst s5  }
0xe: {  	[smem:$0x3FA9] =	sst s6  }
0xf: {  	[smem:$0x3FAA] =	sst s7  }
0x10: {  	[smem:$0x3FAB] =	sst s8  }
0x11: {  	[smem:$0x3FAC] =	sst s9;
	s0 =	simm.s32 @!p0 $0x0  }
0x12: {  	s1 =	sld [smem:$0x3F92];
	s0 =	simm.s32 @p0 $0x1  }
0x13: {  	[smem:$0x3FAD] =	sst s0;
	s0 =	simm.s32 @!p1 $0x0  }
0x14: {  	s2 =	sld [smem:$0x3F91];
	s0 =	simm.s32 @p1 $0x1  }
0x15: {  	[smem:$0x3FAE] =	sst s0;
	s0 =	simm.s32 @!p2 $0x0  }
0x16: {  	s3 =	sld [smem:$0x3FDB];
	s0 =	simm.s32 @p2 $0x1  }
0x17: {  	s4 =	simm.s32 $0x1BF5;
	[smem:$0x3FB0] =	sst s0  }
0x18: {  	s0 =	sld [smem:$0x3F93];
	_ =	swait.ge [sflag:s4], $0x0  }
0x19: {  	s7 =	sld [smem:$0x3F94]  }
0x1a: {  	s8 =	sadd.s32 $0xFFFFE003, lr  }
0x1b: {  	s9 =	sadd.s32 $0xFFFFFEF7, lr;
	s5 =	simm.s32 $0xFFFFFFFF;
	p2 =	slt.u32 s8, $0xFFFFF086  }
0x1c: {  	p1 =	slt.u32 s9, $0xF7A;
	s5 =	simm.s32 @!p2 $0x0  }
0x1d: {  	s5 =	simm.s32 @p1 $0x1;
	p0 =	seq.s32 s7, s2  }
0x1e: {  	s7 =	smul.u32 @!p0 $0xF7A, s2;
	p2 =	seq.s32 @!p0 s5, $0x0  }
0x1f: {  	s9 =	smul.u32 $0xF7A, s1;
	s8 =	simm.s32 @!p0 $0x1BF5;
	p2 =	por !p2, p0  }
0x20: {  	[sflag:s8] =	ssyncset.s32 @!p0 $0xFFFFF086;
	s6 =	sadd.s32 @!p0 s3, s7;
	s7 =	simm.s32 @!p0 $0x108  }
0x21: {  	s3 =	sadd.s32 s3, s9;
	s6 =	sadd.s32 @!p0 $0x88, s6;
	s7 =	simm.s32 @p2 $0x1082  }
0x22: {  	[simem:s7], [sflag:s8] =	dma.local @!p0 [hbm:s6], $0xF7A  }
0x23: {  	s9 =	sor.u32 $0xD0000000, s2;
	s6 =	simm.s32 $0x108;
	_ =	swait.ge @!p0 [sflag:s8], $0x0  }
0x24: {  	s3 =	sadd.s32 $0x88, s3;
	s6 =	simm.s32 @!p1 $0x1082;
	[sflag:s4] =	ssyncset.s32 $0xFFFFF086  }
0x25: {  	[simem:s6], [sflag:s4] =	dma.local [hbm:s3], $0xF7A  }
0x26: {  	[smem:$0x3F94] =	sst s1;
	(tag) =	ssettag s2;
	_ =	strace s9  }
0x27: {  	s1 =	sld [smem:$0x3FA4]  }
0x28: {  	s2 =	sld [smem:$0x3FA5]  }
0x29: {  	s4 =	sld [smem:$0x3FA7]  }
0x2a: {  	p0 =	seq.s32 s5, $0x0;
	s5 =	sld [smem:$0x3FA8]  }
0x2b: {  	s6 =	sld [smem:$0x3FA9]  }
0x2c: {  	s7 =	sld [smem:$0x3FAA]  }
0x2d: {  	s3 =	simm.s32 $0x108;
	s8 =	sld [smem:$0x3FAB]  }
0x2e: {  	s3 =	simm.s32 @!p0 $0x1082;
	s9 =	sld [smem:$0x3FAC]  }
0x2f: {  	lr =	sadd.s32 s0, s3;
	s0 =	sld [smem:$0x3FA3]  }
0x30: {  	s3 =	sld [smem:$0x3FA6]  }
0x31: {  	[smem:$0x3FAF] =	sst s10  }
0x32: {  	s10 =	sld [smem:$0x3FAD];
	_ =	sdelay $0x3  }
0x33: {  	p0 =	seq.s32 s10, $0x1;
	s10 =	sld [smem:$0x3FAF];
	_ =	sdelay $0x3  }
0x34: {  	[smem:$0x3FAF] =	sst s10  }
0x35: {  	s10 =	sld [smem:$0x3FAE];
	_ =	sdelay $0x3  }
0x36: {  	p1 =	seq.s32 s10, $0x1;
	s10 =	sld [smem:$0x3FAF];
	_ =	sdelay $0x3  }
0x37: {  	[smem:$0x3FAF] =	sst s10  }
0x38: {  	s10 =	sld [smem:$0x3FB0]  }
0x39: {  	_ = 	snop;
	(pc) =	sbr.ind lr, $3  }
0x3a: {  	_ = 	snop  }
0x3b: {  	_ = 	snop  }
0x3c: {  	p2 =	seq.s32 s10, $0x1;
	s10 =	sld [smem:$0x3FAF]  }
0x3d: {  	_ =	shalt  }
0x3e: {  	_ =	shalt  }
0x3f: {  	_ =	shalt  }
0x40: {  	_ =	shalt  }
0x41: {  	_ =	shalt  }
0x42: {  	_ =	shalt  }
0x43: {  	_ =	shalt  }
0x44: {  	_ =	shalt  }
0x45: {  	_ =	shalt  }
0x46: {  	_ =	shalt  }
0x47: {  	_ =	shalt  }
0x48: {  	_ =	shalt  }
0x49: {  	_ =	shalt  }
0x4a: {  	_ =	shalt  }
0x4b: {  	_ =	shalt  }
0x4c: {  	_ =	shalt  }
0x4d: {  	_ =	shalt  }
0x4e: {  	_ =	shalt  }
0x4f: {  	_ =	shalt  }
0x50: {  	_ =	shalt  }
0x51: {  	_ =	shalt  }
0x52: {  	_ =	shalt  }
0x53: {  	_ =	shalt  }
0x54: {  	_ =	shalt  }
0x55: {  	_ =	shalt  }
0x56: {  	_ =	shalt  }
0x57: {  	_ =	shalt  }
0x58: {  	_ =	shalt  }
0x59: {  	_ =	shalt  }
0x5a: {  	_ =	shalt  }
0x5b: {  	_ =	shalt  }
0x5c: {  	_ =	shalt  }
0x5d: {  	_ =	shalt  }
0x5e: {  	_ =	shalt  }
0x5f: {  	_ =	shalt  }
0x60: {  	_ =	shalt  }
0x61: {  	_ =	shalt  }
0x62: {  	_ =	shalt  }
0x63: {  	_ =	shalt  }
0x64: {  	_ =	shalt  }
0x65: {  	_ =	shalt  }
0x66: {  	_ =	shalt  }
0x67: {  	_ =	shalt  }
0x68: {  	_ =	shalt  }
0x69: {  	_ =	shalt  }
0x6a: {  	_ =	shalt  }
0x6b: {  	_ =	shalt  }
0x6c: {  	_ =	shalt  }
0x6d: {  	_ =	shalt  }
0x6e: {  	_ =	shalt  }
0x6f: {  	_ =	shalt  }
0x70: {  	_ =	shalt  }
0x71: {  	_ =	shalt  }
0x72: {  	_ =	shalt  }
0x73: {  	_ =	shalt  }
0x74: {  	_ =	shalt  }
0x75: {  	_ =	shalt  }
0x76: {  	_ =	shalt  }
0x77: {  	_ =	shalt  }
0x78: {  	_ =	shalt  }
0x79: {  	_ =	shalt  }
0x7a: {  	_ =	shalt  }
0x7b: {  	_ =	shalt  }
0x7c: {  	_ =	shalt  }
0x7d: {  	_ =	shalt  }
0x7e: {  	_ =	shalt  }
0x7f: {  	_ =	shalt  }
0x80: {  	_ =	shalt  }
0x81: {  	_ =	shalt  }
0x82: {  	_ =	shalt  }
0x83: {  	_ =	shalt  }
0x84: {  	_ =	shalt  }
0x85: {  	_ =	shalt  }
0x86: {  	_ =	shalt  }
0x87: {  	_ =	shalt  }
.Lfunc_end0:
.L_simem_size_0:
called_computation.1_lowered:
.L_overlay_start_0:
0x88: {  	s2 =	sld [smem:$0x3FD9]  }
0x89: {  	s3 =	sld [smem:$0x3FFE];
	_ =	sdelay $0x1  }
0x8a: {  	s1 =	srdreg.scid  }
0x8b: {  	s0 =	sand.u32 $0x1, s1  }
0x8c: {  	s16 =	sshll.u32 s0, $0xA;
	s2 =	sadd.s32 s3, s2  }
0x8d: {  	s2 =	sadd.s32 s2, s16  }
0x8e: {  	[smem:$0x3FBB] =	sst s2  }
0x8f: {  	_ = 	snop  }
0x90: {  	(tm) =	ssettm $0x1  }
0x91: {  	s17 =	sld [smem:$0x3FFB];
	_ =	sdelay $0x3  }
0x92: {  	_ =	strace s17  }
0x93: {  	s2 =	sld [smem:$0x3FFC];
	_ =	sdelay $0x3  }
0x94: {  	_ =	strace s2  }
0x95: {  	s2 =	sld [smem:$0x3FFD];
	_ =	sdelay $0x3  }
0x96: {  	_ =	strace s2  }
0x97: {  	_ =	strace $0x8FFFFFFF  }
0x98: {  	s18 =	sld [smem:$0x3FDB];
	_ =	sdelay $0x1  }
0x99: {  	s19 =	simm.s32 $_scs_section_size  }
0x9a: {  	s4 =	simm.s32 $_size__tile_overlayer_lowered;
	s5 =	simm.s32 $_tile_overlayer_lowered  }
0x9b: {  	s22 =	simm.s32 $0x1BFF;
	s21 =	sshll.u32 s5, $0x1;
	s2 =	sadd.s32 s19, s18  }
0x9c: {  	s6 =	simm.s32 $0x0;
	s20 =	sshll.u32 s4, $0x1;
	s4 =	sadd.s32 s21, s2  }
0x9d: {  	[timem:s6], [sflag:s22] =	dma.local [hbm:s4], s20  }
0x9e: {  	_ =	swait.ge [sflag:s22], s20  }
0x9f: {  	s3 =	ssub.s32 $0x0, s20;
	[sflag:s22] =	ssyncset.done $0x0  }
0xa0: {  	[sflag:s22] =	ssyncadd.s32 s3;
	_ =	sdelay $0x1  }
0xa1: {  	s23 =	simm.s32 $0x1B8B  }
0xa2: {  	_ =	swait.ge [sflag:s23], $0x1  }
0xa3: {  	[sflag:s23] =	ssyncset.done $0x0  }
0xa4: {  	s25 =	simm.s32 $0x1B8E;
	s24 =	sld [smem:$0x3FFE];
	[sflag:s23] =	ssyncadd.s32 $0xFFFFFFFF  }
0xa5: {  	s26 =	simm.s32 $execute0_lowered;
	[smem:$0x3FD2] =	sst s25  }
0xa6: {  	s4 =	sshll.u32 s26, $0x1;
	_ =	strace $0x80000049;
	[dreg:$0x1] =	wrdreg $0xFFFFFFFF  }
0xa7: {  	s28 =	simm.s32 $_size_execute0_lowered;
	s2 =	sadd.s32 s2, s4;
	[dreg:$0x0] =	wrdreg $0x0  }
0xa8: {  	s4 =	sshll.u32 s28, $0x1;
	[dreg:$0x2] =	wrdreg s2  }
0xa9: {  	[dreg:$0x3] =	wrdreg s4  }
0xaa: {  	[dreg:$0x4] =	wrdreg $0xC0  }
0xab: {  	_ =	task [dreg:s6], $0x5FFFF  }
0xac: {  	[dreg:$0x1] =	wrdreg $0xFFFFFFFF  }
0xad: {  	[dreg:$0x0] =	wrdreg $0x60  }
0xae: {  	[dreg:$0x2] =	wrdreg s24  }
0xaf: {  	[dreg:$0x3] =	wrdreg $0xC1000  }
0xb0: {  	[dreg:$0x4] =	wrdreg $0x9  }
0xb1: {  	_ =	task.clear_ibuf [dreg:s6], $0x5FFFF;
	_ =	strace $0x90000049  }
0xb2: {  	s29 =	simm.s32 $0x9;
	_ =	strace $0x8000004B  }
0xb3: {  	_ =	swait.ge [sflag:s29], $0x1  }
0xb4: {  	[sflag:s29] =	ssyncadd.s32 $0xFFFFFFFF  }
0xb5: {  	_ =	strace $0x9000004B  }
0xb6: {  	_ =	sfence  }
0xb7: {  	s30 =	sld [smem:$0x0];
	_ =	sdelay $0x2  }
0xb8: {  	s31 =	sshll.u32 s1, $0xD;
	s1 =	sshrl.u32 s1, $0x2  }
0xb9: {  	s3 =	sand.u32 $0x4000, s31;
	s1 =	sadd.s32 s1, s30  }
0xba: {  	s0 =	sor.u32 s3, s0;
	s1 =	sshll.u32 s1, $0x11  }
0xbb: {  	s0 =	sor.u32 s1, s0  }
0xbc: {  	s0 =	sadd.s32 $0x8F2B, s0  }
0xbd: {  	[sflag:s0] =	ssyncadd.remote.s32 $0x1  }
0xbe: {  	_ =	sfence.sel $0xFFFF  }
0xbf: {  	[dreg:$0x0] =	wrdreg $0xFFFFFFFF;
	(pc) =	sbr.abs _section_cstart, $3  }
0xc0: {  	[dreg:$0x1] =	wrdreg $0xFFFFFFFF  }
0xc1: {  	_ =	task.clear_ibuf [dreg:s6], $0x2FFFF;
	_ =	strace $0x9FFFFFFF  }
0xc2: {  	(tm) =	ssettm $0x7FFFFFFF  }
0xc3: {  	_ =	shalt  }
tec
execute0_lowered:
.L_overlay_start_1:
0x0: {  	(tag) =	ssettag $0x1  }
0x1: {  	s0 =	rddreg [dreg:$0x0];
	s1 =	srdreg.scid  }
0x2: {  	s2 =	rddreg [dreg:$0x1];
	s8 =	stileid.u32  }
0x3: {  	s3 =	simm.s32 $0x0;
	s28 =	simm.s32 $0x8080;
	s29 =	simm.s32 $0x80  }
0x4: {  	s30 =	simm.s32 $0x2;
	s31 =	simm.s32 $0x4;
	s1 =	sand.u32 $0x1, s1  }
0x5: {  	s5 =	smul.u32 $0x13C00, s8;
	[smem:$0x7FF] =	sst s3;
	s26 =	sadd.s32 $0x34000, s0  }
0x6: {  	s6 =	smul.u32 $0x4F000, s8;
	s20 =	sadd.s32 $0x1600, s0;
	s21 =	sshll.u32 s8, $0x1  }
0x7: {  	p0 =	slt.u32 s8, $0x2;
	s22 =	sshll.u32 s8, $0x5;
	s23 =	sshll.u32 s8, $0xC  }
0x8: {  	s4 =	smul.u32 $0x13C000, s1;
	_ =	strace $0x8000004A;
	s9 =	ssub.s32 $0x2, s1  }
0x9: {  	s14 =	sor.u32 s1, s21;
	s24 =	sshll.u32 s1, $0x4;
	s1 =	sshll.u32 s1, $0xB  }
0xa: {  	s25 =	sor.u32 $0x9C0, s21;
	s7 =	sshrl.u32 s9, $0x1;
	s4 =	sadd.s32 s5, s4  }
0xb: {  	s6 =	sshrl.u32 s6, $0x2;
	s15 =	sshll.u32 s14, $0xB;
	s4 =	sshrl.u32 s4, $0x3  }
0xc: {  	s16 =	sor.u32 $0x20, s14;
	s0 =	sadd.s32 s4, s0;
	s4 =	sadd.s32 s6, s2  }
0xd: {  	s12 =	ssub.s32 s9, s7;
	s17 =	sshll.u32 s16, $0xB;
	s6 =	sadd.s32 $0x4000, s4  }
0xe: {  	s18 =	sshll.u32 s16, $0x4;
	s10 =	sadd.s32 $0x8000, s4;
	[dreg:$0x3] =	wrdreg s6  }
0xf: {  	s5 =	sadd.s32 s23, s26;
	s11 =	sadd.s32 $0xC000, s4;
	[dreg:$0x4] =	wrdreg s10  }
0x10: {  	s23 =	simm.s32 $0x5;
	s13 =	sadd.s32 $0x10000, s4;
	[dreg:$0x5] =	wrdreg s11  }
0x11: {  	s12 =	smax.u32 s12, $0x1;
	[dreg:$0x6] =	wrdreg s13;
	s10 =	sshll.u32 s14, $0x4  }
0x12: {  	s6 =	sadd.s32 s26, s15;
	s11 =	sadd.s32 $0x516000, s0;
	s13 =	sadd.s32 s26, s17  }
0x13: {  	s14 =	sor.u32 $0x40, s14;
	s15 =	sadd.s32 s20, s18;
	s18 =	simm.s32 $0x3  }
0x14: {  	s0 =	sadd.s32 s22, s20;
	s22 =	simm.s32 $0x8100;
	[dreg:$0x7] =	wrdreg s6  }
0x15: {  	s10 =	sadd.s32 s20, s10;
	s19 =	sshll.u32 s14, $0xB;
	s17 =	sshll.u32 s14, $0x4  }
0x16: {  	s16 =	sadd.s32 s26, s19;
	s17 =	sadd.s32 s20, s17;
	s19 =	simm.s32 $0x3  }
0x17: {  	s20 =	sadd.s32 s24, s0;
	s26 =	sadd.s32 s1, s5;
	s24 =	simm.s32 $0x8000  }
0x18: {  	s0 =	simm.s32 $0x0;
	s19 =	simm.s32 @!p0 $0x4;
	s21 =	sadd.s32 $0x40000, s26  }
0x19: {  	v0 =	vimm.f32 $0.0e+00;
	p0 =	sgt.u32 s25, $0x9C3;
	s25 =	simm.s32 $0x1;
	s26 =	simm.s32 $0x4000  }
.LBB2_1:
0x1a: {  	s1 =	simm.s32 $0x0;
	s5 =	simm.s32 $0x200  }
.LBB2_2:
0x1b: {  	p1 =	sne.s32 s5, $0xFE00;
	[tilespmem:s1+$0x8170] =	vst v0  }
0x1c: {  	[tilespmem:s1+$0x8100] =	vst v0  }
0x1d: {  	[tilespmem:s1+$0x8110] =	vst v0  }
.Ltmp0:
0x1e: {  	[tilespmem:s1+$0x8120] =	vst v0;
	(pc) =	sbr.rel @p1 .LBB2_2-.Ltmp0, $4  }
0x1f: {  	[tilespmem:s1+$0x8130] =	vst v0  }
0x20: {  	[tilespmem:s1+$0x8140] =	vst v0  }
0x21: {  	[tilespmem:s1+$0x8150] =	vst v0  }
0x22: {  	[tilespmem:s1+$0x8160] =	vst v0;
	s1 =	sshra.s32 s5, $0x2;
	s5 =	sadd.s32 $0x200, s5  }
0x23: {  	[tilespmem:s1+$0x8170] =	vst v0  }
0x24: {  	[tilespmem:s1+$0x8100] =	vst v0  }
0x25: {  	[tilespmem:s1+$0x8110] =	vst v0  }
0x26: {  	[tilespmem:s1+$0x8120] =	vst v0  }
0x27: {  	[tilespmem:s1+$0x8130] =	vst v0  }
0x28: {  	[tilespmem:s1+$0x8140] =	vst v0  }
0x29: {  	[tilespmem:s1+$0x8150] =	vst v0  }
0x2a: {  	[tilespmem:s1+$0x8160] =	vst v0  }
0x2b: {  	[spmem:s4] =	stream.linear.scatter [tilespmem:s22], [sflag:$0x5], $0x4000, $0x38;
	[tilespmem:$0x1FD00] =	vst v63  }
0x2c: {  	_ =	swait.ge [sflag:s23], $0x4000  }
0x2d: {  	[sflag:s23] =	ssyncset.done $0x0  }
0x2e: {  	s7 =	rddreg [dreg:$0x3];
	[sflag:s23] =	ssyncadd.s32 $0xFFFFC000  }
0x2f: {  	[spmem:s7] =	stream.linear.scatter [tilespmem:s22], [sflag:$0x5], $0x4000, $0x38;
	[tilespmem:$0x1FD00] =	vst v63  }
0x30: {  	_ =	swait.ge [sflag:s23], $0x4000  }
0x31: {  	[sflag:s23] =	ssyncset.done $0x0  }
0x32: {  	s8 =	rddreg [dreg:$0x4];
	[sflag:s23] =	ssyncadd.s32 $0xFFFFC000  }
0x33: {  	[spmem:s8] =	stream.linear.scatter [tilespmem:s22], [sflag:$0x5], $0x4000, $0x38;
	[tilespmem:$0x1FD00] =	vst v63  }
0x34: {  	_ =	swait.ge [sflag:s23], $0x4000  }
0x35: {  	[sflag:s23] =	ssyncset.done $0x0  }
0x36: {  	s9 =	rddreg [dreg:$0x5];
	[sflag:s23] =	ssyncadd.s32 $0xFFFFC000  }
0x37: {  	[spmem:s9] =	stream.linear.scatter [tilespmem:s22], [sflag:$0x5], $0x4000, $0x38;
	[tilespmem:$0x1FD00] =	vst v63  }
0x38: {  	_ =	swait.ge [sflag:s23], $0x4000  }
0x39: {  	[sflag:s23] =	ssyncset.done $0x0  }
0x3a: {  	s5 =	rddreg [dreg:$0x6];
	[sflag:s23] =	ssyncadd.s32 $0xFFFFC000  }
0x3b: {  	[spmem:s5] =	stream.linear.scatter [tilespmem:s22], [sflag:$0x5], $0x3C00, $0x38;
	[tilespmem:$0x1FD00] =	vst v63  }
0x3c: {  	_ =	swait.ge [sflag:s23], $0x3C00  }
0x3d: {  	[sflag:s23] =	ssyncset.done $0x0  }
0x3e: {  	[sflag:s23] =	ssyncadd.s32 $0xFFFFC400  }
0x3f: {  	[bflag:$0x0] =	sbarrier.arrive $0xFFFF  }
0x40: {  	s6 =	simm.s32 $0x0;
	s5 =	rddreg [dreg:$0x7]  }
0x41: {  	[tilespmem:s6], [sflag:$0x1] =	stream.linear.gather [hbm4b:s5+s6], $0x4000, $0x38;
	[tilespmem:$0x1FD00] =	vst v63  }
0x42: {  	_ = 	snop  }
0x43: {  	[tilespmem:s24], [sflag:$0x1] =	stream.linear.gather [hbm4b:s10+s6], $0x80, $0x38;
	[tilespmem:$0x1FD00] =	vst v63  }
0x44: {  	_ =	swait.ge [sflag:s25], $0x4000  }
0x45: {  	[sflag:s25] =	ssyncset.done $0x0  }
0x46: {  	[sflag:s25] =	ssyncadd.s32 $0xFFFFC000  }
0x47: {  	_ =	swait.ge [sflag:s25], $0x80  }
0x48: {  	[sflag:s25] =	ssyncset.done $0x0  }
0x49: {  	[sflag:s25] =	ssyncadd.s32 $0xFFFFFF80  }
0x4a: {  	[tilespmem:s26], [sflag:$0x2] =	stream.linear.gather [hbm4b:s13+s6], $0x4000, $0x38;
	[tilespmem:$0x1FD00] =	vst v63  }
0x4b: {  	_ = 	snop  }
0x4c: {  	[tilespmem:s28], [sflag:$0x2] =	stream.linear.gather [hbm4b:s15+s6], $0x80, $0x38;
	[tilespmem:$0x1FD00] =	vst v63  }
0x4d: {  	_ = 	snop  }
0x4e: {  	[spmem:s2] =	stream.indirect.scatter.add.f32 [tilespmem:s6], [sflag:$0x3], $0x80, s24, s29, $0xb8;
	[tilespmem:$0x1FD00] =	vst v63  }
0x4f: {  	_ =	swait.ge [sflag:s30], $0x4000  }
0x50: {  	[sflag:s30] =	ssyncset.done $0x0  }
0x51: {  	[sflag:s30] =	ssyncadd.s32 $0xFFFFC000  }
0x52: {  	_ =	swait.ge [sflag:s30], $0x80  }
0x53: {  	[sflag:s30] =	ssyncset.done $0x0  }
0x54: {  	[sflag:s30] =	ssyncadd.s32 $0xFFFFFF80  }
0x55: {  	_ =	swait.ge [sflag:s18], $0x4000  }
0x56: {  	[sflag:s18] =	ssyncset.done $0x0  }
0x57: {  	[sflag:s18] =	ssyncadd.s32 $0xFFFFC000  }
0x58: {  	[tilespmem:s6], [sflag:$0x1] =	stream.linear.gather [hbm4b:s16+s6], $0x4000, $0x38;
	[tilespmem:$0x1FD00] =	vst v63  }
0x59: {  	_ = 	snop  }
0x5a: {  	[tilespmem:s24], [sflag:$0x1] =	stream.linear.gather [hbm4b:s17+s6], $0x80, $0x38;
	[tilespmem:$0x1FD00] =	vst v63  }
0x5b: {  	_ = 	snop  }
0x5c: {  	[spmem:s2] =	stream.indirect.scatter.add.f32 [tilespmem:s26], [sflag:$0x4], $0x80, s28, s29, $0xb8;
	[tilespmem:$0x1FD00] =	vst v63  }
0x5d: {  	_ =	swait.ge [sflag:s25], $0x4000  }
0x5e: {  	[sflag:s25] =	ssyncset.done $0x0  }
0x5f: {  	[sflag:s25] =	ssyncadd.s32 $0xFFFFC000  }
0x60: {  	_ =	swait.ge [sflag:s25], $0x80  }
0x61: {  	[sflag:s25] =	ssyncset.done $0x0  }
0x62: {  	[sflag:s25] =	ssyncadd.s32 $0xFFFFFF80  }
0x63: {  	_ =	swait.ge [sflag:s31], $0x4000  }
0x64: {  	[sflag:s31] =	ssyncset.done $0x0  }
0x65: {  	s7 =	sadd.s32 $0xFFFF0000, s21;
	s8 =	sadd.s32 $0x0, s20;
	[sflag:s31] =	ssyncadd.s32 $0xFFFFC000  }
0x66: {  	[tilespmem:s26], [sflag:$0x2] =	stream.linear.gather [hbm4b:s7+s3], $0x4000, $0x38;
	[tilespmem:$0x1FD00] =	vst v63  }
0x67: {  	s9 =	sadd.s32 $0x600, s8  }
0x68: {  	[tilespmem:s28], [sflag:$0x2] =	stream.linear.gather [hbm4b:s9+s3], $0x80, $0x38;
	[tilespmem:$0x1FD00] =	vst v63  }
0x69: {  	_ = 	snop  }
0x6a: {  	[spmem:s2] =	stream.indirect.scatter.add.f32 [tilespmem:s3], [sflag:$0x3], $0x80, s24, s29, $0xb8;
	[tilespmem:$0x1FD00] =	vst v63  }
0x6b: {  	_ =	swait.ge [sflag:s30], $0x4000  }
0x6c: {  	[sflag:s30] =	ssyncset.done $0x0  }
0x6d: {  	[sflag:s30] =	ssyncadd.s32 $0xFFFFC000  }
0x6e: {  	_ =	swait.ge [sflag:s30], $0x80  }
0x6f: {  	[sflag:s30] =	ssyncset.done $0x0  }
0x70: {  	[sflag:s30] =	ssyncadd.s32 $0xFFFFFF80  }
0x71: {  	_ =	swait.ge [sflag:s18], $0x4000  }
0x72: {  	p1 =	sgt.u32 s14, $0x983;
	[sflag:s18] =	ssyncset.done $0x0  }
0x73: {  	s1 =	simm.s32 @!p1 $0x0;
	s5 =	sadd.s32 @!p1 $0x0, s20;
	[sflag:s18] =	ssyncadd.s32 $0xFFFFC000  }
0x74: {  	[tilespmem:s1], [sflag:$0x1] =	stream.linear.gather @!p1 [hbm4b:s21+s1], $0x4000, $0x38;
	[tilespmem:$0x1FD00] =	vst v63  }
0x75: {  	s5 =	sadd.s32 @!p1 $0x800, s5;
	s6 =	simm.s32 @!p1 $0x8000  }
0x76: {  	[tilespmem:s6], [sflag:$0x1] =	stream.linear.gather @!p1 [hbm4b:s5+s1], $0x80, $0x38;
	[tilespmem:$0x1FD00] =	vst v63  }
0x77: {  	s1 =	simm.s32 $0x400;
	s5 =	sadd.s32 $0x20000, s21;
	s6 =	sadd.s32 $0x40, s14  }
.LBB2_4:
0x78: {  	[spmem:s2] =	stream.indirect.scatter.add.f32 [tilespmem:s26], [sflag:$0x4], $0x80, s28, s29, $0xb8;
	[tilespmem:$0x1FD00] =	vst v63  }
0x79: {  	s7 =	smov.u32 s1;
	s1 =	sadd.s32 $0x400, s1  }
0x7a: {  	p1 =	sne.s32 s1, $0x9800;
	_ =	swait.ge [sflag:s25], $0x4000  }
0x7b: {  	[sflag:s25] =	ssyncset.done $0x0  }
0x7c: {  	[sflag:s25] =	ssyncadd.s32 $0xFFFFC000  }
0x7d: {  	_ =	swait.ge [sflag:s25], $0x80  }
0x7e: {  	[sflag:s25] =	ssyncset.done $0x0  }
0x7f: {  	[sflag:s25] =	ssyncadd.s32 $0xFFFFFF80  }
0x80: {  	_ =	swait.ge [sflag:s31], $0x4000  }
0x81: {  	[sflag:s31] =	ssyncset.done $0x0  }
0x82: {  	s8 =	sadd.s32 $0xFFFF0000, s5;
	s9 =	sadd.s32 s7, s20;
	[sflag:s31] =	ssyncadd.s32 $0xFFFFC000  }
0x83: {  	[tilespmem:s26], [sflag:$0x2] =	stream.linear.gather [hbm4b:s8+s3], $0x4000, $0x38;
	[tilespmem:$0x1FD00] =	vst v63  }
0x84: {  	s8 =	sadd.s32 $0x600, s9  }
0x85: {  	[tilespmem:s28], [sflag:$0x2] =	stream.linear.gather [hbm4b:s8+s3], $0x80, $0x38;
	[tilespmem:$0x1FD00] =	vst v63  }
0x86: {  	_ = 	snop  }
0x87: {  	[spmem:s2] =	stream.indirect.scatter.add.f32 [tilespmem:s3], [sflag:$0x3], $0x80, s24, s29, $0xb8;
	[tilespmem:$0x1FD00] =	vst v63  }
0x88: {  	_ =	swait.ge [sflag:s30], $0x4000  }
0x89: {  	[sflag:s30] =	ssyncset.done $0x0  }
0x8a: {  	[sflag:s30] =	ssyncadd.s32 $0xFFFFC000  }
0x8b: {  	_ =	swait.ge [sflag:s30], $0x80  }
0x8c: {  	[sflag:s30] =	ssyncset.done $0x0  }
0x8d: {  	[sflag:s30] =	ssyncadd.s32 $0xFFFFFF80  }
0x8e: {  	p2 =	sgt.u32 s6, $0x983;
	_ =	swait.ge [sflag:s18], $0x4000  }
0x8f: {  	s7 =	sadd.s32 @!p2 s7, s20;
	[sflag:s18] =	ssyncset.done $0x0  }
.Ltmp1:
0x90: {  	s8 =	simm.s32 @!p2 $0x0;
	[sflag:s18] =	ssyncadd.s32 $0xFFFFC000;
	(pc) =	sbr.rel @p1 .LBB2_4-.Ltmp1, $4  }
0x91: {  	[tilespmem:s8], [sflag:$0x1] =	stream.linear.gather @!p2 [hbm4b:s5+s8], $0x4000, $0x38;
	[tilespmem:$0x1FD00] =	vst v63  }
0x92: {  	s7 =	sadd.s32 @!p2 $0x800, s7;
	s9 =	simm.s32 @!p2 $0x8000  }
0x93: {  	[tilespmem:s9], [sflag:$0x1] =	stream.linear.gather @!p2 [hbm4b:s7+s8], $0x80, $0x38;
	[tilespmem:$0x1FD00] =	vst v63  }
0x94: {  	s6 =	sadd.s32 $0x40, s6;
	s5 =	sadd.s32 $0x20000, s5  }
0x95: {  	[spmem:s2] =	stream.indirect.scatter.add.f32 [tilespmem:s26], [sflag:$0x4], $0x80, s28, s29, $0xb8;
	[tilespmem:$0x1FD00] =	vst v63  }
0x96: {  	s1 =	simm.s32 @!p0 $0x1  }
0x97: {  	_ =	swait.ge @!p0 [sflag:s1], $0x4000  }
0x98: {  	[sflag:s1] =	ssyncset.done @!p0 $0x0  }
0x99: {  	[sflag:s1] =	ssyncadd.s32 @!p0 $0xFFFFC000  }
0x9a: {  	_ =	swait.ge @!p0 [sflag:s1], $0x80  }
0x9b: {  	[sflag:s1] =	ssyncset.done @!p0 $0x0  }
0x9c: {  	[sflag:s1] =	ssyncadd.s32 @!p0 $0xFFFFFF80;
	s1 =	simm.s32 @!p0 $0x4  }
0x9d: {  	_ =	swait.ge @!p0 [sflag:s1], $0x4000  }
0x9e: {  	s5 =	simm.s32 @!p0 $0x8000;
	[sflag:s1] =	ssyncset.done @!p0 $0x0  }
0x9f: {  	s6 =	simm.s32 @!p0 $0x0;
	[sflag:s1] =	ssyncadd.s32 @!p0 $0xFFFFC000;
	s1 =	simm.s32 @!p0 $0x80  }
0xa0: {  	[spmem:s2] =	stream.indirect.scatter.add.f32 @!p0 [tilespmem:s6], [sflag:$0x3], $0x80, s5, s1, $0xb8;
	[tilespmem:$0x1FD00] =	vst v63  }
0xa1: {  	s8 =	stileid.u32;
	_ =	swait.ge [sflag:s19], $0x4000  }
0xa2: {  	s9 =	sshrl.u32 s4, $0x3;
	s0 =	sadd.s32 $0x1, s0;
	[sflag:s19] =	ssyncset.done $0x0  }
0xa3: {  	p1 =	sne.s32 s0, s12;
	s1 =	sshll.u32 s8, $0x6;
	[sflag:s19] =	ssyncadd.s32 $0xFFFFC000  }
.Ltmp2:
0xa4: {  	s1 =	sor.u32 $0x1C05, s1;
	[bflag:$0x0] =	sbarrier.arrive $0xFFFF;
	(pc) =	sbr.rel @p1 .LBB2_1-.Ltmp2, $4  }
0xa5: {  	[hbm:s11], [sflag:s1] =	dma.local [spmem:s9], $0x2780  }
0xa6: {  	_ =	swait.ge [sflag:s23], $0x2780  }
0xa7: {  	[sflag:s23] =	ssyncset.done $0x0  }
0xa8: {  	[sflag:s23] =	ssyncadd.s32 $0xFFFFD880  }
0xa9: {  	_ =	sfence.sel $0x180000  }
0xaa: {  	[bflag:$0x0] =	sbarrier.arrive $0xFFFF  }
0xab: {  	_ =	strace $0x9000004A  }
0xac: {  	s0 =	stileid.u32;
	[bflag:$0x2] =	sbarrier.arrive $0xFFFF  }
0xad: {  	p0 =	sne.s32 s0, $0x0;
	s0 =	rddreg [dreg:$0x2]  }
0xae: {  	s0 =	sadd.s32 @!p0 $0x100000, s0  }
0xaf: {  	[sflag:s0] =	ssyncadd.tile.s32 @!p0 $0x1;
	_ =	shalt  }
.Lfunc_end2:
_tile_overlayer_lowered:
.L_overlay_start_2:
0xb0: {  	(tag) =	ssettag $0x2  }
0xb1: {  	s0 =	rddreg [dreg:$0x0];
	s2 =	stileid.u32  }
0xb2: {  	s1 =	rddreg [dreg:$0x1];
	p0 =	sne.s32 s2, $0x0  }
0xb3: {  	s3 =	rddreg [dreg:$0x2];
	[bflag:$0x3] =	sbarrier.arrive $0xFFFF;
	s2 =	simm.s32 @!p0 $0x1C05  }
0xb4: {  	[timem:s3], [sflag:s2] =	dma.local @!p0 [hbm:s0], s1  }
0xb5: {  	s0 =	simm.s32 @!p0 $0x5  }
0xb6: {  	_ =	swait.ge @!p0 [sflag:s0], s1  }
0xb7: {  	s1 =	ssub.s32 @!p0 $0x0, s1;
	[sflag:s0] =	ssyncset.done @!p0 $0x0  }
0xb8: {  	[sflag:s0] =	ssyncadd.s32 @!p0 s1  }
0xb9: {  	[bflag:$0x3] =	sbarrier.arrive $0xFFFF  }
0xba: {  	_ =	shalt  }

// kernel: kernel.7.cloned.1.call-start
scs
__scs_entry_jumppad:
0x0: {  	(pc) =	sbr.rel $0x88, $3  }
0x1: {  	(tag) =	ssettag $0x0;
	lr =	simm.s32 $0x1  }
0x2: {  	[smem:$0x3F94] =	sst lr;
	_ =	strace $0xD0000000  }
0x3: {  	_ = 	snop  }
0x4: {  	_ = 	snop  }
0x5: {  	_ = 	snop  }
0x6: {  	_ = 	snop  }
0x7: {  	_ = 	snop  }
__scs_overlays_trampoline_lowered:
0x8: {  	[smem:$0x3FA3] =	sst s0  }
0x9: {  	[smem:$0x3FA4] =	sst s1  }
0xa: {  	[smem:$0x3FA5] =	sst s2  }
0xb: {  	[smem:$0x3FA6] =	sst s3  }
0xc: {  	[smem:$0x3FA7] =	sst s4  }
0xd: {  	[smem:$0x3FA8] =	sst s5  }
0xe: {  	[smem:$0x3FA9] =	sst s6  }
0xf: {  	[smem:$0x3FAA] =	sst s7  }
0x10: {  	[smem:$0x3FAB] =	sst s8  }
0x11: {  	[smem:$0x3FAC] =	sst s9;
	s0 =	simm.s32 @!p0 $0x0  }
0x12: {  	s1 =	sld [smem:$0x3F92];
	s0 =	simm.s32 @p0 $0x1  }
0x13: {  	[smem:$0x3FAD] =	sst s0;
	s0 =	simm.s32 @!p1 $0x0  }
0x14: {  	s2 =	sld [smem:$0x3F91];
	s0 =	simm.s32 @p1 $0x1  }
0x15: {  	[smem:$0x3FAE] =	sst s0;
	s0 =	simm.s32 @!p2 $0x0  }
0x16: {  	s3 =	sld [smem:$0x3FDB];
	s0 =	simm.s32 @p2 $0x1  }
0x17: {  	s4 =	simm.s32 $0x1BF5;
	[smem:$0x3FB0] =	sst s0  }
0x18: {  	s0 =	sld [smem:$0x3F93];
	_ =	swait.ge [sflag:s4], $0x0  }
0x19: {  	s7 =	sld [smem:$0x3F94]  }
0x1a: {  	s8 =	sadd.s32 $0xFFFFE003, lr  }
0x1b: {  	s9 =	sadd.s32 $0xFFFFFEF7, lr;
	s5 =	simm.s32 $0xFFFFFFFF;
	p2 =	slt.u32 s8, $0xFFFFF086  }
0x1c: {  	p1 =	slt.u32 s9, $0xF7A;
	s5 =	simm.s32 @!p2 $0x0  }
0x1d: {  	s5 =	simm.s32 @p1 $0x1;
	p0 =	seq.s32 s7, s2  }
0x1e: {  	s7 =	smul.u32 @!p0 $0xF7A, s2;
	p2 =	seq.s32 @!p0 s5, $0x0  }
0x1f: {  	s9 =	smul.u32 $0xF7A, s1;
	s8 =	simm.s32 @!p0 $0x1BF5;
	p2 =	por !p2, p0  }
0x20: {  	[sflag:s8] =	ssyncset.s32 @!p0 $0xFFFFF086;
	s6 =	sadd.s32 @!p0 s3, s7;
	s7 =	simm.s32 @!p0 $0x108  }
0x21: {  	s3 =	sadd.s32 s3, s9;
	s6 =	sadd.s32 @!p0 $0x88, s6;
	s7 =	simm.s32 @p2 $0x1082  }
0x22: {  	[simem:s7], [sflag:s8] =	dma.local @!p0 [hbm:s6], $0xF7A  }
0x23: {  	s9 =	sor.u32 $0xD0000000, s2;
	s6 =	simm.s32 $0x108;
	_ =	swait.ge @!p0 [sflag:s8], $0x0  }
0x24: {  	s3 =	sadd.s32 $0x88, s3;
	s6 =	simm.s32 @!p1 $0x1082;
	[sflag:s4] =	ssyncset.s32 $0xFFFFF086  }
0x25: {  	[simem:s6], [sflag:s4] =	dma.local [hbm:s3], $0xF7A  }
0x26: {  	[smem:$0x3F94] =	sst s1;
	(tag) =	ssettag s2;
	_ =	strace s9  }
0x27: {  	s1 =	sld [smem:$0x3FA4]  }
0x28: {  	s2 =	sld [smem:$0x3FA5]  }
0x29: {  	s4 =	sld [smem:$0x3FA7]  }
0x2a: {  	p0 =	seq.s32 s5, $0x0;
	s5 =	sld [smem:$0x3FA8]  }
0x2b: {  	s6 =	sld [smem:$0x3FA9]  }
0x2c: {  	s7 =	sld [smem:$0x3FAA]  }
0x2d: {  	s3 =	simm.s32 $0x108;
	s8 =	sld [smem:$0x3FAB]  }
0x2e: {  	s3 =	simm.s32 @!p0 $0x1082;
	s9 =	sld [smem:$0x3FAC]  }
0x2f: {  	lr =	sadd.s32 s0, s3;
	s0 =	sld [smem:$0x3FA3]  }
0x30: {  	s3 =	sld [smem:$0x3FA6]  }
0x31: {  	[smem:$0x3FAF] =	sst s10  }
0x32: {  	s10 =	sld [smem:$0x3FAD];
	_ =	sdelay $0x3  }
0x33: {  	p0 =	seq.s32 s10, $0x1;
	s10 =	sld [smem:$0x3FAF];
	_ =	sdelay $0x3  }
0x34: {  	[smem:$0x3FAF] =	sst s10  }
0x35: {  	s10 =	sld [smem:$0x3FAE];
	_ =	sdelay $0x3  }
0x36: {  	p1 =	seq.s32 s10, $0x1;
	s10 =	sld [smem:$0x3FAF];
	_ =	sdelay $0x3  }
0x37: {  	[smem:$0x3FAF] =	sst s10  }
0x38: {  	s10 =	sld [smem:$0x3FB0]  }
0x39: {  	_ = 	snop;
	(pc) =	sbr.ind lr, $3  }
0x3a: {  	_ = 	snop  }
0x3b: {  	_ = 	snop  }
0x3c: {  	p2 =	seq.s32 s10, $0x1;
	s10 =	sld [smem:$0x3FAF]  }
0x3d: {  	_ =	shalt  }
0x3e: {  	_ =	shalt  }
0x3f: {  	_ =	shalt  }
0x40: {  	_ =	shalt  }
0x41: {  	_ =	shalt  }
0x42: {  	_ =	shalt  }
0x43: {  	_ =	shalt  }
0x44: {  	_ =	shalt  }
0x45: {  	_ =	shalt  }
0x46: {  	_ =	shalt  }
0x47: {  	_ =	shalt  }
0x48: {  	_ =	shalt  }
0x49: {  	_ =	shalt  }
0x4a: {  	_ =	shalt  }
0x4b: {  	_ =	shalt  }
0x4c: {  	_ =	shalt  }
0x4d: {  	_ =	shalt  }
0x4e: {  	_ =	shalt  }
0x4f: {  	_ =	shalt  }
0x50: {  	_ =	shalt  }
0x51: {  	_ =	shalt  }
0x52: {  	_ =	shalt  }
0x53: {  	_ =	shalt  }
0x54: {  	_ =	shalt  }
0x55: {  	_ =	shalt  }
0x56: {  	_ =	shalt  }
0x57: {  	_ =	shalt  }
0x58: {  	_ =	shalt  }
0x59: {  	_ =	shalt  }
0x5a: {  	_ =	shalt  }
0x5b: {  	_ =	shalt  }
0x5c: {  	_ =	shalt  }
0x5d: {  	_ =	shalt  }
0x5e: {  	_ =	shalt  }
0x5f: {  	_ =	shalt  }
0x60: {  	_ =	shalt  }
0x61: {  	_ =	shalt  }
0x62: {  	_ =	shalt  }
0x63: {  	_ =	shalt  }
0x64: {  	_ =	shalt  }
0x65: {  	_ =	shalt  }
0x66: {  	_ =	shalt  }
0x67: {  	_ =	shalt  }
0x68: {  	_ =	shalt  }
0x69: {  	_ =	shalt  }
0x6a: {  	_ =	shalt  }
0x6b: {  	_ =	shalt  }
0x6c: {  	_ =	shalt  }
0x6d: {  	_ =	shalt  }
0x6e: {  	_ =	shalt  }
0x6f: {  	_ =	shalt  }
0x70: {  	_ =	shalt  }
0x71: {  	_ =	shalt  }
0x72: {  	_ =	shalt  }
0x73: {  	_ =	shalt  }
0x74: {  	_ =	shalt  }
0x75: {  	_ =	shalt  }
0x76: {  	_ =	shalt  }
0x77: {  	_ =	shalt  }
0x78: {  	_ =	shalt  }
0x79: {  	_ =	shalt  }
0x7a: {  	_ =	shalt  }
0x7b: {  	_ =	shalt  }
0x7c: {  	_ =	shalt  }
0x7d: {  	_ =	shalt  }
0x7e: {  	_ =	shalt  }
0x7f: {  	_ =	shalt  }
0x80: {  	_ =	shalt  }
0x81: {  	_ =	shalt  }
0x82: {  	_ =	shalt  }
0x83: {  	_ =	shalt  }
0x84: {  	_ =	shalt  }
0x85: {  	_ =	shalt  }
0x86: {  	_ =	shalt  }
0x87: {  	_ =	shalt  }
.Lfunc_end0:
.L_simem_size_0:
called_computation_lowered:
.L_overlay_start_0:
0x88: {  	s2 =	sld [smem:$0x3FD9]  }
0x89: {  	s3 =	sld [smem:$0x3FFE];
	_ =	sdelay $0x1  }
0x8a: {  	s1 =	srdreg.scid  }
0x8b: {  	s0 =	sand.u32 $0x1, s1  }
0x8c: {  	s17 =	sshll.u32 s0, $0xA;
	s2 =	sadd.s32 s3, s2  }
0x8d: {  	s2 =	sadd.s32 s2, s17  }
0x8e: {  	[smem:$0x3FBB] =	sst s2  }
0x8f: {  	_ = 	snop  }
0x90: {  	s2 =	sld [smem:$0x3FC9]  }
0x91: {  	s18 =	sld [smem:$0x3FC8]  }
0x92: {  	s4 =	sld [smem:$0x3FC7];
	(tm) =	ssettm $0x1  }
0x93: {  	s5 =	sld [smem:$0x3FFB];
	_ =	sdelay $0x3  }
0x94: {  	_ =	strace s5  }
0x95: {  	s5 =	sld [smem:$0x3FFC];
	_ =	sdelay $0x3  }
0x96: {  	_ =	strace s5  }
0x97: {  	s5 =	sld [smem:$0x3FFD];
	_ =	sdelay $0x3  }
0x98: {  	_ =	strace s5  }
0x99: {  	_ =	strace $0x8FFFFFFF  }
0x9a: {  	s19 =	sld [smem:$0x3FDB];
	_ =	sdelay $0x1  }
0x9b: {  	s6 =	simm.s32 $_scs_section_size  }
0x9c: {  	s7 =	simm.s32 $_size__tile_overlayer_lowered;
	s8 =	simm.s32 $_tile_overlayer_lowered  }
0x9d: {  	s22 =	simm.s32 $0x1BFF;
	s21 =	sshll.u32 s8, $0x1;
	s5 =	sadd.s32 s6, s19  }
0x9e: {  	s9 =	simm.s32 $0x0;
	s20 =	sshll.u32 s7, $0x1;
	s7 =	sadd.s32 s21, s5  }
0x9f: {  	[timem:s9], [sflag:s22] =	dma.local [hbm:s7], s20  }
0xa0: {  	_ =	swait.ge [sflag:s22], s20  }
0xa1: {  	s6 =	ssub.s32 $0x0, s20;
	[sflag:s22] =	ssyncset.done $0x0  }
0xa2: {  	[sflag:s22] =	ssyncadd.s32 s6;
	_ =	sdelay $0x1  }
0xa3: {  	s23 =	simm.s32 $0x1B8B  }
0xa4: {  	_ =	swait.ge [sflag:s23], $0x1  }
0xa5: {  	[sflag:s23] =	ssyncset.done $0x0  }
0xa6: {  	s25 =	simm.s32 $0x1B8E;
	s24 =	sld [smem:$0x3FFE];
	[sflag:s23] =	ssyncadd.s32 $0xFFFFFFFF  }
0xa7: {  	s26 =	simm.s32 $execute0_lowered;
	[smem:$0x3FD2] =	sst s25  }
0xa8: {  	s7 =	sshll.u32 s26, $0x1;
	_ =	strace $0x80000046;
	[dreg:$0x1] =	wrdreg $0xFFFFFFFF  }
0xa9: {  	s28 =	simm.s32 $_size_execute0_lowered;
	s5 =	sadd.s32 s5, s7;
	[dreg:$0x0] =	wrdreg $0x0  }
0xaa: {  	s7 =	sshll.u32 s28, $0x1;
	[dreg:$0x2] =	wrdreg s5  }
0xab: {  	[dreg:$0x3] =	wrdreg s7  }
0xac: {  	[dreg:$0x4] =	wrdreg $0xC0  }
0xad: {  	_ =	task [dreg:s9], $0x5FFFF  }
0xae: {  	[dreg:$0x1] =	wrdreg $0xFFFFFFFF  }
0xaf: {  	[dreg:$0x0] =	wrdreg $0x60  }
0xb0: {  	[dreg:$0x2] =	wrdreg s2  }
0xb1: {  	[dreg:$0x3] =	wrdreg s18  }
0xb2: {  	[dreg:$0x4] =	wrdreg s4  }
0xb3: {  	[dreg:$0x5] =	wrdreg s24  }
0xb4: {  	[dreg:$0x6] =	wrdreg $0x1E2000  }
0xb5: {  	[dreg:$0x7] =	wrdreg $0x1E8400  }
0xb6: {  	[dreg:$0x8] =	wrdreg $0x1F3A80  }
0xb7: {  	[dreg:$0x9] =	wrdreg $0x9  }
0xb8: {  	_ =	task.clear_ibuf [dreg:s9], $0xAFFFF;
	_ =	strace $0x90000046  }
0xb9: {  	s29 =	simm.s32 $0x9;
	_ =	strace $0x80000048  }
0xba: {  	_ =	swait.ge [sflag:s29], $0x1  }
0xbb: {  	[sflag:s29] =	ssyncadd.s32 $0xFFFFFFFF  }
0xbc: {  	_ =	strace $0x90000048  }
0xbd: {  	_ =	sfence  }
0xbe: {  	s30 =	sld [smem:$0x0];
	_ =	sdelay $0x2  }
0xbf: {  	s31 =	sshll.u32 s1, $0xD;
	s1 =	sshrl.u32 s1, $0x2  }
0xc0: {  	s3 =	sand.u32 $0x4000, s31;
	s1 =	sadd.s32 s1, s30  }
0xc1: {  	s0 =	sor.u32 s3, s0;
	s1 =	sshll.u32 s1, $0x11  }
0xc2: {  	s0 =	sor.u32 s1, s0  }
0xc3: {  	s0 =	sadd.s32 $0x8F2B, s0  }
0xc4: {  	[sflag:s0] =	ssyncadd.remote.s32 $0x1  }
0xc5: {  	_ =	sfence.sel $0xFFFF  }
0xc6: {  	[dreg:$0x0] =	wrdreg $0xFFFFFFFF;
	(pc) =	sbr.abs _section_cstart, $3  }
0xc7: {  	[dreg:$0x1] =	wrdreg $0xFFFFFFFF  }
0xc8: {  	_ =	task.clear_ibuf [dreg:s9], $0x2FFFF;
	_ =	strace $0x9FFFFFFF  }
0xc9: {  	(tm) =	ssettm $0x7FFFFFFF  }
tec
execute0_lowered:
.L_overlay_start_1:
0x0: {  	(tag) =	ssettag $0x1  }
0x1: {  	s0 =	rddreg [dreg:$0x0]  }
0x2: {  	s1 =	rddreg [dreg:$0x3];
	v0 =	vlaneseq.u32  }
0x3: {  	s4 =	rddreg [dreg:$0x4];
	v0 =	vmul.u32 $0x10, v0  }
0x4: {  	s5 =	rddreg [dreg:$0x5];
	s7 =	simm.s32 $0x0  }
0x5: {  	[smem:$0x7FF] =	sst s7;
	v1 =	vor.u32 $0x1, v0  }
0x6: {  	s6 =	rddreg [dreg:$0x6];
	_ =	strace $0x80000047;
	[tilespmem:$0x1FC20] =	vst v1;
	v1 =	vor.u32 $0x2, v0  }
0x7: {  	[tilespmem:$0x1FC30] =	vst v1;
	v1 =	vor.u32 $0x3, v0  }
0x8: {  	[tilespmem:$0x1FC40] =	vst v1;
	v1 =	vor.u32 $0x4, v0  }
0x9: {  	[tilespmem:$0x1FC50] =	vst v1;
	v1 =	vor.u32 $0x5, v0  }
0xa: {  	[tilespmem:$0x1FC60] =	vst v1;
	v1 =	vor.u32 $0x6, v0  }
0xb: {  	[tilespmem:$0x1FC70] =	vst v1;
	v1 =	vor.u32 $0x7, v0  }
0xc: {  	[tilespmem:$0x1FC80] =	vst v1;
	v1 =	vor.u32 $0x9, v0  }
0xd: {  	[tilespmem:$0x1FC90] =	vst v1;
	v1 =	vor.u32 $0xA, v0  }
0xe: {  	[tilespmem:$0x1FCA0] =	vst v1;
	v1 =	vor.u32 $0xB, v0  }
0xf: {  	[tilespmem:$0x1FCB0] =	vst v1;
	v1 =	vor.u32 $0xC, v0  }
0x10: {  	[tilespmem:$0x1FCC0] =	vst v1;
	v1 =	vor.u32 $0xD, v0  }
0x11: {  	[tilespmem:$0x1FCD0] =	vst v1;
	v1 =	vor.u32 $0xE, v0  }
0x12: {  	[tilespmem:$0x1FCE0] =	vst v1;
	v1 =	vor.u32 $0xF, v0  }
0x13: {  	[tilespmem:$0x1FCF0] =	vst v1;
	v1 =	vor.u32 $0x100, v0  }
0x14: {  	[tilespmem:$0x1FD00] =	vst v1;
	v1 =	vor.u32 $0x101, v0  }
0x15: {  	[tilespmem:$0x1FD10] =	vst v1;
	v1 =	vor.u32 $0x102, v0  }
0x16: {  	[tilespmem:$0x1FD20] =	vst v1;
	v1 =	vor.u32 $0x103, v0  }
0x17: {  	[tilespmem:$0x1FD30] =	vst v1;
	v1 =	vor.u32 $0x104, v0  }
0x18: {  	[tilespmem:$0x1FD40] =	vst v1;
	v1 =	vor.u32 $0x105, v0  }
0x19: {  	[tilespmem:$0x1FD50] =	vst v1;
	v1 =	vor.u32 $0x106, v0  }
0x1a: {  	[tilespmem:$0x1FD60] =	vst v1;
	v1 =	vor.u32 $0x107, v0  }
0x1b: {  	[tilespmem:$0x1FD70] =	vst v1;
	v1 =	vor.u32 $0x108, v0  }
0x1c: {  	[tilespmem:$0x1FD80] =	vst v1;
	v1 =	vor.u32 $0x109, v0  }
0x1d: {  	[tilespmem:$0x1FD90] =	vst v1;
	v1 =	vor.u32 $0x10A, v0  }
0x1e: {  	[tilespmem:$0x1FDA0] =	vst v1;
	v1 =	vor.u32 $0x10B, v0  }
0x1f: {  	[tilespmem:$0x1FDB0] =	vst v1;
	v1 =	vor.u32 $0x10C, v0  }
0x20: {  	[tilespmem:$0x1FDC0] =	vst v1;
	v1 =	vor.u32 $0x10D, v0  }
0x21: {  	[tilespmem:$0x1FDD0] =	vst v1;
	v1 =	vor.u32 $0x10E, v0  }
0x22: {  	[tilespmem:$0x1FDE0] =	vst v1;
	v1 =	vor.u32 $0x10F, v0  }
0x23: {  	[tilespmem:$0x1FDF0] =	vst v1;
	v1 =	vor.u32 $0x200, v0  }
0x24: {  	[tilespmem:$0x1FE00] =	vst v1;
	v1 =	vor.u32 $0x201, v0  }
0x25: {  	[tilespmem:$0x1FE10] =	vst v1;
	v1 =	vor.u32 $0x202, v0  }
0x26: {  	[tilespmem:$0x1FE20] =	vst v1;
	v1 =	vor.u32 $0x203, v0  }
0x27: {  	[tilespmem:$0x1FE30] =	vst v1;
	v1 =	vor.u32 $0x204, v0  }
0x28: {  	[tilespmem:$0x1FE40] =	vst v1;
	v1 =	vor.u32 $0x8, v0  }
0x29: {  	[tilespmem:$0x1FE50] =	vst v1;
	v1 =	vor.u32 $0x205, v0  }
0x2a: {  	[tilespmem:$0x1FE60] =	vst v1;
	v1 =	vor.u32 $0x206, v0  }
0x2b: {  	[tilespmem:$0x1FE70] =	vst v1;
	v1 =	vor.u32 $0x207, v0  }
0x2c: {  	[tilespmem:$0x1FE80] =	vst v1;
	v1 =	vor.u32 $0x208, v0  }
0x2d: {  	[tilespmem:$0x1FE90] =	vst v1;
	v1 =	vor.u32 $0x209, v0  }
0x2e: {  	[tilespmem:$0x1FEA0] =	vst v1;
	v1 =	vor.u32 $0x20A, v0  }
0x2f: {  	[tilespmem:$0x1FEB0] =	vst v1;
	v1 =	vor.u32 $0x20B, v0  }
0x30: {  	s19 =	srdreg.scid;
	s10 =	stileid.u32;
	[tilespmem:$0x1FEC0] =	vst v1;
	v1 =	vor.u32 $0x20C, v0  }
0x31: {  	s29 =	simm.s32 $0x80;
	s16 =	simm.s32 $0x3;
	s28 =	simm.s32 $0x2;
	[tilespmem:$0x1FED0] =	vst v1;
	v1 =	vor.u32 $0x20D, v0  }
0x32: {  	s17 =	simm.s32 $0x4;
	s8 =	sadd.s32 $0xC400, s1;
	s2 =	sadd.s32 $0xBA00, s1;
	[tilespmem:$0x1FEE0] =	vst v1;
	v1 =	vor.u32 $0x20E, v0  }
0x33: {  	s9 =	sadd.s32 $0x1600, s1;
	s18 =	sadd.s32 $0xB400, s1;
	[dreg:$0x8] =	wrdreg s2;
	[tilespmem:$0x1FEF0] =	vst v1;
	v1 =	vor.u32 $0x20F, v0  }
0x34: {  	s3 =	sadd.s32 $0xC000, s1;
	s20 =	sadd.s32 $0xC200, s1;
	[dreg:$0x9] =	wrdreg s18;
	[tilespmem:$0x1FF00] =	vst v1;
	v1 =	vor.u32 $0x300, v0  }
0x35: {  	s14 =	sadd.s32 $0x34000, s1;
	s12 =	sshll.u32 s10, $0x1;
	[dreg:$0xa] =	wrdreg s3;
	[tilespmem:$0x1FF10] =	vst v1;
	v1 =	vor.u32 $0x301, v0  }
0x36: {  	s13 =	smul.u32 $0xA00, s10;
	p0 =	slt.u32 s10, $0x2;
	[dreg:$0xb] =	wrdreg s20;
	[tilespmem:$0x1FF20] =	vst v1;
	v1 =	vor.u32 $0x302, v0  }
0x37: {  	s2 =	sand.u32 $0x1, s19;
	s18 =	simm.s32 $0x5;
	s19 =	simm.s32 $0x6;
	[tilespmem:$0x1FF30] =	vst v1;
	v1 =	vor.u32 $0x303, v0  }
0x38: {  	s20 =	simm.s32 $0x0;
	s21 =	smul.u32 $0x500, s2;
	s11 =	ssub.s32 $0x2, s2;
	[tilespmem:$0x1FF40] =	vst v1;
	v1 =	vor.u32 $0x304, v0  }
0x39: {  	s15 =	sor.u32 s2, s12;
	s24 =	sshrl.u32 s13, $0x2;
	s2 =	simm.s32 $0x5180;
	[tilespmem:$0x1FF50] =	vst v1;
	v1 =	vor.u32 $0x305, v0  }
0x3a: {  	s12 =	simm.s32 $0x11780;
	s22 =	sshrl.u32 s11, $0x1;
	s25 =	sshll.u32 s15, $0x6;
	[tilespmem:$0x1FF60] =	vst v1;
	v1 =	vor.u32 $0x306, v0  }
0x3b: {  	s3 =	sadd.s32 s24, s6;
	s30 =	sshll.u32 s15, $0x4;
	s24 =	simm.s32 $0x2780;
	[tilespmem:$0x1FF70] =	vst v1;
	v1 =	vor.u32 $0x307, v0  }
0x3c: {  	s1 =	sadd.s32 s21, s1;
	[dreg:$0xc] =	wrdreg s3;
	s26 =	sadd.s32 s8, s25;
	[tilespmem:$0x1FF80] =	vst v1;
	v1 =	vor.u32 $0x308, v0  }
0x3d: {  	s23 =	ssub.s32 s11, s22;
	s3 =	sadd.s32 s9, s30;
	[dreg:$0xd] =	wrdreg s26;
	[tilespmem:$0x1FF90] =	vst v1;
	v1 =	vor.u32 $0x309, v0  }
0x3e: {  	s21 =	simm.s32 $0x7;
	s25 =	simm.s32 $0x4F00;
	[dreg:$0xe] =	wrdreg s3;
	[tilespmem:$0x1FFA0] =	vst v1;
	v1 =	vor.u32 $0x30A, v0  }
.Ltmp0:
0x3f: {  	s1 =	sadd.s32 $0x33600, s1;
	s31 =	smax.u32 s23, $0x1;
	[tilespmem:$0x1FFB0] =	vst v1;
	v1 =	vor.u32 $0x30B, v0;
	(pc) =	sbr.rel .LBB2_1-.Ltmp0, $4  }
0x40: {  	s26 =	simm.s32 $0x5000;
	[dreg:$0xf] =	wrdreg s1;
	s1 =	simm.s32 $0x7;
	[tilespmem:$0x1FFC0] =	vst v1;
	v1 =	vor.u32 $0x30C, v0  }
0x41: {  	[dreg:$0x10] =	wrdreg s31;
	s1 =	simm.s32 @!p0 $0x8;
	p0 =	sne.s32 s10, $0x0;
	[tilespmem:$0x1FFD0] =	vst v1;
	v1 =	vor.u32 $0x30D, v0  }
0x42: {  	s3 =	simm.s32 $0x1;
	[dreg:$0x11] =	wrdreg s1;
	s1 =	sshrl.u32 @!p0 s4, $0x3;
	[tilespmem:$0x1FFE0] =	vst v1;
	v1 =	vor.u32 $0x30E, v0  }
0x43: {  	s10 =	simm.s32 $0xD780;
	[dreg:$0x12] =	wrdreg s1;
	s1 =	simm.s32 $0x5580;
	[tilespmem:$0x1FFF0] =	vst v1  }
.LBB2_10:
0x44: {  	s11 =	rddreg [dreg:$0x11]  }
0x45: {  	_ =	swait.ge [sflag:s11], $0x80  }
0x46: {  	[sflag:s11] =	ssyncset.done $0x0  }
0x47: {  	s22 =	simm.s32 $0x9;
	[sflag:s11] =	ssyncadd.s32 $0xFFFFFF80  }
0x48: {  	_ =	swait.ge [sflag:s22], $0x4000  }
0x49: {  	[sflag:s22] =	ssyncset.done $0x0  }
0x4a: {  	s23 =	simm.s32 $0xA;
	[sflag:s22] =	ssyncadd.s32 $0xFFFFC000  }
0x4b: {  	_ =	swait.ge [sflag:s23], $0x4000  }
0x4c: {  	[sflag:s23] =	ssyncset.done $0x0  }
0x4d: {  	[sflag:s23] =	ssyncadd.s32 $0xFFFFC000  }
0x4e: {  	[bflag:$0x0] =	sbarrier.arrive $0xFFFF  }
0x4f: {  	s13 =	simm.s32 @!p0 $0x1C0B;
	s11 =	sshrl.u32 @!p0 s6, $0x3;
	s20 =	rddreg [dreg:$0xf]  }
0x50: {  	[hbm:s20], [sflag:s13] =	dma.local @!p0 [spmem:s11], $0x500  }
0x51: {  	s11 =	simm.s32 @!p0 $0xB  }
0x52: {  	_ =	swait.ge @!p0 [sflag:s11], $0x500  }
0x53: {  	s30 =	rddreg [dreg:$0x13]  }
0x54: {  	s31 =	rddreg [dreg:$0x10];
	s20 =	sadd.s32 $0x1, s30  }
0x55: {  	p1 =	sne.s32 s20, s31  }
.Ltmp1:
0x56: {  	_ = 	snop;
	(pc) =	sbr.rel @!p1 .LBB2_11-.Ltmp1, $3  }
0x57: {  	_ =	sdelay $0x1  }
0x58: {  	[sflag:s11] =	ssyncset.done @!p0 $0x0  }
0x59: {  	[sflag:s11] =	ssyncadd.s32 @!p0 $0xFFFFFB00  }
.LBB2_1:
0x5a: {  	[dreg:$0x13] =	wrdreg s20  }
0x5b: {  	s11 =	rddreg [dreg:$0x8];
	s23 =	simm.s32 $0xB  }
0x5c: {  	[tilespmem:s7], [sflag:$0xB] =	stream.linear.gather [hbm4b:s11+s7], $0x2780, $0x38;
	[tilespmem:$0x1F628] =	vst v63  }
0x5d: {  	_ =	swait.ge [sflag:s23], $0x2780  }
0x5e: {  	[sflag:s23] =	ssyncset.done $0x0  }
0x5f: {  	s22 =	rddreg [dreg:$0x9];
	[sflag:s23] =	ssyncadd.s32 $0xFFFFD880  }
0x60: {  	[tilespmem:s24], [sflag:$0xB] =	stream.linear.gather [hbm4b:s22+s7], $0x2780, $0x38;
	[tilespmem:$0x1F628] =	vst v63  }
0x61: {  	_ =	swait.ge [sflag:s23], $0x2780  }
0x62: {  	[sflag:s23] =	ssyncset.done $0x0  }
0x63: {  	s30 =	rddreg [dreg:$0xa];
	[sflag:s23] =	ssyncadd.s32 $0xFFFFD880  }
0x64: {  	[tilespmem:s25], [sflag:$0xB] =	stream.linear.gather [hbm4b:s30+s7], $0x100, $0x38;
	[tilespmem:$0x1F628] =	vst v63  }
0x65: {  	_ =	swait.ge [sflag:s23], $0x100  }
0x66: {  	[sflag:s23] =	ssyncset.done $0x0  }
0x67: {  	s31 =	rddreg [dreg:$0xb];
	[sflag:s23] =	ssyncadd.s32 $0xFFFFFF00  }
0x68: {  	[tilespmem:s26], [sflag:$0xB] =	stream.linear.gather [hbm4b:s31+s7], $0x180, $0x38;
	[tilespmem:$0x1F628] =	vst v63  }
0x69: {  	_ =	swait.ge [sflag:s23], $0x180  }
0x6a: {  	[sflag:s23] =	ssyncset.done $0x0  }
0x6b: {  	s20 =	rddreg [dreg:$0x12];
	[sflag:s23] =	ssyncadd.s32 $0xFFFFFE80  }
0x6c: {  	s11 =	simm.s32 @!p0 $0x1C0B;
	s13 =	rddreg [dreg:$0x1]  }
0x6d: {  	[spmem:s20], [sflag:s11] =	dma.local @!p0 [hbm:s13], $0xC80  }
0x6e: {  	s13 =	simm.s32 @!p0 $0xB  }
0x6f: {  	_ =	swait.ge @!p0 [sflag:s13], $0xC80  }
0x70: {  	[sflag:s13] =	ssyncset.done @!p0 $0x0  }
0x71: {  	[sflag:s13] =	ssyncadd.s32 @!p0 $0xFFFFF380  }
0x72: {  	s20 =	sshrl.u32 @!p0 s5, $0x3;
	s22 =	rddreg [dreg:$0x2]  }
0x73: {  	[spmem:s20], [sflag:s11] =	dma.local @!p0 [hbm:s22], $0x16D0  }
0x74: {  	_ =	swait.ge @!p0 [sflag:s13], $0x16D0  }
0x75: {  	[sflag:s13] =	ssyncset.done @!p0 $0x0  }
0x76: {  	v1 =	vimm.f32 $0.0e+00;
	[sflag:s13] =	ssyncadd.s32 @!p0 $0xFFFFE930  }
0x77: {  	[tilespmem:$0x1D780] =	vst v1  }
0x78: {  	[tilespmem:$0x1D790] =	vst v1  }
0x79: {  	[tilespmem:$0x1D7A0] =	vst v1  }
0x7a: {  	[tilespmem:$0x1D7B0] =	vst v1  }
0x7b: {  	[tilespmem:$0x1D7C0] =	vst v1  }
0x7c: {  	[tilespmem:$0x1D7D0] =	vst v1  }
0x7d: {  	[tilespmem:$0x1D7E0] =	vst v1  }
0x7e: {  	[tilespmem:$0x1D7F0] =	vst v1  }
0x7f: {  	[tilespmem:$0x1D800] =	vst v1  }
0x80: {  	[tilespmem:$0x1D810] =	vst v1  }
0x81: {  	[tilespmem:$0x1D820] =	vst v1  }
0x82: {  	[tilespmem:$0x1D830] =	vst v1  }
0x83: {  	[tilespmem:$0x1D840] =	vst v1  }
0x84: {  	[tilespmem:$0x1D850] =	vst v1  }
0x85: {  	[tilespmem:$0x1D860] =	vst v1  }
0x86: {  	[tilespmem:$0x1D870] =	vst v1  }
0x87: {  	[tilespmem:$0x1D880] =	vst v1  }
0x88: {  	[tilespmem:$0x1D890] =	vst v1  }
0x89: {  	[tilespmem:$0x1D8A0] =	vst v1  }
0x8a: {  	[tilespmem:$0x1D8B0] =	vst v1  }
0x8b: {  	[tilespmem:$0x1D8C0] =	vst v1  }
0x8c: {  	[tilespmem:$0x1D8D0] =	vst v1  }
0x8d: {  	[tilespmem:$0x1D8E0] =	vst v1  }
0x8e: {  	[tilespmem:$0x1D8F0] =	vst v1  }
0x8f: {  	[tilespmem:$0x1D900] =	vst v1  }
0x90: {  	[tilespmem:$0x1D910] =	vst v1  }
0x91: {  	[tilespmem:$0x1D920] =	vst v1  }
0x92: {  	[tilespmem:$0x1D930] =	vst v1  }
0x93: {  	[tilespmem:$0x1D940] =	vst v1  }
0x94: {  	[tilespmem:$0x1D950] =	vst v1  }
0x95: {  	[tilespmem:$0x1D960] =	vst v1  }
0x96: {  	[tilespmem:$0x1D970] =	vst v1  }
0x97: {  	[tilespmem:$0x1D980] =	vst v1  }
0x98: {  	[tilespmem:$0x1D990] =	vst v1  }
0x99: {  	[tilespmem:$0x1D9A0] =	vst v1  }
0x9a: {  	[tilespmem:$0x1D9B0] =	vst v1  }
0x9b: {  	[tilespmem:$0x1D9C0] =	vst v1  }
0x9c: {  	[tilespmem:$0x1D9D0] =	vst v1  }
0x9d: {  	[tilespmem:$0x1D9E0] =	vst v1  }
0x9e: {  	s20 =	simm.s32 $0x1D780;
	s13 =	rddreg [dreg:$0xc];
	[tilespmem:$0x1D9F0] =	vst v1  }
0x9f: {  	[spmem:s13] =	stream.linear.scatter [tilespmem:s20], [sflag:$0xB], $0x280, $0x38;
	[tilespmem:$0x1F628] =	vst v63  }
0xa0: {  	_ =	swait.ge [sflag:s23], $0x280  }
0xa1: {  	[sflag:s23] =	ssyncset.done $0x0  }
0xa2: {  	[sflag:s23] =	ssyncadd.s32 $0xFFFFFD80  }
0xa3: {  	[bflag:$0x0] =	sbarrier.arrive $0xFFFF  }
0xa4: {  	s30 =	simm.s32 $0x138800;
	s23 =	simm.s32 $0x200;
	s22 =	rddreg [dreg:$0xd]  }
0xa5: {  	[tilespmem:s2], [sflag:$0x1] =	stream.strided.gather [hbm4b:s22+s23], $0x0, s30, s23, $0x38;
	[tilespmem:$0x1F628] =	vst v63  }
.Ltmp2:
0xa6: {  	_ = 	snop;
	(pc) =	sbr.rel .LBB2_2-.Ltmp2, $4  }
0xa7: {  	_ = 	snop  }
0xa8: {  	[tilespmem:s2], [sflag:$0x1] =	stream.linear.gather [hbm4b:s22+s7], $0x180, $0x38;
	[tilespmem:$0x1F628] =	vst v63  }
0xa9: {  	s31 =	rddreg [dreg:$0xe];
	s22 =	simm.s32 $0x0  }
0xaa: {  	[tilespmem:s1], [sflag:$0x1] =	stream.linear.gather [hbm4b:s31+s7], $0x80, $0x38;
	[tilespmem:$0x1F628] =	vst v63  }
.LBB2_9:
0xab: {  	s22 =	sadd.s32 $0x1, s22  }
0xac: {  	p1 =	sne.s32 s22, $0x28  }
.Ltmp3:
0xad: {  	_ = 	snop;
	(pc) =	sbr.rel @!p1 .LBB2_10-.Ltmp3, $1  }
0xae: {  	_ =	sdelay $0x3  }
.LBB2_2:
0xaf: {  	s11 =	sshll.u32 s22, $0x6  }
0xb0: {  	s30 =	sor.u32 s15, s11  }
0xb1: {  	p1 =	sgt.u32 s30, $0x9C3  }
.Ltmp4:
0xb2: {  	_ = 	snop;
	(pc) =	sbr.rel @p1 .LBB2_9-.Ltmp4, $1  }
0xb3: {  	_ =	sdelay $0x3  }
0xb4: {  	_ =	swait.ge [sflag:s3], $0x180  }
0xb5: {  	[sflag:s3] =	ssyncset.done $0x0  }
0xb6: {  	[sflag:s3] =	ssyncadd.s32 $0xFFFFFE80  }
0xb7: {  	_ =	swait.ge [sflag:s3], $0x80  }
0xb8: {  	[sflag:s3] =	ssyncset.done $0x0  }
0xb9: {  	s11 =	simm.s32 $0x5780;
	[sflag:s3] =	ssyncadd.s32 $0xFFFFFF80  }
0xba: {  	[tilespmem:s11], [sflag:$0x3] =	stream.indirect.gather [hbm4b:s0+s29], $0x80, s2, s29, $0xb8;
	[tilespmem:$0x1F628] =	vst v63  }
0xbb: {  	s20 =	simm.s32 $0x5200;
	p1 =	seq.s32 s22, $0x0  }
0xbc: {  	[tilespmem:s10], [sflag:$0x5] =	stream.indirect.gather [spmem:s4], $0x80, s20, s29, $0xb8;
	[tilespmem:$0x1F628] =	vst v63  }
0xbd: {  	s23 =	simm.s32 $0x5280;
	s11 =	simm.s32 @!p1 $0x8  }
0xbe: {  	[tilespmem:s12], [sflag:$0x6] =	stream.indirect.gather [spmem:s5], $0x80, s23, s29, $0xb8;
	[tilespmem:$0x1F628] =	vst v63  }
0xbf: {  	s23 =	sor.u32 $0x20, s30;
	_ =	swait.ge @!p1 [sflag:s11], $0x80  }
0xc0: {  	p2 =	sgt.u32 s23, $0x9C3;
	[sflag:s11] =	ssyncset.done @!p1 $0x0  }
0xc1: {  	s13 =	sshll.u32 @!p2 s23, $0x6;
	s20 =	simm.s32 @!p2 $0x138800;
	s31 =	simm.s32 @!p2 $0x5380  }
0xc2: {  	[sflag:s11] =	ssyncadd.s32 @!p1 $0xFFFFFF80;
	s11 =	sadd.s32 @!p2 s8, s13;
	s13 =	simm.s32 @!p2 $0x200  }
0xc3: {  	[tilespmem:s31], [sflag:$0x2] =	stream.strided.gather @!p2 [hbm4b:s11+s13], $0x0, s20, s13, $0x38;
	[tilespmem:$0x1F628] =	vst v63  }
0xc4: {  	s13 =	simm.s32 @!p2 $0x0  }
0xc5: {  	[tilespmem:s31], [sflag:$0x2] =	stream.linear.gather @!p2 [hbm4b:s11+s13], $0x180, $0x38;
	[tilespmem:$0x1F628] =	vst v63  }
0xc6: {  	s11 =	sshll.u32 @!p2 s23, $0x4  }
0xc7: {  	s20 =	simm.s32 @!p2 $0x5600;
	s11 =	sadd.s32 @!p2 s9, s11  }
0xc8: {  	[tilespmem:s20], [sflag:$0x2] =	stream.linear.gather @!p2 [hbm4b:s11+s13], $0x80, $0x38;
	[tilespmem:$0x1F628] =	vst v63  }
0xc9: {  	v1 =	vld [tilespmem:$0x5180]  }
0xca: {  	v2 =	vld [tilespmem:$0x5580];
	_ =	sdelay $0x1  }
0xcb: {  	v3 =	vld [tilespmem:$0x5200];
	_ =	sdelay $0x1  }
0xcc: {  	v4 =	vld [tilespmem:$0x5280];
	_ =	sdelay $0x2  }
0xcd: {  	v1 =	vld.idx.msk [tilespmem:v1+s7+$0x0], $0xffff  }
0xce: {  	v2 =	vld.idx.msk [tilespmem:v2+s24+$0x0], $0xffff;
	_ =	sdelay $0x1  }
0xcf: {  	v3 =	vld.idx.msk [tilespmem:v3+s25+$0x0], $0xffff;
	_ =	sdelay $0x1  }
0xd0: {  	v4 =	vld.idx.msk [tilespmem:v4+s26+$0x0], $0xffff  }
0xd1: {  	v1 =	vsub.f32 v1, v2;
	_ =	sdelay $0x1  }
0xd2: {  	v1 =	vadd.f32 v3, v1;
	_ =	sdelay $0x1  }
0xd3: {  	v1 =	vadd.f32 v4, v1;
	_ =	sdelay $0x1  }
0xd4: {  	v2 =	vmul.f32 $1.000000010e-01, v1;
	_ =	sdelay $0x1  }
0xd5: {  	v1 =	vmax.f32 v1, v2  }
0xd6: {  	v1 =	vmul.f32 $1.442695020e+00, v1;
	_ =	sdelay $0x1  }
0xd7: {  	(erf) = vpow2.f32 v1;
	_ =	sdelay $0x2  }
0xd8: {  	v1 =	vld [tilespmem:$0x5190]  }
0xd9: {  	v2 =	vld [tilespmem:$0x5590];
	_ =	sdelay $0x1  }
0xda: {  	v3 =	vld [tilespmem:$0x5210];
	_ =	sdelay $0x1  }
0xdb: {  	v4 =	vld [tilespmem:$0x5290]  }
0xdc: {  	v5 =	vpop (erf)  }
0xdd: {  	[tilespmem:$0x5680] =	vst v5  }
0xde: {  	v1 =	vld.idx.msk [tilespmem:v1+s7+$0x0], $0xffff  }
0xdf: {  	v2 =	vld.idx.msk [tilespmem:v2+s24+$0x0], $0xffff;
	_ =	sdelay $0x1  }
0xe0: {  	v3 =	vld.idx.msk [tilespmem:v3+s25+$0x0], $0xffff;
	_ =	sdelay $0x1  }
0xe1: {  	v4 =	vld.idx.msk [tilespmem:v4+s26+$0x0], $0xffff  }
0xe2: {  	v1 =	vsub.f32 v1, v2;
	_ =	sdelay $0x1  }
0xe3: {  	v1 =	vadd.f32 v3, v1;
	_ =	sdelay $0x1  }
0xe4: {  	v1 =	vadd.f32 v4, v1;
	_ =	sdelay $0x1  }
0xe5: {  	v2 =	vmul.f32 $1.000000010e-01, v1;
	_ =	sdelay $0x1  }
0xe6: {  	v1 =	vmax.f32 v1, v2  }
0xe7: {  	v1 =	vmul.f32 $1.442695020e+00, v1;
	_ =	sdelay $0x1  }
0xe8: {  	(erf) = vpow2.f32 v1;
	_ =	sdelay $0x2  }
0xe9: {  	v1 =	vld [tilespmem:$0x51A0]  }
0xea: {  	v2 =	vld [tilespmem:$0x55A0];
	_ =	sdelay $0x1  }
0xeb: {  	v3 =	vld [tilespmem:$0x5220];
	_ =	sdelay $0x1  }
0xec: {  	v4 =	vld [tilespmem:$0x52A0]  }
0xed: {  	v5 =	vpop (erf)  }
0xee: {  	[tilespmem:$0x5690] =	vst v5  }
0xef: {  	v1 =	vld.idx.msk [tilespmem:v1+s7+$0x0], $0xffff  }
0xf0: {  	v2 =	vld.idx.msk [tilespmem:v2+s24+$0x0], $0xffff;
	_ =	sdelay $0x1  }
0xf1: {  	v3 =	vld.idx.msk [tilespmem:v3+s25+$0x0], $0xffff;
	_ =	sdelay $0x1  }
0xf2: {  	v4 =	vld.idx.msk [tilespmem:v4+s26+$0x0], $0xffff  }
0xf3: {  	v1 =	vsub.f32 v1, v2;
	_ =	sdelay $0x1  }
0xf4: {  	v1 =	vadd.f32 v3, v1;
	_ =	sdelay $0x1  }
0xf5: {  	v1 =	vadd.f32 v4, v1;
	_ =	sdelay $0x1  }
0xf6: {  	v2 =	vmul.f32 $1.000000010e-01, v1;
	_ =	sdelay $0x1  }
0xf7: {  	v1 =	vmax.f32 v1, v2  }
0xf8: {  	v1 =	vmul.f32 $1.442695020e+00, v1;
	_ =	sdelay $0x1  }
0xf9: {  	(erf) = vpow2.f32 v1;
	_ =	sdelay $0x2  }
0xfa: {  	v1 =	vld [tilespmem:$0x51B0]  }
0xfb: {  	v2 =	vld [tilespmem:$0x55B0];
	_ =	sdelay $0x1  }
0xfc: {  	v3 =	vld [tilespmem:$0x5230];
	_ =	sdelay $0x1  }
0xfd: {  	v4 =	vld [tilespmem:$0x52B0]  }
0xfe: {  	v5 =	vpop (erf)  }
0xff: {  	[tilespmem:$0x56A0] =	vst v5  }
0x100: {  	v1 =	vld.idx.msk [tilespmem:v1+s7+$0x0], $0xffff  }
0x101: {  	v2 =	vld.idx.msk [tilespmem:v2+s24+$0x0], $0xffff;
	_ =	sdelay $0x1  }
0x102: {  	v3 =	vld.idx.msk [tilespmem:v3+s25+$0x0], $0xffff;
	_ =	sdelay $0x1  }
0x103: {  	v4 =	vld.idx.msk [tilespmem:v4+s26+$0x0], $0xffff  }
0x104: {  	v1 =	vsub.f32 v1, v2;
	_ =	sdelay $0x1  }
0x105: {  	v1 =	vadd.f32 v3, v1;
	_ =	sdelay $0x1  }
0x106: {  	v1 =	vadd.f32 v4, v1;
	_ =	sdelay $0x1  }
0x107: {  	v2 =	vmul.f32 $1.000000010e-01, v1;
	_ =	sdelay $0x1  }
0x108: {  	v1 =	vmax.f32 v1, v2  }
0x109: {  	v1 =	vmul.f32 $1.442695020e+00, v1;
	_ =	sdelay $0x1  }
0x10a: {  	(erf) = vpow2.f32 v1;
	_ =	sdelay $0x2  }
0x10b: {  	v1 =	vld [tilespmem:$0x51C0]  }
0x10c: {  	v2 =	vld [tilespmem:$0x55C0];
	_ =	sdelay $0x1  }
0x10d: {  	v3 =	vld [tilespmem:$0x5240];
	_ =	sdelay $0x1  }
0x10e: {  	v4 =	vld [tilespmem:$0x52C0]  }
0x10f: {  	v5 =	vpop (erf)  }
0x110: {  	[tilespmem:$0x56B0] =	vst v5  }
0x111: {  	v1 =	vld.idx.msk [tilespmem:v1+s7+$0x0], $0xffff  }
0x112: {  	v2 =	vld.idx.msk [tilespmem:v2+s24+$0x0], $0xffff;
	_ =	sdelay $0x1  }
0x113: {  	v3 =	vld.idx.msk [tilespmem:v3+s25+$0x0], $0xffff;
	_ =	sdelay $0x1  }
0x114: {  	v4 =	vld.idx.msk [tilespmem:v4+s26+$0x0], $0xffff  }
0x115: {  	v1 =	vsub.f32 v1, v2;
	_ =	sdelay $0x1  }
0x116: {  	v1 =	vadd.f32 v3, v1;
	_ =	sdelay $0x1  }
0x117: {  	v1 =	vadd.f32 v4, v1;
	_ =	sdelay $0x1  }
0x118: {  	v2 =	vmul.f32 $1.000000010e-01, v1;
	_ =	sdelay $0x1  }
0x119: {  	v1 =	vmax.f32 v1, v2  }
0x11a: {  	v1 =	vmul.f32 $1.442695020e+00, v1;
	_ =	sdelay $0x1  }
0x11b: {  	(erf) = vpow2.f32 v1;
	_ =	sdelay $0x2  }
0x11c: {  	v1 =	vld [tilespmem:$0x51D0]  }
0x11d: {  	v2 =	vld [tilespmem:$0x55D0];
	_ =	sdelay $0x1  }
0x11e: {  	v3 =	vld [tilespmem:$0x5250];
	_ =	sdelay $0x1  }
0x11f: {  	v4 =	vld [tilespmem:$0x52D0]  }
0x120: {  	v5 =	vpop (erf)  }
0x121: {  	[tilespmem:$0x56C0] =	vst v5  }
0x122: {  	v1 =	vld.idx.msk [tilespmem:v1+s7+$0x0], $0xffff  }
0x123: {  	v2 =	vld.idx.msk [tilespmem:v2+s24+$0x0], $0xffff;
	_ =	sdelay $0x1  }
0x124: {  	v3 =	vld.idx.msk [tilespmem:v3+s25+$0x0], $0xffff;
	_ =	sdelay $0x1  }
0x125: {  	v4 =	vld.idx.msk [tilespmem:v4+s26+$0x0], $0xffff  }
0x126: {  	v1 =	vsub.f32 v1, v2;
	_ =	sdelay $0x1  }
0x127: {  	v1 =	vadd.f32 v3, v1;
	_ =	sdelay $0x1  }
0x128: {  	v1 =	vadd.f32 v4, v1;
	_ =	sdelay $0x1  }
0x129: {  	v2 =	vmul.f32 $1.000000010e-01, v1;
	_ =	sdelay $0x1  }
0x12a: {  	v1 =	vmax.f32 v1, v2  }
0x12b: {  	v1 =	vmul.f32 $1.442695020e+00, v1;
	_ =	sdelay $0x1  }
0x12c: {  	(erf) = vpow2.f32 v1;
	_ =	sdelay $0x2  }
0x12d: {  	v1 =	vld [tilespmem:$0x51E0]  }
0x12e: {  	v2 =	vld [tilespmem:$0x55E0];
	_ =	sdelay $0x1  }
0x12f: {  	v3 =	vld [tilespmem:$0x5260];
	_ =	sdelay $0x1  }
0x130: {  	v4 =	vld [tilespmem:$0x52E0]  }
0x131: {  	v5 =	vpop (erf)  }
0x132: {  	[tilespmem:$0x56D0] =	vst v5  }
0x133: {  	v1 =	vld.idx.msk [tilespmem:v1+s7+$0x0], $0xffff  }
0x134: {  	v2 =	vld.idx.msk [tilespmem:v2+s24+$0x0], $0xffff;
	_ =	sdelay $0x1  }
0x135: {  	v3 =	vld.idx.msk [tilespmem:v3+s25+$0x0], $0xffff;
	_ =	sdelay $0x1  }
0x136: {  	v4 =	vld.idx.msk [tilespmem:v4+s26+$0x0], $0xffff  }
0x137: {  	v1 =	vsub.f32 v1, v2;
	_ =	sdelay $0x1  }
0x138: {  	v1 =	vadd.f32 v3, v1;
	_ =	sdelay $0x1  }
0x139: {  	v1 =	vadd.f32 v4, v1;
	_ =	sdelay $0x1  }
0x13a: {  	v2 =	vmul.f32 $1.000000010e-01, v1;
	_ =	sdelay $0x1  }
0x13b: {  	v1 =	vmax.f32 v1, v2  }
0x13c: {  	v1 =	vmul.f32 $1.442695020e+00, v1;
	_ =	sdelay $0x1  }
0x13d: {  	(erf) = vpow2.f32 v1;
	_ =	sdelay $0x2  }
0x13e: {  	v1 =	vld [tilespmem:$0x51F0]  }
0x13f: {  	v2 =	vld [tilespmem:$0x55F0];
	_ =	sdelay $0x1  }
0x140: {  	v3 =	vld [tilespmem:$0x5270];
	_ =	sdelay $0x1  }
0x141: {  	v4 =	vld [tilespmem:$0x52F0]  }
0x142: {  	v5 =	vpop (erf)  }
0x143: {  	[tilespmem:$0x56E0] =	vst v5  }
0x144: {  	v1 =	vld.idx.msk [tilespmem:v1+s7+$0x0], $0xffff  }
0x145: {  	v2 =	vld.idx.msk [tilespmem:v2+s24+$0x0], $0xffff;
	_ =	sdelay $0x1  }
0x146: {  	v3 =	vld.idx.msk [tilespmem:v3+s25+$0x0], $0xffff;
	_ =	sdelay $0x1  }
0x147: {  	v4 =	vld.idx.msk [tilespmem:v4+s26+$0x0], $0xffff  }
0x148: {  	v1 =	vsub.f32 v1, v2;
	_ =	sdelay $0x1  }
0x149: {  	v1 =	vadd.f32 v3, v1;
	_ =	sdelay $0x1  }
0x14a: {  	v1 =	vadd.f32 v4, v1;
	_ =	sdelay $0x1  }
0x14b: {  	v2 =	vmul.f32 $1.000000010e-01, v1;
	_ =	sdelay $0x1  }
0x14c: {  	v1 =	vmax.f32 v1, v2  }
0x14d: {  	v1 =	vmul.f32 $1.442695020e+00, v1;
	_ =	sdelay $0x1  }
0x14e: {  	(erf) = vpow2.f32 v1;
	_ =	sdelay $0x8  }
0x14f: {  	v1 =	vpop (erf)  }
0x150: {  	s13 =	simm.s32 $0x5680;
	s11 =	simm.s32 @!p1 $0x9;
	[tilespmem:$0x56F0] =	vst v1  }
0x151: {  	[spmem:s6] =	stream.indirect.scatter.add.f32 [tilespmem:s13], [sflag:$0x7], $0x1, s1, s29, $0xb8;
	[tilespmem:$0x1F628] =	vst v63  }
0x152: {  	_ =	swait.ge @!p1 [sflag:s11], $0x4000  }
0x153: {  	[sflag:s11] =	ssyncset.done @!p1 $0x0  }
0x154: {  	[sflag:s11] =	ssyncadd.s32 @!p1 $0xFFFFC000  }
0x155: {  	_ =	swait.ge [sflag:s16], $0x4000  }
0x156: {  	[sflag:s16] =	ssyncset.done $0x0  }
0x157: {  	[sflag:s16] =	ssyncadd.s32 $0xFFFFC000  }
0x158: {  	_ =	swait.ge [sflag:s18], $0x4000  }
0x159: {  	[sflag:s18] =	ssyncset.done $0x0  }
0x15a: {  	[sflag:s18] =	ssyncadd.s32 $0xFFFFC000  }
0x15b: {  	_ =	swait.ge [sflag:s19], $0x4000  }
0x15c: {  	[sflag:s19] =	ssyncset.done $0x0;
	v2 =	vld [tilespmem:$0x1FC20]  }
0x15d: {  	[sflag:s19] =	ssyncadd.s32 $0xFFFFC000  }
0x15e: {  	v1 =	vld [tilespmem:$0x5680];
	_ =	sdelay $0x3  }
0x15f: {  	s31 =	simm.s32 $0x1DA00  }
0x160: {  	[tilespmem:v0+s31+$0x0] =	vst.idx.msk $0xffff, v1  }
0x161: {  	[tilespmem:v2+s31+$0x0] =	vst.idx.msk $0xffff, v1;
	v2 =	vld [tilespmem:$0x1FC30];
	_ =	sdelay $0x7  }
0x162: {  	[tilespmem:v2+s31+$0x0] =	vst.idx.msk $0xffff, v1;
	v2 =	vld [tilespmem:$0x1FC40];
	_ =	sdelay $0x7  }
0x163: {  	[tilespmem:v2+s31+$0x0] =	vst.idx.msk $0xffff, v1;
	v2 =	vld [tilespmem:$0x1FC50];
	_ =	sdelay $0x7  }
0x164: {  	[tilespmem:v2+s31+$0x0] =	vst.idx.msk $0xffff, v1;
	v2 =	vld [tilespmem:$0x1FC60];
	_ =	sdelay $0x7  }
0x165: {  	[tilespmem:v2+s31+$0x0] =	vst.idx.msk $0xffff, v1;
	v2 =	vld [tilespmem:$0x1FC70];
	_ =	sdelay $0x7  }
0x166: {  	[tilespmem:v2+s31+$0x0] =	vst.idx.msk $0xffff, v1;
	v2 =	vld [tilespmem:$0x1FC80];
	_ =	sdelay $0x7  }
0x167: {  	[tilespmem:v2+s31+$0x0] =	vst.idx.msk $0xffff, v1;
	v2 =	vld [tilespmem:$0x1FE50];
	_ =	sdelay $0x7  }
0x168: {  	[tilespmem:v2+s31+$0x0] =	vst.idx.msk $0xffff, v1;
	v2 =	vld [tilespmem:$0x1FC90];
	_ =	sdelay $0x7  }
0x169: {  	[tilespmem:v2+s31+$0x0] =	vst.idx.msk $0xffff, v1;
	v2 =	vld [tilespmem:$0x1FCA0];
	_ =	sdelay $0x7  }
0x16a: {  	[tilespmem:v2+s31+$0x0] =	vst.idx.msk $0xffff, v1;
	v2 =	vld [tilespmem:$0x1FCB0];
	_ =	sdelay $0x7  }
0x16b: {  	[tilespmem:v2+s31+$0x0] =	vst.idx.msk $0xffff, v1;
	v2 =	vld [tilespmem:$0x1FCC0];
	_ =	sdelay $0x7  }
0x16c: {  	[tilespmem:v2+s31+$0x0] =	vst.idx.msk $0xffff, v1;
	v2 =	vld [tilespmem:$0x1FCD0];
	_ =	sdelay $0x7  }
0x16d: {  	[tilespmem:v2+s31+$0x0] =	vst.idx.msk $0xffff, v1;
	v2 =	vld [tilespmem:$0x1FCE0];
	_ =	sdelay $0x7  }
0x16e: {  	[tilespmem:v2+s31+$0x0] =	vst.idx.msk $0xffff, v1;
	v2 =	vld [tilespmem:$0x1FCF0];
	_ =	sdelay $0x7  }
0x16f: {  	[tilespmem:v2+s31+$0x0] =	vst.idx.msk $0xffff, v1;
	v2 =	vld [tilespmem:$0x1FD00];
	_ =	sdelay $0x2  }
0x170: {  	v1 =	vld [tilespmem:$0x5690];
	_ =	sdelay $0x4  }
0x171: {  	[tilespmem:v2+s31+$0x0] =	vst.idx.msk $0xffff, v1;
	v2 =	vld [tilespmem:$0x1FD10];
	_ =	sdelay $0x7  }
0x172: {  	[tilespmem:v2+s31+$0x0] =	vst.idx.msk $0xffff, v1;
	v2 =	vld [tilespmem:$0x1FD20];
	_ =	sdelay $0x7  }
0x173: {  	[tilespmem:v2+s31+$0x0] =	vst.idx.msk $0xffff, v1;
	v2 =	vld [tilespmem:$0x1FD30];
	_ =	sdelay $0x7  }
0x174: {  	[tilespmem:v2+s31+$0x0] =	vst.idx.msk $0xffff, v1;
	v2 =	vld [tilespmem:$0x1FD40];
	_ =	sdelay $0x7  }
0x175: {  	[tilespmem:v2+s31+$0x0] =	vst.idx.msk $0xffff, v1;
	v2 =	vld [tilespmem:$0x1FD50];
	_ =	sdelay $0x7  }
0x176: {  	[tilespmem:v2+s31+$0x0] =	vst.idx.msk $0xffff, v1;
	v2 =	vld [tilespmem:$0x1FD60];
	_ =	sdelay $0x7  }
0x177: {  	[tilespmem:v2+s31+$0x0] =	vst.idx.msk $0xffff, v1;
	v2 =	vld [tilespmem:$0x1FD70];
	_ =	sdelay $0x7  }
0x178: {  	[tilespmem:v2+s31+$0x0] =	vst.idx.msk $0xffff, v1;
	v2 =	vld [tilespmem:$0x1FD80];
	_ =	sdelay $0x7  }
0x179: {  	[tilespmem:v2+s31+$0x0] =	vst.idx.msk $0xffff, v1;
	v2 =	vld [tilespmem:$0x1FD90];
	_ =	sdelay $0x7  }
0x17a: {  	[tilespmem:v2+s31+$0x0] =	vst.idx.msk $0xffff, v1;
	v2 =	vld [tilespmem:$0x1FDA0];
	_ =	sdelay $0x7  }
0x17b: {  	[tilespmem:v2+s31+$0x0] =	vst.idx.msk $0xffff, v1;
	v2 =	vld [tilespmem:$0x1FDB0];
	_ =	sdelay $0x7  }
0x17c: {  	[tilespmem:v2+s31+$0x0] =	vst.idx.msk $0xffff, v1;
	v2 =	vld [tilespmem:$0x1FDC0];
	_ =	sdelay $0x7  }
0x17d: {  	[tilespmem:v2+s31+$0x0] =	vst.idx.msk $0xffff, v1;
	v2 =	vld [tilespmem:$0x1FDD0];
	_ =	sdelay $0x7  }
0x17e: {  	[tilespmem:v2+s31+$0x0] =	vst.idx.msk $0xffff, v1;
	v2 =	vld [tilespmem:$0x1FDE0];
	_ =	sdelay $0x7  }
0x17f: {  	[tilespmem:v2+s31+$0x0] =	vst.idx.msk $0xffff, v1;
	v2 =	vld [tilespmem:$0x1FDF0];
	_ =	sdelay $0x7  }
0x180: {  	[tilespmem:v2+s31+$0x0] =	vst.idx.msk $0xffff, v1;
	v2 =	vld [tilespmem:$0x1FE00];
	_ =	sdelay $0x2  }
0x181: {  	v1 =	vld [tilespmem:$0x56A0];
	_ =	sdelay $0x4  }
0x182: {  	[tilespmem:v2+s31+$0x0] =	vst.idx.msk $0xffff, v1;
	v2 =	vld [tilespmem:$0x1FE10];
	_ =	sdelay $0x7  }
0x183: {  	[tilespmem:v2+s31+$0x0] =	vst.idx.msk $0xffff, v1;
	v2 =	vld [tilespmem:$0x1FE20];
	_ =	sdelay $0x7  }
0x184: {  	[tilespmem:v2+s31+$0x0] =	vst.idx.msk $0xffff, v1;
	v2 =	vld [tilespmem:$0x1FE30];
	_ =	sdelay $0x7  }
0x185: {  	[tilespmem:v2+s31+$0x0] =	vst.idx.msk $0xffff, v1;
	v2 =	vld [tilespmem:$0x1FE40];
	_ =	sdelay $0x7  }
0x186: {  	[tilespmem:v2+s31+$0x0] =	vst.idx.msk $0xffff, v1;
	v2 =	vld [tilespmem:$0x1FE60];
	_ =	sdelay $0x7  }
0x187: {  	[tilespmem:v2+s31+$0x0] =	vst.idx.msk $0xffff, v1;
	v2 =	vld [tilespmem:$0x1FE70];
	_ =	sdelay $0x7  }
0x188: {  	[tilespmem:v2+s31+$0x0] =	vst.idx.msk $0xffff, v1;
	v2 =	vld [tilespmem:$0x1FE80];
	_ =	sdelay $0x7  }
0x189: {  	[tilespmem:v2+s31+$0x0] =	vst.idx.msk $0xffff, v1;
	v2 =	vld [tilespmem:$0x1FE90];
	_ =	sdelay $0x7  }
0x18a: {  	[tilespmem:v2+s31+$0x0] =	vst.idx.msk $0xffff, v1;
	v2 =	vld [tilespmem:$0x1FEA0];
	_ =	sdelay $0x7  }
0x18b: {  	[tilespmem:v2+s31+$0x0] =	vst.idx.msk $0xffff, v1;
	v2 =	vld [tilespmem:$0x1FEB0];
	_ =	sdelay $0x7  }
0x18c: {  	[tilespmem:v2+s31+$0x0] =	vst.idx.msk $0xffff, v1;
	v2 =	vld [tilespmem:$0x1FEC0];
	_ =	sdelay $0x7  }
0x18d: {  	[tilespmem:v2+s31+$0x0] =	vst.idx.msk $0xffff, v1;
	v2 =	vld [tilespmem:$0x1FED0];
	_ =	sdelay $0x7  }
0x18e: {  	[tilespmem:v2+s31+$0x0] =	vst.idx.msk $0xffff, v1;
	v2 =	vld [tilespmem:$0x1FEE0];
	_ =	sdelay $0x7  }
0x18f: {  	[tilespmem:v2+s31+$0x0] =	vst.idx.msk $0xffff, v1;
	v2 =	vld [tilespmem:$0x1FEF0];
	_ =	sdelay $0x7  }
0x190: {  	[tilespmem:v2+s31+$0x0] =	vst.idx.msk $0xffff, v1;
	v2 =	vld [tilespmem:$0x1FF00];
	_ =	sdelay $0x7  }
0x191: {  	[tilespmem:v2+s31+$0x0] =	vst.idx.msk $0xffff, v1;
	v2 =	vld [tilespmem:$0x1FF10];
	_ =	sdelay $0x2  }
0x192: {  	v1 =	vld [tilespmem:$0x56B0];
	_ =	sdelay $0x4  }
0x193: {  	[tilespmem:v2+s31+$0x0] =	vst.idx.msk $0xffff, v1;
	v2 =	vld [tilespmem:$0x1FF20];
	_ =	sdelay $0x7  }
0x194: {  	[tilespmem:v2+s31+$0x0] =	vst.idx.msk $0xffff, v1;
	v2 =	vld [tilespmem:$0x1FF30];
	_ =	sdelay $0x7  }
0x195: {  	[tilespmem:v2+s31+$0x0] =	vst.idx.msk $0xffff, v1;
	v2 =	vld [tilespmem:$0x1FF40];
	_ =	sdelay $0x7  }
0x196: {  	[tilespmem:v2+s31+$0x0] =	vst.idx.msk $0xffff, v1;
	v2 =	vld [tilespmem:$0x1FF50];
	_ =	sdelay $0x7  }
0x197: {  	[tilespmem:v2+s31+$0x0] =	vst.idx.msk $0xffff, v1;
	v2 =	vld [tilespmem:$0x1FF60];
	_ =	sdelay $0x7  }
0x198: {  	[tilespmem:v2+s31+$0x0] =	vst.idx.msk $0xffff, v1;
	v2 =	vld [tilespmem:$0x1FF70];
	_ =	sdelay $0x7  }
0x199: {  	[tilespmem:v2+s31+$0x0] =	vst.idx.msk $0xffff, v1;
	v2 =	vld [tilespmem:$0x1FF80];
	_ =	sdelay $0x7  }
0x19a: {  	[tilespmem:v2+s31+$0x0] =	vst.idx.msk $0xffff, v1;
	v2 =	vld [tilespmem:$0x1FF90];
	_ =	sdelay $0x7  }
0x19b: {  	[tilespmem:v2+s31+$0x0] =	vst.idx.msk $0xffff, v1;
	v2 =	vld [tilespmem:$0x1FFA0];
	_ =	sdelay $0x7  }
0x19c: {  	[tilespmem:v2+s31+$0x0] =	vst.idx.msk $0xffff, v1;
	v2 =	vld [tilespmem:$0x1FFB0];
	_ =	sdelay $0x7  }
0x19d: {  	[tilespmem:v2+s31+$0x0] =	vst.idx.msk $0xffff, v1;
	v2 =	vld [tilespmem:$0x1FFC0];
	_ =	sdelay $0x7  }
0x19e: {  	[tilespmem:v2+s31+$0x0] =	vst.idx.msk $0xffff, v1;
	v2 =	vld [tilespmem:$0x1FFD0];
	_ =	sdelay $0x7  }
0x19f: {  	[tilespmem:v2+s31+$0x0] =	vst.idx.msk $0xffff, v1;
	v2 =	vld [tilespmem:$0x1FFE0];
	_ =	sdelay $0x7  }
0x1a0: {  	[tilespmem:v2+s31+$0x0] =	vst.idx.msk $0xffff, v1;
	v2 =	vld [tilespmem:$0x1FFF0];
	_ =	sdelay $0x3  }
0x1a1: {  	v3 =	vor.u32 $0x30F, v0;
	_ =	sdelay $0x2  }
0x1a2: {  	[tilespmem:$0x1FA30] =	vst v3  }
0x1a3: {  	[tilespmem:v2+s31+$0x0] =	vst.idx.msk $0xffff, v1  }
0x1a4: {  	v4 =	vor.u32 $0x402, v0;
	[tilespmem:v3+s31+$0x0] =	vst.idx.msk $0xffff, v1  }
0x1a5: {  	v5 =	vor.u32 $0x403, v0;
	[tilespmem:$0x1FA60] =	vst v4;
	v2 =	vor.u32 $0x400, v0;
	v1 =	vld [tilespmem:$0x56C0]  }
0x1a6: {  	v6 =	vor.u32 $0x404, v0;
	[tilespmem:$0x1FA70] =	vst v5;
	v3 =	vor.u32 $0x401, v0  }
0x1a7: {  	[tilespmem:$0x1FA80] =	vst v6  }
0x1a8: {  	[tilespmem:$0x1FA40] =	vst v2  }
0x1a9: {  	[tilespmem:$0x1FA50] =	vst v3  }
0x1aa: {  	[tilespmem:v2+s31+$0x0] =	vst.idx.msk $0xffff, v1  }
0x1ab: {  	v2 =	vor.u32 $0x405, v0;
	[tilespmem:v3+s31+$0x0] =	vst.idx.msk $0xffff, v1  }
0x1ac: {  	[tilespmem:$0x1FA90] =	vst v2  }
0x1ad: {  	v3 =	vor.u32 $0x406, v0;
	[tilespmem:v4+s31+$0x0] =	vst.idx.msk $0xffff, v1  }
0x1ae: {  	[tilespmem:$0x1FAA0] =	vst v3  }
0x1af: {  	v4 =	vor.u32 $0x407, v0;
	[tilespmem:v5+s31+$0x0] =	vst.idx.msk $0xffff, v1  }
0x1b0: {  	[tilespmem:$0x1FAB0] =	vst v4  }
0x1b1: {  	v5 =	vor.u32 $0x408, v0;
	[tilespmem:v6+s31+$0x0] =	vst.idx.msk $0xffff, v1  }
0x1b2: {  	[tilespmem:$0x1FAC0] =	vst v5  }
0x1b3: {  	v6 =	vor.u32 $0x409, v0;
	[tilespmem:v2+s31+$0x0] =	vst.idx.msk $0xffff, v1  }
0x1b4: {  	[tilespmem:$0x1FAD0] =	vst v6  }
0x1b5: {  	v2 =	vor.u32 $0x40A, v0;
	[tilespmem:v3+s31+$0x0] =	vst.idx.msk $0xffff, v1  }
0x1b6: {  	[tilespmem:$0x1FAE0] =	vst v2  }
0x1b7: {  	v3 =	vor.u32 $0x40B, v0;
	[tilespmem:v4+s31+$0x0] =	vst.idx.msk $0xffff, v1  }
0x1b8: {  	[tilespmem:$0x1FAF0] =	vst v3  }
0x1b9: {  	v4 =	vor.u32 $0x40C, v0;
	[tilespmem:v5+s31+$0x0] =	vst.idx.msk $0xffff, v1  }
0x1ba: {  	[tilespmem:$0x1FB00] =	vst v4  }
0x1bb: {  	v5 =	vor.u32 $0x40D, v0;
	[tilespmem:v6+s31+$0x0] =	vst.idx.msk $0xffff, v1  }
0x1bc: {  	[tilespmem:$0x1FB10] =	vst v5  }
0x1bd: {  	v6 =	vor.u32 $0x40E, v0;
	[tilespmem:v2+s31+$0x0] =	vst.idx.msk $0xffff, v1  }
0x1be: {  	[tilespmem:$0x1FB20] =	vst v6  }
0x1bf: {  	v2 =	vor.u32 $0x40F, v0;
	[tilespmem:v3+s31+$0x0] =	vst.idx.msk $0xffff, v1  }
0x1c0: {  	[tilespmem:$0x1FB30] =	vst v2  }
0x1c1: {  	[tilespmem:v4+s31+$0x0] =	vst.idx.msk $0xffff, v1  }
0x1c2: {  	[tilespmem:v5+s31+$0x0] =	vst.idx.msk $0xffff, v1  }
0x1c3: {  	[tilespmem:v6+s31+$0x0] =	vst.idx.msk $0xffff, v1  }
0x1c4: {  	v3 =	vor.u32 $0x501, v0;
	[tilespmem:v2+s31+$0x0] =	vst.idx.msk $0xffff, v1  }
0x1c5: {  	v4 =	vor.u32 $0x502, v0;
	[tilespmem:$0x1FB50] =	vst v3;
	v2 =	vor.u32 $0x500, v0;
	v1 =	vld [tilespmem:$0x56D0]  }
0x1c6: {  	v5 =	vor.u32 $0x503, v0;
	[tilespmem:$0x1FB60] =	vst v4  }
0x1c7: {  	v6 =	vor.u32 $0x504, v0;
	[tilespmem:$0x1FB70] =	vst v5  }
0x1c8: {  	[tilespmem:$0x1FB80] =	vst v6  }
0x1c9: {  	[tilespmem:$0x1FB40] =	vst v2  }
0x1ca: {  	[tilespmem:v2+s31+$0x0] =	vst.idx.msk $0xffff, v1  }
0x1cb: {  	v2 =	vor.u32 $0x505, v0;
	[tilespmem:v3+s31+$0x0] =	vst.idx.msk $0xffff, v1  }
0x1cc: {  	[tilespmem:$0x1FB90] =	vst v2  }
0x1cd: {  	v3 =	vor.u32 $0x506, v0;
	[tilespmem:v4+s31+$0x0] =	vst.idx.msk $0xffff, v1  }
0x1ce: {  	[tilespmem:$0x1FBA0] =	vst v3  }
0x1cf: {  	v4 =	vor.u32 $0x507, v0;
	[tilespmem:v5+s31+$0x0] =	vst.idx.msk $0xffff, v1  }
0x1d0: {  	[tilespmem:$0x1FBB0] =	vst v4  }
0x1d1: {  	v5 =	vor.u32 $0x508, v0;
	[tilespmem:v6+s31+$0x0] =	vst.idx.msk $0xffff, v1  }
0x1d2: {  	v6 =	vor.u32 $0x509, v0;
	[tilespmem:$0x1FBC0] =	vst v5  }
0x1d3: {  	[tilespmem:v2+s31+$0x0] =	vst.idx.msk $0xffff, v1;
	v2 =	vor.u32 $0x50A, v0  }
0x1d4: {  	[tilespmem:v3+s31+$0x0] =	vst.idx.msk $0xffff, v1;
	v3 =	vor.u32 $0x50B, v0  }
0x1d5: {  	[tilespmem:v4+s31+$0x0] =	vst.idx.msk $0xffff, v1;
	v4 =	vor.u32 $0x50C, v0  }
0x1d6: {  	[tilespmem:v5+s31+$0x0] =	vst.idx.msk $0xffff, v1;
	v5 =	vor.u32 $0x50D, v0  }
0x1d7: {  	v32 =	vor.u32 $0x50E, v0;
	[tilespmem:v6+s31+$0x0] =	vst.idx.msk $0xffff, v1  }
0x1d8: {  	v33 =	vor.u32 $0x50F, v0;
	[tilespmem:v2+s31+$0x0] =	vst.idx.msk $0xffff, v1  }
0x1d9: {  	[tilespmem:v3+s31+$0x0] =	vst.idx.msk $0xffff, v1  }
0x1da: {  	[tilespmem:v4+s31+$0x0] =	vst.idx.msk $0xffff, v1  }
0x1db: {  	[tilespmem:v5+s31+$0x0] =	vst.idx.msk $0xffff, v1  }
0x1dc: {  	[tilespmem:v32+s31+$0x0] =	vst.idx.msk $0xffff, v1  }
0x1dd: {  	[tilespmem:v33+s31+$0x0] =	vst.idx.msk $0xffff, v1  }
0x1de: {  	v34 =	vor.u32 $0x600, v0;
	v1 =	vld [tilespmem:$0x56E0]  }
0x1df: {  	v35 =	vor.u32 $0x601, v0  }
0x1e0: {  	v36 =	vor.u32 $0x602, v0  }
0x1e1: {  	v37 =	vor.u32 $0x603, v0  }
0x1e2: {  	v38 =	vor.u32 $0x604, v0  }
0x1e3: {  	v39 =	vor.u32 $0x605, v0;
	[tilespmem:v34+s31+$0x0] =	vst.idx.msk $0xffff, v1  }
0x1e4: {  	v40 =	vor.u32 $0x606, v0;
	[tilespmem:v35+s31+$0x0] =	vst.idx.msk $0xffff, v1  }
0x1e5: {  	v41 =	vor.u32 $0x607, v0;
	[tilespmem:v36+s31+$0x0] =	vst.idx.msk $0xffff, v1  }
0x1e6: {  	v42 =	vor.u32 $0x608, v0;
	[tilespmem:v37+s31+$0x0] =	vst.idx.msk $0xffff, v1  }
0x1e7: {  	v43 =	vor.u32 $0x609, v0;
	[tilespmem:v38+s31+$0x0] =	vst.idx.msk $0xffff, v1  }
0x1e8: {  	v44 =	vor.u32 $0x60A, v0;
	[tilespmem:v39+s31+$0x0] =	vst.idx.msk $0xffff, v1  }
0x1e9: {  	v45 =	vor.u32 $0x60B, v0;
	[tilespmem:v40+s31+$0x0] =	vst.idx.msk $0xffff, v1  }
0x1ea: {  	v46 =	vor.u32 $0x60C, v0;
	[tilespmem:v41+s31+$0x0] =	vst.idx.msk $0xffff, v1  }
0x1eb: {  	v47 =	vor.u32 $0x60D, v0;
	[tilespmem:v42+s31+$0x0] =	vst.idx.msk $0xffff, v1  }
0x1ec: {  	v48 =	vor.u32 $0x60E, v0;
	[tilespmem:v43+s31+$0x0] =	vst.idx.msk $0xffff, v1  }
0x1ed: {  	v49 =	vor.u32 $0x60F, v0;
	[tilespmem:v44+s31+$0x0] =	vst.idx.msk $0xffff, v1  }
0x1ee: {  	[tilespmem:v45+s31+$0x0] =	vst.idx.msk $0xffff, v1  }
0x1ef: {  	[tilespmem:v46+s31+$0x0] =	vst.idx.msk $0xffff, v1  }
0x1f0: {  	[tilespmem:v47+s31+$0x0] =	vst.idx.msk $0xffff, v1  }
0x1f1: {  	[tilespmem:v48+s31+$0x0] =	vst.idx.msk $0xffff, v1  }
0x1f2: {  	[tilespmem:v49+s31+$0x0] =	vst.idx.msk $0xffff, v1  }
0x1f3: {  	v50 =	vor.u32 $0x700, v0;
	[tilespmem:$0x1FBF0] =	vst v3;
	v3 =	vld [tilespmem:$0x56F0]  }
0x1f4: {  	v51 =	vor.u32 $0x701, v0  }
0x1f5: {  	v52 =	vor.u32 $0x702, v0  }
0x1f6: {  	v53 =	vor.u32 $0x703, v0  }
0x1f7: {  	v54 =	vor.u32 $0x704, v0;
	[tilespmem:$0x1FBE0] =	vst v2  }
0x1f8: {  	v55 =	vor.u32 $0x705, v0;
	[tilespmem:v50+s31+$0x0] =	vst.idx.msk $0xffff, v3  }
0x1f9: {  	v56 =	vor.u32 $0x706, v0;
	[tilespmem:v51+s31+$0x0] =	vst.idx.msk $0xffff, v3  }
0x1fa: {  	v57 =	vor.u32 $0x707, v0;
	[tilespmem:v52+s31+$0x0] =	vst.idx.msk $0xffff, v3  }
0x1fb: {  	v58 =	vor.u32 $0x708, v0;
	[tilespmem:v53+s31+$0x0] =	vst.idx.msk $0xffff, v3  }
0x1fc: {  	v59 =	vor.u32 $0x709, v0;
	[tilespmem:v54+s31+$0x0] =	vst.idx.msk $0xffff, v3  }
0x1fd: {  	v60 =	vor.u32 $0x70A, v0;
	[tilespmem:v55+s31+$0x0] =	vst.idx.msk $0xffff, v3  }
0x1fe: {  	v61 =	vor.u32 $0x70B, v0;
	[tilespmem:v56+s31+$0x0] =	vst.idx.msk $0xffff, v3  }
0x1ff: {  	v62 =	vor.u32 $0x70C, v0;
	[tilespmem:v57+s31+$0x0] =	vst.idx.msk $0xffff, v3  }
0x200: {  	v63 =	vor.u32 $0x70D, v0;
	[tilespmem:v58+s31+$0x0] =	vst.idx.msk $0xffff, v3  }
0x201: {  	v1 =	vor.u32 $0x70E, v0;
	[tilespmem:v59+s31+$0x0] =	vst.idx.msk $0xffff, v3  }
0x202: {  	v2 =	vor.u32 $0x70F, v0;
	[tilespmem:v60+s31+$0x0] =	vst.idx.msk $0xffff, v3  }
0x203: {  	[tilespmem:v61+s31+$0x0] =	vst.idx.msk $0xffff, v3  }
0x204: {  	[tilespmem:v62+s31+$0x0] =	vst.idx.msk $0xffff, v3  }
0x205: {  	[tilespmem:v63+s31+$0x0] =	vst.idx.msk $0xffff, v3  }
0x206: {  	[tilespmem:v1+s31+$0x0] =	vst.idx.msk $0xffff, v3  }
0x207: {  	s20 =	simm.s32 $0x0;
	[tilespmem:v2+s31+$0x0] =	vst.idx.msk $0xffff, v3  }
0x208: {  	v3 =	vld [tilespmem:s20+$0x11780]  }
0x209: {  	[tilespmem:$0x1FC00] =	vst v4;
	v4 =	vld [tilespmem:s20+$0x5780]  }
0x20a: {  	[tilespmem:$0x1FC10] =	vst v5;
	v5 =	vld [tilespmem:s20+$0xD780]  }
0x20b: {  	[tilespmem:$0x1FBD0] =	vst v6;
	v6 =	vld [tilespmem:s20+$0x11790]  }
0x20c: {  	v7 =	vld [tilespmem:s20+$0x5790]  }
0x20d: {  	v8 =	vld [tilespmem:s20+$0xD790]  }
0x20e: {  	v9 =	vld [tilespmem:s20+$0x117A0]  }
0x20f: {  	v10 =	vld [tilespmem:s20+$0x57A0]  }
0x210: {  	v11 =	vld [tilespmem:s20+$0xD7A0]  }
0x211: {  	v12 =	vld [tilespmem:s20+$0x117B0]  }
0x212: {  	v13 =	vld [tilespmem:s20+$0x57B0]  }
0x213: {  	v14 =	vld [tilespmem:s20+$0xD7B0]  }
0x214: {  	v15 =	vld [tilespmem:s20+$0x117C0]  }
0x215: {  	v16 =	vld [tilespmem:s20+$0x57C0]  }
0x216: {  	v17 =	vld [tilespmem:s20+$0xD7C0]  }
0x217: {  	v18 =	vld [tilespmem:s20+$0x117D0]  }
0x218: {  	v19 =	vld [tilespmem:s20+$0x57D0]  }
0x219: {  	v20 =	vld [tilespmem:s20+$0xD7D0]  }
0x21a: {  	v21 =	vld [tilespmem:s20+$0x117E0]  }
0x21b: {  	v22 =	vld [tilespmem:s20+$0x57E0]  }
0x21c: {  	v23 =	vld [tilespmem:s20+$0xD7E0]  }
0x21d: {  	s11 =	simm.s32 $0x80;
	v24 =	vld [tilespmem:s20+$0x117F0]  }
0x21e: {  	v25 =	vld [tilespmem:s11+$0x11780]  }
0x21f: {  	v26 =	vld [tilespmem:s11+$0x5780]  }
0x220: {  	v27 =	vld [tilespmem:s31+$0x0]  }
0x221: {  	v28 =	vld [tilespmem:s11+$0xD780]  }
0x222: {  	v29 =	vld [tilespmem:s11+$0x11790];
	v4 =	vadd.f32 v4, v3;
	v3 =	vadd.f32 v5, v3  }
0x223: {  	v30 =	vld [tilespmem:s11+$0x5790];
	v5 =	vadd.f32 v7, v6;
	v6 =	vadd.f32 v8, v6  }
0x224: {  	v31 =	vld [tilespmem:s11+$0xD790];
	v7 =	vadd.f32 v10, v9;
	v8 =	vadd.f32 v11, v9  }
0x225: {  	v10 =	vadd.f32 v13, v12;
	v11 =	vadd.f32 v14, v12;
	v4 =	vmul.f32 v3, v4;
	v3 =	vld [tilespmem:s11+$0x117A0]  }
0x226: {  	v6 =	vmul.f32 v6, v5;
	v5 =	vld [tilespmem:s11+$0xD7A0]  }
0x227: {  	v10 =	vmul.f32 v11, v10;
	v11 =	vld [tilespmem:s20+$0xD7F0];
	v9 =	vmul.f32 v4, v27  }
0x228: {  	v4 =	vld [tilespmem:s11+$0x57A0]  }
0x229: {  	v7 =	vmul.f32 v8, v7;
	v8 =	vmul.f32 v6, v27;
	[tilespmem:s20+$0x15780] =	vst v9;
	v9 =	vld [tilespmem:s20+$0x57F0]  }
0x22a: {  	v12 =	vadd.f32 v16, v15;
	v13 =	vadd.f32 v17, v15  }
0x22b: {  	v14 =	vadd.f32 v19, v18;
	v15 =	vadd.f32 v20, v18;
	v6 =	vld [tilespmem:s11+$0x117B0];
	[tilespmem:s20+$0x15790] =	vst v8;
	v8 =	vmul.f32 v7, v27  }
0x22c: {  	v12 =	vmul.f32 v13, v12;
	v10 =	vmul.f32 v10, v27  }
0x22d: {  	v16 =	vadd.f32 v23, v21;
	v13 =	vadd.f32 v22, v21;
	v14 =	vmul.f32 v15, v14;
	v7 =	vld [tilespmem:s11+$0x57B0];
	[tilespmem:s20+$0x157A0] =	vst v8  }
0x22e: {  	v11 =	vadd.f32 v11, v24;
	v8 =	vld [tilespmem:s11+$0xD7B0];
	[tilespmem:s20+$0x157B0] =	vst v10;
	v10 =	vmul.f32 v12, v27;
	v12 =	vadd.f32 v9, v24  }
0x22f: {  	v13 =	vmul.f32 v16, v13  }
0x230: {  	v14 =	vmul.f32 v14, v27;
	v11 =	vmul.f32 v11, v12  }
0x231: {  	v13 =	vmul.f32 v13, v27;
	v9 =	vld [tilespmem:s11+$0x117C0];
	[tilespmem:s20+$0x157C0] =	vst v10  }
0x232: {  	v10 =	vld [tilespmem:s11+$0x57C0];
	[tilespmem:s20+$0x157D0] =	vst v14;
	v14 =	vmul.f32 v11, v27  }
0x233: {  	v12 =	vld [tilespmem:s11+$0xD7C0];
	[tilespmem:s20+$0x157E0] =	vst v13  }
0x234: {  	v11 =	vld [tilespmem:s11+$0x117D0];
	[tilespmem:s20+$0x157F0] =	vst v14  }
0x235: {  	v15 =	vld [tilespmem:s11+$0x57D0]  }
0x236: {  	v16 =	vld [tilespmem:s11+$0xD7D0]  }
0x237: {  	v13 =	vld [tilespmem:s11+$0x117E0]  }
0x238: {  	v17 =	vld [tilespmem:s11+$0x57E0]  }
0x239: {  	v19 =	vadd.f32 v26, v25;
	v20 =	vadd.f32 v28, v25;
	v18 =	vld [tilespmem:s11+$0xD7E0]  }
0x23a: {  	s13 =	simm.s32 $0x400;
	v21 =	vadd.f32 v30, v29;
	v22 =	vadd.f32 v31, v29;
	v14 =	vld [tilespmem:s11+$0x117F0]  }
.LBB2_4:
0x23b: {  	p3 =	sne.s32 s13, $0xFE00;
	v4 =	vadd.f32 v4, v3;
	v3 =	vadd.f32 v5, v3;
	v5 =	vld [tilespmem:s11+$0x57F0]  }
0x23c: {  	s20 =	sshra.s32 s13, $0x2;
	v7 =	vadd.f32 v7, v6;
	v6 =	vadd.f32 v8, v6;
	v8 =	vld [tilespmem:s11+$0xD7F0]  }
0x23d: {  	v10 =	vadd.f32 v10, v9;
	v9 =	vadd.f32 v12, v9;
	v23 =	vld [tilespmem:s20+$0x11780]  }
0x23e: {  	v12 =	vadd.f32 v15, v11;
	v11 =	vadd.f32 v16, v11;
	s31 =	sadd.s32 $0x10, s31;
	v24 =	vld [tilespmem:s20+$0x5780]  }
0x23f: {  	v16 =	vadd.f32 v17, v13;
	v13 =	vadd.f32 v18, v13;
	v15 =	vld [tilespmem:s31+$0x0]  }
0x240: {  	v17 =	vmul.f32 v20, v19;
	v19 =	vmul.f32 v22, v21;
	v18 =	vld [tilespmem:s20+$0xD780];
	v5 =	vadd.f32 v5, v14  }
0x241: {  	v20 =	vmul.f32 v3, v4;
	v6 =	vmul.f32 v6, v7;
	v22 =	vld [tilespmem:s20+$0x11790];
	v3 =	vadd.f32 v8, v14  }
0x242: {  	v7 =	vmul.f32 v9, v10;
	v8 =	vmul.f32 v11, v12;
	v14 =	vld [tilespmem:s20+$0x5790]  }
0x243: {  	v9 =	vmul.f32 v13, v16;
	v25 =	vld [tilespmem:s20+$0xD790];
	v10 =	vmul.f32 v3, v5  }
0x244: {  	v3 =	vld [tilespmem:s20+$0x117A0];
	v11 =	vmul.f32 v17, v15;
	v12 =	vmul.f32 v19, v15  }
0x245: {  	v13 =	vmul.f32 v20, v15;
	v16 =	vmul.f32 v6, v15;
	v4 =	vld [tilespmem:s20+$0x57A0]  }
0x246: {  	v17 =	vmul.f32 v8, v15;
	v5 =	vld [tilespmem:s20+$0xD7A0];
	[tilespmem:s11+$0x15780] =	vst v11;
	v11 =	vmul.f32 v7, v15  }
0x247: {  	v19 =	vmul.f32 v9, v15;
	v15 =	vmul.f32 v10, v15;
	v6 =	vld [tilespmem:s20+$0x117B0];
	[tilespmem:s11+$0x15790] =	vst v12  }
0x248: {  	v7 =	vld [tilespmem:s20+$0x57B0];
	[tilespmem:s11+$0x157A0] =	vst v13  }
0x249: {  	v8 =	vld [tilespmem:s20+$0xD7B0];
	[tilespmem:s11+$0x157B0] =	vst v16  }
0x24a: {  	v9 =	vld [tilespmem:s20+$0x117C0];
	[tilespmem:s11+$0x157C0] =	vst v11  }
0x24b: {  	v10 =	vld [tilespmem:s20+$0x57C0];
	[tilespmem:s11+$0x157D0] =	vst v17  }
0x24c: {  	v12 =	vld [tilespmem:s20+$0xD7C0];
	[tilespmem:s11+$0x157E0] =	vst v19  }
0x24d: {  	v11 =	vld [tilespmem:s20+$0x117D0];
	[tilespmem:s11+$0x157F0] =	vst v15;
	s11 =	smov.u32 s20  }
0x24e: {  	v15 =	vld [tilespmem:s11+$0x57D0]  }
.Ltmp5:
0x24f: {  	v16 =	vld [tilespmem:s11+$0xD7D0];
	(pc) =	sbr.rel @p3 .LBB2_4-.Ltmp5, $4  }
0x250: {  	v13 =	vld [tilespmem:s11+$0x117E0]  }
0x251: {  	v17 =	vld [tilespmem:s11+$0x57E0]  }
0x252: {  	v20 =	vadd.f32 v18, v23;
	v19 =	vadd.f32 v24, v23;
	v18 =	vld [tilespmem:s11+$0xD7E0]  }
0x253: {  	s13 =	sadd.s32 $0x200, s13;
	v21 =	vadd.f32 v14, v22;
	v22 =	vadd.f32 v25, v22;
	v14 =	vld [tilespmem:s11+$0x117F0]  }
0x254: {  	s13 =	sadd.s32 $0x10, s31  }
0x255: {  	v23 =	vld [tilespmem:s13+$0x0]  }
0x256: {  	v4 =	vadd.f32 v4, v3;
	v3 =	vadd.f32 v5, v3  }
0x257: {  	v5 =	vadd.f32 v7, v6;
	v26 =	vadd.f32 v8, v6;
	v27 =	vld [tilespmem:s11+$0x57F0]  }
0x258: {  	v28 =	vadd.f32 v10, v9;
	v29 =	vadd.f32 v12, v9;
	v30 =	vld [tilespmem:s11+$0xD7F0];
	v31 =	vmul.f32 v20, v19  }
0x259: {  	v15 =	vadd.f32 v15, v11;
	v22 =	vmul.f32 v22, v21;
	v3 =	vmul.f32 v3, v4  }
0x25a: {  	v20 =	vadd.f32 v16, v11;
	v5 =	vmul.f32 v26, v5;
	v24 =	vmul.f32 v31, v23  }
0x25b: {  	v17 =	vadd.f32 v17, v13;
	v8 =	vmul.f32 v29, v28;
	v26 =	vmul.f32 v22, v23  }
0x25c: {  	v28 =	vmul.f32 v20, v15;
	v25 =	vadd.f32 v18, v13;
	v3 =	vmul.f32 v3, v23;
	[tilespmem:s11+$0x15780] =	vst v24  }
0x25d: {  	v7 =	vadd.f32 v27, v14;
	v27 =	vadd.f32 v30, v14;
	v5 =	vmul.f32 v5, v23;
	[tilespmem:s11+$0x15790] =	vst v26  }
0x25e: {  	v29 =	vmul.f32 v25, v17;
	v8 =	vmul.f32 v8, v23;
	[tilespmem:s11+$0x157A0] =	vst v3  }
0x25f: {  	v30 =	vmul.f32 v28, v23;
	v3 =	vmul.f32 v27, v7;
	[tilespmem:s11+$0x157B0] =	vst v5  }
.Ltmp6:
0x260: {  	v31 =	vmul.f32 v29, v23;
	[tilespmem:s11+$0x157C0] =	vst v8;
	(pc) =	sbr.rel @p2 .LBB2_9-.Ltmp6, $4  }
0x261: {  	[tilespmem:s11+$0x157D0] =	vst v30;
	v3 =	vmul.f32 v3, v23  }
0x262: {  	s31 =	sshll.u32 s30, $0xB;
	[tilespmem:s11+$0x157E0] =	vst v31  }
0x263: {  	s20 =	sadd.s32 s14, s31;
	s31 =	simm.s32 $0x15780;
	[tilespmem:s11+$0x157F0] =	vst v3  }
0x264: {  	[hbm4b:s20+s7] =	stream.linear.scatter [tilespmem:s31], [sflag:$0x9], $0x4000, $0x38;
	[tilespmem:$0x1F628] =	vst v63  }
0x265: {  	_ =	swait.ge [sflag:s28], $0x180  }
0x266: {  	[sflag:s28] =	ssyncset.done $0x0  }
0x267: {  	[sflag:s28] =	ssyncadd.s32 $0xFFFFFE80  }
0x268: {  	_ =	swait.ge [sflag:s28], $0x80  }
0x269: {  	[sflag:s28] =	ssyncset.done $0x0  }
0x26a: {  	s11 =	simm.s32 $0x5380;
	s13 =	simm.s32 $0x9780;
	[sflag:s28] =	ssyncadd.s32 $0xFFFFFF80  }
0x26b: {  	[tilespmem:s13], [sflag:$0x4] =	stream.indirect.gather [hbm4b:s0+s29], $0x80, s11, s29, $0xb8;
	[tilespmem:$0x1F628] =	vst v63  }
0x26c: {  	s20 =	simm.s32 $0x5400;
	p2 =	sgt.u32 s30, $0x983  }
0x26d: {  	[tilespmem:s10], [sflag:$0x5] =	stream.indirect.gather [spmem:s4], $0x80, s20, s29, $0xb8;
	[tilespmem:$0x1F628] =	vst v63  }
0x26e: {  	s31 =	simm.s32 $0x5480;
	s11 =	sadd.s32 @!p2 $0x40, s30  }
0x26f: {  	[tilespmem:s12], [sflag:$0x6] =	stream.indirect.gather [spmem:s5], $0x80, s31, s29, $0xb8;
	[tilespmem:$0x1F628] =	vst v63  }
0x270: {  	s13 =	sshll.u32 @!p2 s11, $0x6;
	_ =	swait.ge [sflag:s21], $0x80  }
0x271: {  	s30 =	simm.s32 @!p2 $0x138800;
	s13 =	sadd.s32 @!p2 s8, s13;
	[sflag:s21] =	ssyncset.done $0x0  }
0x272: {  	s20 =	simm.s32 @!p2 $0x200;
	s31 =	simm.s32 @!p2 $0x5180;
	[sflag:s21] =	ssyncadd.s32 $0xFFFFFF80  }
0x273: {  	[tilespmem:s31], [sflag:$0x1] =	stream.strided.gather @!p2 [hbm4b:s13+s20], $0x0, s30, s20, $0x38;
	[tilespmem:$0x1F628] =	vst v63  }
0x274: {  	s11 =	sshll.u32 @!p2 s11, $0x4;
	s20 =	simm.s32 @!p2 $0x0  }
0x275: {  	[tilespmem:s31], [sflag:$0x1] =	stream.linear.gather @!p2 [hbm4b:s13+s20], $0x180, $0x38;
	[tilespmem:$0x1F628] =	vst v63  }
0x276: {  	s11 =	sadd.s32 @!p2 s9, s11;
	s13 =	simm.s32 @!p2 $0x5580  }
0x277: {  	[tilespmem:s13], [sflag:$0x1] =	stream.linear.gather @!p2 [hbm4b:s11+s20], $0x80, $0x38;
	[tilespmem:$0x1F628] =	vst v63  }
0x278: {  	v3 =	vld [tilespmem:$0x5380]  }
0x279: {  	v4 =	vld [tilespmem:$0x5600];
	_ =	sdelay $0x1  }
0x27a: {  	v5 =	vld [tilespmem:$0x5400];
	_ =	sdelay $0x1  }
0x27b: {  	v6 =	vld [tilespmem:$0x5480];
	_ =	sdelay $0x2  }
0x27c: {  	v3 =	vld.idx.msk [tilespmem:v3+s7+$0x0], $0xffff  }
0x27d: {  	v4 =	vld.idx.msk [tilespmem:v4+s24+$0x0], $0xffff;
	_ =	sdelay $0x1  }
0x27e: {  	v5 =	vld.idx.msk [tilespmem:v5+s25+$0x0], $0xffff;
	_ =	sdelay $0x1  }
0x27f: {  	v6 =	vld.idx.msk [tilespmem:v6+s26+$0x0], $0xffff  }
0x280: {  	v3 =	vsub.f32 v3, v4;
	_ =	sdelay $0x1  }
0x281: {  	v3 =	vadd.f32 v5, v3;
	_ =	sdelay $0x1  }
0x282: {  	v3 =	vadd.f32 v6, v3;
	_ =	sdelay $0x1  }
0x283: {  	v4 =	vmul.f32 $1.000000010e-01, v3;
	_ =	sdelay $0x1  }
0x284: {  	v3 =	vmax.f32 v3, v4  }
0x285: {  	v3 =	vmul.f32 $1.442695020e+00, v3;
	_ =	sdelay $0x1  }
0x286: {  	(erf) = vpow2.f32 v3;
	_ =	sdelay $0x2  }
0x287: {  	v3 =	vld [tilespmem:$0x5390]  }
0x288: {  	v4 =	vld [tilespmem:$0x5610];
	_ =	sdelay $0x1  }
0x289: {  	v5 =	vld [tilespmem:$0x5410];
	_ =	sdelay $0x1  }
0x28a: {  	v6 =	vld [tilespmem:$0x5490]  }
0x28b: {  	v7 =	vpop (erf)  }
0x28c: {  	[tilespmem:$0x5700] =	vst v7  }
0x28d: {  	v3 =	vld.idx.msk [tilespmem:v3+s7+$0x0], $0xffff  }
0x28e: {  	v4 =	vld.idx.msk [tilespmem:v4+s24+$0x0], $0xffff;
	_ =	sdelay $0x1  }
0x28f: {  	v5 =	vld.idx.msk [tilespmem:v5+s25+$0x0], $0xffff;
	_ =	sdelay $0x1  }
0x290: {  	v6 =	vld.idx.msk [tilespmem:v6+s26+$0x0], $0xffff  }
0x291: {  	v3 =	vsub.f32 v3, v4;
	_ =	sdelay $0x1  }
0x292: {  	v3 =	vadd.f32 v5, v3;
	_ =	sdelay $0x1  }
0x293: {  	v3 =	vadd.f32 v6, v3;
	_ =	sdelay $0x1  }
0x294: {  	v4 =	vmul.f32 $1.000000010e-01, v3;
	_ =	sdelay $0x1  }
0x295: {  	v3 =	vmax.f32 v3, v4  }
0x296: {  	v3 =	vmul.f32 $1.442695020e+00, v3;
	_ =	sdelay $0x1  }
0x297: {  	(erf) = vpow2.f32 v3;
	_ =	sdelay $0x2  }
0x298: {  	v3 =	vld [tilespmem:$0x53A0]  }
0x299: {  	v4 =	vld [tilespmem:$0x5620];
	_ =	sdelay $0x1  }
0x29a: {  	v5 =	vld [tilespmem:$0x5420];
	_ =	sdelay $0x1  }
0x29b: {  	v6 =	vld [tilespmem:$0x54A0]  }
0x29c: {  	v7 =	vpop (erf)  }
0x29d: {  	[tilespmem:$0x5710] =	vst v7  }
0x29e: {  	v3 =	vld.idx.msk [tilespmem:v3+s7+$0x0], $0xffff  }
0x29f: {  	v4 =	vld.idx.msk [tilespmem:v4+s24+$0x0], $0xffff;
	_ =	sdelay $0x1  }
0x2a0: {  	v5 =	vld.idx.msk [tilespmem:v5+s25+$0x0], $0xffff;
	_ =	sdelay $0x1  }
0x2a1: {  	v6 =	vld.idx.msk [tilespmem:v6+s26+$0x0], $0xffff  }
0x2a2: {  	v3 =	vsub.f32 v3, v4;
	_ =	sdelay $0x1  }
0x2a3: {  	v3 =	vadd.f32 v5, v3;
	_ =	sdelay $0x1  }
0x2a4: {  	v3 =	vadd.f32 v6, v3;
	_ =	sdelay $0x1  }
0x2a5: {  	v4 =	vmul.f32 $1.000000010e-01, v3;
	_ =	sdelay $0x1  }
0x2a6: {  	v3 =	vmax.f32 v3, v4  }
0x2a7: {  	v3 =	vmul.f32 $1.442695020e+00, v3;
	_ =	sdelay $0x1  }
0x2a8: {  	(erf) = vpow2.f32 v3;
	_ =	sdelay $0x2  }
0x2a9: {  	v3 =	vld [tilespmem:$0x53B0]  }
0x2aa: {  	v4 =	vld [tilespmem:$0x5630];
	_ =	sdelay $0x1  }
0x2ab: {  	v5 =	vld [tilespmem:$0x5430];
	_ =	sdelay $0x1  }
0x2ac: {  	v6 =	vld [tilespmem:$0x54B0]  }
0x2ad: {  	v7 =	vpop (erf)  }
0x2ae: {  	[tilespmem:$0x5720] =	vst v7  }
0x2af: {  	v3 =	vld.idx.msk [tilespmem:v3+s7+$0x0], $0xffff  }
0x2b0: {  	v4 =	vld.idx.msk [tilespmem:v4+s24+$0x0], $0xffff;
	_ =	sdelay $0x1  }
0x2b1: {  	v5 =	vld.idx.msk [tilespmem:v5+s25+$0x0], $0xffff;
	_ =	sdelay $0x1  }
0x2b2: {  	v6 =	vld.idx.msk [tilespmem:v6+s26+$0x0], $0xffff  }
0x2b3: {  	v3 =	vsub.f32 v3, v4;
	_ =	sdelay $0x1  }
0x2b4: {  	v3 =	vadd.f32 v5, v3;
	_ =	sdelay $0x1  }
0x2b5: {  	v3 =	vadd.f32 v6, v3;
	_ =	sdelay $0x1  }
0x2b6: {  	v4 =	vmul.f32 $1.000000010e-01, v3;
	_ =	sdelay $0x1  }
0x2b7: {  	v3 =	vmax.f32 v3, v4  }
0x2b8: {  	v3 =	vmul.f32 $1.442695020e+00, v3;
	_ =	sdelay $0x1  }
0x2b9: {  	(erf) = vpow2.f32 v3;
	_ =	sdelay $0x2  }
0x2ba: {  	v3 =	vld [tilespmem:$0x53C0]  }
0x2bb: {  	v4 =	vld [tilespmem:$0x5640];
	_ =	sdelay $0x1  }
0x2bc: {  	v5 =	vld [tilespmem:$0x5440];
	_ =	sdelay $0x1  }
0x2bd: {  	v6 =	vld [tilespmem:$0x54C0]  }
0x2be: {  	v7 =	vpop (erf)  }
0x2bf: {  	[tilespmem:$0x5730] =	vst v7  }
0x2c0: {  	v3 =	vld.idx.msk [tilespmem:v3+s7+$0x0], $0xffff  }
0x2c1: {  	v4 =	vld.idx.msk [tilespmem:v4+s24+$0x0], $0xffff;
	_ =	sdelay $0x1  }
0x2c2: {  	v5 =	vld.idx.msk [tilespmem:v5+s25+$0x0], $0xffff;
	_ =	sdelay $0x1  }
0x2c3: {  	v6 =	vld.idx.msk [tilespmem:v6+s26+$0x0], $0xffff  }
0x2c4: {  	v3 =	vsub.f32 v3, v4;
	_ =	sdelay $0x1  }
0x2c5: {  	v3 =	vadd.f32 v5, v3;
	_ =	sdelay $0x1  }
0x2c6: {  	v3 =	vadd.f32 v6, v3;
	_ =	sdelay $0x1  }
0x2c7: {  	v4 =	vmul.f32 $1.000000010e-01, v3;
	_ =	sdelay $0x1  }
0x2c8: {  	v3 =	vmax.f32 v3, v4  }
0x2c9: {  	v3 =	vmul.f32 $1.442695020e+00, v3;
	_ =	sdelay $0x1  }
0x2ca: {  	(erf) = vpow2.f32 v3;
	_ =	sdelay $0x2  }
0x2cb: {  	v3 =	vld [tilespmem:$0x53D0]  }
0x2cc: {  	v4 =	vld [tilespmem:$0x5650];
	_ =	sdelay $0x1  }
0x2cd: {  	v5 =	vld [tilespmem:$0x5450];
	_ =	sdelay $0x1  }
0x2ce: {  	v6 =	vld [tilespmem:$0x54D0]  }
0x2cf: {  	v7 =	vpop (erf)  }
0x2d0: {  	[tilespmem:$0x5740] =	vst v7  }
0x2d1: {  	v3 =	vld.idx.msk [tilespmem:v3+s7+$0x0], $0xffff  }
0x2d2: {  	v4 =	vld.idx.msk [tilespmem:v4+s24+$0x0], $0xffff;
	_ =	sdelay $0x1  }
0x2d3: {  	v5 =	vld.idx.msk [tilespmem:v5+s25+$0x0], $0xffff;
	_ =	sdelay $0x1  }
0x2d4: {  	v6 =	vld.idx.msk [tilespmem:v6+s26+$0x0], $0xffff  }
0x2d5: {  	v3 =	vsub.f32 v3, v4;
	_ =	sdelay $0x1  }
0x2d6: {  	v3 =	vadd.f32 v5, v3;
	_ =	sdelay $0x1  }
0x2d7: {  	v3 =	vadd.f32 v6, v3;
	_ =	sdelay $0x1  }
0x2d8: {  	v4 =	vmul.f32 $1.000000010e-01, v3;
	_ =	sdelay $0x1  }
0x2d9: {  	v3 =	vmax.f32 v3, v4  }
0x2da: {  	v3 =	vmul.f32 $1.442695020e+00, v3;
	_ =	sdelay $0x1  }
0x2db: {  	(erf) = vpow2.f32 v3;
	_ =	sdelay $0x2  }
0x2dc: {  	v3 =	vld [tilespmem:$0x53E0]  }
0x2dd: {  	v4 =	vld [tilespmem:$0x5660];
	_ =	sdelay $0x1  }
0x2de: {  	v5 =	vld [tilespmem:$0x5460];
	_ =	sdelay $0x1  }
0x2df: {  	v6 =	vld [tilespmem:$0x54E0]  }
0x2e0: {  	v7 =	vpop (erf)  }
0x2e1: {  	[tilespmem:$0x5750] =	vst v7  }
0x2e2: {  	v3 =	vld.idx.msk [tilespmem:v3+s7+$0x0], $0xffff  }
0x2e3: {  	v4 =	vld.idx.msk [tilespmem:v4+s24+$0x0], $0xffff;
	_ =	sdelay $0x1  }
0x2e4: {  	v5 =	vld.idx.msk [tilespmem:v5+s25+$0x0], $0xffff;
	_ =	sdelay $0x1  }
0x2e5: {  	v6 =	vld.idx.msk [tilespmem:v6+s26+$0x0], $0xffff  }
0x2e6: {  	v3 =	vsub.f32 v3, v4;
	_ =	sdelay $0x1  }
0x2e7: {  	v3 =	vadd.f32 v5, v3;
	_ =	sdelay $0x1  }
0x2e8: {  	v3 =	vadd.f32 v6, v3;
	_ =	sdelay $0x1  }
0x2e9: {  	v4 =	vmul.f32 $1.000000010e-01, v3;
	_ =	sdelay $0x1  }
0x2ea: {  	v3 =	vmax.f32 v3, v4  }
0x2eb: {  	v3 =	vmul.f32 $1.442695020e+00, v3;
	_ =	sdelay $0x1  }
0x2ec: {  	(erf) = vpow2.f32 v3;
	_ =	sdelay $0x2  }
0x2ed: {  	v3 =	vld [tilespmem:$0x53F0]  }
0x2ee: {  	v4 =	vld [tilespmem:$0x5670];
	_ =	sdelay $0x1  }
0x2ef: {  	v5 =	vld [tilespmem:$0x5470];
	_ =	sdelay $0x1  }
0x2f0: {  	v6 =	vld [tilespmem:$0x54F0]  }
0x2f1: {  	v7 =	vpop (erf)  }
0x2f2: {  	[tilespmem:$0x5760] =	vst v7  }
0x2f3: {  	v3 =	vld.idx.msk [tilespmem:v3+s7+$0x0], $0xffff  }
0x2f4: {  	v4 =	vld.idx.msk [tilespmem:v4+s24+$0x0], $0xffff;
	_ =	sdelay $0x1  }
0x2f5: {  	v5 =	vld.idx.msk [tilespmem:v5+s25+$0x0], $0xffff;
	_ =	sdelay $0x1  }
0x2f6: {  	v6 =	vld.idx.msk [tilespmem:v6+s26+$0x0], $0xffff  }
0x2f7: {  	v3 =	vsub.f32 v3, v4;
	_ =	sdelay $0x1  }
0x2f8: {  	v3 =	vadd.f32 v5, v3;
	_ =	sdelay $0x1  }
0x2f9: {  	v3 =	vadd.f32 v6, v3;
	_ =	sdelay $0x1  }
0x2fa: {  	v4 =	vmul.f32 $1.000000010e-01, v3;
	_ =	sdelay $0x1  }
0x2fb: {  	v3 =	vmax.f32 v3, v4  }
0x2fc: {  	v3 =	vmul.f32 $1.442695020e+00, v3;
	_ =	sdelay $0x1  }
0x2fd: {  	(erf) = vpow2.f32 v3;
	_ =	sdelay $0x8  }
0x2fe: {  	v3 =	vpop (erf)  }
0x2ff: {  	s13 =	simm.s32 $0x5600;
	s20 =	simm.s32 $0x5700;
	s11 =	simm.s32 @!p1 $0xA;
	[tilespmem:$0x5770] =	vst v3  }
0x300: {  	[spmem:s6] =	stream.indirect.scatter.add.f32 [tilespmem:s20], [sflag:$0x8], $0x1, s13, s29, $0xb8;
	[tilespmem:$0x1F628] =	vst v63  }
0x301: {  	_ =	swait.ge @!p1 [sflag:s11], $0x4000  }
0x302: {  	[sflag:s11] =	ssyncset.done @!p1 $0x0  }
0x303: {  	[sflag:s11] =	ssyncadd.s32 @!p1 $0xFFFFC000  }
0x304: {  	_ =	swait.ge [sflag:s17], $0x4000  }
0x305: {  	[sflag:s17] =	ssyncset.done $0x0  }
0x306: {  	[sflag:s17] =	ssyncadd.s32 $0xFFFFC000  }
0x307: {  	_ =	swait.ge [sflag:s18], $0x4000  }
0x308: {  	[sflag:s18] =	ssyncset.done $0x0  }
0x309: {  	[sflag:s18] =	ssyncadd.s32 $0xFFFFC000  }
0x30a: {  	_ =	swait.ge [sflag:s19], $0x4000  }
0x30b: {  	[sflag:s19] =	ssyncset.done $0x0;
	v4 =	vld [tilespmem:$0x1FC20]  }
0x30c: {  	[sflag:s19] =	ssyncadd.s32 $0xFFFFC000  }
0x30d: {  	v3 =	vld [tilespmem:$0x5700];
	_ =	sdelay $0x3  }
0x30e: {  	s30 =	simm.s32 $0x1DA00  }
0x30f: {  	[tilespmem:v0+s30+$0x0] =	vst.idx.msk $0xffff, v3  }
0x310: {  	[tilespmem:v4+s30+$0x0] =	vst.idx.msk $0xffff, v3;
	v4 =	vld [tilespmem:$0x1FC30];
	_ =	sdelay $0x7  }
0x311: {  	[tilespmem:v4+s30+$0x0] =	vst.idx.msk $0xffff, v3;
	v4 =	vld [tilespmem:$0x1FC40];
	_ =	sdelay $0x7  }
0x312: {  	[tilespmem:v4+s30+$0x0] =	vst.idx.msk $0xffff, v3;
	v4 =	vld [tilespmem:$0x1FC50];
	_ =	sdelay $0x7  }
0x313: {  	[tilespmem:v4+s30+$0x0] =	vst.idx.msk $0xffff, v3;
	v4 =	vld [tilespmem:$0x1FC60];
	_ =	sdelay $0x7  }
0x314: {  	[tilespmem:v4+s30+$0x0] =	vst.idx.msk $0xffff, v3;
	v4 =	vld [tilespmem:$0x1FC70];
	_ =	sdelay $0x7  }
0x315: {  	[tilespmem:v4+s30+$0x0] =	vst.idx.msk $0xffff, v3;
	v4 =	vld [tilespmem:$0x1FC80];
	_ =	sdelay $0x7  }
0x316: {  	[tilespmem:v4+s30+$0x0] =	vst.idx.msk $0xffff, v3;
	v4 =	vld [tilespmem:$0x1FE50];
	_ =	sdelay $0x7  }
0x317: {  	[tilespmem:v4+s30+$0x0] =	vst.idx.msk $0xffff, v3;
	v4 =	vld [tilespmem:$0x1FC90];
	_ =	sdelay $0x7  }
0x318: {  	[tilespmem:v4+s30+$0x0] =	vst.idx.msk $0xffff, v3;
	v4 =	vld [tilespmem:$0x1FCA0];
	_ =	sdelay $0x7  }
0x319: {  	[tilespmem:v4+s30+$0x0] =	vst.idx.msk $0xffff, v3;
	v4 =	vld [tilespmem:$0x1FCB0];
	_ =	sdelay $0x7  }
0x31a: {  	[tilespmem:v4+s30+$0x0] =	vst.idx.msk $0xffff, v3;
	v4 =	vld [tilespmem:$0x1FCC0];
	_ =	sdelay $0x7  }
0x31b: {  	[tilespmem:v4+s30+$0x0] =	vst.idx.msk $0xffff, v3;
	v4 =	vld [tilespmem:$0x1FCD0];
	_ =	sdelay $0x7  }
0x31c: {  	[tilespmem:v4+s30+$0x0] =	vst.idx.msk $0xffff, v3;
	v4 =	vld [tilespmem:$0x1FCE0];
	_ =	sdelay $0x7  }
0x31d: {  	[tilespmem:v4+s30+$0x0] =	vst.idx.msk $0xffff, v3;
	v4 =	vld [tilespmem:$0x1FCF0];
	_ =	sdelay $0x7  }
0x31e: {  	[tilespmem:v4+s30+$0x0] =	vst.idx.msk $0xffff, v3;
	v4 =	vld [tilespmem:$0x1FD00];
	_ =	sdelay $0x2  }
0x31f: {  	v3 =	vld [tilespmem:$0x5710];
	_ =	sdelay $0x4  }
0x320: {  	[tilespmem:v4+s30+$0x0] =	vst.idx.msk $0xffff, v3;
	v4 =	vld [tilespmem:$0x1FD10];
	_ =	sdelay $0x7  }
0x321: {  	[tilespmem:v4+s30+$0x0] =	vst.idx.msk $0xffff, v3;
	v4 =	vld [tilespmem:$0x1FD20];
	_ =	sdelay $0x7  }
0x322: {  	[tilespmem:v4+s30+$0x0] =	vst.idx.msk $0xffff, v3;
	v4 =	vld [tilespmem:$0x1FD30];
	_ =	sdelay $0x7  }
0x323: {  	[tilespmem:v4+s30+$0x0] =	vst.idx.msk $0xffff, v3;
	v4 =	vld [tilespmem:$0x1FD40];
	_ =	sdelay $0x7  }
0x324: {  	[tilespmem:v4+s30+$0x0] =	vst.idx.msk $0xffff, v3;
	v4 =	vld [tilespmem:$0x1FD50];
	_ =	sdelay $0x7  }
0x325: {  	[tilespmem:v4+s30+$0x0] =	vst.idx.msk $0xffff, v3;
	v4 =	vld [tilespmem:$0x1FD60];
	_ =	sdelay $0x7  }
0x326: {  	[tilespmem:v4+s30+$0x0] =	vst.idx.msk $0xffff, v3;
	v4 =	vld [tilespmem:$0x1FD70];
	_ =	sdelay $0x7  }
0x327: {  	[tilespmem:v4+s30+$0x0] =	vst.idx.msk $0xffff, v3;
	v4 =	vld [tilespmem:$0x1FD80];
	_ =	sdelay $0x7  }
0x328: {  	[tilespmem:v4+s30+$0x0] =	vst.idx.msk $0xffff, v3;
	v4 =	vld [tilespmem:$0x1FD90];
	_ =	sdelay $0x7  }
0x329: {  	[tilespmem:v4+s30+$0x0] =	vst.idx.msk $0xffff, v3;
	v4 =	vld [tilespmem:$0x1FDA0];
	_ =	sdelay $0x7  }
0x32a: {  	[tilespmem:v4+s30+$0x0] =	vst.idx.msk $0xffff, v3;
	v4 =	vld [tilespmem:$0x1FDB0];
	_ =	sdelay $0x7  }
0x32b: {  	[tilespmem:v4+s30+$0x0] =	vst.idx.msk $0xffff, v3;
	v4 =	vld [tilespmem:$0x1FDC0];
	_ =	sdelay $0x7  }
0x32c: {  	[tilespmem:v4+s30+$0x0] =	vst.idx.msk $0xffff, v3;
	v4 =	vld [tilespmem:$0x1FDD0];
	_ =	sdelay $0x7  }
0x32d: {  	[tilespmem:v4+s30+$0x0] =	vst.idx.msk $0xffff, v3;
	v4 =	vld [tilespmem:$0x1FDE0];
	_ =	sdelay $0x7  }
0x32e: {  	[tilespmem:v4+s30+$0x0] =	vst.idx.msk $0xffff, v3;
	v4 =	vld [tilespmem:$0x1FDF0];
	_ =	sdelay $0x7  }
0x32f: {  	[tilespmem:v4+s30+$0x0] =	vst.idx.msk $0xffff, v3;
	v4 =	vld [tilespmem:$0x1FE00];
	_ =	sdelay $0x2  }
0x330: {  	v3 =	vld [tilespmem:$0x5720];
	_ =	sdelay $0x4  }
0x331: {  	[tilespmem:v4+s30+$0x0] =	vst.idx.msk $0xffff, v3;
	v4 =	vld [tilespmem:$0x1FE10];
	_ =	sdelay $0x7  }
0x332: {  	[tilespmem:v4+s30+$0x0] =	vst.idx.msk $0xffff, v3;
	v4 =	vld [tilespmem:$0x1FE20];
	_ =	sdelay $0x7  }
0x333: {  	[tilespmem:v4+s30+$0x0] =	vst.idx.msk $0xffff, v3;
	v4 =	vld [tilespmem:$0x1FE30];
	_ =	sdelay $0x7  }
0x334: {  	[tilespmem:v4+s30+$0x0] =	vst.idx.msk $0xffff, v3;
	v4 =	vld [tilespmem:$0x1FE40];
	_ =	sdelay $0x7  }
0x335: {  	[tilespmem:v4+s30+$0x0] =	vst.idx.msk $0xffff, v3;
	v4 =	vld [tilespmem:$0x1FE60];
	_ =	sdelay $0x7  }
0x336: {  	[tilespmem:v4+s30+$0x0] =	vst.idx.msk $0xffff, v3;
	v4 =	vld [tilespmem:$0x1FE70];
	_ =	sdelay $0x7  }
0x337: {  	[tilespmem:v4+s30+$0x0] =	vst.idx.msk $0xffff, v3;
	v4 =	vld [tilespmem:$0x1FE80];
	_ =	sdelay $0x7  }
0x338: {  	[tilespmem:v4+s30+$0x0] =	vst.idx.msk $0xffff, v3;
	v4 =	vld [tilespmem:$0x1FE90];
	_ =	sdelay $0x7  }
0x339: {  	[tilespmem:v4+s30+$0x0] =	vst.idx.msk $0xffff, v3;
	v4 =	vld [tilespmem:$0x1FEA0];
	_ =	sdelay $0x7  }
0x33a: {  	[tilespmem:v4+s30+$0x0] =	vst.idx.msk $0xffff, v3;
	v4 =	vld [tilespmem:$0x1FEB0];
	_ =	sdelay $0x7  }
0x33b: {  	[tilespmem:v4+s30+$0x0] =	vst.idx.msk $0xffff, v3;
	v4 =	vld [tilespmem:$0x1FEC0];
	_ =	sdelay $0x7  }
0x33c: {  	[tilespmem:v4+s30+$0x0] =	vst.idx.msk $0xffff, v3;
	v4 =	vld [tilespmem:$0x1FED0];
	_ =	sdelay $0x7  }
0x33d: {  	[tilespmem:v4+s30+$0x0] =	vst.idx.msk $0xffff, v3;
	v4 =	vld [tilespmem:$0x1FEE0];
	_ =	sdelay $0x7  }
0x33e: {  	[tilespmem:v4+s30+$0x0] =	vst.idx.msk $0xffff, v3;
	v4 =	vld [tilespmem:$0x1FEF0];
	_ =	sdelay $0x7  }
0x33f: {  	[tilespmem:v4+s30+$0x0] =	vst.idx.msk $0xffff, v3;
	v4 =	vld [tilespmem:$0x1FF00];
	_ =	sdelay $0x7  }
0x340: {  	[tilespmem:v4+s30+$0x0] =	vst.idx.msk $0xffff, v3;
	v4 =	vld [tilespmem:$0x1FF10];
	_ =	sdelay $0x2  }
0x341: {  	v3 =	vld [tilespmem:$0x5730];
	_ =	sdelay $0x4  }
0x342: {  	[tilespmem:v4+s30+$0x0] =	vst.idx.msk $0xffff, v3;
	v4 =	vld [tilespmem:$0x1FF20];
	_ =	sdelay $0x7  }
0x343: {  	[tilespmem:v4+s30+$0x0] =	vst.idx.msk $0xffff, v3;
	v4 =	vld [tilespmem:$0x1FF30];
	_ =	sdelay $0x7  }
0x344: {  	[tilespmem:v4+s30+$0x0] =	vst.idx.msk $0xffff, v3;
	v4 =	vld [tilespmem:$0x1FF40];
	_ =	sdelay $0x7  }
0x345: {  	[tilespmem:v4+s30+$0x0] =	vst.idx.msk $0xffff, v3;
	v4 =	vld [tilespmem:$0x1FF50];
	_ =	sdelay $0x7  }
0x346: {  	[tilespmem:v4+s30+$0x0] =	vst.idx.msk $0xffff, v3;
	v4 =	vld [tilespmem:$0x1FF60];
	_ =	sdelay $0x7  }
0x347: {  	[tilespmem:v4+s30+$0x0] =	vst.idx.msk $0xffff, v3;
	v4 =	vld [tilespmem:$0x1FF70];
	_ =	sdelay $0x7  }
0x348: {  	[tilespmem:v4+s30+$0x0] =	vst.idx.msk $0xffff, v3;
	v4 =	vld [tilespmem:$0x1FF80];
	_ =	sdelay $0x7  }
0x349: {  	[tilespmem:v4+s30+$0x0] =	vst.idx.msk $0xffff, v3;
	v4 =	vld [tilespmem:$0x1FF90];
	_ =	sdelay $0x7  }
0x34a: {  	[tilespmem:v4+s30+$0x0] =	vst.idx.msk $0xffff, v3;
	v4 =	vld [tilespmem:$0x1FFA0];
	_ =	sdelay $0x7  }
0x34b: {  	[tilespmem:v4+s30+$0x0] =	vst.idx.msk $0xffff, v3;
	v4 =	vld [tilespmem:$0x1FFB0];
	_ =	sdelay $0x7  }
0x34c: {  	[tilespmem:v4+s30+$0x0] =	vst.idx.msk $0xffff, v3;
	v4 =	vld [tilespmem:$0x1FFC0];
	_ =	sdelay $0x7  }
0x34d: {  	[tilespmem:v4+s30+$0x0] =	vst.idx.msk $0xffff, v3;
	v4 =	vld [tilespmem:$0x1FFD0];
	_ =	sdelay $0x7  }
0x34e: {  	[tilespmem:v4+s30+$0x0] =	vst.idx.msk $0xffff, v3;
	v4 =	vld [tilespmem:$0x1FFE0];
	_ =	sdelay $0x7  }
0x34f: {  	[tilespmem:v4+s30+$0x0] =	vst.idx.msk $0xffff, v3;
	v4 =	vld [tilespmem:$0x1FFF0];
	_ =	sdelay $0x7  }
0x350: {  	[tilespmem:v4+s30+$0x0] =	vst.idx.msk $0xffff, v3;
	v4 =	vld [tilespmem:$0x1FA30];
	_ =	sdelay $0x7  }
0x351: {  	[tilespmem:v4+s30+$0x0] =	vst.idx.msk $0xffff, v3;
	v4 =	vld [tilespmem:$0x1FA40];
	_ =	sdelay $0x2  }
0x352: {  	v3 =	vld [tilespmem:$0x5740];
	_ =	sdelay $0x4  }
0x353: {  	[tilespmem:v4+s30+$0x0] =	vst.idx.msk $0xffff, v3;
	v4 =	vld [tilespmem:$0x1FA50];
	_ =	sdelay $0x7  }
0x354: {  	[tilespmem:v4+s30+$0x0] =	vst.idx.msk $0xffff, v3;
	v4 =	vld [tilespmem:$0x1FA60];
	_ =	sdelay $0x7  }
0x355: {  	[tilespmem:v4+s30+$0x0] =	vst.idx.msk $0xffff, v3;
	v4 =	vld [tilespmem:$0x1FA70];
	_ =	sdelay $0x7  }
0x356: {  	[tilespmem:v4+s30+$0x0] =	vst.idx.msk $0xffff, v3;
	v4 =	vld [tilespmem:$0x1FA80];
	_ =	sdelay $0x7  }
0x357: {  	[tilespmem:v4+s30+$0x0] =	vst.idx.msk $0xffff, v3;
	v4 =	vld [tilespmem:$0x1FA90];
	_ =	sdelay $0x7  }
0x358: {  	[tilespmem:v4+s30+$0x0] =	vst.idx.msk $0xffff, v3;
	v4 =	vld [tilespmem:$0x1FAA0];
	_ =	sdelay $0x7  }
0x359: {  	[tilespmem:v4+s30+$0x0] =	vst.idx.msk $0xffff, v3;
	v4 =	vld [tilespmem:$0x1FAB0];
	_ =	sdelay $0x7  }
0x35a: {  	[tilespmem:v4+s30+$0x0] =	vst.idx.msk $0xffff, v3;
	v4 =	vld [tilespmem:$0x1FAC0];
	_ =	sdelay $0x7  }
0x35b: {  	[tilespmem:v4+s30+$0x0] =	vst.idx.msk $0xffff, v3;
	v4 =	vld [tilespmem:$0x1FAD0];
	_ =	sdelay $0x7  }
0x35c: {  	[tilespmem:v4+s30+$0x0] =	vst.idx.msk $0xffff, v3;
	v4 =	vld [tilespmem:$0x1FAE0];
	_ =	sdelay $0x7  }
0x35d: {  	[tilespmem:v4+s30+$0x0] =	vst.idx.msk $0xffff, v3;
	v4 =	vld [tilespmem:$0x1FAF0];
	_ =	sdelay $0x7  }
0x35e: {  	[tilespmem:v4+s30+$0x0] =	vst.idx.msk $0xffff, v3;
	v4 =	vld [tilespmem:$0x1FB00];
	_ =	sdelay $0x7  }
0x35f: {  	[tilespmem:v4+s30+$0x0] =	vst.idx.msk $0xffff, v3;
	v4 =	vld [tilespmem:$0x1FB10];
	_ =	sdelay $0x7  }
0x360: {  	[tilespmem:v4+s30+$0x0] =	vst.idx.msk $0xffff, v3;
	v4 =	vld [tilespmem:$0x1FB20];
	_ =	sdelay $0x7  }
0x361: {  	[tilespmem:v4+s30+$0x0] =	vst.idx.msk $0xffff, v3;
	v4 =	vld [tilespmem:$0x1FB30];
	_ =	sdelay $0x7  }
0x362: {  	[tilespmem:v4+s30+$0x0] =	vst.idx.msk $0xffff, v3;
	v4 =	vld [tilespmem:$0x1FB40];
	_ =	sdelay $0x2  }
0x363: {  	v3 =	vld [tilespmem:$0x5750];
	_ =	sdelay $0x4  }
0x364: {  	[tilespmem:v4+s30+$0x0] =	vst.idx.msk $0xffff, v3;
	v4 =	vld [tilespmem:$0x1FB50];
	_ =	sdelay $0x7  }
0x365: {  	[tilespmem:v4+s30+$0x0] =	vst.idx.msk $0xffff, v3;
	v4 =	vld [tilespmem:$0x1FB60];
	_ =	sdelay $0x7  }
0x366: {  	[tilespmem:v4+s30+$0x0] =	vst.idx.msk $0xffff, v3;
	v4 =	vld [tilespmem:$0x1FB70];
	_ =	sdelay $0x7  }
0x367: {  	[tilespmem:v4+s30+$0x0] =	vst.idx.msk $0xffff, v3;
	v4 =	vld [tilespmem:$0x1FB80];
	_ =	sdelay $0x7  }
0x368: {  	[tilespmem:v4+s30+$0x0] =	vst.idx.msk $0xffff, v3;
	v4 =	vld [tilespmem:$0x1FB90];
	_ =	sdelay $0x7  }
0x369: {  	[tilespmem:v4+s30+$0x0] =	vst.idx.msk $0xffff, v3;
	v4 =	vld [tilespmem:$0x1FBA0];
	_ =	sdelay $0x7  }
0x36a: {  	[tilespmem:v4+s30+$0x0] =	vst.idx.msk $0xffff, v3;
	v4 =	vld [tilespmem:$0x1FBB0];
	_ =	sdelay $0x7  }
0x36b: {  	[tilespmem:v4+s30+$0x0] =	vst.idx.msk $0xffff, v3;
	v4 =	vld [tilespmem:$0x1FBC0];
	_ =	sdelay $0x7  }
0x36c: {  	[tilespmem:v4+s30+$0x0] =	vst.idx.msk $0xffff, v3;
	v4 =	vld [tilespmem:$0x1FBD0];
	_ =	sdelay $0x7  }
0x36d: {  	[tilespmem:v4+s30+$0x0] =	vst.idx.msk $0xffff, v3;
	v4 =	vld [tilespmem:$0x1FBE0];
	_ =	sdelay $0x7  }
0x36e: {  	[tilespmem:v4+s30+$0x0] =	vst.idx.msk $0xffff, v3;
	v4 =	vld [tilespmem:$0x1FBF0];
	_ =	sdelay $0x7  }
0x36f: {  	[tilespmem:v4+s30+$0x0] =	vst.idx.msk $0xffff, v3;
	v4 =	vld [tilespmem:$0x1FC00];
	_ =	sdelay $0x7  }
0x370: {  	[tilespmem:v4+s30+$0x0] =	vst.idx.msk $0xffff, v3;
	v4 =	vld [tilespmem:$0x1FC10];
	_ =	sdelay $0x7  }
0x371: {  	[tilespmem:v4+s30+$0x0] =	vst.idx.msk $0xffff, v3  }
0x372: {  	[tilespmem:v32+s30+$0x0] =	vst.idx.msk $0xffff, v3  }
0x373: {  	[tilespmem:v33+s30+$0x0] =	vst.idx.msk $0xffff, v3  }
0x374: {  	v3 =	vld [tilespmem:$0x5760];
	_ =	sdelay $0x4  }
0x375: {  	[tilespmem:v34+s30+$0x0] =	vst.idx.msk $0xffff, v3  }
0x376: {  	[tilespmem:v35+s30+$0x0] =	vst.idx.msk $0xffff, v3  }
0x377: {  	[tilespmem:v36+s30+$0x0] =	vst.idx.msk $0xffff, v3  }
0x378: {  	[tilespmem:v37+s30+$0x0] =	vst.idx.msk $0xffff, v3  }
0x379: {  	[tilespmem:v38+s30+$0x0] =	vst.idx.msk $0xffff, v3  }
0x37a: {  	[tilespmem:v39+s30+$0x0] =	vst.idx.msk $0xffff, v3  }
0x37b: {  	[tilespmem:v40+s30+$0x0] =	vst.idx.msk $0xffff, v3  }
0x37c: {  	[tilespmem:v41+s30+$0x0] =	vst.idx.msk $0xffff, v3  }
0x37d: {  	[tilespmem:v42+s30+$0x0] =	vst.idx.msk $0xffff, v3  }
0x37e: {  	[tilespmem:v43+s30+$0x0] =	vst.idx.msk $0xffff, v3  }
0x37f: {  	[tilespmem:v44+s30+$0x0] =	vst.idx.msk $0xffff, v3  }
0x380: {  	[tilespmem:v45+s30+$0x0] =	vst.idx.msk $0xffff, v3  }
0x381: {  	[tilespmem:v46+s30+$0x0] =	vst.idx.msk $0xffff, v3  }
0x382: {  	[tilespmem:v47+s30+$0x0] =	vst.idx.msk $0xffff, v3  }
0x383: {  	[tilespmem:v48+s30+$0x0] =	vst.idx.msk $0xffff, v3  }
0x384: {  	[tilespmem:v49+s30+$0x0] =	vst.idx.msk $0xffff, v3  }
0x385: {  	v3 =	vld [tilespmem:$0x5770];
	_ =	sdelay $0x4  }
0x386: {  	[tilespmem:v50+s30+$0x0] =	vst.idx.msk $0xffff, v3  }
0x387: {  	[tilespmem:v51+s30+$0x0] =	vst.idx.msk $0xffff, v3  }
0x388: {  	[tilespmem:v52+s30+$0x0] =	vst.idx.msk $0xffff, v3  }
0x389: {  	[tilespmem:v53+s30+$0x0] =	vst.idx.msk $0xffff, v3  }
0x38a: {  	[tilespmem:v54+s30+$0x0] =	vst.idx.msk $0xffff, v3  }
0x38b: {  	[tilespmem:v55+s30+$0x0] =	vst.idx.msk $0xffff, v3  }
0x38c: {  	[tilespmem:v56+s30+$0x0] =	vst.idx.msk $0xffff, v3  }
0x38d: {  	[tilespmem:v57+s30+$0x0] =	vst.idx.msk $0xffff, v3  }
0x38e: {  	[tilespmem:v58+s30+$0x0] =	vst.idx.msk $0xffff, v3  }
0x38f: {  	[tilespmem:v59+s30+$0x0] =	vst.idx.msk $0xffff, v3  }
0x390: {  	[tilespmem:v60+s30+$0x0] =	vst.idx.msk $0xffff, v3  }
0x391: {  	[tilespmem:v61+s30+$0x0] =	vst.idx.msk $0xffff, v3  }
0x392: {  	[tilespmem:v62+s30+$0x0] =	vst.idx.msk $0xffff, v3  }
0x393: {  	[tilespmem:v63+s30+$0x0] =	vst.idx.msk $0xffff, v3  }
0x394: {  	[tilespmem:v1+s30+$0x0] =	vst.idx.msk $0xffff, v3  }
0x395: {  	s31 =	simm.s32 $0x0;
	[tilespmem:v2+s30+$0x0] =	vst.idx.msk $0xffff, v3  }
0x396: {  	v1 =	vld [tilespmem:s31+$0x11780]  }
0x397: {  	v2 =	vld [tilespmem:s31+$0x9780]  }
0x398: {  	v3 =	vld [tilespmem:s31+$0xD780]  }
0x399: {  	v4 =	vld [tilespmem:s31+$0x11790]  }
0x39a: {  	v5 =	vld [tilespmem:s31+$0x9790]  }
0x39b: {  	v6 =	vld [tilespmem:s31+$0xD790]  }
0x39c: {  	v7 =	vld [tilespmem:s31+$0x117A0]  }
0x39d: {  	v8 =	vld [tilespmem:s31+$0x97A0]  }
0x39e: {  	v9 =	vld [tilespmem:s31+$0xD7A0]  }
0x39f: {  	v10 =	vld [tilespmem:s31+$0x117B0]  }
0x3a0: {  	v11 =	vld [tilespmem:s31+$0x97B0]  }
0x3a1: {  	v12 =	vld [tilespmem:s31+$0xD7B0]  }
0x3a2: {  	v13 =	vld [tilespmem:s31+$0x117C0]  }
0x3a3: {  	v14 =	vld [tilespmem:s31+$0x97C0]  }
0x3a4: {  	v15 =	vld [tilespmem:s31+$0xD7C0]  }
0x3a5: {  	v16 =	vld [tilespmem:s31+$0x117D0]  }
0x3a6: {  	v17 =	vld [tilespmem:s31+$0x97D0]  }
0x3a7: {  	v18 =	vld [tilespmem:s31+$0xD7D0]  }
0x3a8: {  	v19 =	vld [tilespmem:s31+$0x117E0]  }
0x3a9: {  	v20 =	vld [tilespmem:s31+$0x97E0]  }
0x3aa: {  	v21 =	vld [tilespmem:s31+$0xD7E0]  }
0x3ab: {  	s11 =	simm.s32 $0x80;
	v22 =	vld [tilespmem:s31+$0x117F0]  }
0x3ac: {  	v23 =	vld [tilespmem:s11+$0x11780]  }
0x3ad: {  	v24 =	vld [tilespmem:s11+$0x9780]  }
0x3ae: {  	v25 =	vld [tilespmem:s30+$0x0]  }
0x3af: {  	v26 =	vld [tilespmem:s11+$0xD780]  }
0x3b0: {  	v27 =	vld [tilespmem:s11+$0x11790];
	v2 =	vadd.f32 v2, v1;
	v1 =	vadd.f32 v3, v1  }
0x3b1: {  	v28 =	vld [tilespmem:s11+$0x9790];
	v3 =	vadd.f32 v5, v4;
	v4 =	vadd.f32 v6, v4  }
0x3b2: {  	v29 =	vld [tilespmem:s11+$0xD790];
	v5 =	vadd.f32 v8, v7;
	v6 =	vadd.f32 v9, v7  }
0x3b3: {  	v8 =	vadd.f32 v11, v10;
	v9 =	vadd.f32 v12, v10;
	v10 =	vld [tilespmem:s31+$0x97F0];
	v2 =	vmul.f32 v1, v2  }
0x3b4: {  	v1 =	vld [tilespmem:s11+$0x117A0];
	v4 =	vmul.f32 v4, v3;
	v5 =	vmul.f32 v6, v5  }
0x3b5: {  	v8 =	vmul.f32 v9, v8;
	v9 =	vld [tilespmem:s31+$0xD7F0];
	v7 =	vmul.f32 v2, v25  }
0x3b6: {  	v3 =	vld [tilespmem:s11+$0xD7A0];
	v6 =	vmul.f32 v4, v25  }
0x3b7: {  	v11 =	vadd.f32 v15, v13;
	v2 =	vld [tilespmem:s11+$0x97A0];
	v12 =	vmul.f32 v5, v25;
	[tilespmem:s31+$0x19780] =	vst v7;
	v7 =	vadd.f32 v14, v13  }
0x3b8: {  	v8 =	vmul.f32 v8, v25;
	v13 =	vadd.f32 v17, v16;
	v14 =	vadd.f32 v18, v16;
	v4 =	vld [tilespmem:s11+$0x117B0];
	[tilespmem:s31+$0x19790] =	vst v6  }
0x3b9: {  	v5 =	vld [tilespmem:s11+$0x97B0];
	v7 =	vmul.f32 v11, v7;
	[tilespmem:s31+$0x197A0] =	vst v12;
	v11 =	vadd.f32 v20, v19;
	v12 =	vadd.f32 v21, v19  }
0x3ba: {  	v10 =	vadd.f32 v10, v22;
	v9 =	vadd.f32 v9, v22;
	v13 =	vmul.f32 v14, v13  }
0x3bb: {  	v14 =	vmul.f32 v7, v25;
	v11 =	vmul.f32 v12, v11  }
0x3bc: {  	v6 =	vld [tilespmem:s11+$0xD7B0];
	[tilespmem:s31+$0x197B0] =	vst v8;
	v9 =	vmul.f32 v9, v10;
	v12 =	vmul.f32 v13, v25  }
0x3bd: {  	v7 =	vld [tilespmem:s11+$0x117C0];
	[tilespmem:s31+$0x197C0] =	vst v14;
	v11 =	vmul.f32 v11, v25  }
0x3be: {  	v8 =	vld [tilespmem:s11+$0x97C0];
	[tilespmem:s31+$0x197D0] =	vst v12;
	v12 =	vmul.f32 v9, v25  }
0x3bf: {  	v10 =	vld [tilespmem:s11+$0xD7C0];
	[tilespmem:s31+$0x197E0] =	vst v11  }
0x3c0: {  	v9 =	vld [tilespmem:s11+$0x117D0];
	[tilespmem:s31+$0x197F0] =	vst v12  }
0x3c1: {  	v13 =	vld [tilespmem:s11+$0x97D0]  }
0x3c2: {  	v14 =	vld [tilespmem:s11+$0xD7D0]  }
0x3c3: {  	v11 =	vld [tilespmem:s11+$0x117E0]  }
0x3c4: {  	v15 =	vld [tilespmem:s11+$0x97E0]  }
0x3c5: {  	v17 =	vadd.f32 v24, v23;
	v18 =	vadd.f32 v26, v23;
	v16 =	vld [tilespmem:s11+$0xD7E0]  }
0x3c6: {  	s13 =	simm.s32 $0x400;
	v19 =	vadd.f32 v28, v27;
	v20 =	vadd.f32 v29, v27;
	v12 =	vld [tilespmem:s11+$0x117F0]  }
.LBB2_7:
0x3c7: {  	p1 =	sne.s32 s13, $0xFE00;
	v2 =	vadd.f32 v2, v1;
	v1 =	vadd.f32 v3, v1;
	v3 =	vld [tilespmem:s11+$0x97F0]  }
0x3c8: {  	s20 =	sshra.s32 s13, $0x2;
	v5 =	vadd.f32 v5, v4;
	v4 =	vadd.f32 v6, v4;
	v6 =	vld [tilespmem:s11+$0xD7F0]  }
0x3c9: {  	v8 =	vadd.f32 v8, v7;
	v7 =	vadd.f32 v10, v7;
	v21 =	vld [tilespmem:s20+$0x11780]  }
0x3ca: {  	v10 =	vadd.f32 v13, v9;
	v9 =	vadd.f32 v14, v9;
	s30 =	sadd.s32 $0x10, s30;
	v22 =	vld [tilespmem:s20+$0x9780]  }
0x3cb: {  	v14 =	vadd.f32 v15, v11;
	v11 =	vadd.f32 v16, v11;
	v13 =	vld [tilespmem:s30+$0x0]  }
0x3cc: {  	v15 =	vmul.f32 v18, v17;
	v17 =	vmul.f32 v20, v19;
	v16 =	vld [tilespmem:s20+$0xD780];
	v3 =	vadd.f32 v3, v12  }
0x3cd: {  	v18 =	vmul.f32 v1, v2;
	v4 =	vmul.f32 v4, v5;
	v20 =	vld [tilespmem:s20+$0x11790];
	v1 =	vadd.f32 v6, v12  }
0x3ce: {  	v5 =	vmul.f32 v7, v8;
	v6 =	vmul.f32 v9, v10;
	v12 =	vld [tilespmem:s20+$0x9790]  }
0x3cf: {  	v7 =	vmul.f32 v11, v14;
	v23 =	vld [tilespmem:s20+$0xD790];
	v8 =	vmul.f32 v1, v3  }
0x3d0: {  	v1 =	vld [tilespmem:s20+$0x117A0];
	v9 =	vmul.f32 v15, v13;
	v10 =	vmul.f32 v17, v13  }
0x3d1: {  	v11 =	vmul.f32 v18, v13;
	v14 =	vmul.f32 v4, v13;
	v2 =	vld [tilespmem:s20+$0x97A0]  }
0x3d2: {  	v15 =	vmul.f32 v6, v13;
	v3 =	vld [tilespmem:s20+$0xD7A0];
	[tilespmem:s11+$0x19780] =	vst v9;
	v9 =	vmul.f32 v5, v13  }
0x3d3: {  	v17 =	vmul.f32 v7, v13;
	v13 =	vmul.f32 v8, v13;
	v4 =	vld [tilespmem:s20+$0x117B0];
	[tilespmem:s11+$0x19790] =	vst v10  }
0x3d4: {  	v5 =	vld [tilespmem:s20+$0x97B0];
	[tilespmem:s11+$0x197A0] =	vst v11  }
0x3d5: {  	v6 =	vld [tilespmem:s20+$0xD7B0];
	[tilespmem:s11+$0x197B0] =	vst v14  }
0x3d6: {  	v7 =	vld [tilespmem:s20+$0x117C0];
	[tilespmem:s11+$0x197C0] =	vst v9  }
0x3d7: {  	v8 =	vld [tilespmem:s20+$0x97C0];
	[tilespmem:s11+$0x197D0] =	vst v15  }
0x3d8: {  	v10 =	vld [tilespmem:s20+$0xD7C0];
	[tilespmem:s11+$0x197E0] =	vst v17  }
0x3d9: {  	v9 =	vld [tilespmem:s20+$0x117D0];
	[tilespmem:s11+$0x197F0] =	vst v13;
	s11 =	smov.u32 s20  }
0x3da: {  	v13 =	vld [tilespmem:s11+$0x97D0]  }
.Ltmp7:
0x3db: {  	v14 =	vld [tilespmem:s11+$0xD7D0];
	(pc) =	sbr.rel @p1 .LBB2_7-.Ltmp7, $4  }
0x3dc: {  	v11 =	vld [tilespmem:s11+$0x117E0]  }
0x3dd: {  	v15 =	vld [tilespmem:s11+$0x97E0]  }
0x3de: {  	v18 =	vadd.f32 v16, v21;
	v17 =	vadd.f32 v22, v21;
	v16 =	vld [tilespmem:s11+$0xD7E0]  }
0x3df: {  	s13 =	sadd.s32 $0x200, s13;
	v19 =	vadd.f32 v12, v20;
	v20 =	vadd.f32 v23, v20;
	v12 =	vld [tilespmem:s11+$0x117F0]  }
0x3e0: {  	s13 =	sadd.s32 $0x10, s30  }
0x3e1: {  	v21 =	vld [tilespmem:s13+$0x0]  }
0x3e2: {  	v2 =	vadd.f32 v2, v1;
	v1 =	vadd.f32 v3, v1  }
0x3e3: {  	v3 =	vadd.f32 v5, v4;
	v52 =	vadd.f32 v6, v4;
	v53 =	vld [tilespmem:s11+$0x97F0]  }
0x3e4: {  	v54 =	vadd.f32 v8, v7;
	v55 =	vadd.f32 v10, v7;
	v56 =	vld [tilespmem:s11+$0xD7F0];
	v57 =	vmul.f32 v18, v17  }
0x3e5: {  	v13 =	vadd.f32 v13, v9;
	v58 =	vadd.f32 v14, v9;
	v59 =	vmul.f32 v20, v19  }
0x3e6: {  	v15 =	vadd.f32 v15, v11;
	v1 =	vmul.f32 v1, v2;
	v2 =	vmul.f32 v57, v21  }
0x3e7: {  	v3 =	vmul.f32 v52, v3;
	v60 =	vadd.f32 v16, v11;
	v61 =	vmul.f32 v59, v21  }
0x3e8: {  	v6 =	vmul.f32 v55, v54;
	v5 =	vadd.f32 v53, v12;
	v1 =	vmul.f32 v1, v21;
	[tilespmem:s11+$0x19780] =	vst v2  }
0x3e9: {  	v63 =	vmul.f32 v60, v15;
	v3 =	vmul.f32 v3, v21;
	v2 =	vadd.f32 v56, v12;
	[tilespmem:s11+$0x19790] =	vst v61  }
0x3ea: {  	v62 =	vmul.f32 v58, v13;
	v6 =	vmul.f32 v6, v21;
	[tilespmem:s11+$0x197A0] =	vst v1  }
0x3eb: {  	[tilespmem:s11+$0x197B0] =	vst v3;
	v3 =	vmul.f32 v63, v21;
	v1 =	vmul.f32 v2, v5  }
.Ltmp8:
0x3ec: {  	[tilespmem:s11+$0x197C0] =	vst v6;
	v2 =	vmul.f32 v62, v21;
	(pc) =	sbr.rel .LBB2_9-.Ltmp8, $4  }
0x3ed: {  	[tilespmem:s11+$0x197E0] =	vst v3;
	v1 =	vmul.f32 v1, v21  }
0x3ee: {  	s23 =	sshll.u32 s23, $0xB;
	[tilespmem:s11+$0x197D0] =	vst v2  }
0x3ef: {  	s31 =	simm.s32 $0x19780;
	s30 =	sadd.s32 s14, s23;
	[tilespmem:s11+$0x197F0] =	vst v1  }
0x3f0: {  	[hbm4b:s30+s7] =	stream.linear.scatter [tilespmem:s31], [sflag:$0xA], $0x4000, $0x38;
	[tilespmem:$0x1F628] =	vst v63  }
.LBB2_11:
0x3f1: {  	_ =	sfence.sel $0x180000  }
0x3f2: {  	[bflag:$0x0] =	sbarrier.arrive $0xFFFF  }
0x3f3: {  	_ =	strace $0x90000047  }
0x3f4: {  	[bflag:$0x2] =	sbarrier.arrive $0xFFFF  }
0x3f5: {  	s0 =	rddreg [dreg:$0x7]  }
0x3f6: {  	s0 =	sadd.s32 @!p0 $0x100000, s0  }
0x3f7: {  	[sflag:s0] =	ssyncadd.tile.s32 @!p0 $0x1;
	_ =	shalt  }
.Lfunc_end2:
_tile_overlayer_lowered:
.L_overlay_start_2:
0x3f8: {  	(tag) =	ssettag $0x2  }
0x3f9: {  	s0 =	rddreg [dreg:$0x0];
	s2 =	stileid.u32  }
0x3fa: {  	s1 =	rddreg [dreg:$0x1];
	p0 =	sne.s32 s2, $0x0  }
0x3fb: {  	s3 =	rddreg [dreg:$0x2];
	[bflag:$0x3] =	sbarrier.arrive $0xFFFF;
	s2 =	simm.s32 @!p0 $0x1C0B  }
0x3fc: {  	[timem:s3], [sflag:s2] =	dma.local @!p0 [hbm:s0], s1  }
0x3fd: {  	s0 =	simm.s32 @!p0 $0xB  }
0x3fe: {  	_ =	swait.ge @!p0 [sflag:s0], s1  }
0x3ff: {  	s1 =	ssub.s32 @!p0 $0x0, s1;
	[sflag:s0] =	ssyncset.done @!p0 $0x0  }
0x400: {  	[sflag:s0] =	ssyncadd.s32 @!p0 s1  }
0x401: {  	[bflag:$0x3] =	sbarrier.arrive $0xFFFF  }
0x402: {  	_ =	shalt  }

</sc_bundles>
